<compile_context>
chip_gen: v7x
topology: tpu7x:2x2x1
jax: 0.10.2.dev20260603
libtpu: 0.0.44.dev20260713+nightly
codegen_flags: <defaults>
</compile_context>

<pallas_src>
import functools

import jax
import jax.numpy as jnp
from jax import lax
from jax.experimental import pallas as pl
from jax.experimental.pallas import tpu as pltpu
from jax.experimental.pallas import tpu_sc as plsc

_R = 128
_C = 32768
_L = 16
_NW = 32

_RPW = 2
_K_SC = _NW * _RPW
_G = 16 // _RPW
_GSHIFT = {1: 0, 2: 1, 4: 2}[_RPW]

_NCHUNK = _C // _L
_NACC = 4
_NITER = _NCHUNK // _NACC


def _row_argmax(buf):
    lanes = lax.iota(jnp.int32, _L)

    def step(t, carry):
        ms, cs = carry
        tvec = lax.broadcast(t, (_L,))
        base = t * (_L * _NACC)
        nms, ncs = [], []
        for k in range(_NACC):
            x = buf[pl.ds(base + k * _L, _L)]
            gt = x > ms[k]
            nms.append(jnp.where(gt, x, ms[k]))
            ncs.append(jnp.where(gt, tvec, cs[k]))
        return tuple(nms), tuple(ncs)

    ms0 = tuple(buf[pl.ds(k * _L, _L)] for k in range(_NACC))
    cs0 = tuple(jnp.zeros((_L,), jnp.int32) for _ in range(_NACC))
    ms, cs = lax.fori_loop(1, _NITER, step, (ms0, cs0), unroll=4)

    bm = ms[0]
    bidx = cs[0] * (_NACC * _L) + lanes
    for k in range(1, _NACC):
        idxk = cs[k] * (_NACC * _L) + (k * _L) + lanes
        better = (ms[k] > bm) | ((ms[k] == bm) & (idxk < bidx))
        bm = jnp.where(better, ms[k], bm)
        bidx = jnp.where(better, idxk, bidx)
    sm = bm[0]
    si = bidx[0]
    for j in range(1, _L):
        mv = bm[j]
        iv = bidx[j]
        better = (mv > sm) | ((mv == sm) & (iv < si))
        sm = jnp.where(better, mv, sm)
        si = jnp.where(better, iv, si)
    return si


@functools.partial(
    pl.kernel,
    mesh=plsc.VectorSubcoreMesh(core_axis_name="c", subcore_axis_name="s"),
    out_type=jax.ShapeDtypeStruct((_K_SC,), jnp.int32),
    scratch_types=[
        pltpu.VMEM((_C,), jnp.float32),
        pltpu.VMEM((_C,), jnp.float32),
        pltpu.VMEM((_L,), jnp.int32),
        pltpu.VMEM((_G * _L,), jnp.int32),
        pltpu.VMEM((_L,), jnp.int32),
        pltpu.VMEM_SHARED((16 * _L,), jnp.int32),
        pltpu.SemaphoreType.DMA,
        pltpu.SemaphoreType.DMA,
    ],
)
def _argmax_sc(x_hbm, out_hbm, buf0, buf1, res, gbuf, outv, shared,
               sem0, sem1):
    cid = lax.axis_index("c")
    sid = lax.axis_index("s")
    wid = cid * 16 + sid
    row0 = wid * _RPW
    bufs = (buf0, buf1)
    sems = (sem0, sem1)
    lanes = lax.iota(jnp.int32, _L)

    copies = [None, None]
    copies[0] = pltpu.async_copy(x_hbm.at[row0], bufs[0], sems[0])
    resvec = jnp.zeros((_L,), jnp.int32)
    for r in range(_RPW):
        cur = r % 2
        nxt = (r + 1) % 2
        if r + 1 < _RPW:
            copies[nxt] = pltpu.async_copy(
                x_hbm.at[row0 + r + 1], bufs[nxt], sems[nxt])
        copies[cur].wait()
        a = _row_argmax(bufs[cur])
        resvec = jnp.where(lanes == (sid % _G) * _RPW + r, a, resvec)
    res[...] = resvec
    pltpu.sync_copy(res, shared.at[pl.ds(pl.multiple_of(sid * _L, _L), _L)])
    plsc.subcore_barrier()

    grp = (sid // _G) * _G
    pltpu.sync_copy(
        shared.at[pl.ds(pl.multiple_of(grp * _L, _G * _L), _G * _L)], gbuf)
    hi = lanes >> _GSHIFT
    combined = gbuf[pl.ds(0, _L)]
    for j in range(1, _G):
        rowj = gbuf[pl.ds(j * _L, _L)]
        combined = jnp.where(hi == j, rowj, combined)
    outv[...] = combined

    @pl.when(sid == grp)
    def _():
        off = pl.multiple_of((cid * 16 + sid) * _RPW, _L)
        pltpu.sync_copy(outv, out_hbm.at[pl.ds(off, _L)])


_TCR = 8
_TCB = 128
_TCACC = 4


def _tc_body(x_ref, o_ref):
    niter = x_ref.shape[1] // (_TCB * _TCACC)
    lane = lax.broadcasted_iota(jnp.int32, (_TCR, _TCB), 1)

    ms = [x_ref[:, pl.ds(k * _TCB, _TCB)] for k in range(_TCACC)]
    cs = [jnp.zeros((_TCR, _TCB), jnp.int32) for _ in range(_TCACC)]
    for t in range(1, niter):
        base = t * (_TCB * _TCACC)
        for k in range(_TCACC):
            x = x_ref[:, pl.ds(base + k * _TCB, _TCB)]
            gt = x > ms[k]
            ms[k] = jnp.where(gt, x, ms[k])
            cs[k] = jnp.where(gt, t, cs[k])

    stride = _TCACC * _TCB
    bm = ms[0]
    bidx = cs[0] * stride + lane
    for k in range(1, _TCACC):
        idxk = cs[k] * stride + (k * _TCB) + lane
        better = (ms[k] > bm) | ((ms[k] == bm) & (idxk < bidx))
        bm = jnp.where(better, ms[k], bm)
        bidx = jnp.where(better, idxk, bidx)
    rm = jnp.max(bm, axis=1)
    cand = jnp.where(bm == rm[:, None], bidx, jnp.int32(2 ** 30))
    o_ref[0, 0, :] = jnp.min(cand, axis=1)


def _argmax_tc(x, row_start, rows):
    grid = rows // _TCR
    blk0 = row_start // _TCR
    out = pl.pallas_call(
        _tc_body,
        grid=(grid,),
        in_specs=[pl.BlockSpec((_TCR, _C), lambda i: (i + blk0, 0))],
        out_specs=pl.BlockSpec((1, 1, _TCR), lambda i: (i, 0, 0)),
        out_shape=jax.ShapeDtypeStruct((grid, 1, _TCR), jnp.int32),
    )(x)
    return out.reshape(rows)


def kernel(tensor):
    sc_out = _argmax_sc(tensor)
    tc_out = _argmax_tc(tensor, _K_SC, _R - _K_SC)
    return jnp.concatenate(
        [sc_out.reshape(1, _K_SC), tc_out.reshape(1, _R - _K_SC)],
        axis=1).reshape(_R)

# --- scband reference (transcript-rebuilt; emitter-appended) ---
"""Pipeline reference for scband-arg-max-61976378081586 (READ-ONLY COPY).

The authoritative reference and input builder live on the scoring server;
editing this copy changes nothing except your own understanding.
"""

import jax, jax.numpy as jnp
import numpy as np

def setup_inputs(seed: int = 0) -> dict:
    key = jax.random.key(seed)
    tensor = jax.random.normal(key, (128, 32768), dtype=jnp.float32)
    return {"tensor": tensor}

def reference(tensor):
    # torch.argmax(tensor, dim=1, keepdim=False)
    return jnp.argmax(tensor, axis=1)

if __name__ == "__main__":
    import jax
    _d = setup_inputs()
    print(jax.jit(kernel)(*tuple(_d.values())))

</pallas_src>

<mosaic_0001>
#map = affine_map<(d0, d1) -> (0, 0)>
#map1 = affine_map<(d0, d1) -> (0)>
module attributes {stable_mosaic.version = 14 : i64} {
  func.func @_argmax_sc(%arg0: i32, %arg1: i32, %arg2: memref<128x32768xf32, #tpu.memory_space<hbm>>, %arg3: memref<64xi32, #tpu.memory_space<hbm>>, %arg4: memref<32768xf32, #tpu.memory_space<vmem>>, %arg5: memref<32768xf32, #tpu.memory_space<vmem>>, %arg6: memref<16xi32, #tpu.memory_space<vmem>>, %arg7: memref<128xi32, #tpu.memory_space<vmem>>, %arg8: memref<16xi32, #tpu.memory_space<vmem>>, %arg9: memref<256xi32, #tpu.memory_space<vmem_shared>>, %arg10: memref<!tpu.dma_semaphore, #tpu.memory_space<semaphore_mem>>, %arg11: memref<!tpu.dma_semaphore, #tpu.memory_space<semaphore_mem>>) attributes {dimension_semantics = [#tpu.dimension_semantics<core_parallel>, #tpu.dimension_semantics<subcore_parallel>], iteration_bounds = array<i64: 2, 16>, scalar_prefetch = 0 : i64, scratch_operands = 8 : i64, tpu.core_type = #tpu.core_type<sc_vector_subcore>, window_params = [{transform_indices = #map}, {transform_indices = #map1}]} {
    %mul3A = arith.constant 16 : i32
    %mul3A_0 = arith.muli %arg0, %mul3A : i32
    %add3A = arith.addi %mul3A_0, %arg1 : i32
    %mul3A_1 = arith.constant 2 : i32
    %mul3A_2 = arith.muli %add3A, %mul3A_1 : i32
    %iota3A = tpu.iota {dimensions = array<i32: 0>} : vector<16xi32>
    %dma_start3A = arith.constant 0 : i32
    %dma_start3A_3 = tpu.memref_slice %arg2[%mul3A_2, %dma_start3A] : memref<128x32768xf32, #tpu.memory_space<hbm>> -> memref<1x32768xf32, #tpu.memory_space<hbm>>
    %dma_start3A_4 = tpu.memref_squeeze %dma_start3A_3 : memref<1x32768xf32, #tpu.memory_space<hbm>> -> memref<32768xf32, #tpu.memory_space<hbm>>
    %dma_start3A_5 = arith.constant 0 : i32
    %dma_start3A_6 = tpu.memref_slice %arg2[%mul3A_2, %dma_start3A_5] : memref<128x32768xf32, #tpu.memory_space<hbm>> -> memref<1x32768xf32, #tpu.memory_space<hbm>>
    %dma_start3A_7 = tpu.memref_squeeze %dma_start3A_6 : memref<1x32768xf32, #tpu.memory_space<hbm>> -> memref<32768xf32, #tpu.memory_space<hbm>>
    tpu.enqueue_dma source(%dma_start3A_7 : memref<32768xf32, #tpu.memory_space<hbm>>) target(%arg4 : memref<32768xf32, #tpu.memory_space<vmem>>) target_semaphore(%arg10 : memref<!tpu.dma_semaphore, #tpu.memory_space<semaphore_mem>>)
    %broadcast_in_dim3A = arith.constant 0 : i32
    %broadcast_in_dim3A_8 = vector.broadcast %broadcast_in_dim3A : i32 to vector<16xi32>
    %add3A_9 = arith.constant 0 : i32
    %add3A_10 = arith.addi %mul3A_2, %add3A_9 : i32
    %add3A_11 = arith.constant 1 : i32
    %add3A_12 = arith.addi %add3A_10, %add3A_11 : i32
    %dma_start3A_13 = arith.constant 0 : i32
    %dma_start3A_14 = tpu.memref_slice %arg2[%add3A_12, %dma_start3A_13] : memref<128x32768xf32, #tpu.memory_space<hbm>> -> memref<1x32768xf32, #tpu.memory_space<hbm>>
    %dma_start3A_15 = tpu.memref_squeeze %dma_start3A_14 : memref<1x32768xf32, #tpu.memory_space<hbm>> -> memref<32768xf32, #tpu.memory_space<hbm>>
    %dma_start3A_16 = arith.constant 0 : i32
    %dma_start3A_17 = tpu.memref_slice %arg2[%add3A_12, %dma_start3A_16] : memref<128x32768xf32, #tpu.memory_space<hbm>> -> memref<1x32768xf32, #tpu.memory_space<hbm>>
    %dma_start3A_18 = tpu.memref_squeeze %dma_start3A_17 : memref<1x32768xf32, #tpu.memory_space<hbm>> -> memref<32768xf32, #tpu.memory_space<hbm>>
    tpu.enqueue_dma source(%dma_start3A_18 : memref<32768xf32, #tpu.memory_space<hbm>>) target(%arg5 : memref<32768xf32, #tpu.memory_space<vmem>>) target_semaphore(%arg11 : memref<!tpu.dma_semaphore, #tpu.memory_space<semaphore_mem>>)
    %dma_wait3A = arith.constant 0 : i32
    %dma_wait3A_19 = tpu.memref_slice %arg2[%mul3A_2, %dma_wait3A] : memref<128x32768xf32, #tpu.memory_space<hbm>> -> memref<1x32768xf32, #tpu.memory_space<hbm>>
    %dma_wait3A_20 = tpu.memref_squeeze %dma_wait3A_19 : memref<1x32768xf32, #tpu.memory_space<hbm>> -> memref<32768xf32, #tpu.memory_space<hbm>>
    %dma_wait3A_21 = arith.constant 0 : i32
    %dma_wait3A_22 = tpu.memref_slice %arg2[%mul3A_2, %dma_wait3A_21] : memref<128x32768xf32, #tpu.memory_space<hbm>> -> memref<1x32768xf32, #tpu.memory_space<hbm>>
    %dma_wait3A_23 = tpu.memref_squeeze %dma_wait3A_22 : memref<1x32768xf32, #tpu.memory_space<hbm>> -> memref<32768xf32, #tpu.memory_space<hbm>>
    tpu.wait_dma2 semaphore(%arg10 : memref<!tpu.dma_semaphore, #tpu.memory_space<semaphore_mem>>) src(%dma_wait3A_23 : memref<32768xf32, #tpu.memory_space<hbm>>) dst(%arg4 : memref<32768xf32, #tpu.memory_space<vmem>>)
    %iota3A_24 = tpu.iota {dimensions = array<i32: 0>} : vector<16xi32>
    %get3A = arith.constant 0 : index
    %get3A_25 = tpu.vector_load %arg4[%get3A] {strides = array<i32>} : memref<32768xf32, #tpu.memory_space<vmem>>, vector<16xf32>,
    %get3A_26 = vector.shape_cast %get3A_25 : vector<16xf32> to vector<16xf32>
    %get3A_27 = arith.constant 16 : index
    %get3A_28 = tpu.vector_load %arg4[%get3A_27] {strides = array<i32>} : memref<32768xf32, #tpu.memory_space<vmem>>, vector<16xf32>,
    %get3A_29 = vector.shape_cast %get3A_28 : vector<16xf32> to vector<16xf32>
    %get3A_30 = arith.constant 32 : index
    %get3A_31 = tpu.vector_load %arg4[%get3A_30] {strides = array<i32>} : memref<32768xf32, #tpu.memory_space<vmem>>, vector<16xf32>,
    %get3A_32 = vector.shape_cast %get3A_31 : vector<16xf32> to vector<16xf32>
    %get3A_33 = arith.constant 48 : index
    %get3A_34 = tpu.vector_load %arg4[%get3A_33] {strides = array<i32>} : memref<32768xf32, #tpu.memory_space<vmem>>, vector<16xf32>,
    %get3A_35 = vector.shape_cast %get3A_34 : vector<16xf32> to vector<16xf32>
    %broadcast_in_dim3A_36 = arith.constant 0 : i32
    %broadcast_in_dim3A_37 = vector.broadcast %broadcast_in_dim3A_36 : i32 to vector<16xi32>
    %broadcast_in_dim3A_38 = arith.constant 0 : i32
    %broadcast_in_dim3A_39 = vector.broadcast %broadcast_in_dim3A_38 : i32 to vector<16xi32>
    %broadcast_in_dim3A_40 = arith.constant 0 : i32
    %broadcast_in_dim3A_41 = vector.broadcast %broadcast_in_dim3A_40 : i32 to vector<16xi32>
    %broadcast_in_dim3A_42 = arith.constant 0 : i32
    %broadcast_in_dim3A_43 = vector.broadcast %broadcast_in_dim3A_42 : i32 to vector<16xi32>
    %scan3A = arith.constant 1 : i32
    %scan3A_44 = arith.constant 508 : i32
    %scan3A_45 = arith.addi %scan3A, %scan3A_44 : i32
    %scan3A_46 = arith.constant 4 : i32
    %scan3A_47:8 = scf.for %scan3A_862 = %scan3A to %scan3A_45 step %scan3A_46 iter_args(%scan3A_863 = %get3A_26, %scan3A_864 = %get3A_29, %scan3A_865 = %get3A_32, %scan3A_866 = %get3A_35, %scan3A_867 = %broadcast_in_dim3A_37, %scan3A_868 = %broadcast_in_dim3A_39, %scan3A_869 = %broadcast_in_dim3A_41, %scan3A_870 = %broadcast_in_dim3A_43) -> (vector<16xf32>, vector<16xf32>, vector<16xf32>, vector<16xf32>, vector<16xi32>, vector<16xi32>, vector<16xi32>, vector<16xi32>)  : i32 {
      %broadcast_in_dim3A_871 = vector.broadcast %scan3A_862 : i32 to vector<16xi32>
      %mul3A_872 = arith.constant 64 : i32
      %mul3A_873 = arith.muli %scan3A_862, %mul3A_872 : i32
      %add3A_874 = arith.constant 0 : i32
      %add3A_875 = arith.addi %mul3A_873, %add3A_874 : i32
      %get3A_876 = arith.index_cast %add3A_875 : i32 to index
      %get3A_877 = tpu.vector_load %arg4[%get3A_876] {strides = array<i32>} : memref<32768xf32, #tpu.memory_space<vmem>>, vector<16xf32>,
      %get3A_878 = vector.shape_cast %get3A_877 : vector<16xf32> to vector<16xf32>
      %gt3A_879 = arith.cmpf ogt, %get3A_878, %scan3A_863 : vector<16xf32>
      %select_n3A_880 = arith.select %gt3A_879, %get3A_878, %scan3A_863 : vector<16xi1>, vector<16xf32>
      %select_n3A_881 = arith.select %gt3A_879, %broadcast_in_dim3A_871, %scan3A_867 : vector<16xi1>, vector<16xi32>
      %add3A_882 = arith.constant 16 : i32
      %add3A_883 = arith.addi %mul3A_873, %add3A_882 : i32
      %get3A_884 = arith.index_cast %add3A_883 : i32 to index
      %get3A_885 = tpu.vector_load %arg4[%get3A_884] {strides = array<i32>} : memref<32768xf32, #tpu.memory_space<vmem>>, vector<16xf32>,
      %get3A_886 = vector.shape_cast %get3A_885 : vector<16xf32> to vector<16xf32>
      %gt3A_887 = arith.cmpf ogt, %get3A_886, %scan3A_864 : vector<16xf32>
      %select_n3A_888 = arith.select %gt3A_887, %get3A_886, %scan3A_864 : vector<16xi1>, vector<16xf32>
      %select_n3A_889 = arith.select %gt3A_887, %broadcast_in_dim3A_871, %scan3A_868 : vector<16xi1>, vector<16xi32>
      %add3A_890 = arith.constant 32 : i32
      %add3A_891 = arith.addi %mul3A_873, %add3A_890 : i32
      %get3A_892 = arith.index_cast %add3A_891 : i32 to index
      %get3A_893 = tpu.vector_load %arg4[%get3A_892] {strides = array<i32>} : memref<32768xf32, #tpu.memory_space<vmem>>, vector<16xf32>,
      %get3A_894 = vector.shape_cast %get3A_893 : vector<16xf32> to vector<16xf32>
      %gt3A_895 = arith.cmpf ogt, %get3A_894, %scan3A_865 : vector<16xf32>
      %select_n3A_896 = arith.select %gt3A_895, %get3A_894, %scan3A_865 : vector<16xi1>, vector<16xf32>
      %select_n3A_897 = arith.select %gt3A_895, %broadcast_in_dim3A_871, %scan3A_869 : vector<16xi1>, vector<16xi32>
      %add3A_898 = arith.constant 48 : i32
      %add3A_899 = arith.addi %mul3A_873, %add3A_898 : i32
      %get3A_900 = arith.index_cast %add3A_899 : i32 to index
      %get3A_901 = tpu.vector_load %arg4[%get3A_900] {strides = array<i32>} : memref<32768xf32, #tpu.memory_space<vmem>>, vector<16xf32>,
      %get3A_902 = vector.shape_cast %get3A_901 : vector<16xf32> to vector<16xf32>
      %gt3A_903 = arith.cmpf ogt, %get3A_902, %scan3A_866 : vector<16xf32>
      %select_n3A_904 = arith.select %gt3A_903, %get3A_902, %scan3A_866 : vector<16xi1>, vector<16xf32>
      %select_n3A_905 = arith.select %gt3A_903, %broadcast_in_dim3A_871, %scan3A_870 : vector<16xi1>, vector<16xi32>
      %scan3A_906 = arith.constant 1 : i32
      %scan3A_907 = arith.addi %scan3A_862, %scan3A_906 : i32
      %broadcast_in_dim3A_908 = vector.broadcast %scan3A_907 : i32 to vector<16xi32>
      %mul3A_909 = arith.constant 64 : i32
      %mul3A_910 = arith.muli %scan3A_907, %mul3A_909 : i32
      %add3A_911 = arith.constant 0 : i32
      %add3A_912 = arith.addi %mul3A_910, %add3A_911 : i32
      %get3A_913 = arith.index_cast %add3A_912 : i32 to index
      %get3A_914 = tpu.vector_load %arg4[%get3A_913] {strides = array<i32>} : memref<32768xf32, #tpu.memory_space<vmem>>, vector<16xf32>,
      %get3A_915 = vector.shape_cast %get3A_914 : vector<16xf32> to vector<16xf32>
      %gt3A_916 = arith.cmpf ogt, %get3A_915, %select_n3A_880 : vector<16xf32>
      %select_n3A_917 = arith.select %gt3A_916, %get3A_915, %select_n3A_880 : vector<16xi1>, vector<16xf32>
      %select_n3A_918 = arith.select %gt3A_916, %broadcast_in_dim3A_908, %select_n3A_881 : vector<16xi1>, vector<16xi32>
      %add3A_919 = arith.constant 16 : i32
      %add3A_920 = arith.addi %mul3A_910, %add3A_919 : i32
      %get3A_921 = arith.index_cast %add3A_920 : i32 to index
      %get3A_922 = tpu.vector_load %arg4[%get3A_921] {strides = array<i32>} : memref<32768xf32, #tpu.memory_space<vmem>>, vector<16xf32>,
      %get3A_923 = vector.shape_cast %get3A_922 : vector<16xf32> to vector<16xf32>
      %gt3A_924 = arith.cmpf ogt, %get3A_923, %select_n3A_888 : vector<16xf32>
      %select_n3A_925 = arith.select %gt3A_924, %get3A_923, %select_n3A_888 : vector<16xi1>, vector<16xf32>
      %select_n3A_926 = arith.select %gt3A_924, %broadcast_in_dim3A_908, %select_n3A_889 : vector<16xi1>, vector<16xi32>
      %add3A_927 = arith.constant 32 : i32
      %add3A_928 = arith.addi %mul3A_910, %add3A_927 : i32
      %get3A_929 = arith.index_cast %add3A_928 : i32 to index
      %get3A_930 = tpu.vector_load %arg4[%get3A_929] {strides = array<i32>} : memref<32768xf32, #tpu.memory_space<vmem>>, vector<16xf32>,
      %get3A_931 = vector.shape_cast %get3A_930 : vector<16xf32> to vector<16xf32>
      %gt3A_932 = arith.cmpf ogt, %get3A_931, %select_n3A_896 : vector<16xf32>
      %select_n3A_933 = arith.select %gt3A_932, %get3A_931, %select_n3A_896 : vector<16xi1>, vector<16xf32>
      %select_n3A_934 = arith.select %gt3A_932, %broadcast_in_dim3A_908, %select_n3A_897 : vector<16xi1>, vector<16xi32>
      %add3A_935 = arith.constant 48 : i32
      %add3A_936 = arith.addi %mul3A_910, %add3A_935 : i32
      %get3A_937 = arith.index_cast %add3A_936 : i32 to index
      %get3A_938 = tpu.vector_load %arg4[%get3A_937] {strides = array<i32>} : memref<32768xf32, #tpu.memory_space<vmem>>, vector<16xf32>,
      %get3A_939 = vector.shape_cast %get3A_938 : vector<16xf32> to vector<16xf32>
      %gt3A_940 = arith.cmpf ogt, %get3A_939, %select_n3A_904 : vector<16xf32>
      %select_n3A_941 = arith.select %gt3A_940, %get3A_939, %select_n3A_904 : vector<16xi1>, vector<16xf32>
      %select_n3A_942 = arith.select %gt3A_940, %broadcast_in_dim3A_908, %select_n3A_905 : vector<16xi1>, vector<16xi32>
      %scan3A_943 = arith.constant 2 : i32
      %scan3A_944 = arith.addi %scan3A_862, %scan3A_943 : i32
      %broadcast_in_dim3A_945 = vector.broadcast %scan3A_944 : i32 to vector<16xi32>
      %mul3A_946 = arith.constant 64 : i32
      %mul3A_947 = arith.muli %scan3A_944, %mul3A_946 : i32
      %add3A_948 = arith.constant 0 : i32
      %add3A_949 = arith.addi %mul3A_947, %add3A_948 : i32
      %get3A_950 = arith.index_cast %add3A_949 : i32 to index
      %get3A_951 = tpu.vector_load %arg4[%get3A_950] {strides = array<i32>} : memref<32768xf32, #tpu.memory_space<vmem>>, vector<16xf32>,
      %get3A_952 = vector.shape_cast %get3A_951 : vector<16xf32> to vector<16xf32>
      %gt3A_953 = arith.cmpf ogt, %get3A_952, %select_n3A_917 : vector<16xf32>
      %select_n3A_954 = arith.select %gt3A_953, %get3A_952, %select_n3A_917 : vector<16xi1>, vector<16xf32>
      %select_n3A_955 = arith.select %gt3A_953, %broadcast_in_dim3A_945, %select_n3A_918 : vector<16xi1>, vector<16xi32>
      %add3A_956 = arith.constant 16 : i32
      %add3A_957 = arith.addi %mul3A_947, %add3A_956 : i32
      %get3A_958 = arith.index_cast %add3A_957 : i32 to index
      %get3A_959 = tpu.vector_load %arg4[%get3A_958] {strides = array<i32>} : memref<32768xf32, #tpu.memory_space<vmem>>, vector<16xf32>,
      %get3A_960 = vector.shape_cast %get3A_959 : vector<16xf32> to vector<16xf32>
      %gt3A_961 = arith.cmpf ogt, %get3A_960, %select_n3A_925 : vector<16xf32>
      %select_n3A_962 = arith.select %gt3A_961, %get3A_960, %select_n3A_925 : vector<16xi1>, vector<16xf32>
      %select_n3A_963 = arith.select %gt3A_961, %broadcast_in_dim3A_945, %select_n3A_926 : vector<16xi1>, vector<16xi32>
      %add3A_964 = arith.constant 32 : i32
      %add3A_965 = arith.addi %mul3A_947, %add3A_964 : i32
      %get3A_966 = arith.index_cast %add3A_965 : i32 to index
      %get3A_967 = tpu.vector_load %arg4[%get3A_966] {strides = array<i32>} : memref<32768xf32, #tpu.memory_space<vmem>>, vector<16xf32>,
      %get3A_968 = vector.shape_cast %get3A_967 : vector<16xf32> to vector<16xf32>
      %gt3A_969 = arith.cmpf ogt, %get3A_968, %select_n3A_933 : vector<16xf32>
      %select_n3A_970 = arith.select %gt3A_969, %get3A_968, %select_n3A_933 : vector<16xi1>, vector<16xf32>
      %select_n3A_971 = arith.select %gt3A_969, %broadcast_in_dim3A_945, %select_n3A_934 : vector<16xi1>, vector<16xi32>
      %add3A_972 = arith.constant 48 : i32
      %add3A_973 = arith.addi %mul3A_947, %add3A_972 : i32
      %get3A_974 = arith.index_cast %add3A_973 : i32 to index
      %get3A_975 = tpu.vector_load %arg4[%get3A_974] {strides = array<i32>} : memref<32768xf32, #tpu.memory_space<vmem>>, vector<16xf32>,
      %get3A_976 = vector.shape_cast %get3A_975 : vector<16xf32> to vector<16xf32>
      %gt3A_977 = arith.cmpf ogt, %get3A_976, %select_n3A_941 : vector<16xf32>
      %select_n3A_978 = arith.select %gt3A_977, %get3A_976, %select_n3A_941 : vector<16xi1>, vector<16xf32>
      %select_n3A_979 = arith.select %gt3A_977, %broadcast_in_dim3A_945, %select_n3A_942 : vector<16xi1>, vector<16xi32>
      %scan3A_980 = arith.constant 3 : i32
      %scan3A_981 = arith.addi %scan3A_862, %scan3A_980 : i32
      %broadcast_in_dim3A_982 = vector.broadcast %scan3A_981 : i32 to vector<16xi32>
      %mul3A_983 = arith.constant 64 : i32
      %mul3A_984 = arith.muli %scan3A_981, %mul3A_983 : i32
      %add3A_985 = arith.constant 0 : i32
      %add3A_986 = arith.addi %mul3A_984, %add3A_985 : i32
      %get3A_987 = arith.index_cast %add3A_986 : i32 to index
      %get3A_988 = tpu.vector_load %arg4[%get3A_987] {strides = array<i32>} : memref<32768xf32, #tpu.memory_space<vmem>>, vector<16xf32>,
      %get3A_989 = vector.shape_cast %get3A_988 : vector<16xf32> to vector<16xf32>
      %gt3A_990 = arith.cmpf ogt, %get3A_989, %select_n3A_954 : vector<16xf32>
      %select_n3A_991 = arith.select %gt3A_990, %get3A_989, %select_n3A_954 : vector<16xi1>, vector<16xf32>
      %select_n3A_992 = arith.select %gt3A_990, %broadcast_in_dim3A_982, %select_n3A_955 : vector<16xi1>, vector<16xi32>
      %add3A_993 = arith.constant 16 : i32
      %add3A_994 = arith.addi %mul3A_984, %add3A_993 : i32
      %get3A_995 = arith.index_cast %add3A_994 : i32 to index
      %get3A_996 = tpu.vector_load %arg4[%get3A_995] {strides = array<i32>} : memref<32768xf32, #tpu.memory_space<vmem>>, vector<16xf32>,
      %get3A_997 = vector.shape_cast %get3A_996 : vector<16xf32> to vector<16xf32>
      %gt3A_998 = arith.cmpf ogt, %get3A_997, %select_n3A_962 : vector<16xf32>
      %select_n3A_999 = arith.select %gt3A_998, %get3A_997, %select_n3A_962 : vector<16xi1>, vector<16xf32>
      %select_n3A_1000 = arith.select %gt3A_998, %broadcast_in_dim3A_982, %select_n3A_963 : vector<16xi1>, vector<16xi32>
      %add3A_1001 = arith.constant 32 : i32
      %add3A_1002 = arith.addi %mul3A_984, %add3A_1001 : i32
      %get3A_1003 = arith.index_cast %add3A_1002 : i32 to index
      %get3A_1004 = tpu.vector_load %arg4[%get3A_1003] {strides = array<i32>} : memref<32768xf32, #tpu.memory_space<vmem>>, vector<16xf32>,
      %get3A_1005 = vector.shape_cast %get3A_1004 : vector<16xf32> to vector<16xf32>
      %gt3A_1006 = arith.cmpf ogt, %get3A_1005, %select_n3A_970 : vector<16xf32>
      %select_n3A_1007 = arith.select %gt3A_1006, %get3A_1005, %select_n3A_970 : vector<16xi1>, vector<16xf32>
      %select_n3A_1008 = arith.select %gt3A_1006, %broadcast_in_dim3A_982, %select_n3A_971 : vector<16xi1>, vector<16xi32>
      %add3A_1009 = arith.constant 48 : i32
      %add3A_1010 = arith.addi %mul3A_984, %add3A_1009 : i32
      %get3A_1011 = arith.index_cast %add3A_1010 : i32 to index
      %get3A_1012 = tpu.vector_load %arg4[%get3A_1011] {strides = array<i32>} : memref<32768xf32, #tpu.memory_space<vmem>>, vector<16xf32>,
      %get3A_1013 = vector.shape_cast %get3A_1012 : vector<16xf32> to vector<16xf32>
      %gt3A_1014 = arith.cmpf ogt, %get3A_1013, %select_n3A_978 : vector<16xf32>
      %select_n3A_1015 = arith.select %gt3A_1014, %get3A_1013, %select_n3A_978 : vector<16xi1>, vector<16xf32>
      %select_n3A_1016 = arith.select %gt3A_1014, %broadcast_in_dim3A_982, %select_n3A_979 : vector<16xi1>, vector<16xi32>
      scf.yield %select_n3A_991, %select_n3A_999, %select_n3A_1007, %select_n3A_1015, %select_n3A_992, %select_n3A_1000, %select_n3A_1008, %select_n3A_1016 : vector<16xf32>, vector<16xf32>, vector<16xf32>, vector<16xf32>, vector<16xi32>, vector<16xi32>, vector<16xi32>, vector<16xi32>
    }
    %scan3A_48 = arith.constant 508 : i32
    %scan3A_49 = arith.addi %scan3A, %scan3A_48 : i32
    %broadcast_in_dim3A_50 = vector.broadcast %scan3A_49 : i32 to vector<16xi32>
    %mul3A_51 = arith.constant 64 : i32
    %mul3A_52 = arith.muli %scan3A_49, %mul3A_51 : i32
    %add3A_53 = arith.constant 0 : i32
    %add3A_54 = arith.addi %mul3A_52, %add3A_53 : i32
    %get3A_55 = arith.index_cast %add3A_54 : i32 to index
    %get3A_56 = tpu.vector_load %arg4[%get3A_55] {strides = array<i32>} : memref<32768xf32, #tpu.memory_space<vmem>>, vector<16xf32>,
    %get3A_57 = vector.shape_cast %get3A_56 : vector<16xf32> to vector<16xf32>
    %gt3A = arith.cmpf ogt, %get3A_57, %scan3A_47#0 : vector<16xf32>
    %select_n3A = arith.select %gt3A, %get3A_57, %scan3A_47#0 : vector<16xi1>, vector<16xf32>
    %select_n3A_58 = arith.select %gt3A, %broadcast_in_dim3A_50, %scan3A_47#4 : vector<16xi1>, vector<16xi32>
    %add3A_59 = arith.constant 16 : i32
    %add3A_60 = arith.addi %mul3A_52, %add3A_59 : i32
    %get3A_61 = arith.index_cast %add3A_60 : i32 to index
    %get3A_62 = tpu.vector_load %arg4[%get3A_61] {strides = array<i32>} : memref<32768xf32, #tpu.memory_space<vmem>>, vector<16xf32>,
    %get3A_63 = vector.shape_cast %get3A_62 : vector<16xf32> to vector<16xf32>
    %gt3A_64 = arith.cmpf ogt, %get3A_63, %scan3A_47#1 : vector<16xf32>
    %select_n3A_65 = arith.select %gt3A_64, %get3A_63, %scan3A_47#1 : vector<16xi1>, vector<16xf32>
    %select_n3A_66 = arith.select %gt3A_64, %broadcast_in_dim3A_50, %scan3A_47#5 : vector<16xi1>, vector<16xi32>
    %add3A_67 = arith.constant 32 : i32
    %add3A_68 = arith.addi %mul3A_52, %add3A_67 : i32
    %get3A_69 = arith.index_cast %add3A_68 : i32 to index
    %get3A_70 = tpu.vector_load %arg4[%get3A_69] {strides = array<i32>} : memref<32768xf32, #tpu.memory_space<vmem>>, vector<16xf32>,
    %get3A_71 = vector.shape_cast %get3A_70 : vector<16xf32> to vector<16xf32>
    %gt3A_72 = arith.cmpf ogt, %get3A_71, %scan3A_47#2 : vector<16xf32>
    %select_n3A_73 = arith.select %gt3A_72, %get3A_71, %scan3A_47#2 : vector<16xi1>, vector<16xf32>
    %select_n3A_74 = arith.select %gt3A_72, %broadcast_in_dim3A_50, %scan3A_47#6 : vector<16xi1>, vector<16xi32>
    %add3A_75 = arith.constant 48 : i32
    %add3A_76 = arith.addi %mul3A_52, %add3A_75 : i32
    %get3A_77 = arith.index_cast %add3A_76 : i32 to index
    %get3A_78 = tpu.vector_load %arg4[%get3A_77] {strides = array<i32>} : memref<32768xf32, #tpu.memory_space<vmem>>, vector<16xf32>,
    %get3A_79 = vector.shape_cast %get3A_78 : vector<16xf32> to vector<16xf32>
    %gt3A_80 = arith.cmpf ogt, %get3A_79, %scan3A_47#3 : vector<16xf32>
    %select_n3A_81 = arith.select %gt3A_80, %get3A_79, %scan3A_47#3 : vector<16xi1>, vector<16xf32>
    %select_n3A_82 = arith.select %gt3A_80, %broadcast_in_dim3A_50, %scan3A_47#7 : vector<16xi1>, vector<16xi32>
    %scan3A_83 = arith.constant 509 : i32
    %scan3A_84 = arith.addi %scan3A, %scan3A_83 : i32
    %broadcast_in_dim3A_85 = vector.broadcast %scan3A_84 : i32 to vector<16xi32>
    %mul3A_86 = arith.constant 64 : i32
    %mul3A_87 = arith.muli %scan3A_84, %mul3A_86 : i32
    %add3A_88 = arith.constant 0 : i32
    %add3A_89 = arith.addi %mul3A_87, %add3A_88 : i32
    %get3A_90 = arith.index_cast %add3A_89 : i32 to index
    %get3A_91 = tpu.vector_load %arg4[%get3A_90] {strides = array<i32>} : memref<32768xf32, #tpu.memory_space<vmem>>, vector<16xf32>,
    %get3A_92 = vector.shape_cast %get3A_91 : vector<16xf32> to vector<16xf32>
    %gt3A_93 = arith.cmpf ogt, %get3A_92, %select_n3A : vector<16xf32>
    %select_n3A_94 = arith.select %gt3A_93, %get3A_92, %select_n3A : vector<16xi1>, vector<16xf32>
    %select_n3A_95 = arith.select %gt3A_93, %broadcast_in_dim3A_85, %select_n3A_58 : vector<16xi1>, vector<16xi32>
    %add3A_96 = arith.constant 16 : i32
    %add3A_97 = arith.addi %mul3A_87, %add3A_96 : i32
    %get3A_98 = arith.index_cast %add3A_97 : i32 to index
    %get3A_99 = tpu.vector_load %arg4[%get3A_98] {strides = array<i32>} : memref<32768xf32, #tpu.memory_space<vmem>>, vector<16xf32>,
    %get3A_100 = vector.shape_cast %get3A_99 : vector<16xf32> to vector<16xf32>
    %gt3A_101 = arith.cmpf ogt, %get3A_100, %select_n3A_65 : vector<16xf32>
    %select_n3A_102 = arith.select %gt3A_101, %get3A_100, %select_n3A_65 : vector<16xi1>, vector<16xf32>
    %select_n3A_103 = arith.select %gt3A_101, %broadcast_in_dim3A_85, %select_n3A_66 : vector<16xi1>, vector<16xi32>
    %add3A_104 = arith.constant 32 : i32
    %add3A_105 = arith.addi %mul3A_87, %add3A_104 : i32
    %get3A_106 = arith.index_cast %add3A_105 : i32 to index
    %get3A_107 = tpu.vector_load %arg4[%get3A_106] {strides = array<i32>} : memref<32768xf32, #tpu.memory_space<vmem>>, vector<16xf32>,
    %get3A_108 = vector.shape_cast %get3A_107 : vector<16xf32> to vector<16xf32>
    %gt3A_109 = arith.cmpf ogt, %get3A_108, %select_n3A_73 : vector<16xf32>
    %select_n3A_110 = arith.select %gt3A_109, %get3A_108, %select_n3A_73 : vector<16xi1>, vector<16xf32>
    %select_n3A_111 = arith.select %gt3A_109, %broadcast_in_dim3A_85, %select_n3A_74 : vector<16xi1>, vector<16xi32>
    %add3A_112 = arith.constant 48 : i32
    %add3A_113 = arith.addi %mul3A_87, %add3A_112 : i32
    %get3A_114 = arith.index_cast %add3A_113 : i32 to index
    %get3A_115 = tpu.vector_load %arg4[%get3A_114] {strides = array<i32>} : memref<32768xf32, #tpu.memory_space<vmem>>, vector<16xf32>,
    %get3A_116 = vector.shape_cast %get3A_115 : vector<16xf32> to vector<16xf32>
    %gt3A_117 = arith.cmpf ogt, %get3A_116, %select_n3A_81 : vector<16xf32>
    %select_n3A_118 = arith.select %gt3A_117, %get3A_116, %select_n3A_81 : vector<16xi1>, vector<16xf32>
    %select_n3A_119 = arith.select %gt3A_117, %broadcast_in_dim3A_85, %select_n3A_82 : vector<16xi1>, vector<16xi32>
    %scan3A_120 = arith.constant 510 : i32
    %scan3A_121 = arith.addi %scan3A, %scan3A_120 : i32
    %broadcast_in_dim3A_122 = vector.broadcast %scan3A_121 : i32 to vector<16xi32>
    %mul3A_123 = arith.constant 64 : i32
    %mul3A_124 = arith.muli %scan3A_121, %mul3A_123 : i32
    %add3A_125 = arith.constant 0 : i32
    %add3A_126 = arith.addi %mul3A_124, %add3A_125 : i32
    %get3A_127 = arith.index_cast %add3A_126 : i32 to index
    %get3A_128 = tpu.vector_load %arg4[%get3A_127] {strides = array<i32>} : memref<32768xf32, #tpu.memory_space<vmem>>, vector<16xf32>,
    %get3A_129 = vector.shape_cast %get3A_128 : vector<16xf32> to vector<16xf32>
    %gt3A_130 = arith.cmpf ogt, %get3A_129, %select_n3A_94 : vector<16xf32>
    %select_n3A_131 = arith.select %gt3A_130, %get3A_129, %select_n3A_94 : vector<16xi1>, vector<16xf32>
    %select_n3A_132 = arith.select %gt3A_130, %broadcast_in_dim3A_122, %select_n3A_95 : vector<16xi1>, vector<16xi32>
    %add3A_133 = arith.constant 16 : i32
    %add3A_134 = arith.addi %mul3A_124, %add3A_133 : i32
    %get3A_135 = arith.index_cast %add3A_134 : i32 to index
    %get3A_136 = tpu.vector_load %arg4[%get3A_135] {strides = array<i32>} : memref<32768xf32, #tpu.memory_space<vmem>>, vector<16xf32>,
    %get3A_137 = vector.shape_cast %get3A_136 : vector<16xf32> to vector<16xf32>
    %gt3A_138 = arith.cmpf ogt, %get3A_137, %select_n3A_102 : vector<16xf32>
    %select_n3A_139 = arith.select %gt3A_138, %get3A_137, %select_n3A_102 : vector<16xi1>, vector<16xf32>
    %select_n3A_140 = arith.select %gt3A_138, %broadcast_in_dim3A_122, %select_n3A_103 : vector<16xi1>, vector<16xi32>
    %add3A_141 = arith.constant 32 : i32
    %add3A_142 = arith.addi %mul3A_124, %add3A_141 : i32
    %get3A_143 = arith.index_cast %add3A_142 : i32 to index
    %get3A_144 = tpu.vector_load %arg4[%get3A_143] {strides = array<i32>} : memref<32768xf32, #tpu.memory_space<vmem>>, vector<16xf32>,
    %get3A_145 = vector.shape_cast %get3A_144 : vector<16xf32> to vector<16xf32>
    %gt3A_146 = arith.cmpf ogt, %get3A_145, %select_n3A_110 : vector<16xf32>
    %select_n3A_147 = arith.select %gt3A_146, %get3A_145, %select_n3A_110 : vector<16xi1>, vector<16xf32>
    %select_n3A_148 = arith.select %gt3A_146, %broadcast_in_dim3A_122, %select_n3A_111 : vector<16xi1>, vector<16xi32>
    %add3A_149 = arith.constant 48 : i32
    %add3A_150 = arith.addi %mul3A_124, %add3A_149 : i32
    %get3A_151 = arith.index_cast %add3A_150 : i32 to index
    %get3A_152 = tpu.vector_load %arg4[%get3A_151] {strides = array<i32>} : memref<32768xf32, #tpu.memory_space<vmem>>, vector<16xf32>,
    %get3A_153 = vector.shape_cast %get3A_152 : vector<16xf32> to vector<16xf32>
    %gt3A_154 = arith.cmpf ogt, %get3A_153, %select_n3A_118 : vector<16xf32>
    %select_n3A_155 = arith.select %gt3A_154, %get3A_153, %select_n3A_118 : vector<16xi1>, vector<16xf32>
    %select_n3A_156 = arith.select %gt3A_154, %broadcast_in_dim3A_122, %select_n3A_119 : vector<16xi1>, vector<16xi32>
    %scan3A_157 = arith.constant 511 : i32
    %mul3A_158 = arith.constant 64 : i32
    %mul3A_159 = vector.broadcast %mul3A_158 : i32 to vector<16xi32>
    %mul3A_160 = arith.muli %select_n3A_132, %mul3A_159 : vector<16xi32>
    %add3A_161 = arith.addi %mul3A_160, %iota3A_24 : vector<16xi32>
    %mul3A_162 = arith.constant 64 : i32
    %mul3A_163 = vector.broadcast %mul3A_162 : i32 to vector<16xi32>
    %mul3A_164 = arith.muli %select_n3A_140, %mul3A_163 : vector<16xi32>
    %add3A_165 = arith.constant 16 : i32
    %add3A_166 = vector.broadcast %add3A_165 : i32 to vector<16xi32>
    %add3A_167 = arith.addi %mul3A_164, %add3A_166 : vector<16xi32>
    %add3A_168 = arith.addi %add3A_167, %iota3A_24 : vector<16xi32>
    %gt3A_169 = arith.cmpf ogt, %select_n3A_139, %select_n3A_131 : vector<16xf32>
    %eq3A = arith.cmpf oeq, %select_n3A_139, %select_n3A_131 : vector<16xf32>
    %lt3A = arith.cmpi slt, %add3A_168, %add3A_161 : vector<16xi32>
    %and3A = arith.andi %eq3A, %lt3A : vector<16xi1>
    %or3A = arith.ori %gt3A_169, %and3A : vector<16xi1>
    %select_n3A_170 = arith.select %or3A, %select_n3A_139, %select_n3A_131 : vector<16xi1>, vector<16xf32>
    %select_n3A_171 = arith.select %or3A, %add3A_168, %add3A_161 : vector<16xi1>, vector<16xi32>
    %mul3A_172 = arith.constant 64 : i32
    %mul3A_173 = vector.broadcast %mul3A_172 : i32 to vector<16xi32>
    %mul3A_174 = arith.muli %select_n3A_148, %mul3A_173 : vector<16xi32>
    %add3A_175 = arith.constant 32 : i32
    %add3A_176 = vector.broadcast %add3A_175 : i32 to vector<16xi32>
    %add3A_177 = arith.addi %mul3A_174, %add3A_176 : vector<16xi32>
    %add3A_178 = arith.addi %add3A_177, %iota3A_24 : vector<16xi32>
    %gt3A_179 = arith.cmpf ogt, %select_n3A_147, %select_n3A_170 : vector<16xf32>
    %eq3A_180 = arith.cmpf oeq, %select_n3A_147, %select_n3A_170 : vector<16xf32>
    %lt3A_181 = arith.cmpi slt, %add3A_178, %select_n3A_171 : vector<16xi32>
    %and3A_182 = arith.andi %eq3A_180, %lt3A_181 : vector<16xi1>
    %or3A_183 = arith.ori %gt3A_179, %and3A_182 : vector<16xi1>
    %select_n3A_184 = arith.select %or3A_183, %select_n3A_147, %select_n3A_170 : vector<16xi1>, vector<16xf32>
    %select_n3A_185 = arith.select %or3A_183, %add3A_178, %select_n3A_171 : vector<16xi1>, vector<16xi32>
    %mul3A_186 = arith.constant 64 : i32
    %mul3A_187 = vector.broadcast %mul3A_186 : i32 to vector<16xi32>
    %mul3A_188 = arith.muli %select_n3A_156, %mul3A_187 : vector<16xi32>
    %add3A_189 = arith.constant 48 : i32
    %add3A_190 = vector.broadcast %add3A_189 : i32 to vector<16xi32>
    %add3A_191 = arith.addi %mul3A_188, %add3A_190 : vector<16xi32>
    %add3A_192 = arith.addi %add3A_191, %iota3A_24 : vector<16xi32>
    %gt3A_193 = arith.cmpf ogt, %select_n3A_155, %select_n3A_184 : vector<16xf32>
    %eq3A_194 = arith.cmpf oeq, %select_n3A_155, %select_n3A_184 : vector<16xf32>
    %lt3A_195 = arith.cmpi slt, %add3A_192, %select_n3A_185 : vector<16xi32>
    %and3A_196 = arith.andi %eq3A_194, %lt3A_195 : vector<16xi1>
    %or3A_197 = arith.ori %gt3A_193, %and3A_196 : vector<16xi1>
    %select_n3A_198 = arith.select %or3A_197, %select_n3A_155, %select_n3A_184 : vector<16xi1>, vector<16xf32>
    %select_n3A_199 = arith.select %or3A_197, %add3A_192, %select_n3A_185 : vector<16xi1>, vector<16xi32>
    %slice3A = vector.extract_strided_slice %select_n3A_198 {offsets = [0], sizes = [1], strides = [1]} : vector<16xf32> to vector<1xf32>
    %squeeze3A = vector.extract %slice3A[0] : f32 from vector<1xf32>
    %slice3A_200 = vector.extract_strided_slice %select_n3A_199 {offsets = [0], sizes = [1], strides = [1]} : vector<16xi32> to vector<1xi32>
    %squeeze3A_201 = vector.extract %slice3A_200[0] : i32 from vector<1xi32>
    %slice3A_202 = vector.extract_strided_slice %select_n3A_198 {offsets = [1], sizes = [1], strides = [1]} : vector<16xf32> to vector<1xf32>
    %squeeze3A_203 = vector.extract %slice3A_202[0] : f32 from vector<1xf32>
    %slice3A_204 = vector.extract_strided_slice %select_n3A_199 {offsets = [1], sizes = [1], strides = [1]} : vector<16xi32> to vector<1xi32>
    %squeeze3A_205 = vector.extract %slice3A_204[0] : i32 from vector<1xi32>
    %gt3A_206 = arith.cmpf ogt, %squeeze3A_203, %squeeze3A : f32
    %eq3A_207 = arith.cmpf oeq, %squeeze3A_203, %squeeze3A : f32
    %lt3A_208 = arith.cmpi slt, %squeeze3A_205, %squeeze3A_201 : i32
    %and3A_209 = arith.andi %eq3A_207, %lt3A_208 : i1
    %or3A_210 = arith.ori %gt3A_206, %and3A_209 : i1
    %select_n3A_211 = arith.select %or3A_210, %squeeze3A_203, %squeeze3A : f32
    %select_n3A_212 = arith.select %or3A_210, %squeeze3A_205, %squeeze3A_201 : i32
    %slice3A_213 = vector.extract_strided_slice %select_n3A_198 {offsets = [2], sizes = [1], strides = [1]} : vector<16xf32> to vector<1xf32>
    %squeeze3A_214 = vector.extract %slice3A_213[0] : f32 from vector<1xf32>
    %slice3A_215 = vector.extract_strided_slice %select_n3A_199 {offsets = [2], sizes = [1], strides = [1]} : vector<16xi32> to vector<1xi32>
    %squeeze3A_216 = vector.extract %slice3A_215[0] : i32 from vector<1xi32>
    %gt3A_217 = arith.cmpf ogt, %squeeze3A_214, %select_n3A_211 : f32
    %eq3A_218 = arith.cmpf oeq, %squeeze3A_214, %select_n3A_211 : f32
    %lt3A_219 = arith.cmpi slt, %squeeze3A_216, %select_n3A_212 : i32
    %and3A_220 = arith.andi %eq3A_218, %lt3A_219 : i1
    %or3A_221 = arith.ori %gt3A_217, %and3A_220 : i1
    %select_n3A_222 = arith.select %or3A_221, %squeeze3A_214, %select_n3A_211 : f32
    %select_n3A_223 = arith.select %or3A_221, %squeeze3A_216, %select_n3A_212 : i32
    %slice3A_224 = vector.extract_strided_slice %select_n3A_198 {offsets = [3], sizes = [1], strides = [1]} : vector<16xf32> to vector<1xf32>
    %squeeze3A_225 = vector.extract %slice3A_224[0] : f32 from vector<1xf32>
    %slice3A_226 = vector.extract_strided_slice %select_n3A_199 {offsets = [3], sizes = [1], strides = [1]} : vector<16xi32> to vector<1xi32>
    %squeeze3A_227 = vector.extract %slice3A_226[0] : i32 from vector<1xi32>
    %gt3A_228 = arith.cmpf ogt, %squeeze3A_225, %select_n3A_222 : f32
    %eq3A_229 = arith.cmpf oeq, %squeeze3A_225, %select_n3A_222 : f32
    %lt3A_230 = arith.cmpi slt, %squeeze3A_227, %select_n3A_223 : i32
    %and3A_231 = arith.andi %eq3A_229, %lt3A_230 : i1
    %or3A_232 = arith.ori %gt3A_228, %and3A_231 : i1
    %select_n3A_233 = arith.select %or3A_232, %squeeze3A_225, %select_n3A_222 : f32
    %select_n3A_234 = arith.select %or3A_232, %squeeze3A_227, %select_n3A_223 : i32
    %slice3A_235 = vector.extract_strided_slice %select_n3A_198 {offsets = [4], sizes = [1], strides = [1]} : vector<16xf32> to vector<1xf32>
    %squeeze3A_236 = vector.extract %slice3A_235[0] : f32 from vector<1xf32>
    %slice3A_237 = vector.extract_strided_slice %select_n3A_199 {offsets = [4], sizes = [1], strides = [1]} : vector<16xi32> to vector<1xi32>
    %squeeze3A_238 = vector.extract %slice3A_237[0] : i32 from vector<1xi32>
    %gt3A_239 = arith.cmpf ogt, %squeeze3A_236, %select_n3A_233 : f32
    %eq3A_240 = arith.cmpf oeq, %squeeze3A_236, %select_n3A_233 : f32
    %lt3A_241 = arith.cmpi slt, %squeeze3A_238, %select_n3A_234 : i32
    %and3A_242 = arith.andi %eq3A_240, %lt3A_241 : i1
    %or3A_243 = arith.ori %gt3A_239, %and3A_242 : i1
    %select_n3A_244 = arith.select %or3A_243, %squeeze3A_236, %select_n3A_233 : f32
    %select_n3A_245 = arith.select %or3A_243, %squeeze3A_238, %select_n3A_234 : i32
    %slice3A_246 = vector.extract_strided_slice %select_n3A_198 {offsets = [5], sizes = [1], strides = [1]} : vector<16xf32> to vector<1xf32>
    %squeeze3A_247 = vector.extract %slice3A_246[0] : f32 from vector<1xf32>
    %slice3A_248 = vector.extract_strided_slice %select_n3A_199 {offsets = [5], sizes = [1], strides = [1]} : vector<16xi32> to vector<1xi32>
    %squeeze3A_249 = vector.extract %slice3A_248[0] : i32 from vector<1xi32>
    %gt3A_250 = arith.cmpf ogt, %squeeze3A_247, %select_n3A_244 : f32
    %eq3A_251 = arith.cmpf oeq, %squeeze3A_247, %select_n3A_244 : f32
    %lt3A_252 = arith.cmpi slt, %squeeze3A_249, %select_n3A_245 : i32
    %and3A_253 = arith.andi %eq3A_251, %lt3A_252 : i1
    %or3A_254 = arith.ori %gt3A_250, %and3A_253 : i1
    %select_n3A_255 = arith.select %or3A_254, %squeeze3A_247, %select_n3A_244 : f32
    %select_n3A_256 = arith.select %or3A_254, %squeeze3A_249, %select_n3A_245 : i32
    %slice3A_257 = vector.extract_strided_slice %select_n3A_198 {offsets = [6], sizes = [1], strides = [1]} : vector<16xf32> to vector<1xf32>
    %squeeze3A_258 = vector.extract %slice3A_257[0] : f32 from vector<1xf32>
    %slice3A_259 = vector.extract_strided_slice %select_n3A_199 {offsets = [6], sizes = [1], strides = [1]} : vector<16xi32> to vector<1xi32>
    %squeeze3A_260 = vector.extract %slice3A_259[0] : i32 from vector<1xi32>
    %gt3A_261 = arith.cmpf ogt, %squeeze3A_258, %select_n3A_255 : f32
    %eq3A_262 = arith.cmpf oeq, %squeeze3A_258, %select_n3A_255 : f32
    %lt3A_263 = arith.cmpi slt, %squeeze3A_260, %select_n3A_256 : i32
    %and3A_264 = arith.andi %eq3A_262, %lt3A_263 : i1
    %or3A_265 = arith.ori %gt3A_261, %and3A_264 : i1
    %select_n3A_266 = arith.select %or3A_265, %squeeze3A_258, %select_n3A_255 : f32
    %select_n3A_267 = arith.select %or3A_265, %squeeze3A_260, %select_n3A_256 : i32
    %slice3A_268 = vector.extract_strided_slice %select_n3A_198 {offsets = [7], sizes = [1], strides = [1]} : vector<16xf32> to vector<1xf32>
    %squeeze3A_269 = vector.extract %slice3A_268[0] : f32 from vector<1xf32>
    %slice3A_270 = vector.extract_strided_slice %select_n3A_199 {offsets = [7], sizes = [1], strides = [1]} : vector<16xi32> to vector<1xi32>
    %squeeze3A_271 = vector.extract %slice3A_270[0] : i32 from vector<1xi32>
    %gt3A_272 = arith.cmpf ogt, %squeeze3A_269, %select_n3A_266 : f32
    %eq3A_273 = arith.cmpf oeq, %squeeze3A_269, %select_n3A_266 : f32
    %lt3A_274 = arith.cmpi slt, %squeeze3A_271, %select_n3A_267 : i32
    %and3A_275 = arith.andi %eq3A_273, %lt3A_274 : i1
    %or3A_276 = arith.ori %gt3A_272, %and3A_275 : i1
    %select_n3A_277 = arith.select %or3A_276, %squeeze3A_269, %select_n3A_266 : f32
    %select_n3A_278 = arith.select %or3A_276, %squeeze3A_271, %select_n3A_267 : i32
    %slice3A_279 = vector.extract_strided_slice %select_n3A_198 {offsets = [8], sizes = [1], strides = [1]} : vector<16xf32> to vector<1xf32>
    %squeeze3A_280 = vector.extract %slice3A_279[0] : f32 from vector<1xf32>
    %slice3A_281 = vector.extract_strided_slice %select_n3A_199 {offsets = [8], sizes = [1], strides = [1]} : vector<16xi32> to vector<1xi32>
    %squeeze3A_282 = vector.extract %slice3A_281[0] : i32 from vector<1xi32>
    %gt3A_283 = arith.cmpf ogt, %squeeze3A_280, %select_n3A_277 : f32
    %eq3A_284 = arith.cmpf oeq, %squeeze3A_280, %select_n3A_277 : f32
    %lt3A_285 = arith.cmpi slt, %squeeze3A_282, %select_n3A_278 : i32
    %and3A_286 = arith.andi %eq3A_284, %lt3A_285 : i1
    %or3A_287 = arith.ori %gt3A_283, %and3A_286 : i1
    %select_n3A_288 = arith.select %or3A_287, %squeeze3A_280, %select_n3A_277 : f32
    %select_n3A_289 = arith.select %or3A_287, %squeeze3A_282, %select_n3A_278 : i32
    %slice3A_290 = vector.extract_strided_slice %select_n3A_198 {offsets = [9], sizes = [1], strides = [1]} : vector<16xf32> to vector<1xf32>
    %squeeze3A_291 = vector.extract %slice3A_290[0] : f32 from vector<1xf32>
    %slice3A_292 = vector.extract_strided_slice %select_n3A_199 {offsets = [9], sizes = [1], strides = [1]} : vector<16xi32> to vector<1xi32>
    %squeeze3A_293 = vector.extract %slice3A_292[0] : i32 from vector<1xi32>
    %gt3A_294 = arith.cmpf ogt, %squeeze3A_291, %select_n3A_288 : f32
    %eq3A_295 = arith.cmpf oeq, %squeeze3A_291, %select_n3A_288 : f32
    %lt3A_296 = arith.cmpi slt, %squeeze3A_293, %select_n3A_289 : i32
    %and3A_297 = arith.andi %eq3A_295, %lt3A_296 : i1
    %or3A_298 = arith.ori %gt3A_294, %and3A_297 : i1
    %select_n3A_299 = arith.select %or3A_298, %squeeze3A_291, %select_n3A_288 : f32
    %select_n3A_300 = arith.select %or3A_298, %squeeze3A_293, %select_n3A_289 : i32
    %slice3A_301 = vector.extract_strided_slice %select_n3A_198 {offsets = [10], sizes = [1], strides = [1]} : vector<16xf32> to vector<1xf32>
    %squeeze3A_302 = vector.extract %slice3A_301[0] : f32 from vector<1xf32>
    %slice3A_303 = vector.extract_strided_slice %select_n3A_199 {offsets = [10], sizes = [1], strides = [1]} : vector<16xi32> to vector<1xi32>
    %squeeze3A_304 = vector.extract %slice3A_303[0] : i32 from vector<1xi32>
    %gt3A_305 = arith.cmpf ogt, %squeeze3A_302, %select_n3A_299 : f32
    %eq3A_306 = arith.cmpf oeq, %squeeze3A_302, %select_n3A_299 : f32
    %lt3A_307 = arith.cmpi slt, %squeeze3A_304, %select_n3A_300 : i32
    %and3A_308 = arith.andi %eq3A_306, %lt3A_307 : i1
    %or3A_309 = arith.ori %gt3A_305, %and3A_308 : i1
    %select_n3A_310 = arith.select %or3A_309, %squeeze3A_302, %select_n3A_299 : f32
    %select_n3A_311 = arith.select %or3A_309, %squeeze3A_304, %select_n3A_300 : i32
    %slice3A_312 = vector.extract_strided_slice %select_n3A_198 {offsets = [11], sizes = [1], strides = [1]} : vector<16xf32> to vector<1xf32>
    %squeeze3A_313 = vector.extract %slice3A_312[0] : f32 from vector<1xf32>
    %slice3A_314 = vector.extract_strided_slice %select_n3A_199 {offsets = [11], sizes = [1], strides = [1]} : vector<16xi32> to vector<1xi32>
    %squeeze3A_315 = vector.extract %slice3A_314[0] : i32 from vector<1xi32>
    %gt3A_316 = arith.cmpf ogt, %squeeze3A_313, %select_n3A_310 : f32
    %eq3A_317 = arith.cmpf oeq, %squeeze3A_313, %select_n3A_310 : f32
    %lt3A_318 = arith.cmpi slt, %squeeze3A_315, %select_n3A_311 : i32
    %and3A_319 = arith.andi %eq3A_317, %lt3A_318 : i1
    %or3A_320 = arith.ori %gt3A_316, %and3A_319 : i1
    %select_n3A_321 = arith.select %or3A_320, %squeeze3A_313, %select_n3A_310 : f32
    %select_n3A_322 = arith.select %or3A_320, %squeeze3A_315, %select_n3A_311 : i32
    %slice3A_323 = vector.extract_strided_slice %select_n3A_198 {offsets = [12], sizes = [1], strides = [1]} : vector<16xf32> to vector<1xf32>
    %squeeze3A_324 = vector.extract %slice3A_323[0] : f32 from vector<1xf32>
    %slice3A_325 = vector.extract_strided_slice %select_n3A_199 {offsets = [12], sizes = [1], strides = [1]} : vector<16xi32> to vector<1xi32>
    %squeeze3A_326 = vector.extract %slice3A_325[0] : i32 from vector<1xi32>
    %gt3A_327 = arith.cmpf ogt, %squeeze3A_324, %select_n3A_321 : f32
    %eq3A_328 = arith.cmpf oeq, %squeeze3A_324, %select_n3A_321 : f32
    %lt3A_329 = arith.cmpi slt, %squeeze3A_326, %select_n3A_322 : i32
    %and3A_330 = arith.andi %eq3A_328, %lt3A_329 : i1
    %or3A_331 = arith.ori %gt3A_327, %and3A_330 : i1
    %select_n3A_332 = arith.select %or3A_331, %squeeze3A_324, %select_n3A_321 : f32
    %select_n3A_333 = arith.select %or3A_331, %squeeze3A_326, %select_n3A_322 : i32
    %slice3A_334 = vector.extract_strided_slice %select_n3A_198 {offsets = [13], sizes = [1], strides = [1]} : vector<16xf32> to vector<1xf32>
    %squeeze3A_335 = vector.extract %slice3A_334[0] : f32 from vector<1xf32>
    %slice3A_336 = vector.extract_strided_slice %select_n3A_199 {offsets = [13], sizes = [1], strides = [1]} : vector<16xi32> to vector<1xi32>
    %squeeze3A_337 = vector.extract %slice3A_336[0] : i32 from vector<1xi32>
    %gt3A_338 = arith.cmpf ogt, %squeeze3A_335, %select_n3A_332 : f32
    %eq3A_339 = arith.cmpf oeq, %squeeze3A_335, %select_n3A_332 : f32
    %lt3A_340 = arith.cmpi slt, %squeeze3A_337, %select_n3A_333 : i32
    %and3A_341 = arith.andi %eq3A_339, %lt3A_340 : i1
    %or3A_342 = arith.ori %gt3A_338, %and3A_341 : i1
    %select_n3A_343 = arith.select %or3A_342, %squeeze3A_335, %select_n3A_332 : f32
    %select_n3A_344 = arith.select %or3A_342, %squeeze3A_337, %select_n3A_333 : i32
    %slice3A_345 = vector.extract_strided_slice %select_n3A_198 {offsets = [14], sizes = [1], strides = [1]} : vector<16xf32> to vector<1xf32>
    %squeeze3A_346 = vector.extract %slice3A_345[0] : f32 from vector<1xf32>
    %slice3A_347 = vector.extract_strided_slice %select_n3A_199 {offsets = [14], sizes = [1], strides = [1]} : vector<16xi32> to vector<1xi32>
    %squeeze3A_348 = vector.extract %slice3A_347[0] : i32 from vector<1xi32>
    %gt3A_349 = arith.cmpf ogt, %squeeze3A_346, %select_n3A_343 : f32
    %eq3A_350 = arith.cmpf oeq, %squeeze3A_346, %select_n3A_343 : f32
    %lt3A_351 = arith.cmpi slt, %squeeze3A_348, %select_n3A_344 : i32
    %and3A_352 = arith.andi %eq3A_350, %lt3A_351 : i1
    %or3A_353 = arith.ori %gt3A_349, %and3A_352 : i1
    %select_n3A_354 = arith.select %or3A_353, %squeeze3A_346, %select_n3A_343 : f32
    %select_n3A_355 = arith.select %or3A_353, %squeeze3A_348, %select_n3A_344 : i32
    %slice3A_356 = vector.extract_strided_slice %select_n3A_198 {offsets = [15], sizes = [1], strides = [1]} : vector<16xf32> to vector<1xf32>
    %squeeze3A_357 = vector.extract %slice3A_356[0] : f32 from vector<1xf32>
    %slice3A_358 = vector.extract_strided_slice %select_n3A_199 {offsets = [15], sizes = [1], strides = [1]} : vector<16xi32> to vector<1xi32>
    %squeeze3A_359 = vector.extract %slice3A_358[0] : i32 from vector<1xi32>
    %gt3A_360 = arith.cmpf ogt, %squeeze3A_357, %select_n3A_354 : f32
    %eq3A_361 = arith.cmpf oeq, %squeeze3A_357, %select_n3A_354 : f32
    %lt3A_362 = arith.cmpi slt, %squeeze3A_359, %select_n3A_355 : i32
    %and3A_363 = arith.andi %eq3A_361, %lt3A_362 : i1
    %or3A_364 = arith.ori %gt3A_360, %and3A_363 : i1
    %select_n3A_365 = arith.select %or3A_364, %squeeze3A_357, %select_n3A_354 : f32
    %select_n3A_366 = arith.select %or3A_364, %squeeze3A_359, %select_n3A_355 : i32
    %jit3A = arith.constant 8 : i32
    %eq3A_367 = arith.constant 0 : i32
    %eq3A_368 = arith.cmpi eq, %jit3A, %eq3A_367 : i32
    %jit3A_369 = arith.constant 1 : i32
    %select_n3A_370 = arith.select %eq3A_368, %jit3A_369, %jit3A : i32
    %rem3A = arith.remsi %arg1, %select_n3A_370 : i32
    %ne3A = arith.constant 0 : i32
    %ne3A_371 = arith.cmpi ne, %rem3A, %ne3A : i32
    %lt3A_372 = arith.constant 0 : i32
    %lt3A_373 = arith.cmpi slt, %rem3A, %lt3A_372 : i32
    %lt3A_374 = arith.constant 0 : i32
    %lt3A_375 = arith.cmpi slt, %select_n3A_370, %lt3A_374 : i32
    %ne3A_376 = arith.xori %lt3A_373, %lt3A_375 : i1
    %and3A_377 = arith.andi %ne3A_376, %ne3A_371 : i1
    %add3A_378 = arith.addi %rem3A, %select_n3A_370 : i32
    %select_n3A_379 = arith.select %and3A_377, %add3A_378, %rem3A : i32
    %mul3A_380 = arith.constant 2 : i32
    %mul3A_381 = arith.muli %select_n3A_379, %mul3A_380 : i32
    %add3A_382 = arith.constant 0 : i32
    %add3A_383 = arith.addi %mul3A_381, %add3A_382 : i32
    %eq3A_384 = vector.broadcast %add3A_383 : i32 to vector<16xi32>
    %eq3A_385 = arith.cmpi eq, %iota3A, %eq3A_384 : vector<16xi32>
    %broadcast_in_dim3A_386 = vector.broadcast %select_n3A_366 : i32 to vector<16xi32>
    %select_n3A_387 = arith.select %eq3A_385, %broadcast_in_dim3A_386, %broadcast_in_dim3A_8 : vector<16xi1>, vector<16xi32>
    %dma_wait3A_388 = arith.constant 0 : i32
    %dma_wait3A_389 = tpu.memref_slice %arg2[%add3A_12, %dma_wait3A_388] : memref<128x32768xf32, #tpu.memory_space<hbm>> -> memref<1x32768xf32, #tpu.memory_space<hbm>>
    %dma_wait3A_390 = tpu.memref_squeeze %dma_wait3A_389 : memref<1x32768xf32, #tpu.memory_space<hbm>> -> memref<32768xf32, #tpu.memory_space<hbm>>
    %dma_wait3A_391 = arith.constant 0 : i32
    %dma_wait3A_392 = tpu.memref_slice %arg2[%add3A_12, %dma_wait3A_391] : memref<128x32768xf32, #tpu.memory_space<hbm>> -> memref<1x32768xf32, #tpu.memory_space<hbm>>
    %dma_wait3A_393 = tpu.memref_squeeze %dma_wait3A_392 : memref<1x32768xf32, #tpu.memory_space<hbm>> -> memref<32768xf32, #tpu.memory_space<hbm>>
    tpu.wait_dma2 semaphore(%arg11 : memref<!tpu.dma_semaphore, #tpu.memory_space<semaphore_mem>>) src(%dma_wait3A_393 : memref<32768xf32, #tpu.memory_space<hbm>>) dst(%arg5 : memref<32768xf32, #tpu.memory_space<vmem>>)
    %iota3A_394 = tpu.iota {dimensions = array<i32: 0>} : vector<16xi32>
    %get3A_395 = arith.constant 0 : index
    %get3A_396 = tpu.vector_load %arg5[%get3A_395] {strides = array<i32>} : memref<32768xf32, #tpu.memory_space<vmem>>, vector<16xf32>,
    %get3A_397 = vector.shape_cast %get3A_396 : vector<16xf32> to vector<16xf32>
    %get3A_398 = arith.constant 16 : index
    %get3A_399 = tpu.vector_load %arg5[%get3A_398] {strides = array<i32>} : memref<32768xf32, #tpu.memory_space<vmem>>, vector<16xf32>,
    %get3A_400 = vector.shape_cast %get3A_399 : vector<16xf32> to vector<16xf32>
    %get3A_401 = arith.constant 32 : index
    %get3A_402 = tpu.vector_load %arg5[%get3A_401] {strides = array<i32>} : memref<32768xf32, #tpu.memory_space<vmem>>, vector<16xf32>,
    %get3A_403 = vector.shape_cast %get3A_402 : vector<16xf32> to vector<16xf32>
    %get3A_404 = arith.constant 48 : index
    %get3A_405 = tpu.vector_load %arg5[%get3A_404] {strides = array<i32>} : memref<32768xf32, #tpu.memory_space<vmem>>, vector<16xf32>,
    %get3A_406 = vector.shape_cast %get3A_405 : vector<16xf32> to vector<16xf32>
    %broadcast_in_dim3A_407 = arith.constant 0 : i32
    %broadcast_in_dim3A_408 = vector.broadcast %broadcast_in_dim3A_407 : i32 to vector<16xi32>
    %broadcast_in_dim3A_409 = arith.constant 0 : i32
    %broadcast_in_dim3A_410 = vector.broadcast %broadcast_in_dim3A_409 : i32 to vector<16xi32>
    %broadcast_in_dim3A_411 = arith.constant 0 : i32
    %broadcast_in_dim3A_412 = vector.broadcast %broadcast_in_dim3A_411 : i32 to vector<16xi32>
    %broadcast_in_dim3A_413 = arith.constant 0 : i32
    %broadcast_in_dim3A_414 = vector.broadcast %broadcast_in_dim3A_413 : i32 to vector<16xi32>
    %scan3A_415 = arith.constant 1 : i32
    %scan3A_416 = arith.constant 508 : i32
    %scan3A_417 = arith.addi %scan3A_415, %scan3A_416 : i32
    %scan3A_418 = arith.constant 4 : i32
    %scan3A_419:8 = scf.for %scan3A_862 = %scan3A_415 to %scan3A_417 step %scan3A_418 iter_args(%scan3A_863 = %get3A_397, %scan3A_864 = %get3A_400, %scan3A_865 = %get3A_403, %scan3A_866 = %get3A_406, %scan3A_867 = %broadcast_in_dim3A_408, %scan3A_868 = %broadcast_in_dim3A_410, %scan3A_869 = %broadcast_in_dim3A_412, %scan3A_870 = %broadcast_in_dim3A_414) -> (vector<16xf32>, vector<16xf32>, vector<16xf32>, vector<16xf32>, vector<16xi32>, vector<16xi32>, vector<16xi32>, vector<16xi32>)  : i32 {
      %broadcast_in_dim3A_871 = vector.broadcast %scan3A_862 : i32 to vector<16xi32>
      %mul3A_872 = arith.constant 64 : i32
      %mul3A_873 = arith.muli %scan3A_862, %mul3A_872 : i32
      %add3A_874 = arith.constant 0 : i32
      %add3A_875 = arith.addi %mul3A_873, %add3A_874 : i32
      %get3A_876 = arith.index_cast %add3A_875 : i32 to index
      %get3A_877 = tpu.vector_load %arg5[%get3A_876] {strides = array<i32>} : memref<32768xf32, #tpu.memory_space<vmem>>, vector<16xf32>,
      %get3A_878 = vector.shape_cast %get3A_877 : vector<16xf32> to vector<16xf32>
      %gt3A_879 = arith.cmpf ogt, %get3A_878, %scan3A_863 : vector<16xf32>
      %select_n3A_880 = arith.select %gt3A_879, %get3A_878, %scan3A_863 : vector<16xi1>, vector<16xf32>
      %select_n3A_881 = arith.select %gt3A_879, %broadcast_in_dim3A_871, %scan3A_867 : vector<16xi1>, vector<16xi32>
      %add3A_882 = arith.constant 16 : i32
      %add3A_883 = arith.addi %mul3A_873, %add3A_882 : i32
      %get3A_884 = arith.index_cast %add3A_883 : i32 to index
      %get3A_885 = tpu.vector_load %arg5[%get3A_884] {strides = array<i32>} : memref<32768xf32, #tpu.memory_space<vmem>>, vector<16xf32>,
      %get3A_886 = vector.shape_cast %get3A_885 : vector<16xf32> to vector<16xf32>
      %gt3A_887 = arith.cmpf ogt, %get3A_886, %scan3A_864 : vector<16xf32>
      %select_n3A_888 = arith.select %gt3A_887, %get3A_886, %scan3A_864 : vector<16xi1>, vector<16xf32>
      %select_n3A_889 = arith.select %gt3A_887, %broadcast_in_dim3A_871, %scan3A_868 : vector<16xi1>, vector<16xi32>
      %add3A_890 = arith.constant 32 : i32
      %add3A_891 = arith.addi %mul3A_873, %add3A_890 : i32
      %get3A_892 = arith.index_cast %add3A_891 : i32 to index
      %get3A_893 = tpu.vector_load %arg5[%get3A_892] {strides = array<i32>} : memref<32768xf32, #tpu.memory_space<vmem>>, vector<16xf32>,
      %get3A_894 = vector.shape_cast %get3A_893 : vector<16xf32> to vector<16xf32>
      %gt3A_895 = arith.cmpf ogt, %get3A_894, %scan3A_865 : vector<16xf32>
      %select_n3A_896 = arith.select %gt3A_895, %get3A_894, %scan3A_865 : vector<16xi1>, vector<16xf32>
      %select_n3A_897 = arith.select %gt3A_895, %broadcast_in_dim3A_871, %scan3A_869 : vector<16xi1>, vector<16xi32>
      %add3A_898 = arith.constant 48 : i32
      %add3A_899 = arith.addi %mul3A_873, %add3A_898 : i32
      %get3A_900 = arith.index_cast %add3A_899 : i32 to index
      %get3A_901 = tpu.vector_load %arg5[%get3A_900] {strides = array<i32>} : memref<32768xf32, #tpu.memory_space<vmem>>, vector<16xf32>,
      %get3A_902 = vector.shape_cast %get3A_901 : vector<16xf32> to vector<16xf32>
      %gt3A_903 = arith.cmpf ogt, %get3A_902, %scan3A_866 : vector<16xf32>
      %select_n3A_904 = arith.select %gt3A_903, %get3A_902, %scan3A_866 : vector<16xi1>, vector<16xf32>
      %select_n3A_905 = arith.select %gt3A_903, %broadcast_in_dim3A_871, %scan3A_870 : vector<16xi1>, vector<16xi32>
      %scan3A_906 = arith.constant 1 : i32
      %scan3A_907 = arith.addi %scan3A_862, %scan3A_906 : i32
      %broadcast_in_dim3A_908 = vector.broadcast %scan3A_907 : i32 to vector<16xi32>
      %mul3A_909 = arith.constant 64 : i32
      %mul3A_910 = arith.muli %scan3A_907, %mul3A_909 : i32
      %add3A_911 = arith.constant 0 : i32
      %add3A_912 = arith.addi %mul3A_910, %add3A_911 : i32
      %get3A_913 = arith.index_cast %add3A_912 : i32 to index
      %get3A_914 = tpu.vector_load %arg5[%get3A_913] {strides = array<i32>} : memref<32768xf32, #tpu.memory_space<vmem>>, vector<16xf32>,
      %get3A_915 = vector.shape_cast %get3A_914 : vector<16xf32> to vector<16xf32>
      %gt3A_916 = arith.cmpf ogt, %get3A_915, %select_n3A_880 : vector<16xf32>
      %select_n3A_917 = arith.select %gt3A_916, %get3A_915, %select_n3A_880 : vector<16xi1>, vector<16xf32>
      %select_n3A_918 = arith.select %gt3A_916, %broadcast_in_dim3A_908, %select_n3A_881 : vector<16xi1>, vector<16xi32>
      %add3A_919 = arith.constant 16 : i32
      %add3A_920 = arith.addi %mul3A_910, %add3A_919 : i32
      %get3A_921 = arith.index_cast %add3A_920 : i32 to index
      %get3A_922 = tpu.vector_load %arg5[%get3A_921] {strides = array<i32>} : memref<32768xf32, #tpu.memory_space<vmem>>, vector<16xf32>,
      %get3A_923 = vector.shape_cast %get3A_922 : vector<16xf32> to vector<16xf32>
      %gt3A_924 = arith.cmpf ogt, %get3A_923, %select_n3A_888 : vector<16xf32>
      %select_n3A_925 = arith.select %gt3A_924, %get3A_923, %select_n3A_888 : vector<16xi1>, vector<16xf32>
      %select_n3A_926 = arith.select %gt3A_924, %broadcast_in_dim3A_908, %select_n3A_889 : vector<16xi1>, vector<16xi32>
      %add3A_927 = arith.constant 32 : i32
      %add3A_928 = arith.addi %mul3A_910, %add3A_927 : i32
      %get3A_929 = arith.index_cast %add3A_928 : i32 to index
      %get3A_930 = tpu.vector_load %arg5[%get3A_929] {strides = array<i32>} : memref<32768xf32, #tpu.memory_space<vmem>>, vector<16xf32>,
      %get3A_931 = vector.shape_cast %get3A_930 : vector<16xf32> to vector<16xf32>
      %gt3A_932 = arith.cmpf ogt, %get3A_931, %select_n3A_896 : vector<16xf32>
      %select_n3A_933 = arith.select %gt3A_932, %get3A_931, %select_n3A_896 : vector<16xi1>, vector<16xf32>
      %select_n3A_934 = arith.select %gt3A_932, %broadcast_in_dim3A_908, %select_n3A_897 : vector<16xi1>, vector<16xi32>
      %add3A_935 = arith.constant 48 : i32
      %add3A_936 = arith.addi %mul3A_910, %add3A_935 : i32
      %get3A_937 = arith.index_cast %add3A_936 : i32 to index
      %get3A_938 = tpu.vector_load %arg5[%get3A_937] {strides = array<i32>} : memref<32768xf32, #tpu.memory_space<vmem>>, vector<16xf32>,
      %get3A_939 = vector.shape_cast %get3A_938 : vector<16xf32> to vector<16xf32>
      %gt3A_940 = arith.cmpf ogt, %get3A_939, %select_n3A_904 : vector<16xf32>
      %select_n3A_941 = arith.select %gt3A_940, %get3A_939, %select_n3A_904 : vector<16xi1>, vector<16xf32>
      %select_n3A_942 = arith.select %gt3A_940, %broadcast_in_dim3A_908, %select_n3A_905 : vector<16xi1>, vector<16xi32>
      %scan3A_943 = arith.constant 2 : i32
      %scan3A_944 = arith.addi %scan3A_862, %scan3A_943 : i32
      %broadcast_in_dim3A_945 = vector.broadcast %scan3A_944 : i32 to vector<16xi32>
      %mul3A_946 = arith.constant 64 : i32
      %mul3A_947 = arith.muli %scan3A_944, %mul3A_946 : i32
      %add3A_948 = arith.constant 0 : i32
      %add3A_949 = arith.addi %mul3A_947, %add3A_948 : i32
      %get3A_950 = arith.index_cast %add3A_949 : i32 to index
      %get3A_951 = tpu.vector_load %arg5[%get3A_950] {strides = array<i32>} : memref<32768xf32, #tpu.memory_space<vmem>>, vector<16xf32>,
      %get3A_952 = vector.shape_cast %get3A_951 : vector<16xf32> to vector<16xf32>
      %gt3A_953 = arith.cmpf ogt, %get3A_952, %select_n3A_917 : vector<16xf32>
      %select_n3A_954 = arith.select %gt3A_953, %get3A_952, %select_n3A_917 : vector<16xi1>, vector<16xf32>
      %select_n3A_955 = arith.select %gt3A_953, %broadcast_in_dim3A_945, %select_n3A_918 : vector<16xi1>, vector<16xi32>
      %add3A_956 = arith.constant 16 : i32
      %add3A_957 = arith.addi %mul3A_947, %add3A_956 : i32
      %get3A_958 = arith.index_cast %add3A_957 : i32 to index
      %get3A_959 = tpu.vector_load %arg5[%get3A_958] {strides = array<i32>} : memref<32768xf32, #tpu.memory_space<vmem>>, vector<16xf32>,
      %get3A_960 = vector.shape_cast %get3A_959 : vector<16xf32> to vector<16xf32>
      %gt3A_961 = arith.cmpf ogt, %get3A_960, %select_n3A_925 : vector<16xf32>
      %select_n3A_962 = arith.select %gt3A_961, %get3A_960, %select_n3A_925 : vector<16xi1>, vector<16xf32>
      %select_n3A_963 = arith.select %gt3A_961, %broadcast_in_dim3A_945, %select_n3A_926 : vector<16xi1>, vector<16xi32>
      %add3A_964 = arith.constant 32 : i32
      %add3A_965 = arith.addi %mul3A_947, %add3A_964 : i32
      %get3A_966 = arith.index_cast %add3A_965 : i32 to index
      %get3A_967 = tpu.vector_load %arg5[%get3A_966] {strides = array<i32>} : memref<32768xf32, #tpu.memory_space<vmem>>, vector<16xf32>,
      %get3A_968 = vector.shape_cast %get3A_967 : vector<16xf32> to vector<16xf32>
      %gt3A_969 = arith.cmpf ogt, %get3A_968, %select_n3A_933 : vector<16xf32>
      %select_n3A_970 = arith.select %gt3A_969, %get3A_968, %select_n3A_933 : vector<16xi1>, vector<16xf32>
      %select_n3A_971 = arith.select %gt3A_969, %broadcast_in_dim3A_945, %select_n3A_934 : vector<16xi1>, vector<16xi32>
      %add3A_972 = arith.constant 48 : i32
      %add3A_973 = arith.addi %mul3A_947, %add3A_972 : i32
      %get3A_974 = arith.index_cast %add3A_973 : i32 to index
      %get3A_975 = tpu.vector_load %arg5[%get3A_974] {strides = array<i32>} : memref<32768xf32, #tpu.memory_space<vmem>>, vector<16xf32>,
      %get3A_976 = vector.shape_cast %get3A_975 : vector<16xf32> to vector<16xf32>
      %gt3A_977 = arith.cmpf ogt, %get3A_976, %select_n3A_941 : vector<16xf32>
      %select_n3A_978 = arith.select %gt3A_977, %get3A_976, %select_n3A_941 : vector<16xi1>, vector<16xf32>
      %select_n3A_979 = arith.select %gt3A_977, %broadcast_in_dim3A_945, %select_n3A_942 : vector<16xi1>, vector<16xi32>
      %scan3A_980 = arith.constant 3 : i32
      %scan3A_981 = arith.addi %scan3A_862, %scan3A_980 : i32
      %broadcast_in_dim3A_982 = vector.broadcast %scan3A_981 : i32 to vector<16xi32>
      %mul3A_983 = arith.constant 64 : i32
      %mul3A_984 = arith.muli %scan3A_981, %mul3A_983 : i32
      %add3A_985 = arith.constant 0 : i32
      %add3A_986 = arith.addi %mul3A_984, %add3A_985 : i32
      %get3A_987 = arith.index_cast %add3A_986 : i32 to index
      %get3A_988 = tpu.vector_load %arg5[%get3A_987] {strides = array<i32>} : memref<32768xf32, #tpu.memory_space<vmem>>, vector<16xf32>,
      %get3A_989 = vector.shape_cast %get3A_988 : vector<16xf32> to vector<16xf32>
      %gt3A_990 = arith.cmpf ogt, %get3A_989, %select_n3A_954 : vector<16xf32>
      %select_n3A_991 = arith.select %gt3A_990, %get3A_989, %select_n3A_954 : vector<16xi1>, vector<16xf32>
      %select_n3A_992 = arith.select %gt3A_990, %broadcast_in_dim3A_982, %select_n3A_955 : vector<16xi1>, vector<16xi32>
      %add3A_993 = arith.constant 16 : i32
      %add3A_994 = arith.addi %mul3A_984, %add3A_993 : i32
      %get3A_995 = arith.index_cast %add3A_994 : i32 to index
      %get3A_996 = tpu.vector_load %arg5[%get3A_995] {strides = array<i32>} : memref<32768xf32, #tpu.memory_space<vmem>>, vector<16xf32>,
      %get3A_997 = vector.shape_cast %get3A_996 : vector<16xf32> to vector<16xf32>
      %gt3A_998 = arith.cmpf ogt, %get3A_997, %select_n3A_962 : vector<16xf32>
      %select_n3A_999 = arith.select %gt3A_998, %get3A_997, %select_n3A_962 : vector<16xi1>, vector<16xf32>
      %select_n3A_1000 = arith.select %gt3A_998, %broadcast_in_dim3A_982, %select_n3A_963 : vector<16xi1>, vector<16xi32>
      %add3A_1001 = arith.constant 32 : i32
      %add3A_1002 = arith.addi %mul3A_984, %add3A_1001 : i32
      %get3A_1003 = arith.index_cast %add3A_1002 : i32 to index
      %get3A_1004 = tpu.vector_load %arg5[%get3A_1003] {strides = array<i32>} : memref<32768xf32, #tpu.memory_space<vmem>>, vector<16xf32>,
      %get3A_1005 = vector.shape_cast %get3A_1004 : vector<16xf32> to vector<16xf32>
      %gt3A_1006 = arith.cmpf ogt, %get3A_1005, %select_n3A_970 : vector<16xf32>
      %select_n3A_1007 = arith.select %gt3A_1006, %get3A_1005, %select_n3A_970 : vector<16xi1>, vector<16xf32>
      %select_n3A_1008 = arith.select %gt3A_1006, %broadcast_in_dim3A_982, %select_n3A_971 : vector<16xi1>, vector<16xi32>
      %add3A_1009 = arith.constant 48 : i32
      %add3A_1010 = arith.addi %mul3A_984, %add3A_1009 : i32
      %get3A_1011 = arith.index_cast %add3A_1010 : i32 to index
      %get3A_1012 = tpu.vector_load %arg5[%get3A_1011] {strides = array<i32>} : memref<32768xf32, #tpu.memory_space<vmem>>, vector<16xf32>,
      %get3A_1013 = vector.shape_cast %get3A_1012 : vector<16xf32> to vector<16xf32>
      %gt3A_1014 = arith.cmpf ogt, %get3A_1013, %select_n3A_978 : vector<16xf32>
      %select_n3A_1015 = arith.select %gt3A_1014, %get3A_1013, %select_n3A_978 : vector<16xi1>, vector<16xf32>
      %select_n3A_1016 = arith.select %gt3A_1014, %broadcast_in_dim3A_982, %select_n3A_979 : vector<16xi1>, vector<16xi32>
      scf.yield %select_n3A_991, %select_n3A_999, %select_n3A_1007, %select_n3A_1015, %select_n3A_992, %select_n3A_1000, %select_n3A_1008, %select_n3A_1016 : vector<16xf32>, vector<16xf32>, vector<16xf32>, vector<16xf32>, vector<16xi32>, vector<16xi32>, vector<16xi32>, vector<16xi32>
    }
    %scan3A_420 = arith.constant 508 : i32
    %scan3A_421 = arith.addi %scan3A_415, %scan3A_420 : i32
    %broadcast_in_dim3A_422 = vector.broadcast %scan3A_421 : i32 to vector<16xi32>
    %mul3A_423 = arith.constant 64 : i32
    %mul3A_424 = arith.muli %scan3A_421, %mul3A_423 : i32
    %add3A_425 = arith.constant 0 : i32
    %add3A_426 = arith.addi %mul3A_424, %add3A_425 : i32
    %get3A_427 = arith.index_cast %add3A_426 : i32 to index
    %get3A_428 = tpu.vector_load %arg5[%get3A_427] {strides = array<i32>} : memref<32768xf32, #tpu.memory_space<vmem>>, vector<16xf32>,
    %get3A_429 = vector.shape_cast %get3A_428 : vector<16xf32> to vector<16xf32>
    %gt3A_430 = arith.cmpf ogt, %get3A_429, %scan3A_419#0 : vector<16xf32>
    %select_n3A_431 = arith.select %gt3A_430, %get3A_429, %scan3A_419#0 : vector<16xi1>, vector<16xf32>
    %select_n3A_432 = arith.select %gt3A_430, %broadcast_in_dim3A_422, %scan3A_419#4 : vector<16xi1>, vector<16xi32>
    %add3A_433 = arith.constant 16 : i32
    %add3A_434 = arith.addi %mul3A_424, %add3A_433 : i32
    %get3A_435 = arith.index_cast %add3A_434 : i32 to index
    %get3A_436 = tpu.vector_load %arg5[%get3A_435] {strides = array<i32>} : memref<32768xf32, #tpu.memory_space<vmem>>, vector<16xf32>,
    %get3A_437 = vector.shape_cast %get3A_436 : vector<16xf32> to vector<16xf32>
    %gt3A_438 = arith.cmpf ogt, %get3A_437, %scan3A_419#1 : vector<16xf32>
    %select_n3A_439 = arith.select %gt3A_438, %get3A_437, %scan3A_419#1 : vector<16xi1>, vector<16xf32>
    %select_n3A_440 = arith.select %gt3A_438, %broadcast_in_dim3A_422, %scan3A_419#5 : vector<16xi1>, vector<16xi32>
    %add3A_441 = arith.constant 32 : i32
    %add3A_442 = arith.addi %mul3A_424, %add3A_441 : i32
    %get3A_443 = arith.index_cast %add3A_442 : i32 to index
    %get3A_444 = tpu.vector_load %arg5[%get3A_443] {strides = array<i32>} : memref<32768xf32, #tpu.memory_space<vmem>>, vector<16xf32>,
    %get3A_445 = vector.shape_cast %get3A_444 : vector<16xf32> to vector<16xf32>
    %gt3A_446 = arith.cmpf ogt, %get3A_445, %scan3A_419#2 : vector<16xf32>
    %select_n3A_447 = arith.select %gt3A_446, %get3A_445, %scan3A_419#2 : vector<16xi1>, vector<16xf32>
    %select_n3A_448 = arith.select %gt3A_446, %broadcast_in_dim3A_422, %scan3A_419#6 : vector<16xi1>, vector<16xi32>
    %add3A_449 = arith.constant 48 : i32
    %add3A_450 = arith.addi %mul3A_424, %add3A_449 : i32
    %get3A_451 = arith.index_cast %add3A_450 : i32 to index
    %get3A_452 = tpu.vector_load %arg5[%get3A_451] {strides = array<i32>} : memref<32768xf32, #tpu.memory_space<vmem>>, vector<16xf32>,
    %get3A_453 = vector.shape_cast %get3A_452 : vector<16xf32> to vector<16xf32>
    %gt3A_454 = arith.cmpf ogt, %get3A_453, %scan3A_419#3 : vector<16xf32>
    %select_n3A_455 = arith.select %gt3A_454, %get3A_453, %scan3A_419#3 : vector<16xi1>, vector<16xf32>
    %select_n3A_456 = arith.select %gt3A_454, %broadcast_in_dim3A_422, %scan3A_419#7 : vector<16xi1>, vector<16xi32>
    %scan3A_457 = arith.constant 509 : i32
    %scan3A_458 = arith.addi %scan3A_415, %scan3A_457 : i32
    %broadcast_in_dim3A_459 = vector.broadcast %scan3A_458 : i32 to vector<16xi32>
    %mul3A_460 = arith.constant 64 : i32
    %mul3A_461 = arith.muli %scan3A_458, %mul3A_460 : i32
    %add3A_462 = arith.constant 0 : i32
    %add3A_463 = arith.addi %mul3A_461, %add3A_462 : i32
    %get3A_464 = arith.index_cast %add3A_463 : i32 to index
    %get3A_465 = tpu.vector_load %arg5[%get3A_464] {strides = array<i32>} : memref<32768xf32, #tpu.memory_space<vmem>>, vector<16xf32>,
    %get3A_466 = vector.shape_cast %get3A_465 : vector<16xf32> to vector<16xf32>
    %gt3A_467 = arith.cmpf ogt, %get3A_466, %select_n3A_431 : vector<16xf32>
    %select_n3A_468 = arith.select %gt3A_467, %get3A_466, %select_n3A_431 : vector<16xi1>, vector<16xf32>
    %select_n3A_469 = arith.select %gt3A_467, %broadcast_in_dim3A_459, %select_n3A_432 : vector<16xi1>, vector<16xi32>
    %add3A_470 = arith.constant 16 : i32
    %add3A_471 = arith.addi %mul3A_461, %add3A_470 : i32
    %get3A_472 = arith.index_cast %add3A_471 : i32 to index
    %get3A_473 = tpu.vector_load %arg5[%get3A_472] {strides = array<i32>} : memref<32768xf32, #tpu.memory_space<vmem>>, vector<16xf32>,
    %get3A_474 = vector.shape_cast %get3A_473 : vector<16xf32> to vector<16xf32>
    %gt3A_475 = arith.cmpf ogt, %get3A_474, %select_n3A_439 : vector<16xf32>
    %select_n3A_476 = arith.select %gt3A_475, %get3A_474, %select_n3A_439 : vector<16xi1>, vector<16xf32>
    %select_n3A_477 = arith.select %gt3A_475, %broadcast_in_dim3A_459, %select_n3A_440 : vector<16xi1>, vector<16xi32>
    %add3A_478 = arith.constant 32 : i32
    %add3A_479 = arith.addi %mul3A_461, %add3A_478 : i32
    %get3A_480 = arith.index_cast %add3A_479 : i32 to index
    %get3A_481 = tpu.vector_load %arg5[%get3A_480] {strides = array<i32>} : memref<32768xf32, #tpu.memory_space<vmem>>, vector<16xf32>,
    %get3A_482 = vector.shape_cast %get3A_481 : vector<16xf32> to vector<16xf32>
    %gt3A_483 = arith.cmpf ogt, %get3A_482, %select_n3A_447 : vector<16xf32>
    %select_n3A_484 = arith.select %gt3A_483, %get3A_482, %select_n3A_447 : vector<16xi1>, vector<16xf32>
    %select_n3A_485 = arith.select %gt3A_483, %broadcast_in_dim3A_459, %select_n3A_448 : vector<16xi1>, vector<16xi32>
    %add3A_486 = arith.constant 48 : i32
    %add3A_487 = arith.addi %mul3A_461, %add3A_486 : i32
    %get3A_488 = arith.index_cast %add3A_487 : i32 to index
    %get3A_489 = tpu.vector_load %arg5[%get3A_488] {strides = array<i32>} : memref<32768xf32, #tpu.memory_space<vmem>>, vector<16xf32>,
    %get3A_490 = vector.shape_cast %get3A_489 : vector<16xf32> to vector<16xf32>
    %gt3A_491 = arith.cmpf ogt, %get3A_490, %select_n3A_455 : vector<16xf32>
    %select_n3A_492 = arith.select %gt3A_491, %get3A_490, %select_n3A_455 : vector<16xi1>, vector<16xf32>
    %select_n3A_493 = arith.select %gt3A_491, %broadcast_in_dim3A_459, %select_n3A_456 : vector<16xi1>, vector<16xi32>
    %scan3A_494 = arith.constant 510 : i32
    %scan3A_495 = arith.addi %scan3A_415, %scan3A_494 : i32
    %broadcast_in_dim3A_496 = vector.broadcast %scan3A_495 : i32 to vector<16xi32>
    %mul3A_497 = arith.constant 64 : i32
    %mul3A_498 = arith.muli %scan3A_495, %mul3A_497 : i32
    %add3A_499 = arith.constant 0 : i32
    %add3A_500 = arith.addi %mul3A_498, %add3A_499 : i32
    %get3A_501 = arith.index_cast %add3A_500 : i32 to index
    %get3A_502 = tpu.vector_load %arg5[%get3A_501] {strides = array<i32>} : memref<32768xf32, #tpu.memory_space<vmem>>, vector<16xf32>,
    %get3A_503 = vector.shape_cast %get3A_502 : vector<16xf32> to vector<16xf32>
    %gt3A_504 = arith.cmpf ogt, %get3A_503, %select_n3A_468 : vector<16xf32>
    %select_n3A_505 = arith.select %gt3A_504, %get3A_503, %select_n3A_468 : vector<16xi1>, vector<16xf32>
    %select_n3A_506 = arith.select %gt3A_504, %broadcast_in_dim3A_496, %select_n3A_469 : vector<16xi1>, vector<16xi32>
    %add3A_507 = arith.constant 16 : i32
    %add3A_508 = arith.addi %mul3A_498, %add3A_507 : i32
    %get3A_509 = arith.index_cast %add3A_508 : i32 to index
    %get3A_510 = tpu.vector_load %arg5[%get3A_509] {strides = array<i32>} : memref<32768xf32, #tpu.memory_space<vmem>>, vector<16xf32>,
    %get3A_511 = vector.shape_cast %get3A_510 : vector<16xf32> to vector<16xf32>
    %gt3A_512 = arith.cmpf ogt, %get3A_511, %select_n3A_476 : vector<16xf32>
    %select_n3A_513 = arith.select %gt3A_512, %get3A_511, %select_n3A_476 : vector<16xi1>, vector<16xf32>
    %select_n3A_514 = arith.select %gt3A_512, %broadcast_in_dim3A_496, %select_n3A_477 : vector<16xi1>, vector<16xi32>
    %add3A_515 = arith.constant 32 : i32
    %add3A_516 = arith.addi %mul3A_498, %add3A_515 : i32
    %get3A_517 = arith.index_cast %add3A_516 : i32 to index
    %get3A_518 = tpu.vector_load %arg5[%get3A_517] {strides = array<i32>} : memref<32768xf32, #tpu.memory_space<vmem>>, vector<16xf32>,
    %get3A_519 = vector.shape_cast %get3A_518 : vector<16xf32> to vector<16xf32>
    %gt3A_520 = arith.cmpf ogt, %get3A_519, %select_n3A_484 : vector<16xf32>
    %select_n3A_521 = arith.select %gt3A_520, %get3A_519, %select_n3A_484 : vector<16xi1>, vector<16xf32>
    %select_n3A_522 = arith.select %gt3A_520, %broadcast_in_dim3A_496, %select_n3A_485 : vector<16xi1>, vector<16xi32>
    %add3A_523 = arith.constant 48 : i32
    %add3A_524 = arith.addi %mul3A_498, %add3A_523 : i32
    %get3A_525 = arith.index_cast %add3A_524 : i32 to index
    %get3A_526 = tpu.vector_load %arg5[%get3A_525] {strides = array<i32>} : memref<32768xf32, #tpu.memory_space<vmem>>, vector<16xf32>,
    %get3A_527 = vector.shape_cast %get3A_526 : vector<16xf32> to vector<16xf32>
    %gt3A_528 = arith.cmpf ogt, %get3A_527, %select_n3A_492 : vector<16xf32>
    %select_n3A_529 = arith.select %gt3A_528, %get3A_527, %select_n3A_492 : vector<16xi1>, vector<16xf32>
    %select_n3A_530 = arith.select %gt3A_528, %broadcast_in_dim3A_496, %select_n3A_493 : vector<16xi1>, vector<16xi32>
    %scan3A_531 = arith.constant 511 : i32
    %mul3A_532 = arith.constant 64 : i32
    %mul3A_533 = vector.broadcast %mul3A_532 : i32 to vector<16xi32>
    %mul3A_534 = arith.muli %select_n3A_506, %mul3A_533 : vector<16xi32>
    %add3A_535 = arith.addi %mul3A_534, %iota3A_394 : vector<16xi32>
    %mul3A_536 = arith.constant 64 : i32
    %mul3A_537 = vector.broadcast %mul3A_536 : i32 to vector<16xi32>
    %mul3A_538 = arith.muli %select_n3A_514, %mul3A_537 : vector<16xi32>
    %add3A_539 = arith.constant 16 : i32
    %add3A_540 = vector.broadcast %add3A_539 : i32 to vector<16xi32>
    %add3A_541 = arith.addi %mul3A_538, %add3A_540 : vector<16xi32>
    %add3A_542 = arith.addi %add3A_541, %iota3A_394 : vector<16xi32>
    %gt3A_543 = arith.cmpf ogt, %select_n3A_513, %select_n3A_505 : vector<16xf32>
    %eq3A_544 = arith.cmpf oeq, %select_n3A_513, %select_n3A_505 : vector<16xf32>
    %lt3A_545 = arith.cmpi slt, %add3A_542, %add3A_535 : vector<16xi32>
    %and3A_546 = arith.andi %eq3A_544, %lt3A_545 : vector<16xi1>
    %or3A_547 = arith.ori %gt3A_543, %and3A_546 : vector<16xi1>
    %select_n3A_548 = arith.select %or3A_547, %select_n3A_513, %select_n3A_505 : vector<16xi1>, vector<16xf32>
    %select_n3A_549 = arith.select %or3A_547, %add3A_542, %add3A_535 : vector<16xi1>, vector<16xi32>
    %mul3A_550 = arith.constant 64 : i32
    %mul3A_551 = vector.broadcast %mul3A_550 : i32 to vector<16xi32>
    %mul3A_552 = arith.muli %select_n3A_522, %mul3A_551 : vector<16xi32>
    %add3A_553 = arith.constant 32 : i32
    %add3A_554 = vector.broadcast %add3A_553 : i32 to vector<16xi32>
    %add3A_555 = arith.addi %mul3A_552, %add3A_554 : vector<16xi32>
    %add3A_556 = arith.addi %add3A_555, %iota3A_394 : vector<16xi32>
    %gt3A_557 = arith.cmpf ogt, %select_n3A_521, %select_n3A_548 : vector<16xf32>
    %eq3A_558 = arith.cmpf oeq, %select_n3A_521, %select_n3A_548 : vector<16xf32>
    %lt3A_559 = arith.cmpi slt, %add3A_556, %select_n3A_549 : vector<16xi32>
    %and3A_560 = arith.andi %eq3A_558, %lt3A_559 : vector<16xi1>
    %or3A_561 = arith.ori %gt3A_557, %and3A_560 : vector<16xi1>
    %select_n3A_562 = arith.select %or3A_561, %select_n3A_521, %select_n3A_548 : vector<16xi1>, vector<16xf32>
    %select_n3A_563 = arith.select %or3A_561, %add3A_556, %select_n3A_549 : vector<16xi1>, vector<16xi32>
    %mul3A_564 = arith.constant 64 : i32
    %mul3A_565 = vector.broadcast %mul3A_564 : i32 to vector<16xi32>
    %mul3A_566 = arith.muli %select_n3A_530, %mul3A_565 : vector<16xi32>
    %add3A_567 = arith.constant 48 : i32
    %add3A_568 = vector.broadcast %add3A_567 : i32 to vector<16xi32>
    %add3A_569 = arith.addi %mul3A_566, %add3A_568 : vector<16xi32>
    %add3A_570 = arith.addi %add3A_569, %iota3A_394 : vector<16xi32>
    %gt3A_571 = arith.cmpf ogt, %select_n3A_529, %select_n3A_562 : vector<16xf32>
    %eq3A_572 = arith.cmpf oeq, %select_n3A_529, %select_n3A_562 : vector<16xf32>
    %lt3A_573 = arith.cmpi slt, %add3A_570, %select_n3A_563 : vector<16xi32>
    %and3A_574 = arith.andi %eq3A_572, %lt3A_573 : vector<16xi1>
    %or3A_575 = arith.ori %gt3A_571, %and3A_574 : vector<16xi1>
    %select_n3A_576 = arith.select %or3A_575, %select_n3A_529, %select_n3A_562 : vector<16xi1>, vector<16xf32>
    %select_n3A_577 = arith.select %or3A_575, %add3A_570, %select_n3A_563 : vector<16xi1>, vector<16xi32>
    %slice3A_578 = vector.extract_strided_slice %select_n3A_576 {offsets = [0], sizes = [1], strides = [1]} : vector<16xf32> to vector<1xf32>
    %squeeze3A_579 = vector.extract %slice3A_578[0] : f32 from vector<1xf32>
    %slice3A_580 = vector.extract_strided_slice %select_n3A_577 {offsets = [0], sizes = [1], strides = [1]} : vector<16xi32> to vector<1xi32>
    %squeeze3A_581 = vector.extract %slice3A_580[0] : i32 from vector<1xi32>
    %slice3A_582 = vector.extract_strided_slice %select_n3A_576 {offsets = [1], sizes = [1], strides = [1]} : vector<16xf32> to vector<1xf32>
    %squeeze3A_583 = vector.extract %slice3A_582[0] : f32 from vector<1xf32>
    %slice3A_584 = vector.extract_strided_slice %select_n3A_577 {offsets = [1], sizes = [1], strides = [1]} : vector<16xi32> to vector<1xi32>
    %squeeze3A_585 = vector.extract %slice3A_584[0] : i32 from vector<1xi32>
    %gt3A_586 = arith.cmpf ogt, %squeeze3A_583, %squeeze3A_579 : f32
    %eq3A_587 = arith.cmpf oeq, %squeeze3A_583, %squeeze3A_579 : f32
    %lt3A_588 = arith.cmpi slt, %squeeze3A_585, %squeeze3A_581 : i32
    %and3A_589 = arith.andi %eq3A_587, %lt3A_588 : i1
    %or3A_590 = arith.ori %gt3A_586, %and3A_589 : i1
    %select_n3A_591 = arith.select %or3A_590, %squeeze3A_583, %squeeze3A_579 : f32
    %select_n3A_592 = arith.select %or3A_590, %squeeze3A_585, %squeeze3A_581 : i32
    %slice3A_593 = vector.extract_strided_slice %select_n3A_576 {offsets = [2], sizes = [1], strides = [1]} : vector<16xf32> to vector<1xf32>
    %squeeze3A_594 = vector.extract %slice3A_593[0] : f32 from vector<1xf32>
    %slice3A_595 = vector.extract_strided_slice %select_n3A_577 {offsets = [2], sizes = [1], strides = [1]} : vector<16xi32> to vector<1xi32>
    %squeeze3A_596 = vector.extract %slice3A_595[0] : i32 from vector<1xi32>
    %gt3A_597 = arith.cmpf ogt, %squeeze3A_594, %select_n3A_591 : f32
    %eq3A_598 = arith.cmpf oeq, %squeeze3A_594, %select_n3A_591 : f32
    %lt3A_599 = arith.cmpi slt, %squeeze3A_596, %select_n3A_592 : i32
    %and3A_600 = arith.andi %eq3A_598, %lt3A_599 : i1
    %or3A_601 = arith.ori %gt3A_597, %and3A_600 : i1
    %select_n3A_602 = arith.select %or3A_601, %squeeze3A_594, %select_n3A_591 : f32
    %select_n3A_603 = arith.select %or3A_601, %squeeze3A_596, %select_n3A_592 : i32
    %slice3A_604 = vector.extract_strided_slice %select_n3A_576 {offsets = [3], sizes = [1], strides = [1]} : vector<16xf32> to vector<1xf32>
    %squeeze3A_605 = vector.extract %slice3A_604[0] : f32 from vector<1xf32>
    %slice3A_606 = vector.extract_strided_slice %select_n3A_577 {offsets = [3], sizes = [1], strides = [1]} : vector<16xi32> to vector<1xi32>
    %squeeze3A_607 = vector.extract %slice3A_606[0] : i32 from vector<1xi32>
    %gt3A_608 = arith.cmpf ogt, %squeeze3A_605, %select_n3A_602 : f32
    %eq3A_609 = arith.cmpf oeq, %squeeze3A_605, %select_n3A_602 : f32
    %lt3A_610 = arith.cmpi slt, %squeeze3A_607, %select_n3A_603 : i32
    %and3A_611 = arith.andi %eq3A_609, %lt3A_610 : i1
    %or3A_612 = arith.ori %gt3A_608, %and3A_611 : i1
    %select_n3A_613 = arith.select %or3A_612, %squeeze3A_605, %select_n3A_602 : f32
    %select_n3A_614 = arith.select %or3A_612, %squeeze3A_607, %select_n3A_603 : i32
    %slice3A_615 = vector.extract_strided_slice %select_n3A_576 {offsets = [4], sizes = [1], strides = [1]} : vector<16xf32> to vector<1xf32>
    %squeeze3A_616 = vector.extract %slice3A_615[0] : f32 from vector<1xf32>
    %slice3A_617 = vector.extract_strided_slice %select_n3A_577 {offsets = [4], sizes = [1], strides = [1]} : vector<16xi32> to vector<1xi32>
    %squeeze3A_618 = vector.extract %slice3A_617[0] : i32 from vector<1xi32>
    %gt3A_619 = arith.cmpf ogt, %squeeze3A_616, %select_n3A_613 : f32
    %eq3A_620 = arith.cmpf oeq, %squeeze3A_616, %select_n3A_613 : f32
    %lt3A_621 = arith.cmpi slt, %squeeze3A_618, %select_n3A_614 : i32
    %and3A_622 = arith.andi %eq3A_620, %lt3A_621 : i1
    %or3A_623 = arith.ori %gt3A_619, %and3A_622 : i1
    %select_n3A_624 = arith.select %or3A_623, %squeeze3A_616, %select_n3A_613 : f32
    %select_n3A_625 = arith.select %or3A_623, %squeeze3A_618, %select_n3A_614 : i32
    %slice3A_626 = vector.extract_strided_slice %select_n3A_576 {offsets = [5], sizes = [1], strides = [1]} : vector<16xf32> to vector<1xf32>
    %squeeze3A_627 = vector.extract %slice3A_626[0] : f32 from vector<1xf32>
    %slice3A_628 = vector.extract_strided_slice %select_n3A_577 {offsets = [5], sizes = [1], strides = [1]} : vector<16xi32> to vector<1xi32>
    %squeeze3A_629 = vector.extract %slice3A_628[0] : i32 from vector<1xi32>
    %gt3A_630 = arith.cmpf ogt, %squeeze3A_627, %select_n3A_624 : f32
    %eq3A_631 = arith.cmpf oeq, %squeeze3A_627, %select_n3A_624 : f32
    %lt3A_632 = arith.cmpi slt, %squeeze3A_629, %select_n3A_625 : i32
    %and3A_633 = arith.andi %eq3A_631, %lt3A_632 : i1
    %or3A_634 = arith.ori %gt3A_630, %and3A_633 : i1
    %select_n3A_635 = arith.select %or3A_634, %squeeze3A_627, %select_n3A_624 : f32
    %select_n3A_636 = arith.select %or3A_634, %squeeze3A_629, %select_n3A_625 : i32
    %slice3A_637 = vector.extract_strided_slice %select_n3A_576 {offsets = [6], sizes = [1], strides = [1]} : vector<16xf32> to vector<1xf32>
    %squeeze3A_638 = vector.extract %slice3A_637[0] : f32 from vector<1xf32>
    %slice3A_639 = vector.extract_strided_slice %select_n3A_577 {offsets = [6], sizes = [1], strides = [1]} : vector<16xi32> to vector<1xi32>
    %squeeze3A_640 = vector.extract %slice3A_639[0] : i32 from vector<1xi32>
    %gt3A_641 = arith.cmpf ogt, %squeeze3A_638, %select_n3A_635 : f32
    %eq3A_642 = arith.cmpf oeq, %squeeze3A_638, %select_n3A_635 : f32
    %lt3A_643 = arith.cmpi slt, %squeeze3A_640, %select_n3A_636 : i32
    %and3A_644 = arith.andi %eq3A_642, %lt3A_643 : i1
    %or3A_645 = arith.ori %gt3A_641, %and3A_644 : i1
    %select_n3A_646 = arith.select %or3A_645, %squeeze3A_638, %select_n3A_635 : f32
    %select_n3A_647 = arith.select %or3A_645, %squeeze3A_640, %select_n3A_636 : i32
    %slice3A_648 = vector.extract_strided_slice %select_n3A_576 {offsets = [7], sizes = [1], strides = [1]} : vector<16xf32> to vector<1xf32>
    %squeeze3A_649 = vector.extract %slice3A_648[0] : f32 from vector<1xf32>
    %slice3A_650 = vector.extract_strided_slice %select_n3A_577 {offsets = [7], sizes = [1], strides = [1]} : vector<16xi32> to vector<1xi32>
    %squeeze3A_651 = vector.extract %slice3A_650[0] : i32 from vector<1xi32>
    %gt3A_652 = arith.cmpf ogt, %squeeze3A_649, %select_n3A_646 : f32
    %eq3A_653 = arith.cmpf oeq, %squeeze3A_649, %select_n3A_646 : f32
    %lt3A_654 = arith.cmpi slt, %squeeze3A_651, %select_n3A_647 : i32
    %and3A_655 = arith.andi %eq3A_653, %lt3A_654 : i1
    %or3A_656 = arith.ori %gt3A_652, %and3A_655 : i1
    %select_n3A_657 = arith.select %or3A_656, %squeeze3A_649, %select_n3A_646 : f32
    %select_n3A_658 = arith.select %or3A_656, %squeeze3A_651, %select_n3A_647 : i32
    %slice3A_659 = vector.extract_strided_slice %select_n3A_576 {offsets = [8], sizes = [1], strides = [1]} : vector<16xf32> to vector<1xf32>
    %squeeze3A_660 = vector.extract %slice3A_659[0] : f32 from vector<1xf32>
    %slice3A_661 = vector.extract_strided_slice %select_n3A_577 {offsets = [8], sizes = [1], strides = [1]} : vector<16xi32> to vector<1xi32>
    %squeeze3A_662 = vector.extract %slice3A_661[0] : i32 from vector<1xi32>
    %gt3A_663 = arith.cmpf ogt, %squeeze3A_660, %select_n3A_657 : f32
    %eq3A_664 = arith.cmpf oeq, %squeeze3A_660, %select_n3A_657 : f32
    %lt3A_665 = arith.cmpi slt, %squeeze3A_662, %select_n3A_658 : i32
    %and3A_666 = arith.andi %eq3A_664, %lt3A_665 : i1
    %or3A_667 = arith.ori %gt3A_663, %and3A_666 : i1
    %select_n3A_668 = arith.select %or3A_667, %squeeze3A_660, %select_n3A_657 : f32
    %select_n3A_669 = arith.select %or3A_667, %squeeze3A_662, %select_n3A_658 : i32
    %slice3A_670 = vector.extract_strided_slice %select_n3A_576 {offsets = [9], sizes = [1], strides = [1]} : vector<16xf32> to vector<1xf32>
    %squeeze3A_671 = vector.extract %slice3A_670[0] : f32 from vector<1xf32>
    %slice3A_672 = vector.extract_strided_slice %select_n3A_577 {offsets = [9], sizes = [1], strides = [1]} : vector<16xi32> to vector<1xi32>
    %squeeze3A_673 = vector.extract %slice3A_672[0] : i32 from vector<1xi32>
    %gt3A_674 = arith.cmpf ogt, %squeeze3A_671, %select_n3A_668 : f32
    %eq3A_675 = arith.cmpf oeq, %squeeze3A_671, %select_n3A_668 : f32
    %lt3A_676 = arith.cmpi slt, %squeeze3A_673, %select_n3A_669 : i32
    %and3A_677 = arith.andi %eq3A_675, %lt3A_676 : i1
    %or3A_678 = arith.ori %gt3A_674, %and3A_677 : i1
    %select_n3A_679 = arith.select %or3A_678, %squeeze3A_671, %select_n3A_668 : f32
    %select_n3A_680 = arith.select %or3A_678, %squeeze3A_673, %select_n3A_669 : i32
    %slice3A_681 = vector.extract_strided_slice %select_n3A_576 {offsets = [10], sizes = [1], strides = [1]} : vector<16xf32> to vector<1xf32>
    %squeeze3A_682 = vector.extract %slice3A_681[0] : f32 from vector<1xf32>
    %slice3A_683 = vector.extract_strided_slice %select_n3A_577 {offsets = [10], sizes = [1], strides = [1]} : vector<16xi32> to vector<1xi32>
    %squeeze3A_684 = vector.extract %slice3A_683[0] : i32 from vector<1xi32>
    %gt3A_685 = arith.cmpf ogt, %squeeze3A_682, %select_n3A_679 : f32
    %eq3A_686 = arith.cmpf oeq, %squeeze3A_682, %select_n3A_679 : f32
    %lt3A_687 = arith.cmpi slt, %squeeze3A_684, %select_n3A_680 : i32
    %and3A_688 = arith.andi %eq3A_686, %lt3A_687 : i1
    %or3A_689 = arith.ori %gt3A_685, %and3A_688 : i1
    %select_n3A_690 = arith.select %or3A_689, %squeeze3A_682, %select_n3A_679 : f32
    %select_n3A_691 = arith.select %or3A_689, %squeeze3A_684, %select_n3A_680 : i32
    %slice3A_692 = vector.extract_strided_slice %select_n3A_576 {offsets = [11], sizes = [1], strides = [1]} : vector<16xf32> to vector<1xf32>
    %squeeze3A_693 = vector.extract %slice3A_692[0] : f32 from vector<1xf32>
    %slice3A_694 = vector.extract_strided_slice %select_n3A_577 {offsets = [11], sizes = [1], strides = [1]} : vector<16xi32> to vector<1xi32>
    %squeeze3A_695 = vector.extract %slice3A_694[0] : i32 from vector<1xi32>
    %gt3A_696 = arith.cmpf ogt, %squeeze3A_693, %select_n3A_690 : f32
    %eq3A_697 = arith.cmpf oeq, %squeeze3A_693, %select_n3A_690 : f32
    %lt3A_698 = arith.cmpi slt, %squeeze3A_695, %select_n3A_691 : i32
    %and3A_699 = arith.andi %eq3A_697, %lt3A_698 : i1
    %or3A_700 = arith.ori %gt3A_696, %and3A_699 : i1
    %select_n3A_701 = arith.select %or3A_700, %squeeze3A_693, %select_n3A_690 : f32
    %select_n3A_702 = arith.select %or3A_700, %squeeze3A_695, %select_n3A_691 : i32
    %slice3A_703 = vector.extract_strided_slice %select_n3A_576 {offsets = [12], sizes = [1], strides = [1]} : vector<16xf32> to vector<1xf32>
    %squeeze3A_704 = vector.extract %slice3A_703[0] : f32 from vector<1xf32>
    %slice3A_705 = vector.extract_strided_slice %select_n3A_577 {offsets = [12], sizes = [1], strides = [1]} : vector<16xi32> to vector<1xi32>
    %squeeze3A_706 = vector.extract %slice3A_705[0] : i32 from vector<1xi32>
    %gt3A_707 = arith.cmpf ogt, %squeeze3A_704, %select_n3A_701 : f32
    %eq3A_708 = arith.cmpf oeq, %squeeze3A_704, %select_n3A_701 : f32
    %lt3A_709 = arith.cmpi slt, %squeeze3A_706, %select_n3A_702 : i32
    %and3A_710 = arith.andi %eq3A_708, %lt3A_709 : i1
    %or3A_711 = arith.ori %gt3A_707, %and3A_710 : i1
    %select_n3A_712 = arith.select %or3A_711, %squeeze3A_704, %select_n3A_701 : f32
    %select_n3A_713 = arith.select %or3A_711, %squeeze3A_706, %select_n3A_702 : i32
    %slice3A_714 = vector.extract_strided_slice %select_n3A_576 {offsets = [13], sizes = [1], strides = [1]} : vector<16xf32> to vector<1xf32>
    %squeeze3A_715 = vector.extract %slice3A_714[0] : f32 from vector<1xf32>
    %slice3A_716 = vector.extract_strided_slice %select_n3A_577 {offsets = [13], sizes = [1], strides = [1]} : vector<16xi32> to vector<1xi32>
    %squeeze3A_717 = vector.extract %slice3A_716[0] : i32 from vector<1xi32>
    %gt3A_718 = arith.cmpf ogt, %squeeze3A_715, %select_n3A_712 : f32
    %eq3A_719 = arith.cmpf oeq, %squeeze3A_715, %select_n3A_712 : f32
    %lt3A_720 = arith.cmpi slt, %squeeze3A_717, %select_n3A_713 : i32
    %and3A_721 = arith.andi %eq3A_719, %lt3A_720 : i1
    %or3A_722 = arith.ori %gt3A_718, %and3A_721 : i1
    %select_n3A_723 = arith.select %or3A_722, %squeeze3A_715, %select_n3A_712 : f32
    %select_n3A_724 = arith.select %or3A_722, %squeeze3A_717, %select_n3A_713 : i32
    %slice3A_725 = vector.extract_strided_slice %select_n3A_576 {offsets = [14], sizes = [1], strides = [1]} : vector<16xf32> to vector<1xf32>
    %squeeze3A_726 = vector.extract %slice3A_725[0] : f32 from vector<1xf32>
    %slice3A_727 = vector.extract_strided_slice %select_n3A_577 {offsets = [14], sizes = [1], strides = [1]} : vector<16xi32> to vector<1xi32>
    %squeeze3A_728 = vector.extract %slice3A_727[0] : i32 from vector<1xi32>
    %gt3A_729 = arith.cmpf ogt, %squeeze3A_726, %select_n3A_723 : f32
    %eq3A_730 = arith.cmpf oeq, %squeeze3A_726, %select_n3A_723 : f32
    %lt3A_731 = arith.cmpi slt, %squeeze3A_728, %select_n3A_724 : i32
    %and3A_732 = arith.andi %eq3A_730, %lt3A_731 : i1
    %or3A_733 = arith.ori %gt3A_729, %and3A_732 : i1
    %select_n3A_734 = arith.select %or3A_733, %squeeze3A_726, %select_n3A_723 : f32
    %select_n3A_735 = arith.select %or3A_733, %squeeze3A_728, %select_n3A_724 : i32
    %slice3A_736 = vector.extract_strided_slice %select_n3A_576 {offsets = [15], sizes = [1], strides = [1]} : vector<16xf32> to vector<1xf32>
    %squeeze3A_737 = vector.extract %slice3A_736[0] : f32 from vector<1xf32>
    %slice3A_738 = vector.extract_strided_slice %select_n3A_577 {offsets = [15], sizes = [1], strides = [1]} : vector<16xi32> to vector<1xi32>
    %squeeze3A_739 = vector.extract %slice3A_738[0] : i32 from vector<1xi32>
    %gt3A_740 = arith.cmpf ogt, %squeeze3A_737, %select_n3A_734 : f32
    %eq3A_741 = arith.cmpf oeq, %squeeze3A_737, %select_n3A_734 : f32
    %lt3A_742 = arith.cmpi slt, %squeeze3A_739, %select_n3A_735 : i32
    %and3A_743 = arith.andi %eq3A_741, %lt3A_742 : i1
    %or3A_744 = arith.ori %gt3A_740, %and3A_743 : i1
    %select_n3A_745 = arith.select %or3A_744, %squeeze3A_737, %select_n3A_734 : f32
    %select_n3A_746 = arith.select %or3A_744, %squeeze3A_739, %select_n3A_735 : i32
    %jit3A_747 = arith.constant 8 : i32
    %eq3A_748 = arith.constant 0 : i32
    %eq3A_749 = arith.cmpi eq, %jit3A_747, %eq3A_748 : i32
    %jit3A_750 = arith.constant 1 : i32
    %select_n3A_751 = arith.select %eq3A_749, %jit3A_750, %jit3A_747 : i32
    %rem3A_752 = arith.remsi %arg1, %select_n3A_751 : i32
    %ne3A_753 = arith.constant 0 : i32
    %ne3A_754 = arith.cmpi ne, %rem3A_752, %ne3A_753 : i32
    %lt3A_755 = arith.constant 0 : i32
    %lt3A_756 = arith.cmpi slt, %rem3A_752, %lt3A_755 : i32
    %lt3A_757 = arith.constant 0 : i32
    %lt3A_758 = arith.cmpi slt, %select_n3A_751, %lt3A_757 : i32
    %ne3A_759 = arith.xori %lt3A_756, %lt3A_758 : i1
    %and3A_760 = arith.andi %ne3A_759, %ne3A_754 : i1
    %add3A_761 = arith.addi %rem3A_752, %select_n3A_751 : i32
    %select_n3A_762 = arith.select %and3A_760, %add3A_761, %rem3A_752 : i32
    %mul3A_763 = arith.constant 2 : i32
    %mul3A_764 = arith.muli %select_n3A_762, %mul3A_763 : i32
    %add3A_765 = arith.constant 1 : i32
    %add3A_766 = arith.addi %mul3A_764, %add3A_765 : i32
    %eq3A_767 = vector.broadcast %add3A_766 : i32 to vector<16xi32>
    %eq3A_768 = arith.cmpi eq, %iota3A, %eq3A_767 : vector<16xi32>
    %broadcast_in_dim3A_769 = vector.broadcast %select_n3A_746 : i32 to vector<16xi32>
    %select_n3A_770 = arith.select %eq3A_768, %broadcast_in_dim3A_769, %select_n3A_387 : vector<16xi1>, vector<16xi32>
    %swap3A = arith.constant 0 : index
    %swap3A_771 = tpu.vector_load %arg6[%swap3A] {strides = array<i32>} : memref<16xi32, #tpu.memory_space<vmem>>, vector<16xi32>,
    %swap3A_772 = vector.shape_cast %swap3A_771 : vector<16xi32> to vector<16xi32>
    %swap3A_773 = vector.shape_cast %select_n3A_770 : vector<16xi32> to vector<16xi32>
    tpu.vector_store %arg6[%swap3A], %swap3A_773 {strides = array<i32>} : memref<16xi32, #tpu.memory_space<vmem>>, vector<16xi32>,
    %mul3A_774 = arith.constant 16 : i32
    %mul3A_775 = arith.muli %arg1, %mul3A_774 : i32
    %multiple_of3A = tpu.assume_multiple %mul3A_775, 16 : i32
    "tpu.region"() ({
      %run_scoped3A = tpu.sem_alloc : memref<!tpu.dma_semaphore, #tpu.memory_space<semaphore_mem>>
      %dma_start3A_862 = tpu.memref_slice %arg9[%multiple_of3A] : memref<256xi32, #tpu.memory_space<vmem_shared>> -> memref<16xi32, #tpu.memory_space<vmem_shared>>
      %dma_start3A_863 = tpu.memref_slice %arg9[%multiple_of3A] : memref<256xi32, #tpu.memory_space<vmem_shared>> -> memref<16xi32, #tpu.memory_space<vmem_shared>>
      tpu.enqueue_dma source(%arg6 : memref<16xi32, #tpu.memory_space<vmem>>) target(%dma_start3A_863 : memref<16xi32, #tpu.memory_space<vmem_shared>>) target_semaphore(%run_scoped3A : memref<!tpu.dma_semaphore, #tpu.memory_space<semaphore_mem>>)
      %dma_wait3A_864 = tpu.memref_slice %arg9[%multiple_of3A] : memref<256xi32, #tpu.memory_space<vmem_shared>> -> memref<16xi32, #tpu.memory_space<vmem_shared>>
      %dma_wait3A_865 = tpu.memref_slice %arg9[%multiple_of3A] : memref<256xi32, #tpu.memory_space<vmem_shared>> -> memref<16xi32, #tpu.memory_space<vmem_shared>>
      tpu.wait_dma2 semaphore(%run_scoped3A : memref<!tpu.dma_semaphore, #tpu.memory_space<semaphore_mem>>) src(%arg6 : memref<16xi32, #tpu.memory_space<vmem>>) dst(%dma_wait3A_865 : memref<16xi32, #tpu.memory_space<vmem_shared>>)
      tpu.yield
    }) : () -> ()
    %barrier3A = arith.constant 0 : index
    tpu.barrier barrier_id(%barrier3A)
    %jit3A_776 = arith.constant 8 : i32
    %div3A = arith.divsi %arg1, %jit3A_776 : i32
    %sign3A = arith.constant 0 : i32
    %sign3A_777 = arith.cmpi sgt, %arg1, %sign3A : i32
    %sign3A_778 = arith.extui %sign3A_777 : i1 to i32
    %sign3A_779 = arith.constant 0 : i32
    %sign3A_780 = arith.cmpi slt, %arg1, %sign3A_779 : i32
    %sign3A_781 = arith.extui %sign3A_780 : i1 to i32
    %sign3A_782 = arith.subi %sign3A_778, %sign3A_781 : i32
    %sign3A_783 = arith.constant 0 : i32
    %sign3A_784 = arith.cmpi sgt, %jit3A_776, %sign3A_783 : i32
    %sign3A_785 = arith.extui %sign3A_784 : i1 to i32
    %sign3A_786 = arith.constant 0 : i32
    %sign3A_787 = arith.cmpi slt, %jit3A_776, %sign3A_786 : i32
    %sign3A_788 = arith.extui %sign3A_787 : i1 to i32
    %sign3A_789 = arith.subi %sign3A_785, %sign3A_788 : i32
    %ne3A_790 = arith.cmpi ne, %sign3A_782, %sign3A_789 : i32
    %rem3A_791 = arith.remsi %arg1, %jit3A_776 : i32
    %ne3A_792 = arith.constant 0 : i32
    %ne3A_793 = arith.cmpi ne, %rem3A_791, %ne3A_792 : i32
    %and3A_794 = arith.andi %ne3A_790, %ne3A_793 : i1
    %sub3A = arith.constant 1 : i32
    %sub3A_795 = arith.subi %div3A, %sub3A : i32
    %select_n3A_796 = arith.select %and3A_794, %sub3A_795, %div3A : i32
    %mul3A_797 = arith.constant 8 : i32
    %mul3A_798 = arith.muli %select_n3A_796, %mul3A_797 : i32
    %mul3A_799 = arith.constant 16 : i32
    %mul3A_800 = arith.muli %mul3A_798, %mul3A_799 : i32
    %multiple_of3A_801 = tpu.assume_multiple %mul3A_800, 128 : i32
    "tpu.region"() ({
      %run_scoped3A = tpu.sem_alloc : memref<!tpu.dma_semaphore, #tpu.memory_space<semaphore_mem>>
      %dma_start3A_862 = tpu.memref_slice %arg9[%multiple_of3A_801] : memref<256xi32, #tpu.memory_space<vmem_shared>> -> memref<128xi32, #tpu.memory_space<vmem_shared>>
      %dma_start3A_863 = tpu.memref_slice %arg9[%multiple_of3A_801] : memref<256xi32, #tpu.memory_space<vmem_shared>> -> memref<128xi32, #tpu.memory_space<vmem_shared>>
      tpu.enqueue_dma source(%dma_start3A_863 : memref<128xi32, #tpu.memory_space<vmem_shared>>) target(%arg7 : memref<128xi32, #tpu.memory_space<vmem>>) target_semaphore(%run_scoped3A : memref<!tpu.dma_semaphore, #tpu.memory_space<semaphore_mem>>)
      %dma_wait3A_864 = tpu.memref_slice %arg9[%multiple_of3A_801] : memref<256xi32, #tpu.memory_space<vmem_shared>> -> memref<128xi32, #tpu.memory_space<vmem_shared>>
      %dma_wait3A_865 = tpu.memref_slice %arg9[%multiple_of3A_801] : memref<256xi32, #tpu.memory_space<vmem_shared>> -> memref<128xi32, #tpu.memory_space<vmem_shared>>
      tpu.wait_dma2 semaphore(%run_scoped3A : memref<!tpu.dma_semaphore, #tpu.memory_space<semaphore_mem>>) src(%dma_wait3A_865 : memref<128xi32, #tpu.memory_space<vmem_shared>>) dst(%arg7 : memref<128xi32, #tpu.memory_space<vmem>>)
      tpu.yield
    }) : () -> ()
    %shift_right_arithmetic3A = arith.constant 1 : i32
    %shift_right_arithmetic3A_802 = vector.broadcast %shift_right_arithmetic3A : i32 to vector<16xi32>
    %shift_right_arithmetic3A_803 = arith.shrsi %iota3A, %shift_right_arithmetic3A_802 : vector<16xi32>
    %get3A_804 = arith.constant 0 : index
    %get3A_805 = tpu.vector_load %arg7[%get3A_804] {strides = array<i32>} : memref<128xi32, #tpu.memory_space<vmem>>, vector<16xi32>,
    %get3A_806 = vector.shape_cast %get3A_805 : vector<16xi32> to vector<16xi32>
    %get3A_807 = arith.constant 16 : index
    %get3A_808 = tpu.vector_load %arg7[%get3A_807] {strides = array<i32>} : memref<128xi32, #tpu.memory_space<vmem>>, vector<16xi32>,
    %get3A_809 = vector.shape_cast %get3A_808 : vector<16xi32> to vector<16xi32>
    %eq3A_810 = arith.constant 1 : i32
    %eq3A_811 = vector.broadcast %eq3A_810 : i32 to vector<16xi32>
    %eq3A_812 = arith.cmpi eq, %shift_right_arithmetic3A_803, %eq3A_811 : vector<16xi32>
    %select_n3A_813 = arith.select %eq3A_812, %get3A_809, %get3A_806 : vector<16xi1>, vector<16xi32>
    %get3A_814 = arith.constant 32 : index
    %get3A_815 = tpu.vector_load %arg7[%get3A_814] {strides = array<i32>} : memref<128xi32, #tpu.memory_space<vmem>>, vector<16xi32>,
    %get3A_816 = vector.shape_cast %get3A_815 : vector<16xi32> to vector<16xi32>
    %eq3A_817 = arith.constant 2 : i32
    %eq3A_818 = vector.broadcast %eq3A_817 : i32 to vector<16xi32>
    %eq3A_819 = arith.cmpi eq, %shift_right_arithmetic3A_803, %eq3A_818 : vector<16xi32>
    %select_n3A_820 = arith.select %eq3A_819, %get3A_816, %select_n3A_813 : vector<16xi1>, vector<16xi32>
    %get3A_821 = arith.constant 48 : index
    %get3A_822 = tpu.vector_load %arg7[%get3A_821] {strides = array<i32>} : memref<128xi32, #tpu.memory_space<vmem>>, vector<16xi32>,
    %get3A_823 = vector.shape_cast %get3A_822 : vector<16xi32> to vector<16xi32>
    %eq3A_824 = arith.constant 3 : i32
    %eq3A_825 = vector.broadcast %eq3A_824 : i32 to vector<16xi32>
    %eq3A_826 = arith.cmpi eq, %shift_right_arithmetic3A_803, %eq3A_825 : vector<16xi32>
    %select_n3A_827 = arith.select %eq3A_826, %get3A_823, %select_n3A_820 : vector<16xi1>, vector<16xi32>
    %get3A_828 = arith.constant 64 : index
    %get3A_829 = tpu.vector_load %arg7[%get3A_828] {strides = array<i32>} : memref<128xi32, #tpu.memory_space<vmem>>, vector<16xi32>,
    %get3A_830 = vector.shape_cast %get3A_829 : vector<16xi32> to vector<16xi32>
    %eq3A_831 = arith.constant 4 : i32
    %eq3A_832 = vector.broadcast %eq3A_831 : i32 to vector<16xi32>
    %eq3A_833 = arith.cmpi eq, %shift_right_arithmetic3A_803, %eq3A_832 : vector<16xi32>
    %select_n3A_834 = arith.select %eq3A_833, %get3A_830, %select_n3A_827 : vector<16xi1>, vector<16xi32>
    %get3A_835 = arith.constant 80 : index
    %get3A_836 = tpu.vector_load %arg7[%get3A_835] {strides = array<i32>} : memref<128xi32, #tpu.memory_space<vmem>>, vector<16xi32>,
    %get3A_837 = vector.shape_cast %get3A_836 : vector<16xi32> to vector<16xi32>
    %eq3A_838 = arith.constant 5 : i32
    %eq3A_839 = vector.broadcast %eq3A_838 : i32 to vector<16xi32>
    %eq3A_840 = arith.cmpi eq, %shift_right_arithmetic3A_803, %eq3A_839 : vector<16xi32>
    %select_n3A_841 = arith.select %eq3A_840, %get3A_837, %select_n3A_834 : vector<16xi1>, vector<16xi32>
    %get3A_842 = arith.constant 96 : index
    %get3A_843 = tpu.vector_load %arg7[%get3A_842] {strides = array<i32>} : memref<128xi32, #tpu.memory_space<vmem>>, vector<16xi32>,
    %get3A_844 = vector.shape_cast %get3A_843 : vector<16xi32> to vector<16xi32>
    %eq3A_845 = arith.constant 6 : i32
    %eq3A_846 = vector.broadcast %eq3A_845 : i32 to vector<16xi32>
    %eq3A_847 = arith.cmpi eq, %shift_right_arithmetic3A_803, %eq3A_846 : vector<16xi32>
    %select_n3A_848 = arith.select %eq3A_847, %get3A_844, %select_n3A_841 : vector<16xi1>, vector<16xi32>
    %get3A_849 = arith.constant 112 : index
    %get3A_850 = tpu.vector_load %arg7[%get3A_849] {strides = array<i32>} : memref<128xi32, #tpu.memory_space<vmem>>, vector<16xi32>,
    %get3A_851 = vector.shape_cast %get3A_850 : vector<16xi32> to vector<16xi32>
    %eq3A_852 = arith.constant 7 : i32
    %eq3A_853 = vector.broadcast %eq3A_852 : i32 to vector<16xi32>
    %eq3A_854 = arith.cmpi eq, %shift_right_arithmetic3A_803, %eq3A_853 : vector<16xi32>
    %select_n3A_855 = arith.select %eq3A_854, %get3A_851, %select_n3A_848 : vector<16xi1>, vector<16xi32>
    %swap3A_856 = arith.constant 0 : index
    %swap3A_857 = tpu.vector_load %arg8[%swap3A_856] {strides = array<i32>} : memref<16xi32, #tpu.memory_space<vmem>>, vector<16xi32>,
    %swap3A_858 = vector.shape_cast %swap3A_857 : vector<16xi32> to vector<16xi32>
    %swap3A_859 = vector.shape_cast %select_n3A_855 : vector<16xi32> to vector<16xi32>
    tpu.vector_store %arg8[%swap3A_856], %swap3A_859 {strides = array<i32>} : memref<16xi32, #tpu.memory_space<vmem>>, vector<16xi32>,
    %eq3A_860 = arith.cmpi eq, %arg1, %mul3A_798 : i32
    %convert_element_type3A = arith.extui %eq3A_860 : i1 to i32
    %cond3A = arith.constant 0 : i32
    %cond3A_861 = arith.cmpi ne, %convert_element_type3A, %cond3A : i32
    scf.if %cond3A_861 {
      %mul3A_862 = arith.constant 16 : i32
      %mul3A_863 = arith.muli %arg0, %mul3A_862 : i32
      %add3A_864 = arith.addi %mul3A_863, %arg1 : i32
      %mul3A_865 = arith.constant 2 : i32
      %mul3A_866 = arith.muli %add3A_864, %mul3A_865 : i32
      %multiple_of3A_867 = tpu.assume_multiple %mul3A_866, 16 : i32
      "tpu.region"() ({
        %run_scoped3A = tpu.sem_alloc : memref<!tpu.dma_semaphore, #tpu.memory_space<semaphore_mem>>
        %dma_start3A_868 = tpu.memref_slice %arg3[%multiple_of3A_867] : memref<64xi32, #tpu.memory_space<hbm>> -> memref<16xi32, #tpu.memory_space<hbm>>
        %dma_start3A_869 = tpu.memref_slice %arg3[%multiple_of3A_867] : memref<64xi32, #tpu.memory_space<hbm>> -> memref<16xi32, #tpu.memory_space<hbm>>
        tpu.enqueue_dma source(%arg8 : memref<16xi32, #tpu.memory_space<vmem>>) target(%dma_start3A_869 : memref<16xi32, #tpu.memory_space<hbm>>) target_semaphore(%run_scoped3A : memref<!tpu.dma_semaphore, #tpu.memory_space<semaphore_mem>>)
        %dma_wait3A_870 = tpu.memref_slice %arg3[%multiple_of3A_867] : memref<64xi32, #tpu.memory_space<hbm>> -> memref<16xi32, #tpu.memory_space<hbm>>
        %dma_wait3A_871 = tpu.memref_slice %arg3[%multiple_of3A_867] : memref<64xi32, #tpu.memory_space<hbm>> -> memref<16xi32, #tpu.memory_space<hbm>>
        tpu.wait_dma2 semaphore(%run_scoped3A : memref<!tpu.dma_semaphore, #tpu.memory_space<semaphore_mem>>) src(%arg8 : memref<16xi32, #tpu.memory_space<vmem>>) dst(%dma_wait3A_871 : memref<16xi32, #tpu.memory_space<hbm>>)
        tpu.yield
      }) : () -> ()
    } else {
    }
    return
  }
}

module attributes {stable_mosaic.version = 14 : i64} {
  func.func @_tc_body(%arg0: i32, %arg1: memref<8x32768xf32, #tpu.memory_space<vmem>>, %arg2: memref<1x1x8xi32, #tpu.memory_space<vmem>>) attributes {dimension_semantics = [#tpu.dimension_semantics<arbitrary>], iteration_bounds = array<i64: 8>, scalar_prefetch = 0 : i64, scratch_operands = 0 : i64, tpu.core_type = #tpu.core_type<tc>, window_params = [{transform_indices = @transform_0, window_bounds = array<i64: 8, 32768>}, {transform_indices = @transform_1, window_bounds = array<i64: 1, 1, 8>}]} {
    %iota3A = tpu.iota {dimensions = array<i32: 1>} : vector<8x128xi32>
    %get3A = arith.constant 0 : index
    %get3A_0 = arith.constant 0 : index
    %get3A_1 = vector.load %arg1[%get3A, %get3A_0] : memref<8x32768xf32, #tpu.memory_space<vmem>>, vector<8x128xf32>
    %get3A_2 = arith.constant 0 : index
    %get3A_3 = arith.constant 128 : index
    %get3A_4 = vector.load %arg1[%get3A_2, %get3A_3] : memref<8x32768xf32, #tpu.memory_space<vmem>>, vector<8x128xf32>
    %get3A_5 = arith.constant 0 : index
    %get3A_6 = arith.constant 256 : index
    %get3A_7 = vector.load %arg1[%get3A_5, %get3A_6] : memref<8x32768xf32, #tpu.memory_space<vmem>>, vector<8x128xf32>
    %get3A_8 = arith.constant 0 : index
    %get3A_9 = arith.constant 384 : index
    %get3A_10 = vector.load %arg1[%get3A_8, %get3A_9] : memref<8x32768xf32, #tpu.memory_space<vmem>>, vector<8x128xf32>
    %broadcast_in_dim3A = arith.constant 0 : i32
    %broadcast_in_dim3A_11 = vector.broadcast %broadcast_in_dim3A : i32 to vector<8x128xi32>
    %broadcast_in_dim3A_12 = arith.constant 0 : i32
    %broadcast_in_dim3A_13 = vector.broadcast %broadcast_in_dim3A_12 : i32 to vector<8x128xi32>
    %broadcast_in_dim3A_14 = arith.constant 0 : i32
    %broadcast_in_dim3A_15 = vector.broadcast %broadcast_in_dim3A_14 : i32 to vector<8x128xi32>
    %broadcast_in_dim3A_16 = arith.constant 0 : i32
    %broadcast_in_dim3A_17 = vector.broadcast %broadcast_in_dim3A_16 : i32 to vector<8x128xi32>
    %get3A_18 = arith.constant 0 : index
    %get3A_19 = arith.constant 512 : index
    %get3A_20 = vector.load %arg1[%get3A_18, %get3A_19] : memref<8x32768xf32, #tpu.memory_space<vmem>>, vector<8x128xf32>
    %gt3A = arith.cmpf ogt, %get3A_20, %get3A_1 : vector<8x128xf32>
    %select_n3A = arith.select %gt3A, %get3A_20, %get3A_1 : vector<8x128xi1>, vector<8x128xf32>
    %jit3A = arith.constant 1 : i32
    %broadcast_in_dim3A_21 = vector.broadcast %jit3A : i32 to vector<8x128xi32>
    %select_n3A_22 = arith.select %gt3A, %broadcast_in_dim3A_21, %broadcast_in_dim3A_11 : vector<8x128xi1>, vector<8x128xi32>
    %get3A_23 = arith.constant 0 : index
    %get3A_24 = arith.constant 640 : index
    %get3A_25 = vector.load %arg1[%get3A_23, %get3A_24] : memref<8x32768xf32, #tpu.memory_space<vmem>>, vector<8x128xf32>
    %gt3A_26 = arith.cmpf ogt, %get3A_25, %get3A_4 : vector<8x128xf32>
    %select_n3A_27 = arith.select %gt3A_26, %get3A_25, %get3A_4 : vector<8x128xi1>, vector<8x128xf32>
    %jit3A_28 = arith.constant 1 : i32
    %broadcast_in_dim3A_29 = vector.broadcast %jit3A_28 : i32 to vector<8x128xi32>
    %select_n3A_30 = arith.select %gt3A_26, %broadcast_in_dim3A_29, %broadcast_in_dim3A_13 : vector<8x128xi1>, vector<8x128xi32>
    %get3A_31 = arith.constant 0 : index
    %get3A_32 = arith.constant 768 : index
    %get3A_33 = vector.load %arg1[%get3A_31, %get3A_32] : memref<8x32768xf32, #tpu.memory_space<vmem>>, vector<8x128xf32>
    %gt3A_34 = arith.cmpf ogt, %get3A_33, %get3A_7 : vector<8x128xf32>
    %select_n3A_35 = arith.select %gt3A_34, %get3A_33, %get3A_7 : vector<8x128xi1>, vector<8x128xf32>
    %jit3A_36 = arith.constant 1 : i32
    %broadcast_in_dim3A_37 = vector.broadcast %jit3A_36 : i32 to vector<8x128xi32>
    %select_n3A_38 = arith.select %gt3A_34, %broadcast_in_dim3A_37, %broadcast_in_dim3A_15 : vector<8x128xi1>, vector<8x128xi32>
    %get3A_39 = arith.constant 0 : index
    %get3A_40 = arith.constant 896 : index
    %get3A_41 = vector.load %arg1[%get3A_39, %get3A_40] : memref<8x32768xf32, #tpu.memory_space<vmem>>, vector<8x128xf32>
    %gt3A_42 = arith.cmpf ogt, %get3A_41, %get3A_10 : vector<8x128xf32>
    %select_n3A_43 = arith.select %gt3A_42, %get3A_41, %get3A_10 : vector<8x128xi1>, vector<8x128xf32>
    %jit3A_44 = arith.constant 1 : i32
    %broadcast_in_dim3A_45 = vector.broadcast %jit3A_44 : i32 to vector<8x128xi32>
    %select_n3A_46 = arith.select %gt3A_42, %broadcast_in_dim3A_45, %broadcast_in_dim3A_17 : vector<8x128xi1>, vector<8x128xi32>
    %get3A_47 = arith.constant 0 : index
    %get3A_48 = arith.constant 1024 : index
    %get3A_49 = vector.load %arg1[%get3A_47, %get3A_48] : memref<8x32768xf32, #tpu.memory_space<vmem>>, vector<8x128xf32>
    %gt3A_50 = arith.cmpf ogt, %get3A_49, %select_n3A : vector<8x128xf32>
    %select_n3A_51 = arith.select %gt3A_50, %get3A_49, %select_n3A : vector<8x128xi1>, vector<8x128xf32>
    %jit3A_52 = arith.constant 2 : i32
    %broadcast_in_dim3A_53 = vector.broadcast %jit3A_52 : i32 to vector<8x128xi32>
    %select_n3A_54 = arith.select %gt3A_50, %broadcast_in_dim3A_53, %select_n3A_22 : vector<8x128xi1>, vector<8x128xi32>
    %get3A_55 = arith.constant 0 : index
    %get3A_56 = arith.constant 1152 : index
    %get3A_57 = vector.load %arg1[%get3A_55, %get3A_56] : memref<8x32768xf32, #tpu.memory_space<vmem>>, vector<8x128xf32>
    %gt3A_58 = arith.cmpf ogt, %get3A_57, %select_n3A_27 : vector<8x128xf32>
    %select_n3A_59 = arith.select %gt3A_58, %get3A_57, %select_n3A_27 : vector<8x128xi1>, vector<8x128xf32>
    %jit3A_60 = arith.constant 2 : i32
    %broadcast_in_dim3A_61 = vector.broadcast %jit3A_60 : i32 to vector<8x128xi32>
    %select_n3A_62 = arith.select %gt3A_58, %broadcast_in_dim3A_61, %select_n3A_30 : vector<8x128xi1>, vector<8x128xi32>
    %get3A_63 = arith.constant 0 : index
    %get3A_64 = arith.constant 1280 : index
    %get3A_65 = vector.load %arg1[%get3A_63, %get3A_64] : memref<8x32768xf32, #tpu.memory_space<vmem>>, vector<8x128xf32>
    %gt3A_66 = arith.cmpf ogt, %get3A_65, %select_n3A_35 : vector<8x128xf32>
    %select_n3A_67 = arith.select %gt3A_66, %get3A_65, %select_n3A_35 : vector<8x128xi1>, vector<8x128xf32>
    %jit3A_68 = arith.constant 2 : i32
    %broadcast_in_dim3A_69 = vector.broadcast %jit3A_68 : i32 to vector<8x128xi32>
    %select_n3A_70 = arith.select %gt3A_66, %broadcast_in_dim3A_69, %select_n3A_38 : vector<8x128xi1>, vector<8x128xi32>
    %get3A_71 = arith.constant 0 : index
    %get3A_72 = arith.constant 1408 : index
    %get3A_73 = vector.load %arg1[%get3A_71, %get3A_72] : memref<8x32768xf32, #tpu.memory_space<vmem>>, vector<8x128xf32>
    %gt3A_74 = arith.cmpf ogt, %get3A_73, %select_n3A_43 : vector<8x128xf32>
    %select_n3A_75 = arith.select %gt3A_74, %get3A_73, %select_n3A_43 : vector<8x128xi1>, vector<8x128xf32>
    %jit3A_76 = arith.constant 2 : i32
    %broadcast_in_dim3A_77 = vector.broadcast %jit3A_76 : i32 to vector<8x128xi32>
    %select_n3A_78 = arith.select %gt3A_74, %broadcast_in_dim3A_77, %select_n3A_46 : vector<8x128xi1>, vector<8x128xi32>
    %get3A_79 = arith.constant 0 : index
    %get3A_80 = arith.constant 1536 : index
    %get3A_81 = vector.load %arg1[%get3A_79, %get3A_80] : memref<8x32768xf32, #tpu.memory_space<vmem>>, vector<8x128xf32>
    %gt3A_82 = arith.cmpf ogt, %get3A_81, %select_n3A_51 : vector<8x128xf32>
    %select_n3A_83 = arith.select %gt3A_82, %get3A_81, %select_n3A_51 : vector<8x128xi1>, vector<8x128xf32>
    %jit3A_84 = arith.constant 3 : i32
    %broadcast_in_dim3A_85 = vector.broadcast %jit3A_84 : i32 to vector<8x128xi32>
    %select_n3A_86 = arith.select %gt3A_82, %broadcast_in_dim3A_85, %select_n3A_54 : vector<8x128xi1>, vector<8x128xi32>
    %get3A_87 = arith.constant 0 : index
    %get3A_88 = arith.constant 1664 : index
    %get3A_89 = vector.load %arg1[%get3A_87, %get3A_88] : memref<8x32768xf32, #tpu.memory_space<vmem>>, vector<8x128xf32>
    %gt3A_90 = arith.cmpf ogt, %get3A_89, %select_n3A_59 : vector<8x128xf32>
    %select_n3A_91 = arith.select %gt3A_90, %get3A_89, %select_n3A_59 : vector<8x128xi1>, vector<8x128xf32>
    %jit3A_92 = arith.constant 3 : i32
    %broadcast_in_dim3A_93 = vector.broadcast %jit3A_92 : i32 to vector<8x128xi32>
    %select_n3A_94 = arith.select %gt3A_90, %broadcast_in_dim3A_93, %select_n3A_62 : vector<8x128xi1>, vector<8x128xi32>
    %get3A_95 = arith.constant 0 : index
    %get3A_96 = arith.constant 1792 : index
    %get3A_97 = vector.load %arg1[%get3A_95, %get3A_96] : memref<8x32768xf32, #tpu.memory_space<vmem>>, vector<8x128xf32>
    %gt3A_98 = arith.cmpf ogt, %get3A_97, %select_n3A_67 : vector<8x128xf32>
    %select_n3A_99 = arith.select %gt3A_98, %get3A_97, %select_n3A_67 : vector<8x128xi1>, vector<8x128xf32>
    %jit3A_100 = arith.constant 3 : i32
    %broadcast_in_dim3A_101 = vector.broadcast %jit3A_100 : i32 to vector<8x128xi32>
    %select_n3A_102 = arith.select %gt3A_98, %broadcast_in_dim3A_101, %select_n3A_70 : vector<8x128xi1>, vector<8x128xi32>
    %get3A_103 = arith.constant 0 : index
    %get3A_104 = arith.constant 1920 : index
    %get3A_105 = vector.load %arg1[%get3A_103, %get3A_104] : memref<8x32768xf32, #tpu.memory_space<vmem>>, vector<8x128xf32>
    %gt3A_106 = arith.cmpf ogt, %get3A_105, %select_n3A_75 : vector<8x128xf32>
    %select_n3A_107 = arith.select %gt3A_106, %get3A_105, %select_n3A_75 : vector<8x128xi1>, vector<8x128xf32>
    %jit3A_108 = arith.constant 3 : i32
    %broadcast_in_dim3A_109 = vector.broadcast %jit3A_108 : i32 to vector<8x128xi32>
    %select_n3A_110 = arith.select %gt3A_106, %broadcast_in_dim3A_109, %select_n3A_78 : vector<8x128xi1>, vector<8x128xi32>
    %get3A_111 = arith.constant 0 : index
    %get3A_112 = arith.constant 2048 : index
    %get3A_113 = vector.load %arg1[%get3A_111, %get3A_112] : memref<8x32768xf32, #tpu.memory_space<vmem>>, vector<8x128xf32>
    %gt3A_114 = arith.cmpf ogt, %get3A_113, %select_n3A_83 : vector<8x128xf32>
    %select_n3A_115 = arith.select %gt3A_114, %get3A_113, %select_n3A_83 : vector<8x128xi1>, vector<8x128xf32>
    %jit3A_116 = arith.constant 4 : i32
    %broadcast_in_dim3A_117 = vector.broadcast %jit3A_116 : i32 to vector<8x128xi32>
    %select_n3A_118 = arith.select %gt3A_114, %broadcast_in_dim3A_117, %select_n3A_86 : vector<8x128xi1>, vector<8x128xi32>
    %get3A_119 = arith.constant 0 : index
    %get3A_120 = arith.constant 2176 : index
    %get3A_121 = vector.load %arg1[%get3A_119, %get3A_120] : memref<8x32768xf32, #tpu.memory_space<vmem>>, vector<8x128xf32>
    %gt3A_122 = arith.cmpf ogt, %get3A_121, %select_n3A_91 : vector<8x128xf32>
    %select_n3A_123 = arith.select %gt3A_122, %get3A_121, %select_n3A_91 : vector<8x128xi1>, vector<8x128xf32>
    %jit3A_124 = arith.constant 4 : i32
    %broadcast_in_dim3A_125 = vector.broadcast %jit3A_124 : i32 to vector<8x128xi32>
    %select_n3A_126 = arith.select %gt3A_122, %broadcast_in_dim3A_125, %select_n3A_94 : vector<8x128xi1>, vector<8x128xi32>
    %get3A_127 = arith.constant 0 : index
    %get3A_128 = arith.constant 2304 : index
    %get3A_129 = vector.load %arg1[%get3A_127, %get3A_128] : memref<8x32768xf32, #tpu.memory_space<vmem>>, vector<8x128xf32>
    %gt3A_130 = arith.cmpf ogt, %get3A_129, %select_n3A_99 : vector<8x128xf32>
    %select_n3A_131 = arith.select %gt3A_130, %get3A_129, %select_n3A_99 : vector<8x128xi1>, vector<8x128xf32>
    %jit3A_132 = arith.constant 4 : i32
    %broadcast_in_dim3A_133 = vector.broadcast %jit3A_132 : i32 to vector<8x128xi32>
    %select_n3A_134 = arith.select %gt3A_130, %broadcast_in_dim3A_133, %select_n3A_102 : vector<8x128xi1>, vector<8x128xi32>
    %get3A_135 = arith.constant 0 : index
    %get3A_136 = arith.constant 2432 : index
    %get3A_137 = vector.load %arg1[%get3A_135, %get3A_136] : memref<8x32768xf32, #tpu.memory_space<vmem>>, vector<8x128xf32>
    %gt3A_138 = arith.cmpf ogt, %get3A_137, %select_n3A_107 : vector<8x128xf32>
    %select_n3A_139 = arith.select %gt3A_138, %get3A_137, %select_n3A_107 : vector<8x128xi1>, vector<8x128xf32>
    %jit3A_140 = arith.constant 4 : i32
    %broadcast_in_dim3A_141 = vector.broadcast %jit3A_140 : i32 to vector<8x128xi32>
    %select_n3A_142 = arith.select %gt3A_138, %broadcast_in_dim3A_141, %select_n3A_110 : vector<8x128xi1>, vector<8x128xi32>
    %get3A_143 = arith.constant 0 : index
    %get3A_144 = arith.constant 2560 : index
    %get3A_145 = vector.load %arg1[%get3A_143, %get3A_144] : memref<8x32768xf32, #tpu.memory_space<vmem>>, vector<8x128xf32>
    %gt3A_146 = arith.cmpf ogt, %get3A_145, %select_n3A_115 : vector<8x128xf32>
    %select_n3A_147 = arith.select %gt3A_146, %get3A_145, %select_n3A_115 : vector<8x128xi1>, vector<8x128xf32>
    %jit3A_148 = arith.constant 5 : i32
    %broadcast_in_dim3A_149 = vector.broadcast %jit3A_148 : i32 to vector<8x128xi32>
    %select_n3A_150 = arith.select %gt3A_146, %broadcast_in_dim3A_149, %select_n3A_118 : vector<8x128xi1>, vector<8x128xi32>
    %get3A_151 = arith.constant 0 : index
    %get3A_152 = arith.constant 2688 : index
    %get3A_153 = vector.load %arg1[%get3A_151, %get3A_152] : memref<8x32768xf32, #tpu.memory_space<vmem>>, vector<8x128xf32>
    %gt3A_154 = arith.cmpf ogt, %get3A_153, %select_n3A_123 : vector<8x128xf32>
    %select_n3A_155 = arith.select %gt3A_154, %get3A_153, %select_n3A_123 : vector<8x128xi1>, vector<8x128xf32>
    %jit3A_156 = arith.constant 5 : i32
    %broadcast_in_dim3A_157 = vector.broadcast %jit3A_156 : i32 to vector<8x128xi32>
    %select_n3A_158 = arith.select %gt3A_154, %broadcast_in_dim3A_157, %select_n3A_126 : vector<8x128xi1>, vector<8x128xi32>
    %get3A_159 = arith.constant 0 : index
    %get3A_160 = arith.constant 2816 : index
    %get3A_161 = vector.load %arg1[%get3A_159, %get3A_160] : memref<8x32768xf32, #tpu.memory_space<vmem>>, vector<8x128xf32>
    %gt3A_162 = arith.cmpf ogt, %get3A_161, %select_n3A_131 : vector<8x128xf32>
    %select_n3A_163 = arith.select %gt3A_162, %get3A_161, %select_n3A_131 : vector<8x128xi1>, vector<8x128xf32>
    %jit3A_164 = arith.constant 5 : i32
    %broadcast_in_dim3A_165 = vector.broadcast %jit3A_164 : i32 to vector<8x128xi32>
    %select_n3A_166 = arith.select %gt3A_162, %broadcast_in_dim3A_165, %select_n3A_134 : vector<8x128xi1>, vector<8x128xi32>
    %get3A_167 = arith.constant 0 : index
    %get3A_168 = arith.constant 2944 : index
    %get3A_169 = vector.load %arg1[%get3A_167, %get3A_168] : memref<8x32768xf32, #tpu.memory_space<vmem>>, vector<8x128xf32>
    %gt3A_170 = arith.cmpf ogt, %get3A_169, %select_n3A_139 : vector<8x128xf32>
    %select_n3A_171 = arith.select %gt3A_170, %get3A_169, %select_n3A_139 : vector<8x128xi1>, vector<8x128xf32>
    %jit3A_172 = arith.constant 5 : i32
    %broadcast_in_dim3A_173 = vector.broadcast %jit3A_172 : i32 to vector<8x128xi32>
    %select_n3A_174 = arith.select %gt3A_170, %broadcast_in_dim3A_173, %select_n3A_142 : vector<8x128xi1>, vector<8x128xi32>
    %get3A_175 = arith.constant 0 : index
    %get3A_176 = arith.constant 3072 : index
    %get3A_177 = vector.load %arg1[%get3A_175, %get3A_176] : memref<8x32768xf32, #tpu.memory_space<vmem>>, vector<8x128xf32>
    %gt3A_178 = arith.cmpf ogt, %get3A_177, %select_n3A_147 : vector<8x128xf32>
    %select_n3A_179 = arith.select %gt3A_178, %get3A_177, %select_n3A_147 : vector<8x128xi1>, vector<8x128xf32>
    %jit3A_180 = arith.constant 6 : i32
    %broadcast_in_dim3A_181 = vector.broadcast %jit3A_180 : i32 to vector<8x128xi32>
    %select_n3A_182 = arith.select %gt3A_178, %broadcast_in_dim3A_181, %select_n3A_150 : vector<8x128xi1>, vector<8x128xi32>
    %get3A_183 = arith.constant 0 : index
    %get3A_184 = arith.constant 3200 : index
    %get3A_185 = vector.load %arg1[%get3A_183, %get3A_184] : memref<8x32768xf32, #tpu.memory_space<vmem>>, vector<8x128xf32>
    %gt3A_186 = arith.cmpf ogt, %get3A_185, %select_n3A_155 : vector<8x128xf32>
    %select_n3A_187 = arith.select %gt3A_186, %get3A_185, %select_n3A_155 : vector<8x128xi1>, vector<8x128xf32>
    %jit3A_188 = arith.constant 6 : i32
    %broadcast_in_dim3A_189 = vector.broadcast %jit3A_188 : i32 to vector<8x128xi32>
    %select_n3A_190 = arith.select %gt3A_186, %broadcast_in_dim3A_189, %select_n3A_158 : vector<8x128xi1>, vector<8x128xi32>
    %get3A_191 = arith.constant 0 : index
    %get3A_192 = arith.constant 3328 : index
    %get3A_193 = vector.load %arg1[%get3A_191, %get3A_192] : memref<8x32768xf32, #tpu.memory_space<vmem>>, vector<8x128xf32>
    %gt3A_194 = arith.cmpf ogt, %get3A_193, %select_n3A_163 : vector<8x128xf32>
    %select_n3A_195 = arith.select %gt3A_194, %get3A_193, %select_n3A_163 : vector<8x128xi1>, vector<8x128xf32>
    %jit3A_196 = arith.constant 6 : i32
    %broadcast_in_dim3A_197 = vector.broadcast %jit3A_196 : i32 to vector<8x128xi32>
    %select_n3A_198 = arith.select %gt3A_194, %broadcast_in_dim3A_197, %select_n3A_166 : vector<8x128xi1>, vector<8x128xi32>
    %get3A_199 = arith.constant 0 : index
    %get3A_200 = arith.constant 3456 : index
    %get3A_201 = vector.load %arg1[%get3A_199, %get3A_200] : memref<8x32768xf32, #tpu.memory_space<vmem>>, vector<8x128xf32>
    %gt3A_202 = arith.cmpf ogt, %get3A_201, %select_n3A_171 : vector<8x128xf32>
    %select_n3A_203 = arith.select %gt3A_202, %get3A_201, %select_n3A_171 : vector<8x128xi1>, vector<8x128xf32>
    %jit3A_204 = arith.constant 6 : i32
    %broadcast_in_dim3A_205 = vector.broadcast %jit3A_204 : i32 to vector<8x128xi32>
    %select_n3A_206 = arith.select %gt3A_202, %broadcast_in_dim3A_205, %select_n3A_174 : vector<8x128xi1>, vector<8x128xi32>
    %get3A_207 = arith.constant 0 : index
    %get3A_208 = arith.constant 3584 : index
    %get3A_209 = vector.load %arg1[%get3A_207, %get3A_208] : memref<8x32768xf32, #tpu.memory_space<vmem>>, vector<8x128xf32>
    %gt3A_210 = arith.cmpf ogt, %get3A_209, %select_n3A_179 : vector<8x128xf32>
    %select_n3A_211 = arith.select %gt3A_210, %get3A_209, %select_n3A_179 : vector<8x128xi1>, vector<8x128xf32>
    %jit3A_212 = arith.constant 7 : i32
    %broadcast_in_dim3A_213 = vector.broadcast %jit3A_212 : i32 to vector<8x128xi32>
    %select_n3A_214 = arith.select %gt3A_210, %broadcast_in_dim3A_213, %select_n3A_182 : vector<8x128xi1>, vector<8x128xi32>
    %get3A_215 = arith.constant 0 : index
    %get3A_216 = arith.constant 3712 : index
    %get3A_217 = vector.load %arg1[%get3A_215, %get3A_216] : memref<8x32768xf32, #tpu.memory_space<vmem>>, vector<8x128xf32>
    %gt3A_218 = arith.cmpf ogt, %get3A_217, %select_n3A_187 : vector<8x128xf32>
    %select_n3A_219 = arith.select %gt3A_218, %get3A_217, %select_n3A_187 : vector<8x128xi1>, vector<8x128xf32>
    %jit3A_220 = arith.constant 7 : i32
    %broadcast_in_dim3A_221 = vector.broadcast %jit3A_220 : i32 to vector<8x128xi32>
    %select_n3A_222 = arith.select %gt3A_218, %broadcast_in_dim3A_221, %select_n3A_190 : vector<8x128xi1>, vector<8x128xi32>
    %get3A_223 = arith.constant 0 : index
    %get3A_224 = arith.constant 3840 : index
    %get3A_225 = vector.load %arg1[%get3A_223, %get3A_224] : memref<8x32768xf32, #tpu.memory_space<vmem>>, vector<8x128xf32>
    %gt3A_226 = arith.cmpf ogt, %get3A_225, %select_n3A_195 : vector<8x128xf32>
    %select_n3A_227 = arith.select %gt3A_226, %get3A_225, %select_n3A_195 : vector<8x128xi1>, vector<8x128xf32>
    %jit3A_228 = arith.constant 7 : i32
    %broadcast_in_dim3A_229 = vector.broadcast %jit3A_228 : i32 to vector<8x128xi32>
    %select_n3A_230 = arith.select %gt3A_226, %broadcast_in_dim3A_229, %select_n3A_198 : vector<8x128xi1>, vector<8x128xi32>
    %get3A_231 = arith.constant 0 : index
    %get3A_232 = arith.constant 3968 : index
    %get3A_233 = vector.load %arg1[%get3A_231, %get3A_232] : memref<8x32768xf32, #tpu.memory_space<vmem>>, vector<8x128xf32>
    %gt3A_234 = arith.cmpf ogt, %get3A_233, %select_n3A_203 : vector<8x128xf32>
    %select_n3A_235 = arith.select %gt3A_234, %get3A_233, %select_n3A_203 : vector<8x128xi1>, vector<8x128xf32>
    %jit3A_236 = arith.constant 7 : i32
    %broadcast_in_dim3A_237 = vector.broadcast %jit3A_236 : i32 to vector<8x128xi32>
    %select_n3A_238 = arith.select %gt3A_234, %broadcast_in_dim3A_237, %select_n3A_206 : vector<8x128xi1>, vector<8x128xi32>
    %get3A_239 = arith.constant 0 : index
    %get3A_240 = arith.constant 4096 : index
    %get3A_241 = vector.load %arg1[%get3A_239, %get3A_240] : memref<8x32768xf32, #tpu.memory_space<vmem>>, vector<8x128xf32>
    %gt3A_242 = arith.cmpf ogt, %get3A_241, %select_n3A_211 : vector<8x128xf32>
    %select_n3A_243 = arith.select %gt3A_242, %get3A_241, %select_n3A_211 : vector<8x128xi1>, vector<8x128xf32>
    %jit3A_244 = arith.constant 8 : i32
    %broadcast_in_dim3A_245 = vector.broadcast %jit3A_244 : i32 to vector<8x128xi32>
    %select_n3A_246 = arith.select %gt3A_242, %broadcast_in_dim3A_245, %select_n3A_214 : vector<8x128xi1>, vector<8x128xi32>
    %get3A_247 = arith.constant 0 : index
    %get3A_248 = arith.constant 4224 : index
    %get3A_249 = vector.load %arg1[%get3A_247, %get3A_248] : memref<8x32768xf32, #tpu.memory_space<vmem>>, vector<8x128xf32>
    %gt3A_250 = arith.cmpf ogt, %get3A_249, %select_n3A_219 : vector<8x128xf32>
    %select_n3A_251 = arith.select %gt3A_250, %get3A_249, %select_n3A_219 : vector<8x128xi1>, vector<8x128xf32>
    %jit3A_252 = arith.constant 8 : i32
    %broadcast_in_dim3A_253 = vector.broadcast %jit3A_252 : i32 to vector<8x128xi32>
    %select_n3A_254 = arith.select %gt3A_250, %broadcast_in_dim3A_253, %select_n3A_222 : vector<8x128xi1>, vector<8x128xi32>
    %get3A_255 = arith.constant 0 : index
    %get3A_256 = arith.constant 4352 : index
    %get3A_257 = vector.load %arg1[%get3A_255, %get3A_256] : memref<8x32768xf32, #tpu.memory_space<vmem>>, vector<8x128xf32>
    %gt3A_258 = arith.cmpf ogt, %get3A_257, %select_n3A_227 : vector<8x128xf32>
    %select_n3A_259 = arith.select %gt3A_258, %get3A_257, %select_n3A_227 : vector<8x128xi1>, vector<8x128xf32>
    %jit3A_260 = arith.constant 8 : i32
    %broadcast_in_dim3A_261 = vector.broadcast %jit3A_260 : i32 to vector<8x128xi32>
    %select_n3A_262 = arith.select %gt3A_258, %broadcast_in_dim3A_261, %select_n3A_230 : vector<8x128xi1>, vector<8x128xi32>
    %get3A_263 = arith.constant 0 : index
    %get3A_264 = arith.constant 4480 : index
    %get3A_265 = vector.load %arg1[%get3A_263, %get3A_264] : memref<8x32768xf32, #tpu.memory_space<vmem>>, vector<8x128xf32>
    %gt3A_266 = arith.cmpf ogt, %get3A_265, %select_n3A_235 : vector<8x128xf32>
    %select_n3A_267 = arith.select %gt3A_266, %get3A_265, %select_n3A_235 : vector<8x128xi1>, vector<8x128xf32>
    %jit3A_268 = arith.constant 8 : i32
    %broadcast_in_dim3A_269 = vector.broadcast %jit3A_268 : i32 to vector<8x128xi32>
    %select_n3A_270 = arith.select %gt3A_266, %broadcast_in_dim3A_269, %select_n3A_238 : vector<8x128xi1>, vector<8x128xi32>
    %get3A_271 = arith.constant 0 : index
    %get3A_272 = arith.constant 4608 : index
    %get3A_273 = vector.load %arg1[%get3A_271, %get3A_272] : memref<8x32768xf32, #tpu.memory_space<vmem>>, vector<8x128xf32>
    %gt3A_274 = arith.cmpf ogt, %get3A_273, %select_n3A_243 : vector<8x128xf32>
    %select_n3A_275 = arith.select %gt3A_274, %get3A_273, %select_n3A_243 : vector<8x128xi1>, vector<8x128xf32>
    %jit3A_276 = arith.constant 9 : i32
    %broadcast_in_dim3A_277 = vector.broadcast %jit3A_276 : i32 to vector<8x128xi32>
    %select_n3A_278 = arith.select %gt3A_274, %broadcast_in_dim3A_277, %select_n3A_246 : vector<8x128xi1>, vector<8x128xi32>
    %get3A_279 = arith.constant 0 : index
    %get3A_280 = arith.constant 4736 : index
    %get3A_281 = vector.load %arg1[%get3A_279, %get3A_280] : memref<8x32768xf32, #tpu.memory_space<vmem>>, vector<8x128xf32>
    %gt3A_282 = arith.cmpf ogt, %get3A_281, %select_n3A_251 : vector<8x128xf32>
    %select_n3A_283 = arith.select %gt3A_282, %get3A_281, %select_n3A_251 : vector<8x128xi1>, vector<8x128xf32>
    %jit3A_284 = arith.constant 9 : i32
    %broadcast_in_dim3A_285 = vector.broadcast %jit3A_284 : i32 to vector<8x128xi32>
    %select_n3A_286 = arith.select %gt3A_282, %broadcast_in_dim3A_285, %select_n3A_254 : vector<8x128xi1>, vector<8x128xi32>
    %get3A_287 = arith.constant 0 : index
    %get3A_288 = arith.constant 4864 : index
    %get3A_289 = vector.load %arg1[%get3A_287, %get3A_288] : memref<8x32768xf32, #tpu.memory_space<vmem>>, vector<8x128xf32>
    %gt3A_290 = arith.cmpf ogt, %get3A_289, %select_n3A_259 : vector<8x128xf32>
    %select_n3A_291 = arith.select %gt3A_290, %get3A_289, %select_n3A_259 : vector<8x128xi1>, vector<8x128xf32>
    %jit3A_292 = arith.constant 9 : i32
    %broadcast_in_dim3A_293 = vector.broadcast %jit3A_292 : i32 to vector<8x128xi32>
    %select_n3A_294 = arith.select %gt3A_290, %broadcast_in_dim3A_293, %select_n3A_262 : vector<8x128xi1>, vector<8x128xi32>
    %get3A_295 = arith.constant 0 : index
    %get3A_296 = arith.constant 4992 : index
    %get3A_297 = vector.load %arg1[%get3A_295, %get3A_296] : memref<8x32768xf32, #tpu.memory_space<vmem>>, vector<8x128xf32>
    %gt3A_298 = arith.cmpf ogt, %get3A_297, %select_n3A_267 : vector<8x128xf32>
    %select_n3A_299 = arith.select %gt3A_298, %get3A_297, %select_n3A_267 : vector<8x128xi1>, vector<8x128xf32>
    %jit3A_300 = arith.constant 9 : i32
    %broadcast_in_dim3A_301 = vector.broadcast %jit3A_300 : i32 to vector<8x128xi32>
    %select_n3A_302 = arith.select %gt3A_298, %broadcast_in_dim3A_301, %select_n3A_270 : vector<8x128xi1>, vector<8x128xi32>
    %get3A_303 = arith.constant 0 : index
    %get3A_304 = arith.constant 5120 : index
    %get3A_305 = vector.load %arg1[%get3A_303, %get3A_304] : memref<8x32768xf32, #tpu.memory_space<vmem>>, vector<8x128xf32>
    %gt3A_306 = arith.cmpf ogt, %get3A_305, %select_n3A_275 : vector<8x128xf32>
    %select_n3A_307 = arith.select %gt3A_306, %get3A_305, %select_n3A_275 : vector<8x128xi1>, vector<8x128xf32>
    %jit3A_308 = arith.constant 10 : i32
    %broadcast_in_dim3A_309 = vector.broadcast %jit3A_308 : i32 to vector<8x128xi32>
    %select_n3A_310 = arith.select %gt3A_306, %broadcast_in_dim3A_309, %select_n3A_278 : vector<8x128xi1>, vector<8x128xi32>
    %get3A_311 = arith.constant 0 : index
    %get3A_312 = arith.constant 5248 : index
    %get3A_313 = vector.load %arg1[%get3A_311, %get3A_312] : memref<8x32768xf32, #tpu.memory_space<vmem>>, vector<8x128xf32>
    %gt3A_314 = arith.cmpf ogt, %get3A_313, %select_n3A_283 : vector<8x128xf32>
    %select_n3A_315 = arith.select %gt3A_314, %get3A_313, %select_n3A_283 : vector<8x128xi1>, vector<8x128xf32>
    %jit3A_316 = arith.constant 10 : i32
    %broadcast_in_dim3A_317 = vector.broadcast %jit3A_316 : i32 to vector<8x128xi32>
    %select_n3A_318 = arith.select %gt3A_314, %broadcast_in_dim3A_317, %select_n3A_286 : vector<8x128xi1>, vector<8x128xi32>
    %get3A_319 = arith.constant 0 : index
    %get3A_320 = arith.constant 5376 : index
    %get3A_321 = vector.load %arg1[%get3A_319, %get3A_320] : memref<8x32768xf32, #tpu.memory_space<vmem>>, vector<8x128xf32>
    %gt3A_322 = arith.cmpf ogt, %get3A_321, %select_n3A_291 : vector<8x128xf32>
    %select_n3A_323 = arith.select %gt3A_322, %get3A_321, %select_n3A_291 : vector<8x128xi1>, vector<8x128xf32>
    %jit3A_324 = arith.constant 10 : i32
    %broadcast_in_dim3A_325 = vector.broadcast %jit3A_324 : i32 to vector<8x128xi32>
    %select_n3A_326 = arith.select %gt3A_322, %broadcast_in_dim3A_325, %select_n3A_294 : vector<8x128xi1>, vector<8x128xi32>
    %get3A_327 = arith.constant 0 : index
    %get3A_328 = arith.constant 5504 : index
    %get3A_329 = vector.load %arg1[%get3A_327, %get3A_328] : memref<8x32768xf32, #tpu.memory_space<vmem>>, vector<8x128xf32>
    %gt3A_330 = arith.cmpf ogt, %get3A_329, %select_n3A_299 : vector<8x128xf32>
    %select_n3A_331 = arith.select %gt3A_330, %get3A_329, %select_n3A_299 : vector<8x128xi1>, vector<8x128xf32>
    %jit3A_332 = arith.constant 10 : i32
    %broadcast_in_dim3A_333 = vector.broadcast %jit3A_332 : i32 to vector<8x128xi32>
    %select_n3A_334 = arith.select %gt3A_330, %broadcast_in_dim3A_333, %select_n3A_302 : vector<8x128xi1>, vector<8x128xi32>
    %get3A_335 = arith.constant 0 : index
    %get3A_336 = arith.constant 5632 : index
    %get3A_337 = vector.load %arg1[%get3A_335, %get3A_336] : memref<8x32768xf32, #tpu.memory_space<vmem>>, vector<8x128xf32>
    %gt3A_338 = arith.cmpf ogt, %get3A_337, %select_n3A_307 : vector<8x128xf32>
    %select_n3A_339 = arith.select %gt3A_338, %get3A_337, %select_n3A_307 : vector<8x128xi1>, vector<8x128xf32>
    %jit3A_340 = arith.constant 11 : i32
    %broadcast_in_dim3A_341 = vector.broadcast %jit3A_340 : i32 to vector<8x128xi32>
    %select_n3A_342 = arith.select %gt3A_338, %broadcast_in_dim3A_341, %select_n3A_310 : vector<8x128xi1>, vector<8x128xi32>
    %get3A_343 = arith.constant 0 : index
    %get3A_344 = arith.constant 5760 : index
    %get3A_345 = vector.load %arg1[%get3A_343, %get3A_344] : memref<8x32768xf32, #tpu.memory_space<vmem>>, vector<8x128xf32>
    %gt3A_346 = arith.cmpf ogt, %get3A_345, %select_n3A_315 : vector<8x128xf32>
    %select_n3A_347 = arith.select %gt3A_346, %get3A_345, %select_n3A_315 : vector<8x128xi1>, vector<8x128xf32>
    %jit3A_348 = arith.constant 11 : i32
    %broadcast_in_dim3A_349 = vector.broadcast %jit3A_348 : i32 to vector<8x128xi32>
    %select_n3A_350 = arith.select %gt3A_346, %broadcast_in_dim3A_349, %select_n3A_318 : vector<8x128xi1>, vector<8x128xi32>
    %get3A_351 = arith.constant 0 : index
    %get3A_352 = arith.constant 5888 : index
    %get3A_353 = vector.load %arg1[%get3A_351, %get3A_352] : memref<8x32768xf32, #tpu.memory_space<vmem>>, vector<8x128xf32>
    %gt3A_354 = arith.cmpf ogt, %get3A_353, %select_n3A_323 : vector<8x128xf32>
    %select_n3A_355 = arith.select %gt3A_354, %get3A_353, %select_n3A_323 : vector<8x128xi1>, vector<8x128xf32>
    %jit3A_356 = arith.constant 11 : i32
    %broadcast_in_dim3A_357 = vector.broadcast %jit3A_356 : i32 to vector<8x128xi32>
    %select_n3A_358 = arith.select %gt3A_354, %broadcast_in_dim3A_357, %select_n3A_326 : vector<8x128xi1>, vector<8x128xi32>
    %get3A_359 = arith.constant 0 : index
    %get3A_360 = arith.constant 6016 : index
    %get3A_361 = vector.load %arg1[%get3A_359, %get3A_360] : memref<8x32768xf32, #tpu.memory_space<vmem>>, vector<8x128xf32>
    %gt3A_362 = arith.cmpf ogt, %get3A_361, %select_n3A_331 : vector<8x128xf32>
    %select_n3A_363 = arith.select %gt3A_362, %get3A_361, %select_n3A_331 : vector<8x128xi1>, vector<8x128xf32>
    %jit3A_364 = arith.constant 11 : i32
    %broadcast_in_dim3A_365 = vector.broadcast %jit3A_364 : i32 to vector<8x128xi32>
    %select_n3A_366 = arith.select %gt3A_362, %broadcast_in_dim3A_365, %select_n3A_334 : vector<8x128xi1>, vector<8x128xi32>
    %get3A_367 = arith.constant 0 : index
    %get3A_368 = arith.constant 6144 : index
    %get3A_369 = vector.load %arg1[%get3A_367, %get3A_368] : memref<8x32768xf32, #tpu.memory_space<vmem>>, vector<8x128xf32>
    %gt3A_370 = arith.cmpf ogt, %get3A_369, %select_n3A_339 : vector<8x128xf32>
    %select_n3A_371 = arith.select %gt3A_370, %get3A_369, %select_n3A_339 : vector<8x128xi1>, vector<8x128xf32>
    %jit3A_372 = arith.constant 12 : i32
    %broadcast_in_dim3A_373 = vector.broadcast %jit3A_372 : i32 to vector<8x128xi32>
    %select_n3A_374 = arith.select %gt3A_370, %broadcast_in_dim3A_373, %select_n3A_342 : vector<8x128xi1>, vector<8x128xi32>
    %get3A_375 = arith.constant 0 : index
    %get3A_376 = arith.constant 6272 : index
    %get3A_377 = vector.load %arg1[%get3A_375, %get3A_376] : memref<8x32768xf32, #tpu.memory_space<vmem>>, vector<8x128xf32>
    %gt3A_378 = arith.cmpf ogt, %get3A_377, %select_n3A_347 : vector<8x128xf32>
    %select_n3A_379 = arith.select %gt3A_378, %get3A_377, %select_n3A_347 : vector<8x128xi1>, vector<8x128xf32>
    %jit3A_380 = arith.constant 12 : i32
    %broadcast_in_dim3A_381 = vector.broadcast %jit3A_380 : i32 to vector<8x128xi32>
    %select_n3A_382 = arith.select %gt3A_378, %broadcast_in_dim3A_381, %select_n3A_350 : vector<8x128xi1>, vector<8x128xi32>
    %get3A_383 = arith.constant 0 : index
    %get3A_384 = arith.constant 6400 : index
    %get3A_385 = vector.load %arg1[%get3A_383, %get3A_384] : memref<8x32768xf32, #tpu.memory_space<vmem>>, vector<8x128xf32>
    %gt3A_386 = arith.cmpf ogt, %get3A_385, %select_n3A_355 : vector<8x128xf32>
    %select_n3A_387 = arith.select %gt3A_386, %get3A_385, %select_n3A_355 : vector<8x128xi1>, vector<8x128xf32>
    %jit3A_388 = arith.constant 12 : i32
    %broadcast_in_dim3A_389 = vector.broadcast %jit3A_388 : i32 to vector<8x128xi32>
    %select_n3A_390 = arith.select %gt3A_386, %broadcast_in_dim3A_389, %select_n3A_358 : vector<8x128xi1>, vector<8x128xi32>
    %get3A_391 = arith.constant 0 : index
    %get3A_392 = arith.constant 6528 : index
    %get3A_393 = vector.load %arg1[%get3A_391, %get3A_392] : memref<8x32768xf32, #tpu.memory_space<vmem>>, vector<8x128xf32>
    %gt3A_394 = arith.cmpf ogt, %get3A_393, %select_n3A_363 : vector<8x128xf32>
    %select_n3A_395 = arith.select %gt3A_394, %get3A_393, %select_n3A_363 : vector<8x128xi1>, vector<8x128xf32>
    %jit3A_396 = arith.constant 12 : i32
    %broadcast_in_dim3A_397 = vector.broadcast %jit3A_396 : i32 to vector<8x128xi32>
    %select_n3A_398 = arith.select %gt3A_394, %broadcast_in_dim3A_397, %select_n3A_366 : vector<8x128xi1>, vector<8x128xi32>
    %get3A_399 = arith.constant 0 : index
    %get3A_400 = arith.constant 6656 : index
    %get3A_401 = vector.load %arg1[%get3A_399, %get3A_400] : memref<8x32768xf32, #tpu.memory_space<vmem>>, vector<8x128xf32>
    %gt3A_402 = arith.cmpf ogt, %get3A_401, %select_n3A_371 : vector<8x128xf32>
    %select_n3A_403 = arith.select %gt3A_402, %get3A_401, %select_n3A_371 : vector<8x128xi1>, vector<8x128xf32>
    %jit3A_404 = arith.constant 13 : i32
    %broadcast_in_dim3A_405 = vector.broadcast %jit3A_404 : i32 to vector<8x128xi32>
    %select_n3A_406 = arith.select %gt3A_402, %broadcast_in_dim3A_405, %select_n3A_374 : vector<8x128xi1>, vector<8x128xi32>
    %get3A_407 = arith.constant 0 : index
    %get3A_408 = arith.constant 6784 : index
    %get3A_409 = vector.load %arg1[%get3A_407, %get3A_408] : memref<8x32768xf32, #tpu.memory_space<vmem>>, vector<8x128xf32>
    %gt3A_410 = arith.cmpf ogt, %get3A_409, %select_n3A_379 : vector<8x128xf32>
    %select_n3A_411 = arith.select %gt3A_410, %get3A_409, %select_n3A_379 : vector<8x128xi1>, vector<8x128xf32>
    %jit3A_412 = arith.constant 13 : i32
    %broadcast_in_dim3A_413 = vector.broadcast %jit3A_412 : i32 to vector<8x128xi32>
    %select_n3A_414 = arith.select %gt3A_410, %broadcast_in_dim3A_413, %select_n3A_382 : vector<8x128xi1>, vector<8x128xi32>
    %get3A_415 = arith.constant 0 : index
    %get3A_416 = arith.constant 6912 : index
    %get3A_417 = vector.load %arg1[%get3A_415, %get3A_416] : memref<8x32768xf32, #tpu.memory_space<vmem>>, vector<8x128xf32>
    %gt3A_418 = arith.cmpf ogt, %get3A_417, %select_n3A_387 : vector<8x128xf32>
    %select_n3A_419 = arith.select %gt3A_418, %get3A_417, %select_n3A_387 : vector<8x128xi1>, vector<8x128xf32>
    %jit3A_420 = arith.constant 13 : i32
    %broadcast_in_dim3A_421 = vector.broadcast %jit3A_420 : i32 to vector<8x128xi32>
    %select_n3A_422 = arith.select %gt3A_418, %broadcast_in_dim3A_421, %select_n3A_390 : vector<8x128xi1>, vector<8x128xi32>
    %get3A_423 = arith.constant 0 : index
    %get3A_424 = arith.constant 7040 : index
    %get3A_425 = vector.load %arg1[%get3A_423, %get3A_424] : memref<8x32768xf32, #tpu.memory_space<vmem>>, vector<8x128xf32>
    %gt3A_426 = arith.cmpf ogt, %get3A_425, %select_n3A_395 : vector<8x128xf32>
    %select_n3A_427 = arith.select %gt3A_426, %get3A_425, %select_n3A_395 : vector<8x128xi1>, vector<8x128xf32>
    %jit3A_428 = arith.constant 13 : i32
    %broadcast_in_dim3A_429 = vector.broadcast %jit3A_428 : i32 to vector<8x128xi32>
    %select_n3A_430 = arith.select %gt3A_426, %broadcast_in_dim3A_429, %select_n3A_398 : vector<8x128xi1>, vector<8x128xi32>
    %get3A_431 = arith.constant 0 : index
    %get3A_432 = arith.constant 7168 : index
    %get3A_433 = vector.load %arg1[%get3A_431, %get3A_432] : memref<8x32768xf32, #tpu.memory_space<vmem>>, vector<8x128xf32>
    %gt3A_434 = arith.cmpf ogt, %get3A_433, %select_n3A_403 : vector<8x128xf32>
    %select_n3A_435 = arith.select %gt3A_434, %get3A_433, %select_n3A_403 : vector<8x128xi1>, vector<8x128xf32>
    %jit3A_436 = arith.constant 14 : i32
    %broadcast_in_dim3A_437 = vector.broadcast %jit3A_436 : i32 to vector<8x128xi32>
    %select_n3A_438 = arith.select %gt3A_434, %broadcast_in_dim3A_437, %select_n3A_406 : vector<8x128xi1>, vector<8x128xi32>
    %get3A_439 = arith.constant 0 : index
    %get3A_440 = arith.constant 7296 : index
    %get3A_441 = vector.load %arg1[%get3A_439, %get3A_440] : memref<8x32768xf32, #tpu.memory_space<vmem>>, vector<8x128xf32>
    %gt3A_442 = arith.cmpf ogt, %get3A_441, %select_n3A_411 : vector<8x128xf32>
    %select_n3A_443 = arith.select %gt3A_442, %get3A_441, %select_n3A_411 : vector<8x128xi1>, vector<8x128xf32>
    %jit3A_444 = arith.constant 14 : i32
    %broadcast_in_dim3A_445 = vector.broadcast %jit3A_444 : i32 to vector<8x128xi32>
    %select_n3A_446 = arith.select %gt3A_442, %broadcast_in_dim3A_445, %select_n3A_414 : vector<8x128xi1>, vector<8x128xi32>
    %get3A_447 = arith.constant 0 : index
    %get3A_448 = arith.constant 7424 : index
    %get3A_449 = vector.load %arg1[%get3A_447, %get3A_448] : memref<8x32768xf32, #tpu.memory_space<vmem>>, vector<8x128xf32>
    %gt3A_450 = arith.cmpf ogt, %get3A_449, %select_n3A_419 : vector<8x128xf32>
    %select_n3A_451 = arith.select %gt3A_450, %get3A_449, %select_n3A_419 : vector<8x128xi1>, vector<8x128xf32>
    %jit3A_452 = arith.constant 14 : i32
    %broadcast_in_dim3A_453 = vector.broadcast %jit3A_452 : i32 to vector<8x128xi32>
    %select_n3A_454 = arith.select %gt3A_450, %broadcast_in_dim3A_453, %select_n3A_422 : vector<8x128xi1>, vector<8x128xi32>
    %get3A_455 = arith.constant 0 : index
    %get3A_456 = arith.constant 7552 : index
    %get3A_457 = vector.load %arg1[%get3A_455, %get3A_456] : memref<8x32768xf32, #tpu.memory_space<vmem>>, vector<8x128xf32>
    %gt3A_458 = arith.cmpf ogt, %get3A_457, %select_n3A_427 : vector<8x128xf32>
    %select_n3A_459 = arith.select %gt3A_458, %get3A_457, %select_n3A_427 : vector<8x128xi1>, vector<8x128xf32>
    %jit3A_460 = arith.constant 14 : i32
    %broadcast_in_dim3A_461 = vector.broadcast %jit3A_460 : i32 to vector<8x128xi32>
    %select_n3A_462 = arith.select %gt3A_458, %broadcast_in_dim3A_461, %select_n3A_430 : vector<8x128xi1>, vector<8x128xi32>
    %get3A_463 = arith.constant 0 : index
    %get3A_464 = arith.constant 7680 : index
    %get3A_465 = vector.load %arg1[%get3A_463, %get3A_464] : memref<8x32768xf32, #tpu.memory_space<vmem>>, vector<8x128xf32>
    %gt3A_466 = arith.cmpf ogt, %get3A_465, %select_n3A_435 : vector<8x128xf32>
    %select_n3A_467 = arith.select %gt3A_466, %get3A_465, %select_n3A_435 : vector<8x128xi1>, vector<8x128xf32>
    %jit3A_468 = arith.constant 15 : i32
    %broadcast_in_dim3A_469 = vector.broadcast %jit3A_468 : i32 to vector<8x128xi32>
    %select_n3A_470 = arith.select %gt3A_466, %broadcast_in_dim3A_469, %select_n3A_438 : vector<8x128xi1>, vector<8x128xi32>
    %get3A_471 = arith.constant 0 : index
    %get3A_472 = arith.constant 7808 : index
    %get3A_473 = vector.load %arg1[%get3A_471, %get3A_472] : memref<8x32768xf32, #tpu.memory_space<vmem>>, vector<8x128xf32>
    %gt3A_474 = arith.cmpf ogt, %get3A_473, %select_n3A_443 : vector<8x128xf32>
    %select_n3A_475 = arith.select %gt3A_474, %get3A_473, %select_n3A_443 : vector<8x128xi1>, vector<8x128xf32>
    %jit3A_476 = arith.constant 15 : i32
    %broadcast_in_dim3A_477 = vector.broadcast %jit3A_476 : i32 to vector<8x128xi32>
    %select_n3A_478 = arith.select %gt3A_474, %broadcast_in_dim3A_477, %select_n3A_446 : vector<8x128xi1>, vector<8x128xi32>
    %get3A_479 = arith.constant 0 : index
    %get3A_480 = arith.constant 7936 : index
    %get3A_481 = vector.load %arg1[%get3A_479, %get3A_480] : memref<8x32768xf32, #tpu.memory_space<vmem>>, vector<8x128xf32>
    %gt3A_482 = arith.cmpf ogt, %get3A_481, %select_n3A_451 : vector<8x128xf32>
    %select_n3A_483 = arith.select %gt3A_482, %get3A_481, %select_n3A_451 : vector<8x128xi1>, vector<8x128xf32>
    %jit3A_484 = arith.constant 15 : i32
    %broadcast_in_dim3A_485 = vector.broadcast %jit3A_484 : i32 to vector<8x128xi32>
    %select_n3A_486 = arith.select %gt3A_482, %broadcast_in_dim3A_485, %select_n3A_454 : vector<8x128xi1>, vector<8x128xi32>
    %get3A_487 = arith.constant 0 : index
    %get3A_488 = arith.constant 8064 : index
    %get3A_489 = vector.load %arg1[%get3A_487, %get3A_488] : memref<8x32768xf32, #tpu.memory_space<vmem>>, vector<8x128xf32>
    %gt3A_490 = arith.cmpf ogt, %get3A_489, %select_n3A_459 : vector<8x128xf32>
    %select_n3A_491 = arith.select %gt3A_490, %get3A_489, %select_n3A_459 : vector<8x128xi1>, vector<8x128xf32>
    %jit3A_492 = arith.constant 15 : i32
    %broadcast_in_dim3A_493 = vector.broadcast %jit3A_492 : i32 to vector<8x128xi32>
    %select_n3A_494 = arith.select %gt3A_490, %broadcast_in_dim3A_493, %select_n3A_462 : vector<8x128xi1>, vector<8x128xi32>
    %get3A_495 = arith.constant 0 : index
    %get3A_496 = arith.constant 8192 : index
    %get3A_497 = vector.load %arg1[%get3A_495, %get3A_496] : memref<8x32768xf32, #tpu.memory_space<vmem>>, vector<8x128xf32>
    %gt3A_498 = arith.cmpf ogt, %get3A_497, %select_n3A_467 : vector<8x128xf32>
    %select_n3A_499 = arith.select %gt3A_498, %get3A_497, %select_n3A_467 : vector<8x128xi1>, vector<8x128xf32>
    %jit3A_500 = arith.constant 16 : i32
    %broadcast_in_dim3A_501 = vector.broadcast %jit3A_500 : i32 to vector<8x128xi32>
    %select_n3A_502 = arith.select %gt3A_498, %broadcast_in_dim3A_501, %select_n3A_470 : vector<8x128xi1>, vector<8x128xi32>
    %get3A_503 = arith.constant 0 : index
    %get3A_504 = arith.constant 8320 : index
    %get3A_505 = vector.load %arg1[%get3A_503, %get3A_504] : memref<8x32768xf32, #tpu.memory_space<vmem>>, vector<8x128xf32>
    %gt3A_506 = arith.cmpf ogt, %get3A_505, %select_n3A_475 : vector<8x128xf32>
    %select_n3A_507 = arith.select %gt3A_506, %get3A_505, %select_n3A_475 : vector<8x128xi1>, vector<8x128xf32>
    %jit3A_508 = arith.constant 16 : i32
    %broadcast_in_dim3A_509 = vector.broadcast %jit3A_508 : i32 to vector<8x128xi32>
    %select_n3A_510 = arith.select %gt3A_506, %broadcast_in_dim3A_509, %select_n3A_478 : vector<8x128xi1>, vector<8x128xi32>
    %get3A_511 = arith.constant 0 : index
    %get3A_512 = arith.constant 8448 : index
    %get3A_513 = vector.load %arg1[%get3A_511, %get3A_512] : memref<8x32768xf32, #tpu.memory_space<vmem>>, vector<8x128xf32>
    %gt3A_514 = arith.cmpf ogt, %get3A_513, %select_n3A_483 : vector<8x128xf32>
    %select_n3A_515 = arith.select %gt3A_514, %get3A_513, %select_n3A_483 : vector<8x128xi1>, vector<8x128xf32>
    %jit3A_516 = arith.constant 16 : i32
    %broadcast_in_dim3A_517 = vector.broadcast %jit3A_516 : i32 to vector<8x128xi32>
    %select_n3A_518 = arith.select %gt3A_514, %broadcast_in_dim3A_517, %select_n3A_486 : vector<8x128xi1>, vector<8x128xi32>
    %get3A_519 = arith.constant 0 : index
    %get3A_520 = arith.constant 8576 : index
    %get3A_521 = vector.load %arg1[%get3A_519, %get3A_520] : memref<8x32768xf32, #tpu.memory_space<vmem>>, vector<8x128xf32>
    %gt3A_522 = arith.cmpf ogt, %get3A_521, %select_n3A_491 : vector<8x128xf32>
    %select_n3A_523 = arith.select %gt3A_522, %get3A_521, %select_n3A_491 : vector<8x128xi1>, vector<8x128xf32>
    %jit3A_524 = arith.constant 16 : i32
    %broadcast_in_dim3A_525 = vector.broadcast %jit3A_524 : i32 to vector<8x128xi32>
    %select_n3A_526 = arith.select %gt3A_522, %broadcast_in_dim3A_525, %select_n3A_494 : vector<8x128xi1>, vector<8x128xi32>
    %get3A_527 = arith.constant 0 : index
    %get3A_528 = arith.constant 8704 : index
    %get3A_529 = vector.load %arg1[%get3A_527, %get3A_528] : memref<8x32768xf32, #tpu.memory_space<vmem>>, vector<8x128xf32>
    %gt3A_530 = arith.cmpf ogt, %get3A_529, %select_n3A_499 : vector<8x128xf32>
    %select_n3A_531 = arith.select %gt3A_530, %get3A_529, %select_n3A_499 : vector<8x128xi1>, vector<8x128xf32>
    %jit3A_532 = arith.constant 17 : i32
    %broadcast_in_dim3A_533 = vector.broadcast %jit3A_532 : i32 to vector<8x128xi32>
    %select_n3A_534 = arith.select %gt3A_530, %broadcast_in_dim3A_533, %select_n3A_502 : vector<8x128xi1>, vector<8x128xi32>
    %get3A_535 = arith.constant 0 : index
    %get3A_536 = arith.constant 8832 : index
    %get3A_537 = vector.load %arg1[%get3A_535, %get3A_536] : memref<8x32768xf32, #tpu.memory_space<vmem>>, vector<8x128xf32>
    %gt3A_538 = arith.cmpf ogt, %get3A_537, %select_n3A_507 : vector<8x128xf32>
    %select_n3A_539 = arith.select %gt3A_538, %get3A_537, %select_n3A_507 : vector<8x128xi1>, vector<8x128xf32>
    %jit3A_540 = arith.constant 17 : i32
    %broadcast_in_dim3A_541 = vector.broadcast %jit3A_540 : i32 to vector<8x128xi32>
    %select_n3A_542 = arith.select %gt3A_538, %broadcast_in_dim3A_541, %select_n3A_510 : vector<8x128xi1>, vector<8x128xi32>
    %get3A_543 = arith.constant 0 : index
    %get3A_544 = arith.constant 8960 : index
    %get3A_545 = vector.load %arg1[%get3A_543, %get3A_544] : memref<8x32768xf32, #tpu.memory_space<vmem>>, vector<8x128xf32>
    %gt3A_546 = arith.cmpf ogt, %get3A_545, %select_n3A_515 : vector<8x128xf32>
    %select_n3A_547 = arith.select %gt3A_546, %get3A_545, %select_n3A_515 : vector<8x128xi1>, vector<8x128xf32>
    %jit3A_548 = arith.constant 17 : i32
    %broadcast_in_dim3A_549 = vector.broadcast %jit3A_548 : i32 to vector<8x128xi32>
    %select_n3A_550 = arith.select %gt3A_546, %broadcast_in_dim3A_549, %select_n3A_518 : vector<8x128xi1>, vector<8x128xi32>
    %get3A_551 = arith.constant 0 : index
    %get3A_552 = arith.constant 9088 : index
    %get3A_553 = vector.load %arg1[%get3A_551, %get3A_552] : memref<8x32768xf32, #tpu.memory_space<vmem>>, vector<8x128xf32>
    %gt3A_554 = arith.cmpf ogt, %get3A_553, %select_n3A_523 : vector<8x128xf32>
    %select_n3A_555 = arith.select %gt3A_554, %get3A_553, %select_n3A_523 : vector<8x128xi1>, vector<8x128xf32>
    %jit3A_556 = arith.constant 17 : i32
    %broadcast_in_dim3A_557 = vector.broadcast %jit3A_556 : i32 to vector<8x128xi32>
    %select_n3A_558 = arith.select %gt3A_554, %broadcast_in_dim3A_557, %select_n3A_526 : vector<8x128xi1>, vector<8x128xi32>
    %get3A_559 = arith.constant 0 : index
    %get3A_560 = arith.constant 9216 : index
    %get3A_561 = vector.load %arg1[%get3A_559, %get3A_560] : memref<8x32768xf32, #tpu.memory_space<vmem>>, vector<8x128xf32>
    %gt3A_562 = arith.cmpf ogt, %get3A_561, %select_n3A_531 : vector<8x128xf32>
    %select_n3A_563 = arith.select %gt3A_562, %get3A_561, %select_n3A_531 : vector<8x128xi1>, vector<8x128xf32>
    %jit3A_564 = arith.constant 18 : i32
    %broadcast_in_dim3A_565 = vector.broadcast %jit3A_564 : i32 to vector<8x128xi32>
    %select_n3A_566 = arith.select %gt3A_562, %broadcast_in_dim3A_565, %select_n3A_534 : vector<8x128xi1>, vector<8x128xi32>
    %get3A_567 = arith.constant 0 : index
    %get3A_568 = arith.constant 9344 : index
    %get3A_569 = vector.load %arg1[%get3A_567, %get3A_568] : memref<8x32768xf32, #tpu.memory_space<vmem>>, vector<8x128xf32>
    %gt3A_570 = arith.cmpf ogt, %get3A_569, %select_n3A_539 : vector<8x128xf32>
    %select_n3A_571 = arith.select %gt3A_570, %get3A_569, %select_n3A_539 : vector<8x128xi1>, vector<8x128xf32>
    %jit3A_572 = arith.constant 18 : i32
    %broadcast_in_dim3A_573 = vector.broadcast %jit3A_572 : i32 to vector<8x128xi32>
    %select_n3A_574 = arith.select %gt3A_570, %broadcast_in_dim3A_573, %select_n3A_542 : vector<8x128xi1>, vector<8x128xi32>
    %get3A_575 = arith.constant 0 : index
    %get3A_576 = arith.constant 9472 : index
    %get3A_577 = vector.load %arg1[%get3A_575, %get3A_576] : memref<8x32768xf32, #tpu.memory_space<vmem>>, vector<8x128xf32>
    %gt3A_578 = arith.cmpf ogt, %get3A_577, %select_n3A_547 : vector<8x128xf32>
    %select_n3A_579 = arith.select %gt3A_578, %get3A_577, %select_n3A_547 : vector<8x128xi1>, vector<8x128xf32>
    %jit3A_580 = arith.constant 18 : i32
    %broadcast_in_dim3A_581 = vector.broadcast %jit3A_580 : i32 to vector<8x128xi32>
    %select_n3A_582 = arith.select %gt3A_578, %broadcast_in_dim3A_581, %select_n3A_550 : vector<8x128xi1>, vector<8x128xi32>
    %get3A_583 = arith.constant 0 : index
    %get3A_584 = arith.constant 9600 : index
    %get3A_585 = vector.load %arg1[%get3A_583, %get3A_584] : memref<8x32768xf32, #tpu.memory_space<vmem>>, vector<8x128xf32>
    %gt3A_586 = arith.cmpf ogt, %get3A_585, %select_n3A_555 : vector<8x128xf32>
    %select_n3A_587 = arith.select %gt3A_586, %get3A_585, %select_n3A_555 : vector<8x128xi1>, vector<8x128xf32>
    %jit3A_588 = arith.constant 18 : i32
    %broadcast_in_dim3A_589 = vector.broadcast %jit3A_588 : i32 to vector<8x128xi32>
    %select_n3A_590 = arith.select %gt3A_586, %broadcast_in_dim3A_589, %select_n3A_558 : vector<8x128xi1>, vector<8x128xi32>
    %get3A_591 = arith.constant 0 : index
    %get3A_592 = arith.constant 9728 : index
    %get3A_593 = vector.load %arg1[%get3A_591, %get3A_592] : memref<8x32768xf32, #tpu.memory_space<vmem>>, vector<8x128xf32>
    %gt3A_594 = arith.cmpf ogt, %get3A_593, %select_n3A_563 : vector<8x128xf32>
    %select_n3A_595 = arith.select %gt3A_594, %get3A_593, %select_n3A_563 : vector<8x128xi1>, vector<8x128xf32>
    %jit3A_596 = arith.constant 19 : i32
    %broadcast_in_dim3A_597 = vector.broadcast %jit3A_596 : i32 to vector<8x128xi32>
    %select_n3A_598 = arith.select %gt3A_594, %broadcast_in_dim3A_597, %select_n3A_566 : vector<8x128xi1>, vector<8x128xi32>
    %get3A_599 = arith.constant 0 : index
    %get3A_600 = arith.constant 9856 : index
    %get3A_601 = vector.load %arg1[%get3A_599, %get3A_600] : memref<8x32768xf32, #tpu.memory_space<vmem>>, vector<8x128xf32>
    %gt3A_602 = arith.cmpf ogt, %get3A_601, %select_n3A_571 : vector<8x128xf32>
    %select_n3A_603 = arith.select %gt3A_602, %get3A_601, %select_n3A_571 : vector<8x128xi1>, vector<8x128xf32>
    %jit3A_604 = arith.constant 19 : i32
    %broadcast_in_dim3A_605 = vector.broadcast %jit3A_604 : i32 to vector<8x128xi32>
    %select_n3A_606 = arith.select %gt3A_602, %broadcast_in_dim3A_605, %select_n3A_574 : vector<8x128xi1>, vector<8x128xi32>
    %get3A_607 = arith.constant 0 : index
    %get3A_608 = arith.constant 9984 : index
    %get3A_609 = vector.load %arg1[%get3A_607, %get3A_608] : memref<8x32768xf32, #tpu.memory_space<vmem>>, vector<8x128xf32>
    %gt3A_610 = arith.cmpf ogt, %get3A_609, %select_n3A_579 : vector<8x128xf32>
    %select_n3A_611 = arith.select %gt3A_610, %get3A_609, %select_n3A_579 : vector<8x128xi1>, vector<8x128xf32>
    %jit3A_612 = arith.constant 19 : i32
    %broadcast_in_dim3A_613 = vector.broadcast %jit3A_612 : i32 to vector<8x128xi32>
    %select_n3A_614 = arith.select %gt3A_610, %broadcast_in_dim3A_613, %select_n3A_582 : vector<8x128xi1>, vector<8x128xi32>
    %get3A_615 = arith.constant 0 : index
    %get3A_616 = arith.constant 10112 : index
    %get3A_617 = vector.load %arg1[%get3A_615, %get3A_616] : memref<8x32768xf32, #tpu.memory_space<vmem>>, vector<8x128xf32>
    %gt3A_618 = arith.cmpf ogt, %get3A_617, %select_n3A_587 : vector<8x128xf32>
    %select_n3A_619 = arith.select %gt3A_618, %get3A_617, %select_n3A_587 : vector<8x128xi1>, vector<8x128xf32>
    %jit3A_620 = arith.constant 19 : i32
    %broadcast_in_dim3A_621 = vector.broadcast %jit3A_620 : i32 to vector<8x128xi32>
    %select_n3A_622 = arith.select %gt3A_618, %broadcast_in_dim3A_621, %select_n3A_590 : vector<8x128xi1>, vector<8x128xi32>
    %get3A_623 = arith.constant 0 : index
    %get3A_624 = arith.constant 10240 : index
    %get3A_625 = vector.load %arg1[%get3A_623, %get3A_624] : memref<8x32768xf32, #tpu.memory_space<vmem>>, vector<8x128xf32>
    %gt3A_626 = arith.cmpf ogt, %get3A_625, %select_n3A_595 : vector<8x128xf32>
    %select_n3A_627 = arith.select %gt3A_626, %get3A_625, %select_n3A_595 : vector<8x128xi1>, vector<8x128xf32>
    %jit3A_628 = arith.constant 20 : i32
    %broadcast_in_dim3A_629 = vector.broadcast %jit3A_628 : i32 to vector<8x128xi32>
    %select_n3A_630 = arith.select %gt3A_626, %broadcast_in_dim3A_629, %select_n3A_598 : vector<8x128xi1>, vector<8x128xi32>
    %get3A_631 = arith.constant 0 : index
    %get3A_632 = arith.constant 10368 : index
    %get3A_633 = vector.load %arg1[%get3A_631, %get3A_632] : memref<8x32768xf32, #tpu.memory_space<vmem>>, vector<8x128xf32>
    %gt3A_634 = arith.cmpf ogt, %get3A_633, %select_n3A_603 : vector<8x128xf32>
    %select_n3A_635 = arith.select %gt3A_634, %get3A_633, %select_n3A_603 : vector<8x128xi1>, vector<8x128xf32>
    %jit3A_636 = arith.constant 20 : i32
    %broadcast_in_dim3A_637 = vector.broadcast %jit3A_636 : i32 to vector<8x128xi32>
    %select_n3A_638 = arith.select %gt3A_634, %broadcast_in_dim3A_637, %select_n3A_606 : vector<8x128xi1>, vector<8x128xi32>
    %get3A_639 = arith.constant 0 : index
    %get3A_640 = arith.constant 10496 : index
    %get3A_641 = vector.load %arg1[%get3A_639, %get3A_640] : memref<8x32768xf32, #tpu.memory_space<vmem>>, vector<8x128xf32>
    %gt3A_642 = arith.cmpf ogt, %get3A_641, %select_n3A_611 : vector<8x128xf32>
    %select_n3A_643 = arith.select %gt3A_642, %get3A_641, %select_n3A_611 : vector<8x128xi1>, vector<8x128xf32>
    %jit3A_644 = arith.constant 20 : i32
    %broadcast_in_dim3A_645 = vector.broadcast %jit3A_644 : i32 to vector<8x128xi32>
    %select_n3A_646 = arith.select %gt3A_642, %broadcast_in_dim3A_645, %select_n3A_614 : vector<8x128xi1>, vector<8x128xi32>
    %get3A_647 = arith.constant 0 : index
    %get3A_648 = arith.constant 10624 : index
    %get3A_649 = vector.load %arg1[%get3A_647, %get3A_648] : memref<8x32768xf32, #tpu.memory_space<vmem>>, vector<8x128xf32>
    %gt3A_650 = arith.cmpf ogt, %get3A_649, %select_n3A_619 : vector<8x128xf32>
    %select_n3A_651 = arith.select %gt3A_650, %get3A_649, %select_n3A_619 : vector<8x128xi1>, vector<8x128xf32>
    %jit3A_652 = arith.constant 20 : i32
    %broadcast_in_dim3A_653 = vector.broadcast %jit3A_652 : i32 to vector<8x128xi32>
    %select_n3A_654 = arith.select %gt3A_650, %broadcast_in_dim3A_653, %select_n3A_622 : vector<8x128xi1>, vector<8x128xi32>
    %get3A_655 = arith.constant 0 : index
    %get3A_656 = arith.constant 10752 : index
    %get3A_657 = vector.load %arg1[%get3A_655, %get3A_656] : memref<8x32768xf32, #tpu.memory_space<vmem>>, vector<8x128xf32>
    %gt3A_658 = arith.cmpf ogt, %get3A_657, %select_n3A_627 : vector<8x128xf32>
    %select_n3A_659 = arith.select %gt3A_658, %get3A_657, %select_n3A_627 : vector<8x128xi1>, vector<8x128xf32>
    %jit3A_660 = arith.constant 21 : i32
    %broadcast_in_dim3A_661 = vector.broadcast %jit3A_660 : i32 to vector<8x128xi32>
    %select_n3A_662 = arith.select %gt3A_658, %broadcast_in_dim3A_661, %select_n3A_630 : vector<8x128xi1>, vector<8x128xi32>
    %get3A_663 = arith.constant 0 : index
    %get3A_664 = arith.constant 10880 : index
    %get3A_665 = vector.load %arg1[%get3A_663, %get3A_664] : memref<8x32768xf32, #tpu.memory_space<vmem>>, vector<8x128xf32>
    %gt3A_666 = arith.cmpf ogt, %get3A_665, %select_n3A_635 : vector<8x128xf32>
    %select_n3A_667 = arith.select %gt3A_666, %get3A_665, %select_n3A_635 : vector<8x128xi1>, vector<8x128xf32>
    %jit3A_668 = arith.constant 21 : i32
    %broadcast_in_dim3A_669 = vector.broadcast %jit3A_668 : i32 to vector<8x128xi32>
    %select_n3A_670 = arith.select %gt3A_666, %broadcast_in_dim3A_669, %select_n3A_638 : vector<8x128xi1>, vector<8x128xi32>
    %get3A_671 = arith.constant 0 : index
    %get3A_672 = arith.constant 11008 : index
    %get3A_673 = vector.load %arg1[%get3A_671, %get3A_672] : memref<8x32768xf32, #tpu.memory_space<vmem>>, vector<8x128xf32>
    %gt3A_674 = arith.cmpf ogt, %get3A_673, %select_n3A_643 : vector<8x128xf32>
    %select_n3A_675 = arith.select %gt3A_674, %get3A_673, %select_n3A_643 : vector<8x128xi1>, vector<8x128xf32>
    %jit3A_676 = arith.constant 21 : i32
    %broadcast_in_dim3A_677 = vector.broadcast %jit3A_676 : i32 to vector<8x128xi32>
    %select_n3A_678 = arith.select %gt3A_674, %broadcast_in_dim3A_677, %select_n3A_646 : vector<8x128xi1>, vector<8x128xi32>
    %get3A_679 = arith.constant 0 : index
    %get3A_680 = arith.constant 11136 : index
    %get3A_681 = vector.load %arg1[%get3A_679, %get3A_680] : memref<8x32768xf32, #tpu.memory_space<vmem>>, vector<8x128xf32>
    %gt3A_682 = arith.cmpf ogt, %get3A_681, %select_n3A_651 : vector<8x128xf32>
    %select_n3A_683 = arith.select %gt3A_682, %get3A_681, %select_n3A_651 : vector<8x128xi1>, vector<8x128xf32>
    %jit3A_684 = arith.constant 21 : i32
    %broadcast_in_dim3A_685 = vector.broadcast %jit3A_684 : i32 to vector<8x128xi32>
    %select_n3A_686 = arith.select %gt3A_682, %broadcast_in_dim3A_685, %select_n3A_654 : vector<8x128xi1>, vector<8x128xi32>
    %get3A_687 = arith.constant 0 : index
    %get3A_688 = arith.constant 11264 : index
    %get3A_689 = vector.load %arg1[%get3A_687, %get3A_688] : memref<8x32768xf32, #tpu.memory_space<vmem>>, vector<8x128xf32>
    %gt3A_690 = arith.cmpf ogt, %get3A_689, %select_n3A_659 : vector<8x128xf32>
    %select_n3A_691 = arith.select %gt3A_690, %get3A_689, %select_n3A_659 : vector<8x128xi1>, vector<8x128xf32>
    %jit3A_692 = arith.constant 22 : i32
    %broadcast_in_dim3A_693 = vector.broadcast %jit3A_692 : i32 to vector<8x128xi32>
    %select_n3A_694 = arith.select %gt3A_690, %broadcast_in_dim3A_693, %select_n3A_662 : vector<8x128xi1>, vector<8x128xi32>
    %get3A_695 = arith.constant 0 : index
    %get3A_696 = arith.constant 11392 : index
    %get3A_697 = vector.load %arg1[%get3A_695, %get3A_696] : memref<8x32768xf32, #tpu.memory_space<vmem>>, vector<8x128xf32>
    %gt3A_698 = arith.cmpf ogt, %get3A_697, %select_n3A_667 : vector<8x128xf32>
    %select_n3A_699 = arith.select %gt3A_698, %get3A_697, %select_n3A_667 : vector<8x128xi1>, vector<8x128xf32>
    %jit3A_700 = arith.constant 22 : i32
    %broadcast_in_dim3A_701 = vector.broadcast %jit3A_700 : i32 to vector<8x128xi32>
    %select_n3A_702 = arith.select %gt3A_698, %broadcast_in_dim3A_701, %select_n3A_670 : vector<8x128xi1>, vector<8x128xi32>
    %get3A_703 = arith.constant 0 : index
    %get3A_704 = arith.constant 11520 : index
    %get3A_705 = vector.load %arg1[%get3A_703, %get3A_704] : memref<8x32768xf32, #tpu.memory_space<vmem>>, vector<8x128xf32>
    %gt3A_706 = arith.cmpf ogt, %get3A_705, %select_n3A_675 : vector<8x128xf32>
    %select_n3A_707 = arith.select %gt3A_706, %get3A_705, %select_n3A_675 : vector<8x128xi1>, vector<8x128xf32>
    %jit3A_708 = arith.constant 22 : i32
    %broadcast_in_dim3A_709 = vector.broadcast %jit3A_708 : i32 to vector<8x128xi32>
    %select_n3A_710 = arith.select %gt3A_706, %broadcast_in_dim3A_709, %select_n3A_678 : vector<8x128xi1>, vector<8x128xi32>
    %get3A_711 = arith.constant 0 : index
    %get3A_712 = arith.constant 11648 : index
    %get3A_713 = vector.load %arg1[%get3A_711, %get3A_712] : memref<8x32768xf32, #tpu.memory_space<vmem>>, vector<8x128xf32>
    %gt3A_714 = arith.cmpf ogt, %get3A_713, %select_n3A_683 : vector<8x128xf32>
    %select_n3A_715 = arith.select %gt3A_714, %get3A_713, %select_n3A_683 : vector<8x128xi1>, vector<8x128xf32>
    %jit3A_716 = arith.constant 22 : i32
    %broadcast_in_dim3A_717 = vector.broadcast %jit3A_716 : i32 to vector<8x128xi32>
    %select_n3A_718 = arith.select %gt3A_714, %broadcast_in_dim3A_717, %select_n3A_686 : vector<8x128xi1>, vector<8x128xi32>
    %get3A_719 = arith.constant 0 : index
    %get3A_720 = arith.constant 11776 : index
    %get3A_721 = vector.load %arg1[%get3A_719, %get3A_720] : memref<8x32768xf32, #tpu.memory_space<vmem>>, vector<8x128xf32>
    %gt3A_722 = arith.cmpf ogt, %get3A_721, %select_n3A_691 : vector<8x128xf32>
    %select_n3A_723 = arith.select %gt3A_722, %get3A_721, %select_n3A_691 : vector<8x128xi1>, vector<8x128xf32>
    %jit3A_724 = arith.constant 23 : i32
    %broadcast_in_dim3A_725 = vector.broadcast %jit3A_724 : i32 to vector<8x128xi32>
    %select_n3A_726 = arith.select %gt3A_722, %broadcast_in_dim3A_725, %select_n3A_694 : vector<8x128xi1>, vector<8x128xi32>
    %get3A_727 = arith.constant 0 : index
    %get3A_728 = arith.constant 11904 : index
    %get3A_729 = vector.load %arg1[%get3A_727, %get3A_728] : memref<8x32768xf32, #tpu.memory_space<vmem>>, vector<8x128xf32>
    %gt3A_730 = arith.cmpf ogt, %get3A_729, %select_n3A_699 : vector<8x128xf32>
    %select_n3A_731 = arith.select %gt3A_730, %get3A_729, %select_n3A_699 : vector<8x128xi1>, vector<8x128xf32>
    %jit3A_732 = arith.constant 23 : i32
    %broadcast_in_dim3A_733 = vector.broadcast %jit3A_732 : i32 to vector<8x128xi32>
    %select_n3A_734 = arith.select %gt3A_730, %broadcast_in_dim3A_733, %select_n3A_702 : vector<8x128xi1>, vector<8x128xi32>
    %get3A_735 = arith.constant 0 : index
    %get3A_736 = arith.constant 12032 : index
    %get3A_737 = vector.load %arg1[%get3A_735, %get3A_736] : memref<8x32768xf32, #tpu.memory_space<vmem>>, vector<8x128xf32>
    %gt3A_738 = arith.cmpf ogt, %get3A_737, %select_n3A_707 : vector<8x128xf32>
    %select_n3A_739 = arith.select %gt3A_738, %get3A_737, %select_n3A_707 : vector<8x128xi1>, vector<8x128xf32>
    %jit3A_740 = arith.constant 23 : i32
    %broadcast_in_dim3A_741 = vector.broadcast %jit3A_740 : i32 to vector<8x128xi32>
    %select_n3A_742 = arith.select %gt3A_738, %broadcast_in_dim3A_741, %select_n3A_710 : vector<8x128xi1>, vector<8x128xi32>
    %get3A_743 = arith.constant 0 : index
    %get3A_744 = arith.constant 12160 : index
    %get3A_745 = vector.load %arg1[%get3A_743, %get3A_744] : memref<8x32768xf32, #tpu.memory_space<vmem>>, vector<8x128xf32>
    %gt3A_746 = arith.cmpf ogt, %get3A_745, %select_n3A_715 : vector<8x128xf32>
    %select_n3A_747 = arith.select %gt3A_746, %get3A_745, %select_n3A_715 : vector<8x128xi1>, vector<8x128xf32>
    %jit3A_748 = arith.constant 23 : i32
    %broadcast_in_dim3A_749 = vector.broadcast %jit3A_748 : i32 to vector<8x128xi32>
    %select_n3A_750 = arith.select %gt3A_746, %broadcast_in_dim3A_749, %select_n3A_718 : vector<8x128xi1>, vector<8x128xi32>
    %get3A_751 = arith.constant 0 : index
    %get3A_752 = arith.constant 12288 : index
    %get3A_753 = vector.load %arg1[%get3A_751, %get3A_752] : memref<8x32768xf32, #tpu.memory_space<vmem>>, vector<8x128xf32>
    %gt3A_754 = arith.cmpf ogt, %get3A_753, %select_n3A_723 : vector<8x128xf32>
    %select_n3A_755 = arith.select %gt3A_754, %get3A_753, %select_n3A_723 : vector<8x128xi1>, vector<8x128xf32>
    %jit3A_756 = arith.constant 24 : i32
    %broadcast_in_dim3A_757 = vector.broadcast %jit3A_756 : i32 to vector<8x128xi32>
    %select_n3A_758 = arith.select %gt3A_754, %broadcast_in_dim3A_757, %select_n3A_726 : vector<8x128xi1>, vector<8x128xi32>
    %get3A_759 = arith.constant 0 : index
    %get3A_760 = arith.constant 12416 : index
    %get3A_761 = vector.load %arg1[%get3A_759, %get3A_760] : memref<8x32768xf32, #tpu.memory_space<vmem>>, vector<8x128xf32>
    %gt3A_762 = arith.cmpf ogt, %get3A_761, %select_n3A_731 : vector<8x128xf32>
    %select_n3A_763 = arith.select %gt3A_762, %get3A_761, %select_n3A_731 : vector<8x128xi1>, vector<8x128xf32>
    %jit3A_764 = arith.constant 24 : i32
    %broadcast_in_dim3A_765 = vector.broadcast %jit3A_764 : i32 to vector<8x128xi32>
    %select_n3A_766 = arith.select %gt3A_762, %broadcast_in_dim3A_765, %select_n3A_734 : vector<8x128xi1>, vector<8x128xi32>
    %get3A_767 = arith.constant 0 : index
    %get3A_768 = arith.constant 12544 : index
    %get3A_769 = vector.load %arg1[%get3A_767, %get3A_768] : memref<8x32768xf32, #tpu.memory_space<vmem>>, vector<8x128xf32>
    %gt3A_770 = arith.cmpf ogt, %get3A_769, %select_n3A_739 : vector<8x128xf32>
    %select_n3A_771 = arith.select %gt3A_770, %get3A_769, %select_n3A_739 : vector<8x128xi1>, vector<8x128xf32>
    %jit3A_772 = arith.constant 24 : i32
    %broadcast_in_dim3A_773 = vector.broadcast %jit3A_772 : i32 to vector<8x128xi32>
    %select_n3A_774 = arith.select %gt3A_770, %broadcast_in_dim3A_773, %select_n3A_742 : vector<8x128xi1>, vector<8x128xi32>
    %get3A_775 = arith.constant 0 : index
    %get3A_776 = arith.constant 12672 : index
    %get3A_777 = vector.load %arg1[%get3A_775, %get3A_776] : memref<8x32768xf32, #tpu.memory_space<vmem>>, vector<8x128xf32>
    %gt3A_778 = arith.cmpf ogt, %get3A_777, %select_n3A_747 : vector<8x128xf32>
    %select_n3A_779 = arith.select %gt3A_778, %get3A_777, %select_n3A_747 : vector<8x128xi1>, vector<8x128xf32>
    %jit3A_780 = arith.constant 24 : i32
    %broadcast_in_dim3A_781 = vector.broadcast %jit3A_780 : i32 to vector<8x128xi32>
    %select_n3A_782 = arith.select %gt3A_778, %broadcast_in_dim3A_781, %select_n3A_750 : vector<8x128xi1>, vector<8x128xi32>
    %get3A_783 = arith.constant 0 : index
    %get3A_784 = arith.constant 12800 : index
    %get3A_785 = vector.load %arg1[%get3A_783, %get3A_784] : memref<8x32768xf32, #tpu.memory_space<vmem>>, vector<8x128xf32>
    %gt3A_786 = arith.cmpf ogt, %get3A_785, %select_n3A_755 : vector<8x128xf32>
    %select_n3A_787 = arith.select %gt3A_786, %get3A_785, %select_n3A_755 : vector<8x128xi1>, vector<8x128xf32>
    %jit3A_788 = arith.constant 25 : i32
    %broadcast_in_dim3A_789 = vector.broadcast %jit3A_788 : i32 to vector<8x128xi32>
    %select_n3A_790 = arith.select %gt3A_786, %broadcast_in_dim3A_789, %select_n3A_758 : vector<8x128xi1>, vector<8x128xi32>
    %get3A_791 = arith.constant 0 : index
    %get3A_792 = arith.constant 12928 : index
    %get3A_793 = vector.load %arg1[%get3A_791, %get3A_792] : memref<8x32768xf32, #tpu.memory_space<vmem>>, vector<8x128xf32>
    %gt3A_794 = arith.cmpf ogt, %get3A_793, %select_n3A_763 : vector<8x128xf32>
    %select_n3A_795 = arith.select %gt3A_794, %get3A_793, %select_n3A_763 : vector<8x128xi1>, vector<8x128xf32>
    %jit3A_796 = arith.constant 25 : i32
    %broadcast_in_dim3A_797 = vector.broadcast %jit3A_796 : i32 to vector<8x128xi32>
    %select_n3A_798 = arith.select %gt3A_794, %broadcast_in_dim3A_797, %select_n3A_766 : vector<8x128xi1>, vector<8x128xi32>
    %get3A_799 = arith.constant 0 : index
    %get3A_800 = arith.constant 13056 : index
    %get3A_801 = vector.load %arg1[%get3A_799, %get3A_800] : memref<8x32768xf32, #tpu.memory_space<vmem>>, vector<8x128xf32>
    %gt3A_802 = arith.cmpf ogt, %get3A_801, %select_n3A_771 : vector<8x128xf32>
    %select_n3A_803 = arith.select %gt3A_802, %get3A_801, %select_n3A_771 : vector<8x128xi1>, vector<8x128xf32>
    %jit3A_804 = arith.constant 25 : i32
    %broadcast_in_dim3A_805 = vector.broadcast %jit3A_804 : i32 to vector<8x128xi32>
    %select_n3A_806 = arith.select %gt3A_802, %broadcast_in_dim3A_805, %select_n3A_774 : vector<8x128xi1>, vector<8x128xi32>
    %get3A_807 = arith.constant 0 : index
    %get3A_808 = arith.constant 13184 : index
    %get3A_809 = vector.load %arg1[%get3A_807, %get3A_808] : memref<8x32768xf32, #tpu.memory_space<vmem>>, vector<8x128xf32>
    %gt3A_810 = arith.cmpf ogt, %get3A_809, %select_n3A_779 : vector<8x128xf32>
    %select_n3A_811 = arith.select %gt3A_810, %get3A_809, %select_n3A_779 : vector<8x128xi1>, vector<8x128xf32>
    %jit3A_812 = arith.constant 25 : i32
    %broadcast_in_dim3A_813 = vector.broadcast %jit3A_812 : i32 to vector<8x128xi32>
    %select_n3A_814 = arith.select %gt3A_810, %broadcast_in_dim3A_813, %select_n3A_782 : vector<8x128xi1>, vector<8x128xi32>
    %get3A_815 = arith.constant 0 : index
    %get3A_816 = arith.constant 13312 : index
    %get3A_817 = vector.load %arg1[%get3A_815, %get3A_816] : memref<8x32768xf32, #tpu.memory_space<vmem>>, vector<8x128xf32>
    %gt3A_818 = arith.cmpf ogt, %get3A_817, %select_n3A_787 : vector<8x128xf32>
    %select_n3A_819 = arith.select %gt3A_818, %get3A_817, %select_n3A_787 : vector<8x128xi1>, vector<8x128xf32>
    %jit3A_820 = arith.constant 26 : i32
    %broadcast_in_dim3A_821 = vector.broadcast %jit3A_820 : i32 to vector<8x128xi32>
    %select_n3A_822 = arith.select %gt3A_818, %broadcast_in_dim3A_821, %select_n3A_790 : vector<8x128xi1>, vector<8x128xi32>
    %get3A_823 = arith.constant 0 : index
    %get3A_824 = arith.constant 13440 : index
    %get3A_825 = vector.load %arg1[%get3A_823, %get3A_824] : memref<8x32768xf32, #tpu.memory_space<vmem>>, vector<8x128xf32>
    %gt3A_826 = arith.cmpf ogt, %get3A_825, %select_n3A_795 : vector<8x128xf32>
    %select_n3A_827 = arith.select %gt3A_826, %get3A_825, %select_n3A_795 : vector<8x128xi1>, vector<8x128xf32>
    %jit3A_828 = arith.constant 26 : i32
    %broadcast_in_dim3A_829 = vector.broadcast %jit3A_828 : i32 to vector<8x128xi32>
    %select_n3A_830 = arith.select %gt3A_826, %broadcast_in_dim3A_829, %select_n3A_798 : vector<8x128xi1>, vector<8x128xi32>
    %get3A_831 = arith.constant 0 : index
    %get3A_832 = arith.constant 13568 : index
    %get3A_833 = vector.load %arg1[%get3A_831, %get3A_832] : memref<8x32768xf32, #tpu.memory_space<vmem>>, vector<8x128xf32>
    %gt3A_834 = arith.cmpf ogt, %get3A_833, %select_n3A_803 : vector<8x128xf32>
    %select_n3A_835 = arith.select %gt3A_834, %get3A_833, %select_n3A_803 : vector<8x128xi1>, vector<8x128xf32>
    %jit3A_836 = arith.constant 26 : i32
    %broadcast_in_dim3A_837 = vector.broadcast %jit3A_836 : i32 to vector<8x128xi32>
    %select_n3A_838 = arith.select %gt3A_834, %broadcast_in_dim3A_837, %select_n3A_806 : vector<8x128xi1>, vector<8x128xi32>
    %get3A_839 = arith.constant 0 : index
    %get3A_840 = arith.constant 13696 : index
    %get3A_841 = vector.load %arg1[%get3A_839, %get3A_840] : memref<8x32768xf32, #tpu.memory_space<vmem>>, vector<8x128xf32>
    %gt3A_842 = arith.cmpf ogt, %get3A_841, %select_n3A_811 : vector<8x128xf32>
    %select_n3A_843 = arith.select %gt3A_842, %get3A_841, %select_n3A_811 : vector<8x128xi1>, vector<8x128xf32>
    %jit3A_844 = arith.constant 26 : i32
    %broadcast_in_dim3A_845 = vector.broadcast %jit3A_844 : i32 to vector<8x128xi32>
    %select_n3A_846 = arith.select %gt3A_842, %broadcast_in_dim3A_845, %select_n3A_814 : vector<8x128xi1>, vector<8x128xi32>
    %get3A_847 = arith.constant 0 : index
    %get3A_848 = arith.constant 13824 : index
    %get3A_849 = vector.load %arg1[%get3A_847, %get3A_848] : memref<8x32768xf32, #tpu.memory_space<vmem>>, vector<8x128xf32>
    %gt3A_850 = arith.cmpf ogt, %get3A_849, %select_n3A_819 : vector<8x128xf32>
    %select_n3A_851 = arith.select %gt3A_850, %get3A_849, %select_n3A_819 : vector<8x128xi1>, vector<8x128xf32>
    %jit3A_852 = arith.constant 27 : i32
    %broadcast_in_dim3A_853 = vector.broadcast %jit3A_852 : i32 to vector<8x128xi32>
    %select_n3A_854 = arith.select %gt3A_850, %broadcast_in_dim3A_853, %select_n3A_822 : vector<8x128xi1>, vector<8x128xi32>
    %get3A_855 = arith.constant 0 : index
    %get3A_856 = arith.constant 13952 : index
    %get3A_857 = vector.load %arg1[%get3A_855, %get3A_856] : memref<8x32768xf32, #tpu.memory_space<vmem>>, vector<8x128xf32>
    %gt3A_858 = arith.cmpf ogt, %get3A_857, %select_n3A_827 : vector<8x128xf32>
    %select_n3A_859 = arith.select %gt3A_858, %get3A_857, %select_n3A_827 : vector<8x128xi1>, vector<8x128xf32>
    %jit3A_860 = arith.constant 27 : i32
    %broadcast_in_dim3A_861 = vector.broadcast %jit3A_860 : i32 to vector<8x128xi32>
    %select_n3A_862 = arith.select %gt3A_858, %broadcast_in_dim3A_861, %select_n3A_830 : vector<8x128xi1>, vector<8x128xi32>
    %get3A_863 = arith.constant 0 : index
    %get3A_864 = arith.constant 14080 : index
    %get3A_865 = vector.load %arg1[%get3A_863, %get3A_864] : memref<8x32768xf32, #tpu.memory_space<vmem>>, vector<8x128xf32>
    %gt3A_866 = arith.cmpf ogt, %get3A_865, %select_n3A_835 : vector<8x128xf32>
    %select_n3A_867 = arith.select %gt3A_866, %get3A_865, %select_n3A_835 : vector<8x128xi1>, vector<8x128xf32>
    %jit3A_868 = arith.constant 27 : i32
    %broadcast_in_dim3A_869 = vector.broadcast %jit3A_868 : i32 to vector<8x128xi32>
    %select_n3A_870 = arith.select %gt3A_866, %broadcast_in_dim3A_869, %select_n3A_838 : vector<8x128xi1>, vector<8x128xi32>
    %get3A_871 = arith.constant 0 : index
    %get3A_872 = arith.constant 14208 : index
    %get3A_873 = vector.load %arg1[%get3A_871, %get3A_872] : memref<8x32768xf32, #tpu.memory_space<vmem>>, vector<8x128xf32>
    %gt3A_874 = arith.cmpf ogt, %get3A_873, %select_n3A_843 : vector<8x128xf32>
    %select_n3A_875 = arith.select %gt3A_874, %get3A_873, %select_n3A_843 : vector<8x128xi1>, vector<8x128xf32>
    %jit3A_876 = arith.constant 27 : i32
    %broadcast_in_dim3A_877 = vector.broadcast %jit3A_876 : i32 to vector<8x128xi32>
    %select_n3A_878 = arith.select %gt3A_874, %broadcast_in_dim3A_877, %select_n3A_846 : vector<8x128xi1>, vector<8x128xi32>
    %get3A_879 = arith.constant 0 : index
    %get3A_880 = arith.constant 14336 : index
    %get3A_881 = vector.load %arg1[%get3A_879, %get3A_880] : memref<8x32768xf32, #tpu.memory_space<vmem>>, vector<8x128xf32>
    %gt3A_882 = arith.cmpf ogt, %get3A_881, %select_n3A_851 : vector<8x128xf32>
    %select_n3A_883 = arith.select %gt3A_882, %get3A_881, %select_n3A_851 : vector<8x128xi1>, vector<8x128xf32>
    %jit3A_884 = arith.constant 28 : i32
    %broadcast_in_dim3A_885 = vector.broadcast %jit3A_884 : i32 to vector<8x128xi32>
    %select_n3A_886 = arith.select %gt3A_882, %broadcast_in_dim3A_885, %select_n3A_854 : vector<8x128xi1>, vector<8x128xi32>
    %get3A_887 = arith.constant 0 : index
    %get3A_888 = arith.constant 14464 : index
    %get3A_889 = vector.load %arg1[%get3A_887, %get3A_888] : memref<8x32768xf32, #tpu.memory_space<vmem>>, vector<8x128xf32>
    %gt3A_890 = arith.cmpf ogt, %get3A_889, %select_n3A_859 : vector<8x128xf32>
    %select_n3A_891 = arith.select %gt3A_890, %get3A_889, %select_n3A_859 : vector<8x128xi1>, vector<8x128xf32>
    %jit3A_892 = arith.constant 28 : i32
    %broadcast_in_dim3A_893 = vector.broadcast %jit3A_892 : i32 to vector<8x128xi32>
    %select_n3A_894 = arith.select %gt3A_890, %broadcast_in_dim3A_893, %select_n3A_862 : vector<8x128xi1>, vector<8x128xi32>
    %get3A_895 = arith.constant 0 : index
    %get3A_896 = arith.constant 14592 : index
    %get3A_897 = vector.load %arg1[%get3A_895, %get3A_896] : memref<8x32768xf32, #tpu.memory_space<vmem>>, vector<8x128xf32>
    %gt3A_898 = arith.cmpf ogt, %get3A_897, %select_n3A_867 : vector<8x128xf32>
    %select_n3A_899 = arith.select %gt3A_898, %get3A_897, %select_n3A_867 : vector<8x128xi1>, vector<8x128xf32>
    %jit3A_900 = arith.constant 28 : i32
    %broadcast_in_dim3A_901 = vector.broadcast %jit3A_900 : i32 to vector<8x128xi32>
    %select_n3A_902 = arith.select %gt3A_898, %broadcast_in_dim3A_901, %select_n3A_870 : vector<8x128xi1>, vector<8x128xi32>
    %get3A_903 = arith.constant 0 : index
    %get3A_904 = arith.constant 14720 : index
    %get3A_905 = vector.load %arg1[%get3A_903, %get3A_904] : memref<8x32768xf32, #tpu.memory_space<vmem>>, vector<8x128xf32>
    %gt3A_906 = arith.cmpf ogt, %get3A_905, %select_n3A_875 : vector<8x128xf32>
    %select_n3A_907 = arith.select %gt3A_906, %get3A_905, %select_n3A_875 : vector<8x128xi1>, vector<8x128xf32>
    %jit3A_908 = arith.constant 28 : i32
    %broadcast_in_dim3A_909 = vector.broadcast %jit3A_908 : i32 to vector<8x128xi32>
    %select_n3A_910 = arith.select %gt3A_906, %broadcast_in_dim3A_909, %select_n3A_878 : vector<8x128xi1>, vector<8x128xi32>
    %get3A_911 = arith.constant 0 : index
    %get3A_912 = arith.constant 14848 : index
    %get3A_913 = vector.load %arg1[%get3A_911, %get3A_912] : memref<8x32768xf32, #tpu.memory_space<vmem>>, vector<8x128xf32>
    %gt3A_914 = arith.cmpf ogt, %get3A_913, %select_n3A_883 : vector<8x128xf32>
    %select_n3A_915 = arith.select %gt3A_914, %get3A_913, %select_n3A_883 : vector<8x128xi1>, vector<8x128xf32>
    %jit3A_916 = arith.constant 29 : i32
    %broadcast_in_dim3A_917 = vector.broadcast %jit3A_916 : i32 to vector<8x128xi32>
    %select_n3A_918 = arith.select %gt3A_914, %broadcast_in_dim3A_917, %select_n3A_886 : vector<8x128xi1>, vector<8x128xi32>
    %get3A_919 = arith.constant 0 : index
    %get3A_920 = arith.constant 14976 : index
    %get3A_921 = vector.load %arg1[%get3A_919, %get3A_920] : memref<8x32768xf32, #tpu.memory_space<vmem>>, vector<8x128xf32>
    %gt3A_922 = arith.cmpf ogt, %get3A_921, %select_n3A_891 : vector<8x128xf32>
    %select_n3A_923 = arith.select %gt3A_922, %get3A_921, %select_n3A_891 : vector<8x128xi1>, vector<8x128xf32>
    %jit3A_924 = arith.constant 29 : i32
    %broadcast_in_dim3A_925 = vector.broadcast %jit3A_924 : i32 to vector<8x128xi32>
    %select_n3A_926 = arith.select %gt3A_922, %broadcast_in_dim3A_925, %select_n3A_894 : vector<8x128xi1>, vector<8x128xi32>
    %get3A_927 = arith.constant 0 : index
    %get3A_928 = arith.constant 15104 : index
    %get3A_929 = vector.load %arg1[%get3A_927, %get3A_928] : memref<8x32768xf32, #tpu.memory_space<vmem>>, vector<8x128xf32>
    %gt3A_930 = arith.cmpf ogt, %get3A_929, %select_n3A_899 : vector<8x128xf32>
    %select_n3A_931 = arith.select %gt3A_930, %get3A_929, %select_n3A_899 : vector<8x128xi1>, vector<8x128xf32>
    %jit3A_932 = arith.constant 29 : i32
    %broadcast_in_dim3A_933 = vector.broadcast %jit3A_932 : i32 to vector<8x128xi32>
    %select_n3A_934 = arith.select %gt3A_930, %broadcast_in_dim3A_933, %select_n3A_902 : vector<8x128xi1>, vector<8x128xi32>
    %get3A_935 = arith.constant 0 : index
    %get3A_936 = arith.constant 15232 : index
    %get3A_937 = vector.load %arg1[%get3A_935, %get3A_936] : memref<8x32768xf32, #tpu.memory_space<vmem>>, vector<8x128xf32>
    %gt3A_938 = arith.cmpf ogt, %get3A_937, %select_n3A_907 : vector<8x128xf32>
    %select_n3A_939 = arith.select %gt3A_938, %get3A_937, %select_n3A_907 : vector<8x128xi1>, vector<8x128xf32>
    %jit3A_940 = arith.constant 29 : i32
    %broadcast_in_dim3A_941 = vector.broadcast %jit3A_940 : i32 to vector<8x128xi32>
    %select_n3A_942 = arith.select %gt3A_938, %broadcast_in_dim3A_941, %select_n3A_910 : vector<8x128xi1>, vector<8x128xi32>
    %get3A_943 = arith.constant 0 : index
    %get3A_944 = arith.constant 15360 : index
    %get3A_945 = vector.load %arg1[%get3A_943, %get3A_944] : memref<8x32768xf32, #tpu.memory_space<vmem>>, vector<8x128xf32>
    %gt3A_946 = arith.cmpf ogt, %get3A_945, %select_n3A_915 : vector<8x128xf32>
    %select_n3A_947 = arith.select %gt3A_946, %get3A_945, %select_n3A_915 : vector<8x128xi1>, vector<8x128xf32>
    %jit3A_948 = arith.constant 30 : i32
    %broadcast_in_dim3A_949 = vector.broadcast %jit3A_948 : i32 to vector<8x128xi32>
    %select_n3A_950 = arith.select %gt3A_946, %broadcast_in_dim3A_949, %select_n3A_918 : vector<8x128xi1>, vector<8x128xi32>
    %get3A_951 = arith.constant 0 : index
    %get3A_952 = arith.constant 15488 : index
    %get3A_953 = vector.load %arg1[%get3A_951, %get3A_952] : memref<8x32768xf32, #tpu.memory_space<vmem>>, vector<8x128xf32>
    %gt3A_954 = arith.cmpf ogt, %get3A_953, %select_n3A_923 : vector<8x128xf32>
    %select_n3A_955 = arith.select %gt3A_954, %get3A_953, %select_n3A_923 : vector<8x128xi1>, vector<8x128xf32>
    %jit3A_956 = arith.constant 30 : i32
    %broadcast_in_dim3A_957 = vector.broadcast %jit3A_956 : i32 to vector<8x128xi32>
    %select_n3A_958 = arith.select %gt3A_954, %broadcast_in_dim3A_957, %select_n3A_926 : vector<8x128xi1>, vector<8x128xi32>
    %get3A_959 = arith.constant 0 : index
    %get3A_960 = arith.constant 15616 : index
    %get3A_961 = vector.load %arg1[%get3A_959, %get3A_960] : memref<8x32768xf32, #tpu.memory_space<vmem>>, vector<8x128xf32>
    %gt3A_962 = arith.cmpf ogt, %get3A_961, %select_n3A_931 : vector<8x128xf32>
    %select_n3A_963 = arith.select %gt3A_962, %get3A_961, %select_n3A_931 : vector<8x128xi1>, vector<8x128xf32>
    %jit3A_964 = arith.constant 30 : i32
    %broadcast_in_dim3A_965 = vector.broadcast %jit3A_964 : i32 to vector<8x128xi32>
    %select_n3A_966 = arith.select %gt3A_962, %broadcast_in_dim3A_965, %select_n3A_934 : vector<8x128xi1>, vector<8x128xi32>
    %get3A_967 = arith.constant 0 : index
    %get3A_968 = arith.constant 15744 : index
    %get3A_969 = vector.load %arg1[%get3A_967, %get3A_968] : memref<8x32768xf32, #tpu.memory_space<vmem>>, vector<8x128xf32>
    %gt3A_970 = arith.cmpf ogt, %get3A_969, %select_n3A_939 : vector<8x128xf32>
    %select_n3A_971 = arith.select %gt3A_970, %get3A_969, %select_n3A_939 : vector<8x128xi1>, vector<8x128xf32>
    %jit3A_972 = arith.constant 30 : i32
    %broadcast_in_dim3A_973 = vector.broadcast %jit3A_972 : i32 to vector<8x128xi32>
    %select_n3A_974 = arith.select %gt3A_970, %broadcast_in_dim3A_973, %select_n3A_942 : vector<8x128xi1>, vector<8x128xi32>
    %get3A_975 = arith.constant 0 : index
    %get3A_976 = arith.constant 15872 : index
    %get3A_977 = vector.load %arg1[%get3A_975, %get3A_976] : memref<8x32768xf32, #tpu.memory_space<vmem>>, vector<8x128xf32>
    %gt3A_978 = arith.cmpf ogt, %get3A_977, %select_n3A_947 : vector<8x128xf32>
    %select_n3A_979 = arith.select %gt3A_978, %get3A_977, %select_n3A_947 : vector<8x128xi1>, vector<8x128xf32>
    %jit3A_980 = arith.constant 31 : i32
    %broadcast_in_dim3A_981 = vector.broadcast %jit3A_980 : i32 to vector<8x128xi32>
    %select_n3A_982 = arith.select %gt3A_978, %broadcast_in_dim3A_981, %select_n3A_950 : vector<8x128xi1>, vector<8x128xi32>
    %get3A_983 = arith.constant 0 : index
    %get3A_984 = arith.constant 16000 : index
    %get3A_985 = vector.load %arg1[%get3A_983, %get3A_984] : memref<8x32768xf32, #tpu.memory_space<vmem>>, vector<8x128xf32>
    %gt3A_986 = arith.cmpf ogt, %get3A_985, %select_n3A_955 : vector<8x128xf32>
    %select_n3A_987 = arith.select %gt3A_986, %get3A_985, %select_n3A_955 : vector<8x128xi1>, vector<8x128xf32>
    %jit3A_988 = arith.constant 31 : i32
    %broadcast_in_dim3A_989 = vector.broadcast %jit3A_988 : i32 to vector<8x128xi32>
    %select_n3A_990 = arith.select %gt3A_986, %broadcast_in_dim3A_989, %select_n3A_958 : vector<8x128xi1>, vector<8x128xi32>
    %get3A_991 = arith.constant 0 : index
    %get3A_992 = arith.constant 16128 : index
    %get3A_993 = vector.load %arg1[%get3A_991, %get3A_992] : memref<8x32768xf32, #tpu.memory_space<vmem>>, vector<8x128xf32>
    %gt3A_994 = arith.cmpf ogt, %get3A_993, %select_n3A_963 : vector<8x128xf32>
    %select_n3A_995 = arith.select %gt3A_994, %get3A_993, %select_n3A_963 : vector<8x128xi1>, vector<8x128xf32>
    %jit3A_996 = arith.constant 31 : i32
    %broadcast_in_dim3A_997 = vector.broadcast %jit3A_996 : i32 to vector<8x128xi32>
    %select_n3A_998 = arith.select %gt3A_994, %broadcast_in_dim3A_997, %select_n3A_966 : vector<8x128xi1>, vector<8x128xi32>
    %get3A_999 = arith.constant 0 : index
    %get3A_1000 = arith.constant 16256 : index
    %get3A_1001 = vector.load %arg1[%get3A_999, %get3A_1000] : memref<8x32768xf32, #tpu.memory_space<vmem>>, vector<8x128xf32>
    %gt3A_1002 = arith.cmpf ogt, %get3A_1001, %select_n3A_971 : vector<8x128xf32>
    %select_n3A_1003 = arith.select %gt3A_1002, %get3A_1001, %select_n3A_971 : vector<8x128xi1>, vector<8x128xf32>
    %jit3A_1004 = arith.constant 31 : i32
    %broadcast_in_dim3A_1005 = vector.broadcast %jit3A_1004 : i32 to vector<8x128xi32>
    %select_n3A_1006 = arith.select %gt3A_1002, %broadcast_in_dim3A_1005, %select_n3A_974 : vector<8x128xi1>, vector<8x128xi32>
    %get3A_1007 = arith.constant 0 : index
    %get3A_1008 = arith.constant 16384 : index
    %get3A_1009 = vector.load %arg1[%get3A_1007, %get3A_1008] : memref<8x32768xf32, #tpu.memory_space<vmem>>, vector<8x128xf32>
    %gt3A_1010 = arith.cmpf ogt, %get3A_1009, %select_n3A_979 : vector<8x128xf32>
    %select_n3A_1011 = arith.select %gt3A_1010, %get3A_1009, %select_n3A_979 : vector<8x128xi1>, vector<8x128xf32>
    %jit3A_1012 = arith.constant 32 : i32
    %broadcast_in_dim3A_1013 = vector.broadcast %jit3A_1012 : i32 to vector<8x128xi32>
    %select_n3A_1014 = arith.select %gt3A_1010, %broadcast_in_dim3A_1013, %select_n3A_982 : vector<8x128xi1>, vector<8x128xi32>
    %get3A_1015 = arith.constant 0 : index
    %get3A_1016 = arith.constant 16512 : index
    %get3A_1017 = vector.load %arg1[%get3A_1015, %get3A_1016] : memref<8x32768xf32, #tpu.memory_space<vmem>>, vector<8x128xf32>
    %gt3A_1018 = arith.cmpf ogt, %get3A_1017, %select_n3A_987 : vector<8x128xf32>
    %select_n3A_1019 = arith.select %gt3A_1018, %get3A_1017, %select_n3A_987 : vector<8x128xi1>, vector<8x128xf32>
    %jit3A_1020 = arith.constant 32 : i32
    %broadcast_in_dim3A_1021 = vector.broadcast %jit3A_1020 : i32 to vector<8x128xi32>
    %select_n3A_1022 = arith.select %gt3A_1018, %broadcast_in_dim3A_1021, %select_n3A_990 : vector<8x128xi1>, vector<8x128xi32>
    %get3A_1023 = arith.constant 0 : index
    %get3A_1024 = arith.constant 16640 : index
    %get3A_1025 = vector.load %arg1[%get3A_1023, %get3A_1024] : memref<8x32768xf32, #tpu.memory_space<vmem>>, vector<8x128xf32>
    %gt3A_1026 = arith.cmpf ogt, %get3A_1025, %select_n3A_995 : vector<8x128xf32>
    %select_n3A_1027 = arith.select %gt3A_1026, %get3A_1025, %select_n3A_995 : vector<8x128xi1>, vector<8x128xf32>
    %jit3A_1028 = arith.constant 32 : i32
    %broadcast_in_dim3A_1029 = vector.broadcast %jit3A_1028 : i32 to vector<8x128xi32>
    %select_n3A_1030 = arith.select %gt3A_1026, %broadcast_in_dim3A_1029, %select_n3A_998 : vector<8x128xi1>, vector<8x128xi32>
    %get3A_1031 = arith.constant 0 : index
    %get3A_1032 = arith.constant 16768 : index
    %get3A_1033 = vector.load %arg1[%get3A_1031, %get3A_1032] : memref<8x32768xf32, #tpu.memory_space<vmem>>, vector<8x128xf32>
    %gt3A_1034 = arith.cmpf ogt, %get3A_1033, %select_n3A_1003 : vector<8x128xf32>
    %select_n3A_1035 = arith.select %gt3A_1034, %get3A_1033, %select_n3A_1003 : vector<8x128xi1>, vector<8x128xf32>
    %jit3A_1036 = arith.constant 32 : i32
    %broadcast_in_dim3A_1037 = vector.broadcast %jit3A_1036 : i32 to vector<8x128xi32>
    %select_n3A_1038 = arith.select %gt3A_1034, %broadcast_in_dim3A_1037, %select_n3A_1006 : vector<8x128xi1>, vector<8x128xi32>
    %get3A_1039 = arith.constant 0 : index
    %get3A_1040 = arith.constant 16896 : index
    %get3A_1041 = vector.load %arg1[%get3A_1039, %get3A_1040] : memref<8x32768xf32, #tpu.memory_space<vmem>>, vector<8x128xf32>
    %gt3A_1042 = arith.cmpf ogt, %get3A_1041, %select_n3A_1011 : vector<8x128xf32>
    %select_n3A_1043 = arith.select %gt3A_1042, %get3A_1041, %select_n3A_1011 : vector<8x128xi1>, vector<8x128xf32>
    %jit3A_1044 = arith.constant 33 : i32
    %broadcast_in_dim3A_1045 = vector.broadcast %jit3A_1044 : i32 to vector<8x128xi32>
    %select_n3A_1046 = arith.select %gt3A_1042, %broadcast_in_dim3A_1045, %select_n3A_1014 : vector<8x128xi1>, vector<8x128xi32>
    %get3A_1047 = arith.constant 0 : index
    %get3A_1048 = arith.constant 17024 : index
    %get3A_1049 = vector.load %arg1[%get3A_1047, %get3A_1048] : memref<8x32768xf32, #tpu.memory_space<vmem>>, vector<8x128xf32>
    %gt3A_1050 = arith.cmpf ogt, %get3A_1049, %select_n3A_1019 : vector<8x128xf32>
    %select_n3A_1051 = arith.select %gt3A_1050, %get3A_1049, %select_n3A_1019 : vector<8x128xi1>, vector<8x128xf32>
    %jit3A_1052 = arith.constant 33 : i32
    %broadcast_in_dim3A_1053 = vector.broadcast %jit3A_1052 : i32 to vector<8x128xi32>
    %select_n3A_1054 = arith.select %gt3A_1050, %broadcast_in_dim3A_1053, %select_n3A_1022 : vector<8x128xi1>, vector<8x128xi32>
    %get3A_1055 = arith.constant 0 : index
    %get3A_1056 = arith.constant 17152 : index
    %get3A_1057 = vector.load %arg1[%get3A_1055, %get3A_1056] : memref<8x32768xf32, #tpu.memory_space<vmem>>, vector<8x128xf32>
    %gt3A_1058 = arith.cmpf ogt, %get3A_1057, %select_n3A_1027 : vector<8x128xf32>
    %select_n3A_1059 = arith.select %gt3A_1058, %get3A_1057, %select_n3A_1027 : vector<8x128xi1>, vector<8x128xf32>
    %jit3A_1060 = arith.constant 33 : i32
    %broadcast_in_dim3A_1061 = vector.broadcast %jit3A_1060 : i32 to vector<8x128xi32>
    %select_n3A_1062 = arith.select %gt3A_1058, %broadcast_in_dim3A_1061, %select_n3A_1030 : vector<8x128xi1>, vector<8x128xi32>
    %get3A_1063 = arith.constant 0 : index
    %get3A_1064 = arith.constant 17280 : index
    %get3A_1065 = vector.load %arg1[%get3A_1063, %get3A_1064] : memref<8x32768xf32, #tpu.memory_space<vmem>>, vector<8x128xf32>
    %gt3A_1066 = arith.cmpf ogt, %get3A_1065, %select_n3A_1035 : vector<8x128xf32>
    %select_n3A_1067 = arith.select %gt3A_1066, %get3A_1065, %select_n3A_1035 : vector<8x128xi1>, vector<8x128xf32>
    %jit3A_1068 = arith.constant 33 : i32
    %broadcast_in_dim3A_1069 = vector.broadcast %jit3A_1068 : i32 to vector<8x128xi32>
    %select_n3A_1070 = arith.select %gt3A_1066, %broadcast_in_dim3A_1069, %select_n3A_1038 : vector<8x128xi1>, vector<8x128xi32>
    %get3A_1071 = arith.constant 0 : index
    %get3A_1072 = arith.constant 17408 : index
    %get3A_1073 = vector.load %arg1[%get3A_1071, %get3A_1072] : memref<8x32768xf32, #tpu.memory_space<vmem>>, vector<8x128xf32>
    %gt3A_1074 = arith.cmpf ogt, %get3A_1073, %select_n3A_1043 : vector<8x128xf32>
    %select_n3A_1075 = arith.select %gt3A_1074, %get3A_1073, %select_n3A_1043 : vector<8x128xi1>, vector<8x128xf32>
    %jit3A_1076 = arith.constant 34 : i32
    %broadcast_in_dim3A_1077 = vector.broadcast %jit3A_1076 : i32 to vector<8x128xi32>
    %select_n3A_1078 = arith.select %gt3A_1074, %broadcast_in_dim3A_1077, %select_n3A_1046 : vector<8x128xi1>, vector<8x128xi32>
    %get3A_1079 = arith.constant 0 : index
    %get3A_1080 = arith.constant 17536 : index
    %get3A_1081 = vector.load %arg1[%get3A_1079, %get3A_1080] : memref<8x32768xf32, #tpu.memory_space<vmem>>, vector<8x128xf32>
    %gt3A_1082 = arith.cmpf ogt, %get3A_1081, %select_n3A_1051 : vector<8x128xf32>
    %select_n3A_1083 = arith.select %gt3A_1082, %get3A_1081, %select_n3A_1051 : vector<8x128xi1>, vector<8x128xf32>
    %jit3A_1084 = arith.constant 34 : i32
    %broadcast_in_dim3A_1085 = vector.broadcast %jit3A_1084 : i32 to vector<8x128xi32>
    %select_n3A_1086 = arith.select %gt3A_1082, %broadcast_in_dim3A_1085, %select_n3A_1054 : vector<8x128xi1>, vector<8x128xi32>
    %get3A_1087 = arith.constant 0 : index
    %get3A_1088 = arith.constant 17664 : index
    %get3A_1089 = vector.load %arg1[%get3A_1087, %get3A_1088] : memref<8x32768xf32, #tpu.memory_space<vmem>>, vector<8x128xf32>
    %gt3A_1090 = arith.cmpf ogt, %get3A_1089, %select_n3A_1059 : vector<8x128xf32>
    %select_n3A_1091 = arith.select %gt3A_1090, %get3A_1089, %select_n3A_1059 : vector<8x128xi1>, vector<8x128xf32>
    %jit3A_1092 = arith.constant 34 : i32
    %broadcast_in_dim3A_1093 = vector.broadcast %jit3A_1092 : i32 to vector<8x128xi32>
    %select_n3A_1094 = arith.select %gt3A_1090, %broadcast_in_dim3A_1093, %select_n3A_1062 : vector<8x128xi1>, vector<8x128xi32>
    %get3A_1095 = arith.constant 0 : index
    %get3A_1096 = arith.constant 17792 : index
    %get3A_1097 = vector.load %arg1[%get3A_1095, %get3A_1096] : memref<8x32768xf32, #tpu.memory_space<vmem>>, vector<8x128xf32>
    %gt3A_1098 = arith.cmpf ogt, %get3A_1097, %select_n3A_1067 : vector<8x128xf32>
    %select_n3A_1099 = arith.select %gt3A_1098, %get3A_1097, %select_n3A_1067 : vector<8x128xi1>, vector<8x128xf32>
    %jit3A_1100 = arith.constant 34 : i32
    %broadcast_in_dim3A_1101 = vector.broadcast %jit3A_1100 : i32 to vector<8x128xi32>
    %select_n3A_1102 = arith.select %gt3A_1098, %broadcast_in_dim3A_1101, %select_n3A_1070 : vector<8x128xi1>, vector<8x128xi32>
    %get3A_1103 = arith.constant 0 : index
    %get3A_1104 = arith.constant 17920 : index
    %get3A_1105 = vector.load %arg1[%get3A_1103, %get3A_1104] : memref<8x32768xf32, #tpu.memory_space<vmem>>, vector<8x128xf32>
    %gt3A_1106 = arith.cmpf ogt, %get3A_1105, %select_n3A_1075 : vector<8x128xf32>
    %select_n3A_1107 = arith.select %gt3A_1106, %get3A_1105, %select_n3A_1075 : vector<8x128xi1>, vector<8x128xf32>
    %jit3A_1108 = arith.constant 35 : i32
    %broadcast_in_dim3A_1109 = vector.broadcast %jit3A_1108 : i32 to vector<8x128xi32>
    %select_n3A_1110 = arith.select %gt3A_1106, %broadcast_in_dim3A_1109, %select_n3A_1078 : vector<8x128xi1>, vector<8x128xi32>
    %get3A_1111 = arith.constant 0 : index
    %get3A_1112 = arith.constant 18048 : index
    %get3A_1113 = vector.load %arg1[%get3A_1111, %get3A_1112] : memref<8x32768xf32, #tpu.memory_space<vmem>>, vector<8x128xf32>
    %gt3A_1114 = arith.cmpf ogt, %get3A_1113, %select_n3A_1083 : vector<8x128xf32>
    %select_n3A_1115 = arith.select %gt3A_1114, %get3A_1113, %select_n3A_1083 : vector<8x128xi1>, vector<8x128xf32>
    %jit3A_1116 = arith.constant 35 : i32
    %broadcast_in_dim3A_1117 = vector.broadcast %jit3A_1116 : i32 to vector<8x128xi32>
    %select_n3A_1118 = arith.select %gt3A_1114, %broadcast_in_dim3A_1117, %select_n3A_1086 : vector<8x128xi1>, vector<8x128xi32>
    %get3A_1119 = arith.constant 0 : index
    %get3A_1120 = arith.constant 18176 : index
    %get3A_1121 = vector.load %arg1[%get3A_1119, %get3A_1120] : memref<8x32768xf32, #tpu.memory_space<vmem>>, vector<8x128xf32>
    %gt3A_1122 = arith.cmpf ogt, %get3A_1121, %select_n3A_1091 : vector<8x128xf32>
    %select_n3A_1123 = arith.select %gt3A_1122, %get3A_1121, %select_n3A_1091 : vector<8x128xi1>, vector<8x128xf32>
    %jit3A_1124 = arith.constant 35 : i32
    %broadcast_in_dim3A_1125 = vector.broadcast %jit3A_1124 : i32 to vector<8x128xi32>
    %select_n3A_1126 = arith.select %gt3A_1122, %broadcast_in_dim3A_1125, %select_n3A_1094 : vector<8x128xi1>, vector<8x128xi32>
    %get3A_1127 = arith.constant 0 : index
    %get3A_1128 = arith.constant 18304 : index
    %get3A_1129 = vector.load %arg1[%get3A_1127, %get3A_1128] : memref<8x32768xf32, #tpu.memory_space<vmem>>, vector<8x128xf32>
    %gt3A_1130 = arith.cmpf ogt, %get3A_1129, %select_n3A_1099 : vector<8x128xf32>
    %select_n3A_1131 = arith.select %gt3A_1130, %get3A_1129, %select_n3A_1099 : vector<8x128xi1>, vector<8x128xf32>
    %jit3A_1132 = arith.constant 35 : i32
    %broadcast_in_dim3A_1133 = vector.broadcast %jit3A_1132 : i32 to vector<8x128xi32>
    %select_n3A_1134 = arith.select %gt3A_1130, %broadcast_in_dim3A_1133, %select_n3A_1102 : vector<8x128xi1>, vector<8x128xi32>
    %get3A_1135 = arith.constant 0 : index
    %get3A_1136 = arith.constant 18432 : index
    %get3A_1137 = vector.load %arg1[%get3A_1135, %get3A_1136] : memref<8x32768xf32, #tpu.memory_space<vmem>>, vector<8x128xf32>
    %gt3A_1138 = arith.cmpf ogt, %get3A_1137, %select_n3A_1107 : vector<8x128xf32>
    %select_n3A_1139 = arith.select %gt3A_1138, %get3A_1137, %select_n3A_1107 : vector<8x128xi1>, vector<8x128xf32>
    %jit3A_1140 = arith.constant 36 : i32
    %broadcast_in_dim3A_1141 = vector.broadcast %jit3A_1140 : i32 to vector<8x128xi32>
    %select_n3A_1142 = arith.select %gt3A_1138, %broadcast_in_dim3A_1141, %select_n3A_1110 : vector<8x128xi1>, vector<8x128xi32>
    %get3A_1143 = arith.constant 0 : index
    %get3A_1144 = arith.constant 18560 : index
    %get3A_1145 = vector.load %arg1[%get3A_1143, %get3A_1144] : memref<8x32768xf32, #tpu.memory_space<vmem>>, vector<8x128xf32>
    %gt3A_1146 = arith.cmpf ogt, %get3A_1145, %select_n3A_1115 : vector<8x128xf32>
    %select_n3A_1147 = arith.select %gt3A_1146, %get3A_1145, %select_n3A_1115 : vector<8x128xi1>, vector<8x128xf32>
    %jit3A_1148 = arith.constant 36 : i32
    %broadcast_in_dim3A_1149 = vector.broadcast %jit3A_1148 : i32 to vector<8x128xi32>
    %select_n3A_1150 = arith.select %gt3A_1146, %broadcast_in_dim3A_1149, %select_n3A_1118 : vector<8x128xi1>, vector<8x128xi32>
    %get3A_1151 = arith.constant 0 : index
    %get3A_1152 = arith.constant 18688 : index
    %get3A_1153 = vector.load %arg1[%get3A_1151, %get3A_1152] : memref<8x32768xf32, #tpu.memory_space<vmem>>, vector<8x128xf32>
    %gt3A_1154 = arith.cmpf ogt, %get3A_1153, %select_n3A_1123 : vector<8x128xf32>
    %select_n3A_1155 = arith.select %gt3A_1154, %get3A_1153, %select_n3A_1123 : vector<8x128xi1>, vector<8x128xf32>
    %jit3A_1156 = arith.constant 36 : i32
    %broadcast_in_dim3A_1157 = vector.broadcast %jit3A_1156 : i32 to vector<8x128xi32>
    %select_n3A_1158 = arith.select %gt3A_1154, %broadcast_in_dim3A_1157, %select_n3A_1126 : vector<8x128xi1>, vector<8x128xi32>
    %get3A_1159 = arith.constant 0 : index
    %get3A_1160 = arith.constant 18816 : index
    %get3A_1161 = vector.load %arg1[%get3A_1159, %get3A_1160] : memref<8x32768xf32, #tpu.memory_space<vmem>>, vector<8x128xf32>
    %gt3A_1162 = arith.cmpf ogt, %get3A_1161, %select_n3A_1131 : vector<8x128xf32>
    %select_n3A_1163 = arith.select %gt3A_1162, %get3A_1161, %select_n3A_1131 : vector<8x128xi1>, vector<8x128xf32>
    %jit3A_1164 = arith.constant 36 : i32
    %broadcast_in_dim3A_1165 = vector.broadcast %jit3A_1164 : i32 to vector<8x128xi32>
    %select_n3A_1166 = arith.select %gt3A_1162, %broadcast_in_dim3A_1165, %select_n3A_1134 : vector<8x128xi1>, vector<8x128xi32>
    %get3A_1167 = arith.constant 0 : index
    %get3A_1168 = arith.constant 18944 : index
    %get3A_1169 = vector.load %arg1[%get3A_1167, %get3A_1168] : memref<8x32768xf32, #tpu.memory_space<vmem>>, vector<8x128xf32>
    %gt3A_1170 = arith.cmpf ogt, %get3A_1169, %select_n3A_1139 : vector<8x128xf32>
    %select_n3A_1171 = arith.select %gt3A_1170, %get3A_1169, %select_n3A_1139 : vector<8x128xi1>, vector<8x128xf32>
    %jit3A_1172 = arith.constant 37 : i32
    %broadcast_in_dim3A_1173 = vector.broadcast %jit3A_1172 : i32 to vector<8x128xi32>
    %select_n3A_1174 = arith.select %gt3A_1170, %broadcast_in_dim3A_1173, %select_n3A_1142 : vector<8x128xi1>, vector<8x128xi32>
    %get3A_1175 = arith.constant 0 : index
    %get3A_1176 = arith.constant 19072 : index
    %get3A_1177 = vector.load %arg1[%get3A_1175, %get3A_1176] : memref<8x32768xf32, #tpu.memory_space<vmem>>, vector<8x128xf32>
    %gt3A_1178 = arith.cmpf ogt, %get3A_1177, %select_n3A_1147 : vector<8x128xf32>
    %select_n3A_1179 = arith.select %gt3A_1178, %get3A_1177, %select_n3A_1147 : vector<8x128xi1>, vector<8x128xf32>
    %jit3A_1180 = arith.constant 37 : i32
    %broadcast_in_dim3A_1181 = vector.broadcast %jit3A_1180 : i32 to vector<8x128xi32>
    %select_n3A_1182 = arith.select %gt3A_1178, %broadcast_in_dim3A_1181, %select_n3A_1150 : vector<8x128xi1>, vector<8x128xi32>
    %get3A_1183 = arith.constant 0 : index
    %get3A_1184 = arith.constant 19200 : index
    %get3A_1185 = vector.load %arg1[%get3A_1183, %get3A_1184] : memref<8x32768xf32, #tpu.memory_space<vmem>>, vector<8x128xf32>
    %gt3A_1186 = arith.cmpf ogt, %get3A_1185, %select_n3A_1155 : vector<8x128xf32>
    %select_n3A_1187 = arith.select %gt3A_1186, %get3A_1185, %select_n3A_1155 : vector<8x128xi1>, vector<8x128xf32>
    %jit3A_1188 = arith.constant 37 : i32
    %broadcast_in_dim3A_1189 = vector.broadcast %jit3A_1188 : i32 to vector<8x128xi32>
    %select_n3A_1190 = arith.select %gt3A_1186, %broadcast_in_dim3A_1189, %select_n3A_1158 : vector<8x128xi1>, vector<8x128xi32>
    %get3A_1191 = arith.constant 0 : index
    %get3A_1192 = arith.constant 19328 : index
    %get3A_1193 = vector.load %arg1[%get3A_1191, %get3A_1192] : memref<8x32768xf32, #tpu.memory_space<vmem>>, vector<8x128xf32>
    %gt3A_1194 = arith.cmpf ogt, %get3A_1193, %select_n3A_1163 : vector<8x128xf32>
    %select_n3A_1195 = arith.select %gt3A_1194, %get3A_1193, %select_n3A_1163 : vector<8x128xi1>, vector<8x128xf32>
    %jit3A_1196 = arith.constant 37 : i32
    %broadcast_in_dim3A_1197 = vector.broadcast %jit3A_1196 : i32 to vector<8x128xi32>
    %select_n3A_1198 = arith.select %gt3A_1194, %broadcast_in_dim3A_1197, %select_n3A_1166 : vector<8x128xi1>, vector<8x128xi32>
    %get3A_1199 = arith.constant 0 : index
    %get3A_1200 = arith.constant 19456 : index
    %get3A_1201 = vector.load %arg1[%get3A_1199, %get3A_1200] : memref<8x32768xf32, #tpu.memory_space<vmem>>, vector<8x128xf32>
    %gt3A_1202 = arith.cmpf ogt, %get3A_1201, %select_n3A_1171 : vector<8x128xf32>
    %select_n3A_1203 = arith.select %gt3A_1202, %get3A_1201, %select_n3A_1171 : vector<8x128xi1>, vector<8x128xf32>
    %jit3A_1204 = arith.constant 38 : i32
    %broadcast_in_dim3A_1205 = vector.broadcast %jit3A_1204 : i32 to vector<8x128xi32>
    %select_n3A_1206 = arith.select %gt3A_1202, %broadcast_in_dim3A_1205, %select_n3A_1174 : vector<8x128xi1>, vector<8x128xi32>
    %get3A_1207 = arith.constant 0 : index
    %get3A_1208 = arith.constant 19584 : index
    %get3A_1209 = vector.load %arg1[%get3A_1207, %get3A_1208] : memref<8x32768xf32, #tpu.memory_space<vmem>>, vector<8x128xf32>
    %gt3A_1210 = arith.cmpf ogt, %get3A_1209, %select_n3A_1179 : vector<8x128xf32>
    %select_n3A_1211 = arith.select %gt3A_1210, %get3A_1209, %select_n3A_1179 : vector<8x128xi1>, vector<8x128xf32>
    %jit3A_1212 = arith.constant 38 : i32
    %broadcast_in_dim3A_1213 = vector.broadcast %jit3A_1212 : i32 to vector<8x128xi32>
    %select_n3A_1214 = arith.select %gt3A_1210, %broadcast_in_dim3A_1213, %select_n3A_1182 : vector<8x128xi1>, vector<8x128xi32>
    %get3A_1215 = arith.constant 0 : index
    %get3A_1216 = arith.constant 19712 : index
    %get3A_1217 = vector.load %arg1[%get3A_1215, %get3A_1216] : memref<8x32768xf32, #tpu.memory_space<vmem>>, vector<8x128xf32>
    %gt3A_1218 = arith.cmpf ogt, %get3A_1217, %select_n3A_1187 : vector<8x128xf32>
    %select_n3A_1219 = arith.select %gt3A_1218, %get3A_1217, %select_n3A_1187 : vector<8x128xi1>, vector<8x128xf32>
    %jit3A_1220 = arith.constant 38 : i32
    %broadcast_in_dim3A_1221 = vector.broadcast %jit3A_1220 : i32 to vector<8x128xi32>
    %select_n3A_1222 = arith.select %gt3A_1218, %broadcast_in_dim3A_1221, %select_n3A_1190 : vector<8x128xi1>, vector<8x128xi32>
    %get3A_1223 = arith.constant 0 : index
    %get3A_1224 = arith.constant 19840 : index
    %get3A_1225 = vector.load %arg1[%get3A_1223, %get3A_1224] : memref<8x32768xf32, #tpu.memory_space<vmem>>, vector<8x128xf32>
    %gt3A_1226 = arith.cmpf ogt, %get3A_1225, %select_n3A_1195 : vector<8x128xf32>
    %select_n3A_1227 = arith.select %gt3A_1226, %get3A_1225, %select_n3A_1195 : vector<8x128xi1>, vector<8x128xf32>
    %jit3A_1228 = arith.constant 38 : i32
    %broadcast_in_dim3A_1229 = vector.broadcast %jit3A_1228 : i32 to vector<8x128xi32>
    %select_n3A_1230 = arith.select %gt3A_1226, %broadcast_in_dim3A_1229, %select_n3A_1198 : vector<8x128xi1>, vector<8x128xi32>
    %get3A_1231 = arith.constant 0 : index
    %get3A_1232 = arith.constant 19968 : index
    %get3A_1233 = vector.load %arg1[%get3A_1231, %get3A_1232] : memref<8x32768xf32, #tpu.memory_space<vmem>>, vector<8x128xf32>
    %gt3A_1234 = arith.cmpf ogt, %get3A_1233, %select_n3A_1203 : vector<8x128xf32>
    %select_n3A_1235 = arith.select %gt3A_1234, %get3A_1233, %select_n3A_1203 : vector<8x128xi1>, vector<8x128xf32>
    %jit3A_1236 = arith.constant 39 : i32
    %broadcast_in_dim3A_1237 = vector.broadcast %jit3A_1236 : i32 to vector<8x128xi32>
    %select_n3A_1238 = arith.select %gt3A_1234, %broadcast_in_dim3A_1237, %select_n3A_1206 : vector<8x128xi1>, vector<8x128xi32>
    %get3A_1239 = arith.constant 0 : index
    %get3A_1240 = arith.constant 20096 : index
    %get3A_1241 = vector.load %arg1[%get3A_1239, %get3A_1240] : memref<8x32768xf32, #tpu.memory_space<vmem>>, vector<8x128xf32>
    %gt3A_1242 = arith.cmpf ogt, %get3A_1241, %select_n3A_1211 : vector<8x128xf32>
    %select_n3A_1243 = arith.select %gt3A_1242, %get3A_1241, %select_n3A_1211 : vector<8x128xi1>, vector<8x128xf32>
    %jit3A_1244 = arith.constant 39 : i32
    %broadcast_in_dim3A_1245 = vector.broadcast %jit3A_1244 : i32 to vector<8x128xi32>
    %select_n3A_1246 = arith.select %gt3A_1242, %broadcast_in_dim3A_1245, %select_n3A_1214 : vector<8x128xi1>, vector<8x128xi32>
    %get3A_1247 = arith.constant 0 : index
    %get3A_1248 = arith.constant 20224 : index
    %get3A_1249 = vector.load %arg1[%get3A_1247, %get3A_1248] : memref<8x32768xf32, #tpu.memory_space<vmem>>, vector<8x128xf32>
    %gt3A_1250 = arith.cmpf ogt, %get3A_1249, %select_n3A_1219 : vector<8x128xf32>
    %select_n3A_1251 = arith.select %gt3A_1250, %get3A_1249, %select_n3A_1219 : vector<8x128xi1>, vector<8x128xf32>
    %jit3A_1252 = arith.constant 39 : i32
    %broadcast_in_dim3A_1253 = vector.broadcast %jit3A_1252 : i32 to vector<8x128xi32>
    %select_n3A_1254 = arith.select %gt3A_1250, %broadcast_in_dim3A_1253, %select_n3A_1222 : vector<8x128xi1>, vector<8x128xi32>
    %get3A_1255 = arith.constant 0 : index
    %get3A_1256 = arith.constant 20352 : index
    %get3A_1257 = vector.load %arg1[%get3A_1255, %get3A_1256] : memref<8x32768xf32, #tpu.memory_space<vmem>>, vector<8x128xf32>
    %gt3A_1258 = arith.cmpf ogt, %get3A_1257, %select_n3A_1227 : vector<8x128xf32>
    %select_n3A_1259 = arith.select %gt3A_1258, %get3A_1257, %select_n3A_1227 : vector<8x128xi1>, vector<8x128xf32>
    %jit3A_1260 = arith.constant 39 : i32
    %broadcast_in_dim3A_1261 = vector.broadcast %jit3A_1260 : i32 to vector<8x128xi32>
    %select_n3A_1262 = arith.select %gt3A_1258, %broadcast_in_dim3A_1261, %select_n3A_1230 : vector<8x128xi1>, vector<8x128xi32>
    %get3A_1263 = arith.constant 0 : index
    %get3A_1264 = arith.constant 20480 : index
    %get3A_1265 = vector.load %arg1[%get3A_1263, %get3A_1264] : memref<8x32768xf32, #tpu.memory_space<vmem>>, vector<8x128xf32>
    %gt3A_1266 = arith.cmpf ogt, %get3A_1265, %select_n3A_1235 : vector<8x128xf32>
    %select_n3A_1267 = arith.select %gt3A_1266, %get3A_1265, %select_n3A_1235 : vector<8x128xi1>, vector<8x128xf32>
    %jit3A_1268 = arith.constant 40 : i32
    %broadcast_in_dim3A_1269 = vector.broadcast %jit3A_1268 : i32 to vector<8x128xi32>
    %select_n3A_1270 = arith.select %gt3A_1266, %broadcast_in_dim3A_1269, %select_n3A_1238 : vector<8x128xi1>, vector<8x128xi32>
    %get3A_1271 = arith.constant 0 : index
    %get3A_1272 = arith.constant 20608 : index
    %get3A_1273 = vector.load %arg1[%get3A_1271, %get3A_1272] : memref<8x32768xf32, #tpu.memory_space<vmem>>, vector<8x128xf32>
    %gt3A_1274 = arith.cmpf ogt, %get3A_1273, %select_n3A_1243 : vector<8x128xf32>
    %select_n3A_1275 = arith.select %gt3A_1274, %get3A_1273, %select_n3A_1243 : vector<8x128xi1>, vector<8x128xf32>
    %jit3A_1276 = arith.constant 40 : i32
    %broadcast_in_dim3A_1277 = vector.broadcast %jit3A_1276 : i32 to vector<8x128xi32>
    %select_n3A_1278 = arith.select %gt3A_1274, %broadcast_in_dim3A_1277, %select_n3A_1246 : vector<8x128xi1>, vector<8x128xi32>
    %get3A_1279 = arith.constant 0 : index
    %get3A_1280 = arith.constant 20736 : index
    %get3A_1281 = vector.load %arg1[%get3A_1279, %get3A_1280] : memref<8x32768xf32, #tpu.memory_space<vmem>>, vector<8x128xf32>
    %gt3A_1282 = arith.cmpf ogt, %get3A_1281, %select_n3A_1251 : vector<8x128xf32>
    %select_n3A_1283 = arith.select %gt3A_1282, %get3A_1281, %select_n3A_1251 : vector<8x128xi1>, vector<8x128xf32>
    %jit3A_1284 = arith.constant 40 : i32
    %broadcast_in_dim3A_1285 = vector.broadcast %jit3A_1284 : i32 to vector<8x128xi32>
    %select_n3A_1286 = arith.select %gt3A_1282, %broadcast_in_dim3A_1285, %select_n3A_1254 : vector<8x128xi1>, vector<8x128xi32>
    %get3A_1287 = arith.constant 0 : index
    %get3A_1288 = arith.constant 20864 : index
    %get3A_1289 = vector.load %arg1[%get3A_1287, %get3A_1288] : memref<8x32768xf32, #tpu.memory_space<vmem>>, vector<8x128xf32>
    %gt3A_1290 = arith.cmpf ogt, %get3A_1289, %select_n3A_1259 : vector<8x128xf32>
    %select_n3A_1291 = arith.select %gt3A_1290, %get3A_1289, %select_n3A_1259 : vector<8x128xi1>, vector<8x128xf32>
    %jit3A_1292 = arith.constant 40 : i32
    %broadcast_in_dim3A_1293 = vector.broadcast %jit3A_1292 : i32 to vector<8x128xi32>
    %select_n3A_1294 = arith.select %gt3A_1290, %broadcast_in_dim3A_1293, %select_n3A_1262 : vector<8x128xi1>, vector<8x128xi32>
    %get3A_1295 = arith.constant 0 : index
    %get3A_1296 = arith.constant 20992 : index
    %get3A_1297 = vector.load %arg1[%get3A_1295, %get3A_1296] : memref<8x32768xf32, #tpu.memory_space<vmem>>, vector<8x128xf32>
    %gt3A_1298 = arith.cmpf ogt, %get3A_1297, %select_n3A_1267 : vector<8x128xf32>
    %select_n3A_1299 = arith.select %gt3A_1298, %get3A_1297, %select_n3A_1267 : vector<8x128xi1>, vector<8x128xf32>
    %jit3A_1300 = arith.constant 41 : i32
    %broadcast_in_dim3A_1301 = vector.broadcast %jit3A_1300 : i32 to vector<8x128xi32>
    %select_n3A_1302 = arith.select %gt3A_1298, %broadcast_in_dim3A_1301, %select_n3A_1270 : vector<8x128xi1>, vector<8x128xi32>
    %get3A_1303 = arith.constant 0 : index
    %get3A_1304 = arith.constant 21120 : index
    %get3A_1305 = vector.load %arg1[%get3A_1303, %get3A_1304] : memref<8x32768xf32, #tpu.memory_space<vmem>>, vector<8x128xf32>
    %gt3A_1306 = arith.cmpf ogt, %get3A_1305, %select_n3A_1275 : vector<8x128xf32>
    %select_n3A_1307 = arith.select %gt3A_1306, %get3A_1305, %select_n3A_1275 : vector<8x128xi1>, vector<8x128xf32>
    %jit3A_1308 = arith.constant 41 : i32
    %broadcast_in_dim3A_1309 = vector.broadcast %jit3A_1308 : i32 to vector<8x128xi32>
    %select_n3A_1310 = arith.select %gt3A_1306, %broadcast_in_dim3A_1309, %select_n3A_1278 : vector<8x128xi1>, vector<8x128xi32>
    %get3A_1311 = arith.constant 0 : index
    %get3A_1312 = arith.constant 21248 : index
    %get3A_1313 = vector.load %arg1[%get3A_1311, %get3A_1312] : memref<8x32768xf32, #tpu.memory_space<vmem>>, vector<8x128xf32>
    %gt3A_1314 = arith.cmpf ogt, %get3A_1313, %select_n3A_1283 : vector<8x128xf32>
    %select_n3A_1315 = arith.select %gt3A_1314, %get3A_1313, %select_n3A_1283 : vector<8x128xi1>, vector<8x128xf32>
    %jit3A_1316 = arith.constant 41 : i32
    %broadcast_in_dim3A_1317 = vector.broadcast %jit3A_1316 : i32 to vector<8x128xi32>
    %select_n3A_1318 = arith.select %gt3A_1314, %broadcast_in_dim3A_1317, %select_n3A_1286 : vector<8x128xi1>, vector<8x128xi32>
    %get3A_1319 = arith.constant 0 : index
    %get3A_1320 = arith.constant 21376 : index
    %get3A_1321 = vector.load %arg1[%get3A_1319, %get3A_1320] : memref<8x32768xf32, #tpu.memory_space<vmem>>, vector<8x128xf32>
    %gt3A_1322 = arith.cmpf ogt, %get3A_1321, %select_n3A_1291 : vector<8x128xf32>
    %select_n3A_1323 = arith.select %gt3A_1322, %get3A_1321, %select_n3A_1291 : vector<8x128xi1>, vector<8x128xf32>
    %jit3A_1324 = arith.constant 41 : i32
    %broadcast_in_dim3A_1325 = vector.broadcast %jit3A_1324 : i32 to vector<8x128xi32>
    %select_n3A_1326 = arith.select %gt3A_1322, %broadcast_in_dim3A_1325, %select_n3A_1294 : vector<8x128xi1>, vector<8x128xi32>
    %get3A_1327 = arith.constant 0 : index
    %get3A_1328 = arith.constant 21504 : index
    %get3A_1329 = vector.load %arg1[%get3A_1327, %get3A_1328] : memref<8x32768xf32, #tpu.memory_space<vmem>>, vector<8x128xf32>
    %gt3A_1330 = arith.cmpf ogt, %get3A_1329, %select_n3A_1299 : vector<8x128xf32>
    %select_n3A_1331 = arith.select %gt3A_1330, %get3A_1329, %select_n3A_1299 : vector<8x128xi1>, vector<8x128xf32>
    %jit3A_1332 = arith.constant 42 : i32
    %broadcast_in_dim3A_1333 = vector.broadcast %jit3A_1332 : i32 to vector<8x128xi32>
    %select_n3A_1334 = arith.select %gt3A_1330, %broadcast_in_dim3A_1333, %select_n3A_1302 : vector<8x128xi1>, vector<8x128xi32>
    %get3A_1335 = arith.constant 0 : index
    %get3A_1336 = arith.constant 21632 : index
    %get3A_1337 = vector.load %arg1[%get3A_1335, %get3A_1336] : memref<8x32768xf32, #tpu.memory_space<vmem>>, vector<8x128xf32>
    %gt3A_1338 = arith.cmpf ogt, %get3A_1337, %select_n3A_1307 : vector<8x128xf32>
    %select_n3A_1339 = arith.select %gt3A_1338, %get3A_1337, %select_n3A_1307 : vector<8x128xi1>, vector<8x128xf32>
    %jit3A_1340 = arith.constant 42 : i32
    %broadcast_in_dim3A_1341 = vector.broadcast %jit3A_1340 : i32 to vector<8x128xi32>
    %select_n3A_1342 = arith.select %gt3A_1338, %broadcast_in_dim3A_1341, %select_n3A_1310 : vector<8x128xi1>, vector<8x128xi32>
    %get3A_1343 = arith.constant 0 : index
    %get3A_1344 = arith.constant 21760 : index
    %get3A_1345 = vector.load %arg1[%get3A_1343, %get3A_1344] : memref<8x32768xf32, #tpu.memory_space<vmem>>, vector<8x128xf32>
    %gt3A_1346 = arith.cmpf ogt, %get3A_1345, %select_n3A_1315 : vector<8x128xf32>
    %select_n3A_1347 = arith.select %gt3A_1346, %get3A_1345, %select_n3A_1315 : vector<8x128xi1>, vector<8x128xf32>
    %jit3A_1348 = arith.constant 42 : i32
    %broadcast_in_dim3A_1349 = vector.broadcast %jit3A_1348 : i32 to vector<8x128xi32>
    %select_n3A_1350 = arith.select %gt3A_1346, %broadcast_in_dim3A_1349, %select_n3A_1318 : vector<8x128xi1>, vector<8x128xi32>
    %get3A_1351 = arith.constant 0 : index
    %get3A_1352 = arith.constant 21888 : index
    %get3A_1353 = vector.load %arg1[%get3A_1351, %get3A_1352] : memref<8x32768xf32, #tpu.memory_space<vmem>>, vector<8x128xf32>
    %gt3A_1354 = arith.cmpf ogt, %get3A_1353, %select_n3A_1323 : vector<8x128xf32>
    %select_n3A_1355 = arith.select %gt3A_1354, %get3A_1353, %select_n3A_1323 : vector<8x128xi1>, vector<8x128xf32>
    %jit3A_1356 = arith.constant 42 : i32
    %broadcast_in_dim3A_1357 = vector.broadcast %jit3A_1356 : i32 to vector<8x128xi32>
    %select_n3A_1358 = arith.select %gt3A_1354, %broadcast_in_dim3A_1357, %select_n3A_1326 : vector<8x128xi1>, vector<8x128xi32>
    %get3A_1359 = arith.constant 0 : index
    %get3A_1360 = arith.constant 22016 : index
    %get3A_1361 = vector.load %arg1[%get3A_1359, %get3A_1360] : memref<8x32768xf32, #tpu.memory_space<vmem>>, vector<8x128xf32>
    %gt3A_1362 = arith.cmpf ogt, %get3A_1361, %select_n3A_1331 : vector<8x128xf32>
    %select_n3A_1363 = arith.select %gt3A_1362, %get3A_1361, %select_n3A_1331 : vector<8x128xi1>, vector<8x128xf32>
    %jit3A_1364 = arith.constant 43 : i32
    %broadcast_in_dim3A_1365 = vector.broadcast %jit3A_1364 : i32 to vector<8x128xi32>
    %select_n3A_1366 = arith.select %gt3A_1362, %broadcast_in_dim3A_1365, %select_n3A_1334 : vector<8x128xi1>, vector<8x128xi32>
    %get3A_1367 = arith.constant 0 : index
    %get3A_1368 = arith.constant 22144 : index
    %get3A_1369 = vector.load %arg1[%get3A_1367, %get3A_1368] : memref<8x32768xf32, #tpu.memory_space<vmem>>, vector<8x128xf32>
    %gt3A_1370 = arith.cmpf ogt, %get3A_1369, %select_n3A_1339 : vector<8x128xf32>
    %select_n3A_1371 = arith.select %gt3A_1370, %get3A_1369, %select_n3A_1339 : vector<8x128xi1>, vector<8x128xf32>
    %jit3A_1372 = arith.constant 43 : i32
    %broadcast_in_dim3A_1373 = vector.broadcast %jit3A_1372 : i32 to vector<8x128xi32>
    %select_n3A_1374 = arith.select %gt3A_1370, %broadcast_in_dim3A_1373, %select_n3A_1342 : vector<8x128xi1>, vector<8x128xi32>
    %get3A_1375 = arith.constant 0 : index
    %get3A_1376 = arith.constant 22272 : index
    %get3A_1377 = vector.load %arg1[%get3A_1375, %get3A_1376] : memref<8x32768xf32, #tpu.memory_space<vmem>>, vector<8x128xf32>
    %gt3A_1378 = arith.cmpf ogt, %get3A_1377, %select_n3A_1347 : vector<8x128xf32>
    %select_n3A_1379 = arith.select %gt3A_1378, %get3A_1377, %select_n3A_1347 : vector<8x128xi1>, vector<8x128xf32>
    %jit3A_1380 = arith.constant 43 : i32
    %broadcast_in_dim3A_1381 = vector.broadcast %jit3A_1380 : i32 to vector<8x128xi32>
    %select_n3A_1382 = arith.select %gt3A_1378, %broadcast_in_dim3A_1381, %select_n3A_1350 : vector<8x128xi1>, vector<8x128xi32>
    %get3A_1383 = arith.constant 0 : index
    %get3A_1384 = arith.constant 22400 : index
    %get3A_1385 = vector.load %arg1[%get3A_1383, %get3A_1384] : memref<8x32768xf32, #tpu.memory_space<vmem>>, vector<8x128xf32>
    %gt3A_1386 = arith.cmpf ogt, %get3A_1385, %select_n3A_1355 : vector<8x128xf32>
    %select_n3A_1387 = arith.select %gt3A_1386, %get3A_1385, %select_n3A_1355 : vector<8x128xi1>, vector<8x128xf32>
    %jit3A_1388 = arith.constant 43 : i32
    %broadcast_in_dim3A_1389 = vector.broadcast %jit3A_1388 : i32 to vector<8x128xi32>
    %select_n3A_1390 = arith.select %gt3A_1386, %broadcast_in_dim3A_1389, %select_n3A_1358 : vector<8x128xi1>, vector<8x128xi32>
    %get3A_1391 = arith.constant 0 : index
    %get3A_1392 = arith.constant 22528 : index
    %get3A_1393 = vector.load %arg1[%get3A_1391, %get3A_1392] : memref<8x32768xf32, #tpu.memory_space<vmem>>, vector<8x128xf32>
    %gt3A_1394 = arith.cmpf ogt, %get3A_1393, %select_n3A_1363 : vector<8x128xf32>
    %select_n3A_1395 = arith.select %gt3A_1394, %get3A_1393, %select_n3A_1363 : vector<8x128xi1>, vector<8x128xf32>
    %jit3A_1396 = arith.constant 44 : i32
    %broadcast_in_dim3A_1397 = vector.broadcast %jit3A_1396 : i32 to vector<8x128xi32>
    %select_n3A_1398 = arith.select %gt3A_1394, %broadcast_in_dim3A_1397, %select_n3A_1366 : vector<8x128xi1>, vector<8x128xi32>
    %get3A_1399 = arith.constant 0 : index
    %get3A_1400 = arith.constant 22656 : index
    %get3A_1401 = vector.load %arg1[%get3A_1399, %get3A_1400] : memref<8x32768xf32, #tpu.memory_space<vmem>>, vector<8x128xf32>
    %gt3A_1402 = arith.cmpf ogt, %get3A_1401, %select_n3A_1371 : vector<8x128xf32>
    %select_n3A_1403 = arith.select %gt3A_1402, %get3A_1401, %select_n3A_1371 : vector<8x128xi1>, vector<8x128xf32>
    %jit3A_1404 = arith.constant 44 : i32
    %broadcast_in_dim3A_1405 = vector.broadcast %jit3A_1404 : i32 to vector<8x128xi32>
    %select_n3A_1406 = arith.select %gt3A_1402, %broadcast_in_dim3A_1405, %select_n3A_1374 : vector<8x128xi1>, vector<8x128xi32>
    %get3A_1407 = arith.constant 0 : index
    %get3A_1408 = arith.constant 22784 : index
    %get3A_1409 = vector.load %arg1[%get3A_1407, %get3A_1408] : memref<8x32768xf32, #tpu.memory_space<vmem>>, vector<8x128xf32>
    %gt3A_1410 = arith.cmpf ogt, %get3A_1409, %select_n3A_1379 : vector<8x128xf32>
    %select_n3A_1411 = arith.select %gt3A_1410, %get3A_1409, %select_n3A_1379 : vector<8x128xi1>, vector<8x128xf32>
    %jit3A_1412 = arith.constant 44 : i32
    %broadcast_in_dim3A_1413 = vector.broadcast %jit3A_1412 : i32 to vector<8x128xi32>
    %select_n3A_1414 = arith.select %gt3A_1410, %broadcast_in_dim3A_1413, %select_n3A_1382 : vector<8x128xi1>, vector<8x128xi32>
    %get3A_1415 = arith.constant 0 : index
    %get3A_1416 = arith.constant 22912 : index
    %get3A_1417 = vector.load %arg1[%get3A_1415, %get3A_1416] : memref<8x32768xf32, #tpu.memory_space<vmem>>, vector<8x128xf32>
    %gt3A_1418 = arith.cmpf ogt, %get3A_1417, %select_n3A_1387 : vector<8x128xf32>
    %select_n3A_1419 = arith.select %gt3A_1418, %get3A_1417, %select_n3A_1387 : vector<8x128xi1>, vector<8x128xf32>
    %jit3A_1420 = arith.constant 44 : i32
    %broadcast_in_dim3A_1421 = vector.broadcast %jit3A_1420 : i32 to vector<8x128xi32>
    %select_n3A_1422 = arith.select %gt3A_1418, %broadcast_in_dim3A_1421, %select_n3A_1390 : vector<8x128xi1>, vector<8x128xi32>
    %get3A_1423 = arith.constant 0 : index
    %get3A_1424 = arith.constant 23040 : index
    %get3A_1425 = vector.load %arg1[%get3A_1423, %get3A_1424] : memref<8x32768xf32, #tpu.memory_space<vmem>>, vector<8x128xf32>
    %gt3A_1426 = arith.cmpf ogt, %get3A_1425, %select_n3A_1395 : vector<8x128xf32>
    %select_n3A_1427 = arith.select %gt3A_1426, %get3A_1425, %select_n3A_1395 : vector<8x128xi1>, vector<8x128xf32>
    %jit3A_1428 = arith.constant 45 : i32
    %broadcast_in_dim3A_1429 = vector.broadcast %jit3A_1428 : i32 to vector<8x128xi32>
    %select_n3A_1430 = arith.select %gt3A_1426, %broadcast_in_dim3A_1429, %select_n3A_1398 : vector<8x128xi1>, vector<8x128xi32>
    %get3A_1431 = arith.constant 0 : index
    %get3A_1432 = arith.constant 23168 : index
    %get3A_1433 = vector.load %arg1[%get3A_1431, %get3A_1432] : memref<8x32768xf32, #tpu.memory_space<vmem>>, vector<8x128xf32>
    %gt3A_1434 = arith.cmpf ogt, %get3A_1433, %select_n3A_1403 : vector<8x128xf32>
    %select_n3A_1435 = arith.select %gt3A_1434, %get3A_1433, %select_n3A_1403 : vector<8x128xi1>, vector<8x128xf32>
    %jit3A_1436 = arith.constant 45 : i32
    %broadcast_in_dim3A_1437 = vector.broadcast %jit3A_1436 : i32 to vector<8x128xi32>
    %select_n3A_1438 = arith.select %gt3A_1434, %broadcast_in_dim3A_1437, %select_n3A_1406 : vector<8x128xi1>, vector<8x128xi32>
    %get3A_1439 = arith.constant 0 : index
    %get3A_1440 = arith.constant 23296 : index
    %get3A_1441 = vector.load %arg1[%get3A_1439, %get3A_1440] : memref<8x32768xf32, #tpu.memory_space<vmem>>, vector<8x128xf32>
    %gt3A_1442 = arith.cmpf ogt, %get3A_1441, %select_n3A_1411 : vector<8x128xf32>
    %select_n3A_1443 = arith.select %gt3A_1442, %get3A_1441, %select_n3A_1411 : vector<8x128xi1>, vector<8x128xf32>
    %jit3A_1444 = arith.constant 45 : i32
    %broadcast_in_dim3A_1445 = vector.broadcast %jit3A_1444 : i32 to vector<8x128xi32>
    %select_n3A_1446 = arith.select %gt3A_1442, %broadcast_in_dim3A_1445, %select_n3A_1414 : vector<8x128xi1>, vector<8x128xi32>
    %get3A_1447 = arith.constant 0 : index
    %get3A_1448 = arith.constant 23424 : index
    %get3A_1449 = vector.load %arg1[%get3A_1447, %get3A_1448] : memref<8x32768xf32, #tpu.memory_space<vmem>>, vector<8x128xf32>
    %gt3A_1450 = arith.cmpf ogt, %get3A_1449, %select_n3A_1419 : vector<8x128xf32>
    %select_n3A_1451 = arith.select %gt3A_1450, %get3A_1449, %select_n3A_1419 : vector<8x128xi1>, vector<8x128xf32>
    %jit3A_1452 = arith.constant 45 : i32
    %broadcast_in_dim3A_1453 = vector.broadcast %jit3A_1452 : i32 to vector<8x128xi32>
    %select_n3A_1454 = arith.select %gt3A_1450, %broadcast_in_dim3A_1453, %select_n3A_1422 : vector<8x128xi1>, vector<8x128xi32>
    %get3A_1455 = arith.constant 0 : index
    %get3A_1456 = arith.constant 23552 : index
    %get3A_1457 = vector.load %arg1[%get3A_1455, %get3A_1456] : memref<8x32768xf32, #tpu.memory_space<vmem>>, vector<8x128xf32>
    %gt3A_1458 = arith.cmpf ogt, %get3A_1457, %select_n3A_1427 : vector<8x128xf32>
    %select_n3A_1459 = arith.select %gt3A_1458, %get3A_1457, %select_n3A_1427 : vector<8x128xi1>, vector<8x128xf32>
    %jit3A_1460 = arith.constant 46 : i32
    %broadcast_in_dim3A_1461 = vector.broadcast %jit3A_1460 : i32 to vector<8x128xi32>
    %select_n3A_1462 = arith.select %gt3A_1458, %broadcast_in_dim3A_1461, %select_n3A_1430 : vector<8x128xi1>, vector<8x128xi32>
    %get3A_1463 = arith.constant 0 : index
    %get3A_1464 = arith.constant 23680 : index
    %get3A_1465 = vector.load %arg1[%get3A_1463, %get3A_1464] : memref<8x32768xf32, #tpu.memory_space<vmem>>, vector<8x128xf32>
    %gt3A_1466 = arith.cmpf ogt, %get3A_1465, %select_n3A_1435 : vector<8x128xf32>
    %select_n3A_1467 = arith.select %gt3A_1466, %get3A_1465, %select_n3A_1435 : vector<8x128xi1>, vector<8x128xf32>
    %jit3A_1468 = arith.constant 46 : i32
    %broadcast_in_dim3A_1469 = vector.broadcast %jit3A_1468 : i32 to vector<8x128xi32>
    %select_n3A_1470 = arith.select %gt3A_1466, %broadcast_in_dim3A_1469, %select_n3A_1438 : vector<8x128xi1>, vector<8x128xi32>
    %get3A_1471 = arith.constant 0 : index
    %get3A_1472 = arith.constant 23808 : index
    %get3A_1473 = vector.load %arg1[%get3A_1471, %get3A_1472] : memref<8x32768xf32, #tpu.memory_space<vmem>>, vector<8x128xf32>
    %gt3A_1474 = arith.cmpf ogt, %get3A_1473, %select_n3A_1443 : vector<8x128xf32>
    %select_n3A_1475 = arith.select %gt3A_1474, %get3A_1473, %select_n3A_1443 : vector<8x128xi1>, vector<8x128xf32>
    %jit3A_1476 = arith.constant 46 : i32
    %broadcast_in_dim3A_1477 = vector.broadcast %jit3A_1476 : i32 to vector<8x128xi32>
    %select_n3A_1478 = arith.select %gt3A_1474, %broadcast_in_dim3A_1477, %select_n3A_1446 : vector<8x128xi1>, vector<8x128xi32>
    %get3A_1479 = arith.constant 0 : index
    %get3A_1480 = arith.constant 23936 : index
    %get3A_1481 = vector.load %arg1[%get3A_1479, %get3A_1480] : memref<8x32768xf32, #tpu.memory_space<vmem>>, vector<8x128xf32>
    %gt3A_1482 = arith.cmpf ogt, %get3A_1481, %select_n3A_1451 : vector<8x128xf32>
    %select_n3A_1483 = arith.select %gt3A_1482, %get3A_1481, %select_n3A_1451 : vector<8x128xi1>, vector<8x128xf32>
    %jit3A_1484 = arith.constant 46 : i32
    %broadcast_in_dim3A_1485 = vector.broadcast %jit3A_1484 : i32 to vector<8x128xi32>
    %select_n3A_1486 = arith.select %gt3A_1482, %broadcast_in_dim3A_1485, %select_n3A_1454 : vector<8x128xi1>, vector<8x128xi32>
    %get3A_1487 = arith.constant 0 : index
    %get3A_1488 = arith.constant 24064 : index
    %get3A_1489 = vector.load %arg1[%get3A_1487, %get3A_1488] : memref<8x32768xf32, #tpu.memory_space<vmem>>, vector<8x128xf32>
    %gt3A_1490 = arith.cmpf ogt, %get3A_1489, %select_n3A_1459 : vector<8x128xf32>
    %select_n3A_1491 = arith.select %gt3A_1490, %get3A_1489, %select_n3A_1459 : vector<8x128xi1>, vector<8x128xf32>
    %jit3A_1492 = arith.constant 47 : i32
    %broadcast_in_dim3A_1493 = vector.broadcast %jit3A_1492 : i32 to vector<8x128xi32>
    %select_n3A_1494 = arith.select %gt3A_1490, %broadcast_in_dim3A_1493, %select_n3A_1462 : vector<8x128xi1>, vector<8x128xi32>
    %get3A_1495 = arith.constant 0 : index
    %get3A_1496 = arith.constant 24192 : index
    %get3A_1497 = vector.load %arg1[%get3A_1495, %get3A_1496] : memref<8x32768xf32, #tpu.memory_space<vmem>>, vector<8x128xf32>
    %gt3A_1498 = arith.cmpf ogt, %get3A_1497, %select_n3A_1467 : vector<8x128xf32>
    %select_n3A_1499 = arith.select %gt3A_1498, %get3A_1497, %select_n3A_1467 : vector<8x128xi1>, vector<8x128xf32>
    %jit3A_1500 = arith.constant 47 : i32
    %broadcast_in_dim3A_1501 = vector.broadcast %jit3A_1500 : i32 to vector<8x128xi32>
    %select_n3A_1502 = arith.select %gt3A_1498, %broadcast_in_dim3A_1501, %select_n3A_1470 : vector<8x128xi1>, vector<8x128xi32>
    %get3A_1503 = arith.constant 0 : index
    %get3A_1504 = arith.constant 24320 : index
    %get3A_1505 = vector.load %arg1[%get3A_1503, %get3A_1504] : memref<8x32768xf32, #tpu.memory_space<vmem>>, vector<8x128xf32>
    %gt3A_1506 = arith.cmpf ogt, %get3A_1505, %select_n3A_1475 : vector<8x128xf32>
    %select_n3A_1507 = arith.select %gt3A_1506, %get3A_1505, %select_n3A_1475 : vector<8x128xi1>, vector<8x128xf32>
    %jit3A_1508 = arith.constant 47 : i32
    %broadcast_in_dim3A_1509 = vector.broadcast %jit3A_1508 : i32 to vector<8x128xi32>
    %select_n3A_1510 = arith.select %gt3A_1506, %broadcast_in_dim3A_1509, %select_n3A_1478 : vector<8x128xi1>, vector<8x128xi32>
    %get3A_1511 = arith.constant 0 : index
    %get3A_1512 = arith.constant 24448 : index
    %get3A_1513 = vector.load %arg1[%get3A_1511, %get3A_1512] : memref<8x32768xf32, #tpu.memory_space<vmem>>, vector<8x128xf32>
    %gt3A_1514 = arith.cmpf ogt, %get3A_1513, %select_n3A_1483 : vector<8x128xf32>
    %select_n3A_1515 = arith.select %gt3A_1514, %get3A_1513, %select_n3A_1483 : vector<8x128xi1>, vector<8x128xf32>
    %jit3A_1516 = arith.constant 47 : i32
    %broadcast_in_dim3A_1517 = vector.broadcast %jit3A_1516 : i32 to vector<8x128xi32>
    %select_n3A_1518 = arith.select %gt3A_1514, %broadcast_in_dim3A_1517, %select_n3A_1486 : vector<8x128xi1>, vector<8x128xi32>
    %get3A_1519 = arith.constant 0 : index
    %get3A_1520 = arith.constant 24576 : index
    %get3A_1521 = vector.load %arg1[%get3A_1519, %get3A_1520] : memref<8x32768xf32, #tpu.memory_space<vmem>>, vector<8x128xf32>
    %gt3A_1522 = arith.cmpf ogt, %get3A_1521, %select_n3A_1491 : vector<8x128xf32>
    %select_n3A_1523 = arith.select %gt3A_1522, %get3A_1521, %select_n3A_1491 : vector<8x128xi1>, vector<8x128xf32>
    %jit3A_1524 = arith.constant 48 : i32
    %broadcast_in_dim3A_1525 = vector.broadcast %jit3A_1524 : i32 to vector<8x128xi32>
    %select_n3A_1526 = arith.select %gt3A_1522, %broadcast_in_dim3A_1525, %select_n3A_1494 : vector<8x128xi1>, vector<8x128xi32>
    %get3A_1527 = arith.constant 0 : index
    %get3A_1528 = arith.constant 24704 : index
    %get3A_1529 = vector.load %arg1[%get3A_1527, %get3A_1528] : memref<8x32768xf32, #tpu.memory_space<vmem>>, vector<8x128xf32>
    %gt3A_1530 = arith.cmpf ogt, %get3A_1529, %select_n3A_1499 : vector<8x128xf32>
    %select_n3A_1531 = arith.select %gt3A_1530, %get3A_1529, %select_n3A_1499 : vector<8x128xi1>, vector<8x128xf32>
    %jit3A_1532 = arith.constant 48 : i32
    %broadcast_in_dim3A_1533 = vector.broadcast %jit3A_1532 : i32 to vector<8x128xi32>
    %select_n3A_1534 = arith.select %gt3A_1530, %broadcast_in_dim3A_1533, %select_n3A_1502 : vector<8x128xi1>, vector<8x128xi32>
    %get3A_1535 = arith.constant 0 : index
    %get3A_1536 = arith.constant 24832 : index
    %get3A_1537 = vector.load %arg1[%get3A_1535, %get3A_1536] : memref<8x32768xf32, #tpu.memory_space<vmem>>, vector<8x128xf32>
    %gt3A_1538 = arith.cmpf ogt, %get3A_1537, %select_n3A_1507 : vector<8x128xf32>
    %select_n3A_1539 = arith.select %gt3A_1538, %get3A_1537, %select_n3A_1507 : vector<8x128xi1>, vector<8x128xf32>
    %jit3A_1540 = arith.constant 48 : i32
    %broadcast_in_dim3A_1541 = vector.broadcast %jit3A_1540 : i32 to vector<8x128xi32>
    %select_n3A_1542 = arith.select %gt3A_1538, %broadcast_in_dim3A_1541, %select_n3A_1510 : vector<8x128xi1>, vector<8x128xi32>
    %get3A_1543 = arith.constant 0 : index
    %get3A_1544 = arith.constant 24960 : index
    %get3A_1545 = vector.load %arg1[%get3A_1543, %get3A_1544] : memref<8x32768xf32, #tpu.memory_space<vmem>>, vector<8x128xf32>
    %gt3A_1546 = arith.cmpf ogt, %get3A_1545, %select_n3A_1515 : vector<8x128xf32>
    %select_n3A_1547 = arith.select %gt3A_1546, %get3A_1545, %select_n3A_1515 : vector<8x128xi1>, vector<8x128xf32>
    %jit3A_1548 = arith.constant 48 : i32
    %broadcast_in_dim3A_1549 = vector.broadcast %jit3A_1548 : i32 to vector<8x128xi32>
    %select_n3A_1550 = arith.select %gt3A_1546, %broadcast_in_dim3A_1549, %select_n3A_1518 : vector<8x128xi1>, vector<8x128xi32>
    %get3A_1551 = arith.constant 0 : index
    %get3A_1552 = arith.constant 25088 : index
    %get3A_1553 = vector.load %arg1[%get3A_1551, %get3A_1552] : memref<8x32768xf32, #tpu.memory_space<vmem>>, vector<8x128xf32>
    %gt3A_1554 = arith.cmpf ogt, %get3A_1553, %select_n3A_1523 : vector<8x128xf32>
    %select_n3A_1555 = arith.select %gt3A_1554, %get3A_1553, %select_n3A_1523 : vector<8x128xi1>, vector<8x128xf32>
    %jit3A_1556 = arith.constant 49 : i32
    %broadcast_in_dim3A_1557 = vector.broadcast %jit3A_1556 : i32 to vector<8x128xi32>
    %select_n3A_1558 = arith.select %gt3A_1554, %broadcast_in_dim3A_1557, %select_n3A_1526 : vector<8x128xi1>, vector<8x128xi32>
    %get3A_1559 = arith.constant 0 : index
    %get3A_1560 = arith.constant 25216 : index
    %get3A_1561 = vector.load %arg1[%get3A_1559, %get3A_1560] : memref<8x32768xf32, #tpu.memory_space<vmem>>, vector<8x128xf32>
    %gt3A_1562 = arith.cmpf ogt, %get3A_1561, %select_n3A_1531 : vector<8x128xf32>
    %select_n3A_1563 = arith.select %gt3A_1562, %get3A_1561, %select_n3A_1531 : vector<8x128xi1>, vector<8x128xf32>
    %jit3A_1564 = arith.constant 49 : i32
    %broadcast_in_dim3A_1565 = vector.broadcast %jit3A_1564 : i32 to vector<8x128xi32>
    %select_n3A_1566 = arith.select %gt3A_1562, %broadcast_in_dim3A_1565, %select_n3A_1534 : vector<8x128xi1>, vector<8x128xi32>
    %get3A_1567 = arith.constant 0 : index
    %get3A_1568 = arith.constant 25344 : index
    %get3A_1569 = vector.load %arg1[%get3A_1567, %get3A_1568] : memref<8x32768xf32, #tpu.memory_space<vmem>>, vector<8x128xf32>
    %gt3A_1570 = arith.cmpf ogt, %get3A_1569, %select_n3A_1539 : vector<8x128xf32>
    %select_n3A_1571 = arith.select %gt3A_1570, %get3A_1569, %select_n3A_1539 : vector<8x128xi1>, vector<8x128xf32>
    %jit3A_1572 = arith.constant 49 : i32
    %broadcast_in_dim3A_1573 = vector.broadcast %jit3A_1572 : i32 to vector<8x128xi32>
    %select_n3A_1574 = arith.select %gt3A_1570, %broadcast_in_dim3A_1573, %select_n3A_1542 : vector<8x128xi1>, vector<8x128xi32>
    %get3A_1575 = arith.constant 0 : index
    %get3A_1576 = arith.constant 25472 : index
    %get3A_1577 = vector.load %arg1[%get3A_1575, %get3A_1576] : memref<8x32768xf32, #tpu.memory_space<vmem>>, vector<8x128xf32>
    %gt3A_1578 = arith.cmpf ogt, %get3A_1577, %select_n3A_1547 : vector<8x128xf32>
    %select_n3A_1579 = arith.select %gt3A_1578, %get3A_1577, %select_n3A_1547 : vector<8x128xi1>, vector<8x128xf32>
    %jit3A_1580 = arith.constant 49 : i32
    %broadcast_in_dim3A_1581 = vector.broadcast %jit3A_1580 : i32 to vector<8x128xi32>
    %select_n3A_1582 = arith.select %gt3A_1578, %broadcast_in_dim3A_1581, %select_n3A_1550 : vector<8x128xi1>, vector<8x128xi32>
    %get3A_1583 = arith.constant 0 : index
    %get3A_1584 = arith.constant 25600 : index
    %get3A_1585 = vector.load %arg1[%get3A_1583, %get3A_1584] : memref<8x32768xf32, #tpu.memory_space<vmem>>, vector<8x128xf32>
    %gt3A_1586 = arith.cmpf ogt, %get3A_1585, %select_n3A_1555 : vector<8x128xf32>
    %select_n3A_1587 = arith.select %gt3A_1586, %get3A_1585, %select_n3A_1555 : vector<8x128xi1>, vector<8x128xf32>
    %jit3A_1588 = arith.constant 50 : i32
    %broadcast_in_dim3A_1589 = vector.broadcast %jit3A_1588 : i32 to vector<8x128xi32>
    %select_n3A_1590 = arith.select %gt3A_1586, %broadcast_in_dim3A_1589, %select_n3A_1558 : vector<8x128xi1>, vector<8x128xi32>
    %get3A_1591 = arith.constant 0 : index
    %get3A_1592 = arith.constant 25728 : index
    %get3A_1593 = vector.load %arg1[%get3A_1591, %get3A_1592] : memref<8x32768xf32, #tpu.memory_space<vmem>>, vector<8x128xf32>
    %gt3A_1594 = arith.cmpf ogt, %get3A_1593, %select_n3A_1563 : vector<8x128xf32>
    %select_n3A_1595 = arith.select %gt3A_1594, %get3A_1593, %select_n3A_1563 : vector<8x128xi1>, vector<8x128xf32>
    %jit3A_1596 = arith.constant 50 : i32
    %broadcast_in_dim3A_1597 = vector.broadcast %jit3A_1596 : i32 to vector<8x128xi32>
    %select_n3A_1598 = arith.select %gt3A_1594, %broadcast_in_dim3A_1597, %select_n3A_1566 : vector<8x128xi1>, vector<8x128xi32>
    %get3A_1599 = arith.constant 0 : index
    %get3A_1600 = arith.constant 25856 : index
    %get3A_1601 = vector.load %arg1[%get3A_1599, %get3A_1600] : memref<8x32768xf32, #tpu.memory_space<vmem>>, vector<8x128xf32>
    %gt3A_1602 = arith.cmpf ogt, %get3A_1601, %select_n3A_1571 : vector<8x128xf32>
    %select_n3A_1603 = arith.select %gt3A_1602, %get3A_1601, %select_n3A_1571 : vector<8x128xi1>, vector<8x128xf32>
    %jit3A_1604 = arith.constant 50 : i32
    %broadcast_in_dim3A_1605 = vector.broadcast %jit3A_1604 : i32 to vector<8x128xi32>
    %select_n3A_1606 = arith.select %gt3A_1602, %broadcast_in_dim3A_1605, %select_n3A_1574 : vector<8x128xi1>, vector<8x128xi32>
    %get3A_1607 = arith.constant 0 : index
    %get3A_1608 = arith.constant 25984 : index
    %get3A_1609 = vector.load %arg1[%get3A_1607, %get3A_1608] : memref<8x32768xf32, #tpu.memory_space<vmem>>, vector<8x128xf32>
    %gt3A_1610 = arith.cmpf ogt, %get3A_1609, %select_n3A_1579 : vector<8x128xf32>
    %select_n3A_1611 = arith.select %gt3A_1610, %get3A_1609, %select_n3A_1579 : vector<8x128xi1>, vector<8x128xf32>
    %jit3A_1612 = arith.constant 50 : i32
    %broadcast_in_dim3A_1613 = vector.broadcast %jit3A_1612 : i32 to vector<8x128xi32>
    %select_n3A_1614 = arith.select %gt3A_1610, %broadcast_in_dim3A_1613, %select_n3A_1582 : vector<8x128xi1>, vector<8x128xi32>
    %get3A_1615 = arith.constant 0 : index
    %get3A_1616 = arith.constant 26112 : index
    %get3A_1617 = vector.load %arg1[%get3A_1615, %get3A_1616] : memref<8x32768xf32, #tpu.memory_space<vmem>>, vector<8x128xf32>
    %gt3A_1618 = arith.cmpf ogt, %get3A_1617, %select_n3A_1587 : vector<8x128xf32>
    %select_n3A_1619 = arith.select %gt3A_1618, %get3A_1617, %select_n3A_1587 : vector<8x128xi1>, vector<8x128xf32>
    %jit3A_1620 = arith.constant 51 : i32
    %broadcast_in_dim3A_1621 = vector.broadcast %jit3A_1620 : i32 to vector<8x128xi32>
    %select_n3A_1622 = arith.select %gt3A_1618, %broadcast_in_dim3A_1621, %select_n3A_1590 : vector<8x128xi1>, vector<8x128xi32>
    %get3A_1623 = arith.constant 0 : index
    %get3A_1624 = arith.constant 26240 : index
    %get3A_1625 = vector.load %arg1[%get3A_1623, %get3A_1624] : memref<8x32768xf32, #tpu.memory_space<vmem>>, vector<8x128xf32>
    %gt3A_1626 = arith.cmpf ogt, %get3A_1625, %select_n3A_1595 : vector<8x128xf32>
    %select_n3A_1627 = arith.select %gt3A_1626, %get3A_1625, %select_n3A_1595 : vector<8x128xi1>, vector<8x128xf32>
    %jit3A_1628 = arith.constant 51 : i32
    %broadcast_in_dim3A_1629 = vector.broadcast %jit3A_1628 : i32 to vector<8x128xi32>
    %select_n3A_1630 = arith.select %gt3A_1626, %broadcast_in_dim3A_1629, %select_n3A_1598 : vector<8x128xi1>, vector<8x128xi32>
    %get3A_1631 = arith.constant 0 : index
    %get3A_1632 = arith.constant 26368 : index
    %get3A_1633 = vector.load %arg1[%get3A_1631, %get3A_1632] : memref<8x32768xf32, #tpu.memory_space<vmem>>, vector<8x128xf32>
    %gt3A_1634 = arith.cmpf ogt, %get3A_1633, %select_n3A_1603 : vector<8x128xf32>
    %select_n3A_1635 = arith.select %gt3A_1634, %get3A_1633, %select_n3A_1603 : vector<8x128xi1>, vector<8x128xf32>
    %jit3A_1636 = arith.constant 51 : i32
    %broadcast_in_dim3A_1637 = vector.broadcast %jit3A_1636 : i32 to vector<8x128xi32>
    %select_n3A_1638 = arith.select %gt3A_1634, %broadcast_in_dim3A_1637, %select_n3A_1606 : vector<8x128xi1>, vector<8x128xi32>
    %get3A_1639 = arith.constant 0 : index
    %get3A_1640 = arith.constant 26496 : index
    %get3A_1641 = vector.load %arg1[%get3A_1639, %get3A_1640] : memref<8x32768xf32, #tpu.memory_space<vmem>>, vector<8x128xf32>
    %gt3A_1642 = arith.cmpf ogt, %get3A_1641, %select_n3A_1611 : vector<8x128xf32>
    %select_n3A_1643 = arith.select %gt3A_1642, %get3A_1641, %select_n3A_1611 : vector<8x128xi1>, vector<8x128xf32>
    %jit3A_1644 = arith.constant 51 : i32
    %broadcast_in_dim3A_1645 = vector.broadcast %jit3A_1644 : i32 to vector<8x128xi32>
    %select_n3A_1646 = arith.select %gt3A_1642, %broadcast_in_dim3A_1645, %select_n3A_1614 : vector<8x128xi1>, vector<8x128xi32>
    %get3A_1647 = arith.constant 0 : index
    %get3A_1648 = arith.constant 26624 : index
    %get3A_1649 = vector.load %arg1[%get3A_1647, %get3A_1648] : memref<8x32768xf32, #tpu.memory_space<vmem>>, vector<8x128xf32>
    %gt3A_1650 = arith.cmpf ogt, %get3A_1649, %select_n3A_1619 : vector<8x128xf32>
    %select_n3A_1651 = arith.select %gt3A_1650, %get3A_1649, %select_n3A_1619 : vector<8x128xi1>, vector<8x128xf32>
    %jit3A_1652 = arith.constant 52 : i32
    %broadcast_in_dim3A_1653 = vector.broadcast %jit3A_1652 : i32 to vector<8x128xi32>
    %select_n3A_1654 = arith.select %gt3A_1650, %broadcast_in_dim3A_1653, %select_n3A_1622 : vector<8x128xi1>, vector<8x128xi32>
    %get3A_1655 = arith.constant 0 : index
    %get3A_1656 = arith.constant 26752 : index
    %get3A_1657 = vector.load %arg1[%get3A_1655, %get3A_1656] : memref<8x32768xf32, #tpu.memory_space<vmem>>, vector<8x128xf32>
    %gt3A_1658 = arith.cmpf ogt, %get3A_1657, %select_n3A_1627 : vector<8x128xf32>
    %select_n3A_1659 = arith.select %gt3A_1658, %get3A_1657, %select_n3A_1627 : vector<8x128xi1>, vector<8x128xf32>
    %jit3A_1660 = arith.constant 52 : i32
    %broadcast_in_dim3A_1661 = vector.broadcast %jit3A_1660 : i32 to vector<8x128xi32>
    %select_n3A_1662 = arith.select %gt3A_1658, %broadcast_in_dim3A_1661, %select_n3A_1630 : vector<8x128xi1>, vector<8x128xi32>
    %get3A_1663 = arith.constant 0 : index
    %get3A_1664 = arith.constant 26880 : index
    %get3A_1665 = vector.load %arg1[%get3A_1663, %get3A_1664] : memref<8x32768xf32, #tpu.memory_space<vmem>>, vector<8x128xf32>
    %gt3A_1666 = arith.cmpf ogt, %get3A_1665, %select_n3A_1635 : vector<8x128xf32>
    %select_n3A_1667 = arith.select %gt3A_1666, %get3A_1665, %select_n3A_1635 : vector<8x128xi1>, vector<8x128xf32>
    %jit3A_1668 = arith.constant 52 : i32
    %broadcast_in_dim3A_1669 = vector.broadcast %jit3A_1668 : i32 to vector<8x128xi32>
    %select_n3A_1670 = arith.select %gt3A_1666, %broadcast_in_dim3A_1669, %select_n3A_1638 : vector<8x128xi1>, vector<8x128xi32>
    %get3A_1671 = arith.constant 0 : index
    %get3A_1672 = arith.constant 27008 : index
    %get3A_1673 = vector.load %arg1[%get3A_1671, %get3A_1672] : memref<8x32768xf32, #tpu.memory_space<vmem>>, vector<8x128xf32>
    %gt3A_1674 = arith.cmpf ogt, %get3A_1673, %select_n3A_1643 : vector<8x128xf32>
    %select_n3A_1675 = arith.select %gt3A_1674, %get3A_1673, %select_n3A_1643 : vector<8x128xi1>, vector<8x128xf32>
    %jit3A_1676 = arith.constant 52 : i32
    %broadcast_in_dim3A_1677 = vector.broadcast %jit3A_1676 : i32 to vector<8x128xi32>
    %select_n3A_1678 = arith.select %gt3A_1674, %broadcast_in_dim3A_1677, %select_n3A_1646 : vector<8x128xi1>, vector<8x128xi32>
    %get3A_1679 = arith.constant 0 : index
    %get3A_1680 = arith.constant 27136 : index
    %get3A_1681 = vector.load %arg1[%get3A_1679, %get3A_1680] : memref<8x32768xf32, #tpu.memory_space<vmem>>, vector<8x128xf32>
    %gt3A_1682 = arith.cmpf ogt, %get3A_1681, %select_n3A_1651 : vector<8x128xf32>
    %select_n3A_1683 = arith.select %gt3A_1682, %get3A_1681, %select_n3A_1651 : vector<8x128xi1>, vector<8x128xf32>
    %jit3A_1684 = arith.constant 53 : i32
    %broadcast_in_dim3A_1685 = vector.broadcast %jit3A_1684 : i32 to vector<8x128xi32>
    %select_n3A_1686 = arith.select %gt3A_1682, %broadcast_in_dim3A_1685, %select_n3A_1654 : vector<8x128xi1>, vector<8x128xi32>
    %get3A_1687 = arith.constant 0 : index
    %get3A_1688 = arith.constant 27264 : index
    %get3A_1689 = vector.load %arg1[%get3A_1687, %get3A_1688] : memref<8x32768xf32, #tpu.memory_space<vmem>>, vector<8x128xf32>
    %gt3A_1690 = arith.cmpf ogt, %get3A_1689, %select_n3A_1659 : vector<8x128xf32>
    %select_n3A_1691 = arith.select %gt3A_1690, %get3A_1689, %select_n3A_1659 : vector<8x128xi1>, vector<8x128xf32>
    %jit3A_1692 = arith.constant 53 : i32
    %broadcast_in_dim3A_1693 = vector.broadcast %jit3A_1692 : i32 to vector<8x128xi32>
    %select_n3A_1694 = arith.select %gt3A_1690, %broadcast_in_dim3A_1693, %select_n3A_1662 : vector<8x128xi1>, vector<8x128xi32>
    %get3A_1695 = arith.constant 0 : index
    %get3A_1696 = arith.constant 27392 : index
    %get3A_1697 = vector.load %arg1[%get3A_1695, %get3A_1696] : memref<8x32768xf32, #tpu.memory_space<vmem>>, vector<8x128xf32>
    %gt3A_1698 = arith.cmpf ogt, %get3A_1697, %select_n3A_1667 : vector<8x128xf32>
    %select_n3A_1699 = arith.select %gt3A_1698, %get3A_1697, %select_n3A_1667 : vector<8x128xi1>, vector<8x128xf32>
    %jit3A_1700 = arith.constant 53 : i32
    %broadcast_in_dim3A_1701 = vector.broadcast %jit3A_1700 : i32 to vector<8x128xi32>
    %select_n3A_1702 = arith.select %gt3A_1698, %broadcast_in_dim3A_1701, %select_n3A_1670 : vector<8x128xi1>, vector<8x128xi32>
    %get3A_1703 = arith.constant 0 : index
    %get3A_1704 = arith.constant 27520 : index
    %get3A_1705 = vector.load %arg1[%get3A_1703, %get3A_1704] : memref<8x32768xf32, #tpu.memory_space<vmem>>, vector<8x128xf32>
    %gt3A_1706 = arith.cmpf ogt, %get3A_1705, %select_n3A_1675 : vector<8x128xf32>
    %select_n3A_1707 = arith.select %gt3A_1706, %get3A_1705, %select_n3A_1675 : vector<8x128xi1>, vector<8x128xf32>
    %jit3A_1708 = arith.constant 53 : i32
    %broadcast_in_dim3A_1709 = vector.broadcast %jit3A_1708 : i32 to vector<8x128xi32>
    %select_n3A_1710 = arith.select %gt3A_1706, %broadcast_in_dim3A_1709, %select_n3A_1678 : vector<8x128xi1>, vector<8x128xi32>
    %get3A_1711 = arith.constant 0 : index
    %get3A_1712 = arith.constant 27648 : index
    %get3A_1713 = vector.load %arg1[%get3A_1711, %get3A_1712] : memref<8x32768xf32, #tpu.memory_space<vmem>>, vector<8x128xf32>
    %gt3A_1714 = arith.cmpf ogt, %get3A_1713, %select_n3A_1683 : vector<8x128xf32>
    %select_n3A_1715 = arith.select %gt3A_1714, %get3A_1713, %select_n3A_1683 : vector<8x128xi1>, vector<8x128xf32>
    %jit3A_1716 = arith.constant 54 : i32
    %broadcast_in_dim3A_1717 = vector.broadcast %jit3A_1716 : i32 to vector<8x128xi32>
    %select_n3A_1718 = arith.select %gt3A_1714, %broadcast_in_dim3A_1717, %select_n3A_1686 : vector<8x128xi1>, vector<8x128xi32>
    %get3A_1719 = arith.constant 0 : index
    %get3A_1720 = arith.constant 27776 : index
    %get3A_1721 = vector.load %arg1[%get3A_1719, %get3A_1720] : memref<8x32768xf32, #tpu.memory_space<vmem>>, vector<8x128xf32>
    %gt3A_1722 = arith.cmpf ogt, %get3A_1721, %select_n3A_1691 : vector<8x128xf32>
    %select_n3A_1723 = arith.select %gt3A_1722, %get3A_1721, %select_n3A_1691 : vector<8x128xi1>, vector<8x128xf32>
    %jit3A_1724 = arith.constant 54 : i32
    %broadcast_in_dim3A_1725 = vector.broadcast %jit3A_1724 : i32 to vector<8x128xi32>
    %select_n3A_1726 = arith.select %gt3A_1722, %broadcast_in_dim3A_1725, %select_n3A_1694 : vector<8x128xi1>, vector<8x128xi32>
    %get3A_1727 = arith.constant 0 : index
    %get3A_1728 = arith.constant 27904 : index
    %get3A_1729 = vector.load %arg1[%get3A_1727, %get3A_1728] : memref<8x32768xf32, #tpu.memory_space<vmem>>, vector<8x128xf32>
    %gt3A_1730 = arith.cmpf ogt, %get3A_1729, %select_n3A_1699 : vector<8x128xf32>
    %select_n3A_1731 = arith.select %gt3A_1730, %get3A_1729, %select_n3A_1699 : vector<8x128xi1>, vector<8x128xf32>
    %jit3A_1732 = arith.constant 54 : i32
    %broadcast_in_dim3A_1733 = vector.broadcast %jit3A_1732 : i32 to vector<8x128xi32>
    %select_n3A_1734 = arith.select %gt3A_1730, %broadcast_in_dim3A_1733, %select_n3A_1702 : vector<8x128xi1>, vector<8x128xi32>
    %get3A_1735 = arith.constant 0 : index
    %get3A_1736 = arith.constant 28032 : index
    %get3A_1737 = vector.load %arg1[%get3A_1735, %get3A_1736] : memref<8x32768xf32, #tpu.memory_space<vmem>>, vector<8x128xf32>
    %gt3A_1738 = arith.cmpf ogt, %get3A_1737, %select_n3A_1707 : vector<8x128xf32>
    %select_n3A_1739 = arith.select %gt3A_1738, %get3A_1737, %select_n3A_1707 : vector<8x128xi1>, vector<8x128xf32>
    %jit3A_1740 = arith.constant 54 : i32
    %broadcast_in_dim3A_1741 = vector.broadcast %jit3A_1740 : i32 to vector<8x128xi32>
    %select_n3A_1742 = arith.select %gt3A_1738, %broadcast_in_dim3A_1741, %select_n3A_1710 : vector<8x128xi1>, vector<8x128xi32>
    %get3A_1743 = arith.constant 0 : index
    %get3A_1744 = arith.constant 28160 : index
    %get3A_1745 = vector.load %arg1[%get3A_1743, %get3A_1744] : memref<8x32768xf32, #tpu.memory_space<vmem>>, vector<8x128xf32>
    %gt3A_1746 = arith.cmpf ogt, %get3A_1745, %select_n3A_1715 : vector<8x128xf32>
    %select_n3A_1747 = arith.select %gt3A_1746, %get3A_1745, %select_n3A_1715 : vector<8x128xi1>, vector<8x128xf32>
    %jit3A_1748 = arith.constant 55 : i32
    %broadcast_in_dim3A_1749 = vector.broadcast %jit3A_1748 : i32 to vector<8x128xi32>
    %select_n3A_1750 = arith.select %gt3A_1746, %broadcast_in_dim3A_1749, %select_n3A_1718 : vector<8x128xi1>, vector<8x128xi32>
    %get3A_1751 = arith.constant 0 : index
    %get3A_1752 = arith.constant 28288 : index
    %get3A_1753 = vector.load %arg1[%get3A_1751, %get3A_1752] : memref<8x32768xf32, #tpu.memory_space<vmem>>, vector<8x128xf32>
    %gt3A_1754 = arith.cmpf ogt, %get3A_1753, %select_n3A_1723 : vector<8x128xf32>
    %select_n3A_1755 = arith.select %gt3A_1754, %get3A_1753, %select_n3A_1723 : vector<8x128xi1>, vector<8x128xf32>
    %jit3A_1756 = arith.constant 55 : i32
    %broadcast_in_dim3A_1757 = vector.broadcast %jit3A_1756 : i32 to vector<8x128xi32>
    %select_n3A_1758 = arith.select %gt3A_1754, %broadcast_in_dim3A_1757, %select_n3A_1726 : vector<8x128xi1>, vector<8x128xi32>
    %get3A_1759 = arith.constant 0 : index
    %get3A_1760 = arith.constant 28416 : index
    %get3A_1761 = vector.load %arg1[%get3A_1759, %get3A_1760] : memref<8x32768xf32, #tpu.memory_space<vmem>>, vector<8x128xf32>
    %gt3A_1762 = arith.cmpf ogt, %get3A_1761, %select_n3A_1731 : vector<8x128xf32>
    %select_n3A_1763 = arith.select %gt3A_1762, %get3A_1761, %select_n3A_1731 : vector<8x128xi1>, vector<8x128xf32>
    %jit3A_1764 = arith.constant 55 : i32
    %broadcast_in_dim3A_1765 = vector.broadcast %jit3A_1764 : i32 to vector<8x128xi32>
    %select_n3A_1766 = arith.select %gt3A_1762, %broadcast_in_dim3A_1765, %select_n3A_1734 : vector<8x128xi1>, vector<8x128xi32>
    %get3A_1767 = arith.constant 0 : index
    %get3A_1768 = arith.constant 28544 : index
    %get3A_1769 = vector.load %arg1[%get3A_1767, %get3A_1768] : memref<8x32768xf32, #tpu.memory_space<vmem>>, vector<8x128xf32>
    %gt3A_1770 = arith.cmpf ogt, %get3A_1769, %select_n3A_1739 : vector<8x128xf32>
    %select_n3A_1771 = arith.select %gt3A_1770, %get3A_1769, %select_n3A_1739 : vector<8x128xi1>, vector<8x128xf32>
    %jit3A_1772 = arith.constant 55 : i32
    %broadcast_in_dim3A_1773 = vector.broadcast %jit3A_1772 : i32 to vector<8x128xi32>
    %select_n3A_1774 = arith.select %gt3A_1770, %broadcast_in_dim3A_1773, %select_n3A_1742 : vector<8x128xi1>, vector<8x128xi32>
    %get3A_1775 = arith.constant 0 : index
    %get3A_1776 = arith.constant 28672 : index
    %get3A_1777 = vector.load %arg1[%get3A_1775, %get3A_1776] : memref<8x32768xf32, #tpu.memory_space<vmem>>, vector<8x128xf32>
    %gt3A_1778 = arith.cmpf ogt, %get3A_1777, %select_n3A_1747 : vector<8x128xf32>
    %select_n3A_1779 = arith.select %gt3A_1778, %get3A_1777, %select_n3A_1747 : vector<8x128xi1>, vector<8x128xf32>
    %jit3A_1780 = arith.constant 56 : i32
    %broadcast_in_dim3A_1781 = vector.broadcast %jit3A_1780 : i32 to vector<8x128xi32>
    %select_n3A_1782 = arith.select %gt3A_1778, %broadcast_in_dim3A_1781, %select_n3A_1750 : vector<8x128xi1>, vector<8x128xi32>
    %get3A_1783 = arith.constant 0 : index
    %get3A_1784 = arith.constant 28800 : index
    %get3A_1785 = vector.load %arg1[%get3A_1783, %get3A_1784] : memref<8x32768xf32, #tpu.memory_space<vmem>>, vector<8x128xf32>
    %gt3A_1786 = arith.cmpf ogt, %get3A_1785, %select_n3A_1755 : vector<8x128xf32>
    %select_n3A_1787 = arith.select %gt3A_1786, %get3A_1785, %select_n3A_1755 : vector<8x128xi1>, vector<8x128xf32>
    %jit3A_1788 = arith.constant 56 : i32
    %broadcast_in_dim3A_1789 = vector.broadcast %jit3A_1788 : i32 to vector<8x128xi32>
    %select_n3A_1790 = arith.select %gt3A_1786, %broadcast_in_dim3A_1789, %select_n3A_1758 : vector<8x128xi1>, vector<8x128xi32>
    %get3A_1791 = arith.constant 0 : index
    %get3A_1792 = arith.constant 28928 : index
    %get3A_1793 = vector.load %arg1[%get3A_1791, %get3A_1792] : memref<8x32768xf32, #tpu.memory_space<vmem>>, vector<8x128xf32>
    %gt3A_1794 = arith.cmpf ogt, %get3A_1793, %select_n3A_1763 : vector<8x128xf32>
    %select_n3A_1795 = arith.select %gt3A_1794, %get3A_1793, %select_n3A_1763 : vector<8x128xi1>, vector<8x128xf32>
    %jit3A_1796 = arith.constant 56 : i32
    %broadcast_in_dim3A_1797 = vector.broadcast %jit3A_1796 : i32 to vector<8x128xi32>
    %select_n3A_1798 = arith.select %gt3A_1794, %broadcast_in_dim3A_1797, %select_n3A_1766 : vector<8x128xi1>, vector<8x128xi32>
    %get3A_1799 = arith.constant 0 : index
    %get3A_1800 = arith.constant 29056 : index
    %get3A_1801 = vector.load %arg1[%get3A_1799, %get3A_1800] : memref<8x32768xf32, #tpu.memory_space<vmem>>, vector<8x128xf32>
    %gt3A_1802 = arith.cmpf ogt, %get3A_1801, %select_n3A_1771 : vector<8x128xf32>
    %select_n3A_1803 = arith.select %gt3A_1802, %get3A_1801, %select_n3A_1771 : vector<8x128xi1>, vector<8x128xf32>
    %jit3A_1804 = arith.constant 56 : i32
    %broadcast_in_dim3A_1805 = vector.broadcast %jit3A_1804 : i32 to vector<8x128xi32>
    %select_n3A_1806 = arith.select %gt3A_1802, %broadcast_in_dim3A_1805, %select_n3A_1774 : vector<8x128xi1>, vector<8x128xi32>
    %get3A_1807 = arith.constant 0 : index
    %get3A_1808 = arith.constant 29184 : index
    %get3A_1809 = vector.load %arg1[%get3A_1807, %get3A_1808] : memref<8x32768xf32, #tpu.memory_space<vmem>>, vector<8x128xf32>
    %gt3A_1810 = arith.cmpf ogt, %get3A_1809, %select_n3A_1779 : vector<8x128xf32>
    %select_n3A_1811 = arith.select %gt3A_1810, %get3A_1809, %select_n3A_1779 : vector<8x128xi1>, vector<8x128xf32>
    %jit3A_1812 = arith.constant 57 : i32
    %broadcast_in_dim3A_1813 = vector.broadcast %jit3A_1812 : i32 to vector<8x128xi32>
    %select_n3A_1814 = arith.select %gt3A_1810, %broadcast_in_dim3A_1813, %select_n3A_1782 : vector<8x128xi1>, vector<8x128xi32>
    %get3A_1815 = arith.constant 0 : index
    %get3A_1816 = arith.constant 29312 : index
    %get3A_1817 = vector.load %arg1[%get3A_1815, %get3A_1816] : memref<8x32768xf32, #tpu.memory_space<vmem>>, vector<8x128xf32>
    %gt3A_1818 = arith.cmpf ogt, %get3A_1817, %select_n3A_1787 : vector<8x128xf32>
    %select_n3A_1819 = arith.select %gt3A_1818, %get3A_1817, %select_n3A_1787 : vector<8x128xi1>, vector<8x128xf32>
    %jit3A_1820 = arith.constant 57 : i32
    %broadcast_in_dim3A_1821 = vector.broadcast %jit3A_1820 : i32 to vector<8x128xi32>
    %select_n3A_1822 = arith.select %gt3A_1818, %broadcast_in_dim3A_1821, %select_n3A_1790 : vector<8x128xi1>, vector<8x128xi32>
    %get3A_1823 = arith.constant 0 : index
    %get3A_1824 = arith.constant 29440 : index
    %get3A_1825 = vector.load %arg1[%get3A_1823, %get3A_1824] : memref<8x32768xf32, #tpu.memory_space<vmem>>, vector<8x128xf32>
    %gt3A_1826 = arith.cmpf ogt, %get3A_1825, %select_n3A_1795 : vector<8x128xf32>
    %select_n3A_1827 = arith.select %gt3A_1826, %get3A_1825, %select_n3A_1795 : vector<8x128xi1>, vector<8x128xf32>
    %jit3A_1828 = arith.constant 57 : i32
    %broadcast_in_dim3A_1829 = vector.broadcast %jit3A_1828 : i32 to vector<8x128xi32>
    %select_n3A_1830 = arith.select %gt3A_1826, %broadcast_in_dim3A_1829, %select_n3A_1798 : vector<8x128xi1>, vector<8x128xi32>
    %get3A_1831 = arith.constant 0 : index
    %get3A_1832 = arith.constant 29568 : index
    %get3A_1833 = vector.load %arg1[%get3A_1831, %get3A_1832] : memref<8x32768xf32, #tpu.memory_space<vmem>>, vector<8x128xf32>
    %gt3A_1834 = arith.cmpf ogt, %get3A_1833, %select_n3A_1803 : vector<8x128xf32>
    %select_n3A_1835 = arith.select %gt3A_1834, %get3A_1833, %select_n3A_1803 : vector<8x128xi1>, vector<8x128xf32>
    %jit3A_1836 = arith.constant 57 : i32
    %broadcast_in_dim3A_1837 = vector.broadcast %jit3A_1836 : i32 to vector<8x128xi32>
    %select_n3A_1838 = arith.select %gt3A_1834, %broadcast_in_dim3A_1837, %select_n3A_1806 : vector<8x128xi1>, vector<8x128xi32>
    %get3A_1839 = arith.constant 0 : index
    %get3A_1840 = arith.constant 29696 : index
    %get3A_1841 = vector.load %arg1[%get3A_1839, %get3A_1840] : memref<8x32768xf32, #tpu.memory_space<vmem>>, vector<8x128xf32>
    %gt3A_1842 = arith.cmpf ogt, %get3A_1841, %select_n3A_1811 : vector<8x128xf32>
    %select_n3A_1843 = arith.select %gt3A_1842, %get3A_1841, %select_n3A_1811 : vector<8x128xi1>, vector<8x128xf32>
    %jit3A_1844 = arith.constant 58 : i32
    %broadcast_in_dim3A_1845 = vector.broadcast %jit3A_1844 : i32 to vector<8x128xi32>
    %select_n3A_1846 = arith.select %gt3A_1842, %broadcast_in_dim3A_1845, %select_n3A_1814 : vector<8x128xi1>, vector<8x128xi32>
    %get3A_1847 = arith.constant 0 : index
    %get3A_1848 = arith.constant 29824 : index
    %get3A_1849 = vector.load %arg1[%get3A_1847, %get3A_1848] : memref<8x32768xf32, #tpu.memory_space<vmem>>, vector<8x128xf32>
    %gt3A_1850 = arith.cmpf ogt, %get3A_1849, %select_n3A_1819 : vector<8x128xf32>
    %select_n3A_1851 = arith.select %gt3A_1850, %get3A_1849, %select_n3A_1819 : vector<8x128xi1>, vector<8x128xf32>
    %jit3A_1852 = arith.constant 58 : i32
    %broadcast_in_dim3A_1853 = vector.broadcast %jit3A_1852 : i32 to vector<8x128xi32>
    %select_n3A_1854 = arith.select %gt3A_1850, %broadcast_in_dim3A_1853, %select_n3A_1822 : vector<8x128xi1>, vector<8x128xi32>
    %get3A_1855 = arith.constant 0 : index
    %get3A_1856 = arith.constant 29952 : index
    %get3A_1857 = vector.load %arg1[%get3A_1855, %get3A_1856] : memref<8x32768xf32, #tpu.memory_space<vmem>>, vector<8x128xf32>
    %gt3A_1858 = arith.cmpf ogt, %get3A_1857, %select_n3A_1827 : vector<8x128xf32>
    %select_n3A_1859 = arith.select %gt3A_1858, %get3A_1857, %select_n3A_1827 : vector<8x128xi1>, vector<8x128xf32>
    %jit3A_1860 = arith.constant 58 : i32
    %broadcast_in_dim3A_1861 = vector.broadcast %jit3A_1860 : i32 to vector<8x128xi32>
    %select_n3A_1862 = arith.select %gt3A_1858, %broadcast_in_dim3A_1861, %select_n3A_1830 : vector<8x128xi1>, vector<8x128xi32>
    %get3A_1863 = arith.constant 0 : index
    %get3A_1864 = arith.constant 30080 : index
    %get3A_1865 = vector.load %arg1[%get3A_1863, %get3A_1864] : memref<8x32768xf32, #tpu.memory_space<vmem>>, vector<8x128xf32>
    %gt3A_1866 = arith.cmpf ogt, %get3A_1865, %select_n3A_1835 : vector<8x128xf32>
    %select_n3A_1867 = arith.select %gt3A_1866, %get3A_1865, %select_n3A_1835 : vector<8x128xi1>, vector<8x128xf32>
    %jit3A_1868 = arith.constant 58 : i32
    %broadcast_in_dim3A_1869 = vector.broadcast %jit3A_1868 : i32 to vector<8x128xi32>
    %select_n3A_1870 = arith.select %gt3A_1866, %broadcast_in_dim3A_1869, %select_n3A_1838 : vector<8x128xi1>, vector<8x128xi32>
    %get3A_1871 = arith.constant 0 : index
    %get3A_1872 = arith.constant 30208 : index
    %get3A_1873 = vector.load %arg1[%get3A_1871, %get3A_1872] : memref<8x32768xf32, #tpu.memory_space<vmem>>, vector<8x128xf32>
    %gt3A_1874 = arith.cmpf ogt, %get3A_1873, %select_n3A_1843 : vector<8x128xf32>
    %select_n3A_1875 = arith.select %gt3A_1874, %get3A_1873, %select_n3A_1843 : vector<8x128xi1>, vector<8x128xf32>
    %jit3A_1876 = arith.constant 59 : i32
    %broadcast_in_dim3A_1877 = vector.broadcast %jit3A_1876 : i32 to vector<8x128xi32>
    %select_n3A_1878 = arith.select %gt3A_1874, %broadcast_in_dim3A_1877, %select_n3A_1846 : vector<8x128xi1>, vector<8x128xi32>
    %get3A_1879 = arith.constant 0 : index
    %get3A_1880 = arith.constant 30336 : index
    %get3A_1881 = vector.load %arg1[%get3A_1879, %get3A_1880] : memref<8x32768xf32, #tpu.memory_space<vmem>>, vector<8x128xf32>
    %gt3A_1882 = arith.cmpf ogt, %get3A_1881, %select_n3A_1851 : vector<8x128xf32>
    %select_n3A_1883 = arith.select %gt3A_1882, %get3A_1881, %select_n3A_1851 : vector<8x128xi1>, vector<8x128xf32>
    %jit3A_1884 = arith.constant 59 : i32
    %broadcast_in_dim3A_1885 = vector.broadcast %jit3A_1884 : i32 to vector<8x128xi32>
    %select_n3A_1886 = arith.select %gt3A_1882, %broadcast_in_dim3A_1885, %select_n3A_1854 : vector<8x128xi1>, vector<8x128xi32>
    %get3A_1887 = arith.constant 0 : index
    %get3A_1888 = arith.constant 30464 : index
    %get3A_1889 = vector.load %arg1[%get3A_1887, %get3A_1888] : memref<8x32768xf32, #tpu.memory_space<vmem>>, vector<8x128xf32>
    %gt3A_1890 = arith.cmpf ogt, %get3A_1889, %select_n3A_1859 : vector<8x128xf32>
    %select_n3A_1891 = arith.select %gt3A_1890, %get3A_1889, %select_n3A_1859 : vector<8x128xi1>, vector<8x128xf32>
    %jit3A_1892 = arith.constant 59 : i32
    %broadcast_in_dim3A_1893 = vector.broadcast %jit3A_1892 : i32 to vector<8x128xi32>
    %select_n3A_1894 = arith.select %gt3A_1890, %broadcast_in_dim3A_1893, %select_n3A_1862 : vector<8x128xi1>, vector<8x128xi32>
    %get3A_1895 = arith.constant 0 : index
    %get3A_1896 = arith.constant 30592 : index
    %get3A_1897 = vector.load %arg1[%get3A_1895, %get3A_1896] : memref<8x32768xf32, #tpu.memory_space<vmem>>, vector<8x128xf32>
    %gt3A_1898 = arith.cmpf ogt, %get3A_1897, %select_n3A_1867 : vector<8x128xf32>
    %select_n3A_1899 = arith.select %gt3A_1898, %get3A_1897, %select_n3A_1867 : vector<8x128xi1>, vector<8x128xf32>
    %jit3A_1900 = arith.constant 59 : i32
    %broadcast_in_dim3A_1901 = vector.broadcast %jit3A_1900 : i32 to vector<8x128xi32>
    %select_n3A_1902 = arith.select %gt3A_1898, %broadcast_in_dim3A_1901, %select_n3A_1870 : vector<8x128xi1>, vector<8x128xi32>
    %get3A_1903 = arith.constant 0 : index
    %get3A_1904 = arith.constant 30720 : index
    %get3A_1905 = vector.load %arg1[%get3A_1903, %get3A_1904] : memref<8x32768xf32, #tpu.memory_space<vmem>>, vector<8x128xf32>
    %gt3A_1906 = arith.cmpf ogt, %get3A_1905, %select_n3A_1875 : vector<8x128xf32>
    %select_n3A_1907 = arith.select %gt3A_1906, %get3A_1905, %select_n3A_1875 : vector<8x128xi1>, vector<8x128xf32>
    %jit3A_1908 = arith.constant 60 : i32
    %broadcast_in_dim3A_1909 = vector.broadcast %jit3A_1908 : i32 to vector<8x128xi32>
    %select_n3A_1910 = arith.select %gt3A_1906, %broadcast_in_dim3A_1909, %select_n3A_1878 : vector<8x128xi1>, vector<8x128xi32>
    %get3A_1911 = arith.constant 0 : index
    %get3A_1912 = arith.constant 30848 : index
    %get3A_1913 = vector.load %arg1[%get3A_1911, %get3A_1912] : memref<8x32768xf32, #tpu.memory_space<vmem>>, vector<8x128xf32>
    %gt3A_1914 = arith.cmpf ogt, %get3A_1913, %select_n3A_1883 : vector<8x128xf32>
    %select_n3A_1915 = arith.select %gt3A_1914, %get3A_1913, %select_n3A_1883 : vector<8x128xi1>, vector<8x128xf32>
    %jit3A_1916 = arith.constant 60 : i32
    %broadcast_in_dim3A_1917 = vector.broadcast %jit3A_1916 : i32 to vector<8x128xi32>
    %select_n3A_1918 = arith.select %gt3A_1914, %broadcast_in_dim3A_1917, %select_n3A_1886 : vector<8x128xi1>, vector<8x128xi32>
    %get3A_1919 = arith.constant 0 : index
    %get3A_1920 = arith.constant 30976 : index
    %get3A_1921 = vector.load %arg1[%get3A_1919, %get3A_1920] : memref<8x32768xf32, #tpu.memory_space<vmem>>, vector<8x128xf32>
    %gt3A_1922 = arith.cmpf ogt, %get3A_1921, %select_n3A_1891 : vector<8x128xf32>
    %select_n3A_1923 = arith.select %gt3A_1922, %get3A_1921, %select_n3A_1891 : vector<8x128xi1>, vector<8x128xf32>
    %jit3A_1924 = arith.constant 60 : i32
    %broadcast_in_dim3A_1925 = vector.broadcast %jit3A_1924 : i32 to vector<8x128xi32>
    %select_n3A_1926 = arith.select %gt3A_1922, %broadcast_in_dim3A_1925, %select_n3A_1894 : vector<8x128xi1>, vector<8x128xi32>
    %get3A_1927 = arith.constant 0 : index
    %get3A_1928 = arith.constant 31104 : index
    %get3A_1929 = vector.load %arg1[%get3A_1927, %get3A_1928] : memref<8x32768xf32, #tpu.memory_space<vmem>>, vector<8x128xf32>
    %gt3A_1930 = arith.cmpf ogt, %get3A_1929, %select_n3A_1899 : vector<8x128xf32>
    %select_n3A_1931 = arith.select %gt3A_1930, %get3A_1929, %select_n3A_1899 : vector<8x128xi1>, vector<8x128xf32>
    %jit3A_1932 = arith.constant 60 : i32
    %broadcast_in_dim3A_1933 = vector.broadcast %jit3A_1932 : i32 to vector<8x128xi32>
    %select_n3A_1934 = arith.select %gt3A_1930, %broadcast_in_dim3A_1933, %select_n3A_1902 : vector<8x128xi1>, vector<8x128xi32>
    %get3A_1935 = arith.constant 0 : index
    %get3A_1936 = arith.constant 31232 : index
    %get3A_1937 = vector.load %arg1[%get3A_1935, %get3A_1936] : memref<8x32768xf32, #tpu.memory_space<vmem>>, vector<8x128xf32>
    %gt3A_1938 = arith.cmpf ogt, %get3A_1937, %select_n3A_1907 : vector<8x128xf32>
    %select_n3A_1939 = arith.select %gt3A_1938, %get3A_1937, %select_n3A_1907 : vector<8x128xi1>, vector<8x128xf32>
    %jit3A_1940 = arith.constant 61 : i32
    %broadcast_in_dim3A_1941 = vector.broadcast %jit3A_1940 : i32 to vector<8x128xi32>
    %select_n3A_1942 = arith.select %gt3A_1938, %broadcast_in_dim3A_1941, %select_n3A_1910 : vector<8x128xi1>, vector<8x128xi32>
    %get3A_1943 = arith.constant 0 : index
    %get3A_1944 = arith.constant 31360 : index
    %get3A_1945 = vector.load %arg1[%get3A_1943, %get3A_1944] : memref<8x32768xf32, #tpu.memory_space<vmem>>, vector<8x128xf32>
    %gt3A_1946 = arith.cmpf ogt, %get3A_1945, %select_n3A_1915 : vector<8x128xf32>
    %select_n3A_1947 = arith.select %gt3A_1946, %get3A_1945, %select_n3A_1915 : vector<8x128xi1>, vector<8x128xf32>
    %jit3A_1948 = arith.constant 61 : i32
    %broadcast_in_dim3A_1949 = vector.broadcast %jit3A_1948 : i32 to vector<8x128xi32>
    %select_n3A_1950 = arith.select %gt3A_1946, %broadcast_in_dim3A_1949, %select_n3A_1918 : vector<8x128xi1>, vector<8x128xi32>
    %get3A_1951 = arith.constant 0 : index
    %get3A_1952 = arith.constant 31488 : index
    %get3A_1953 = vector.load %arg1[%get3A_1951, %get3A_1952] : memref<8x32768xf32, #tpu.memory_space<vmem>>, vector<8x128xf32>
    %gt3A_1954 = arith.cmpf ogt, %get3A_1953, %select_n3A_1923 : vector<8x128xf32>
    %select_n3A_1955 = arith.select %gt3A_1954, %get3A_1953, %select_n3A_1923 : vector<8x128xi1>, vector<8x128xf32>
    %jit3A_1956 = arith.constant 61 : i32
    %broadcast_in_dim3A_1957 = vector.broadcast %jit3A_1956 : i32 to vector<8x128xi32>
    %select_n3A_1958 = arith.select %gt3A_1954, %broadcast_in_dim3A_1957, %select_n3A_1926 : vector<8x128xi1>, vector<8x128xi32>
    %get3A_1959 = arith.constant 0 : index
    %get3A_1960 = arith.constant 31616 : index
    %get3A_1961 = vector.load %arg1[%get3A_1959, %get3A_1960] : memref<8x32768xf32, #tpu.memory_space<vmem>>, vector<8x128xf32>
    %gt3A_1962 = arith.cmpf ogt, %get3A_1961, %select_n3A_1931 : vector<8x128xf32>
    %select_n3A_1963 = arith.select %gt3A_1962, %get3A_1961, %select_n3A_1931 : vector<8x128xi1>, vector<8x128xf32>
    %jit3A_1964 = arith.constant 61 : i32
    %broadcast_in_dim3A_1965 = vector.broadcast %jit3A_1964 : i32 to vector<8x128xi32>
    %select_n3A_1966 = arith.select %gt3A_1962, %broadcast_in_dim3A_1965, %select_n3A_1934 : vector<8x128xi1>, vector<8x128xi32>
    %get3A_1967 = arith.constant 0 : index
    %get3A_1968 = arith.constant 31744 : index
    %get3A_1969 = vector.load %arg1[%get3A_1967, %get3A_1968] : memref<8x32768xf32, #tpu.memory_space<vmem>>, vector<8x128xf32>
    %gt3A_1970 = arith.cmpf ogt, %get3A_1969, %select_n3A_1939 : vector<8x128xf32>
    %select_n3A_1971 = arith.select %gt3A_1970, %get3A_1969, %select_n3A_1939 : vector<8x128xi1>, vector<8x128xf32>
    %jit3A_1972 = arith.constant 62 : i32
    %broadcast_in_dim3A_1973 = vector.broadcast %jit3A_1972 : i32 to vector<8x128xi32>
    %select_n3A_1974 = arith.select %gt3A_1970, %broadcast_in_dim3A_1973, %select_n3A_1942 : vector<8x128xi1>, vector<8x128xi32>
    %get3A_1975 = arith.constant 0 : index
    %get3A_1976 = arith.constant 31872 : index
    %get3A_1977 = vector.load %arg1[%get3A_1975, %get3A_1976] : memref<8x32768xf32, #tpu.memory_space<vmem>>, vector<8x128xf32>
    %gt3A_1978 = arith.cmpf ogt, %get3A_1977, %select_n3A_1947 : vector<8x128xf32>
    %select_n3A_1979 = arith.select %gt3A_1978, %get3A_1977, %select_n3A_1947 : vector<8x128xi1>, vector<8x128xf32>
    %jit3A_1980 = arith.constant 62 : i32
    %broadcast_in_dim3A_1981 = vector.broadcast %jit3A_1980 : i32 to vector<8x128xi32>
    %select_n3A_1982 = arith.select %gt3A_1978, %broadcast_in_dim3A_1981, %select_n3A_1950 : vector<8x128xi1>, vector<8x128xi32>
    %get3A_1983 = arith.constant 0 : index
    %get3A_1984 = arith.constant 32000 : index
    %get3A_1985 = vector.load %arg1[%get3A_1983, %get3A_1984] : memref<8x32768xf32, #tpu.memory_space<vmem>>, vector<8x128xf32>
    %gt3A_1986 = arith.cmpf ogt, %get3A_1985, %select_n3A_1955 : vector<8x128xf32>
    %select_n3A_1987 = arith.select %gt3A_1986, %get3A_1985, %select_n3A_1955 : vector<8x128xi1>, vector<8x128xf32>
    %jit3A_1988 = arith.constant 62 : i32
    %broadcast_in_dim3A_1989 = vector.broadcast %jit3A_1988 : i32 to vector<8x128xi32>
    %select_n3A_1990 = arith.select %gt3A_1986, %broadcast_in_dim3A_1989, %select_n3A_1958 : vector<8x128xi1>, vector<8x128xi32>
    %get3A_1991 = arith.constant 0 : index
    %get3A_1992 = arith.constant 32128 : index
    %get3A_1993 = vector.load %arg1[%get3A_1991, %get3A_1992] : memref<8x32768xf32, #tpu.memory_space<vmem>>, vector<8x128xf32>
    %gt3A_1994 = arith.cmpf ogt, %get3A_1993, %select_n3A_1963 : vector<8x128xf32>
    %select_n3A_1995 = arith.select %gt3A_1994, %get3A_1993, %select_n3A_1963 : vector<8x128xi1>, vector<8x128xf32>
    %jit3A_1996 = arith.constant 62 : i32
    %broadcast_in_dim3A_1997 = vector.broadcast %jit3A_1996 : i32 to vector<8x128xi32>
    %select_n3A_1998 = arith.select %gt3A_1994, %broadcast_in_dim3A_1997, %select_n3A_1966 : vector<8x128xi1>, vector<8x128xi32>
    %get3A_1999 = arith.constant 0 : index
    %get3A_2000 = arith.constant 32256 : index
    %get3A_2001 = vector.load %arg1[%get3A_1999, %get3A_2000] : memref<8x32768xf32, #tpu.memory_space<vmem>>, vector<8x128xf32>
    %gt3A_2002 = arith.cmpf ogt, %get3A_2001, %select_n3A_1971 : vector<8x128xf32>
    %select_n3A_2003 = arith.select %gt3A_2002, %get3A_2001, %select_n3A_1971 : vector<8x128xi1>, vector<8x128xf32>
    %jit3A_2004 = arith.constant 63 : i32
    %broadcast_in_dim3A_2005 = vector.broadcast %jit3A_2004 : i32 to vector<8x128xi32>
    %select_n3A_2006 = arith.select %gt3A_2002, %broadcast_in_dim3A_2005, %select_n3A_1974 : vector<8x128xi1>, vector<8x128xi32>
    %get3A_2007 = arith.constant 0 : index
    %get3A_2008 = arith.constant 32384 : index
    %get3A_2009 = vector.load %arg1[%get3A_2007, %get3A_2008] : memref<8x32768xf32, #tpu.memory_space<vmem>>, vector<8x128xf32>
    %gt3A_2010 = arith.cmpf ogt, %get3A_2009, %select_n3A_1979 : vector<8x128xf32>
    %select_n3A_2011 = arith.select %gt3A_2010, %get3A_2009, %select_n3A_1979 : vector<8x128xi1>, vector<8x128xf32>
    %jit3A_2012 = arith.constant 63 : i32
    %broadcast_in_dim3A_2013 = vector.broadcast %jit3A_2012 : i32 to vector<8x128xi32>
    %select_n3A_2014 = arith.select %gt3A_2010, %broadcast_in_dim3A_2013, %select_n3A_1982 : vector<8x128xi1>, vector<8x128xi32>
    %get3A_2015 = arith.constant 0 : index
    %get3A_2016 = arith.constant 32512 : index
    %get3A_2017 = vector.load %arg1[%get3A_2015, %get3A_2016] : memref<8x32768xf32, #tpu.memory_space<vmem>>, vector<8x128xf32>
    %gt3A_2018 = arith.cmpf ogt, %get3A_2017, %select_n3A_1987 : vector<8x128xf32>
    %select_n3A_2019 = arith.select %gt3A_2018, %get3A_2017, %select_n3A_1987 : vector<8x128xi1>, vector<8x128xf32>
    %jit3A_2020 = arith.constant 63 : i32
    %broadcast_in_dim3A_2021 = vector.broadcast %jit3A_2020 : i32 to vector<8x128xi32>
    %select_n3A_2022 = arith.select %gt3A_2018, %broadcast_in_dim3A_2021, %select_n3A_1990 : vector<8x128xi1>, vector<8x128xi32>
    %get3A_2023 = arith.constant 0 : index
    %get3A_2024 = arith.constant 32640 : index
    %get3A_2025 = vector.load %arg1[%get3A_2023, %get3A_2024] : memref<8x32768xf32, #tpu.memory_space<vmem>>, vector<8x128xf32>
    %gt3A_2026 = arith.cmpf ogt, %get3A_2025, %select_n3A_1995 : vector<8x128xf32>
    %select_n3A_2027 = arith.select %gt3A_2026, %get3A_2025, %select_n3A_1995 : vector<8x128xi1>, vector<8x128xf32>
    %jit3A_2028 = arith.constant 63 : i32
    %broadcast_in_dim3A_2029 = vector.broadcast %jit3A_2028 : i32 to vector<8x128xi32>
    %select_n3A_2030 = arith.select %gt3A_2026, %broadcast_in_dim3A_2029, %select_n3A_1998 : vector<8x128xi1>, vector<8x128xi32>
    %mul3A = arith.constant 512 : i32
    %mul3A_2031 = vector.broadcast %mul3A : i32 to vector<8x128xi32>
    %mul3A_2032 = arith.muli %select_n3A_2006, %mul3A_2031 : vector<8x128xi32>
    %add3A = arith.addi %mul3A_2032, %iota3A : vector<8x128xi32>
    %mul3A_2033 = arith.constant 512 : i32
    %mul3A_2034 = vector.broadcast %mul3A_2033 : i32 to vector<8x128xi32>
    %mul3A_2035 = arith.muli %select_n3A_2014, %mul3A_2034 : vector<8x128xi32>
    %add3A_2036 = arith.constant 128 : i32
    %add3A_2037 = vector.broadcast %add3A_2036 : i32 to vector<8x128xi32>
    %add3A_2038 = arith.addi %mul3A_2035, %add3A_2037 : vector<8x128xi32>
    %add3A_2039 = arith.addi %add3A_2038, %iota3A : vector<8x128xi32>
    %gt3A_2040 = arith.cmpf ogt, %select_n3A_2011, %select_n3A_2003 : vector<8x128xf32>
    %eq3A = arith.cmpf oeq, %select_n3A_2011, %select_n3A_2003 : vector<8x128xf32>
    %lt3A = arith.cmpi slt, %add3A_2039, %add3A : vector<8x128xi32>
    %and3A = arith.andi %eq3A, %lt3A : vector<8x128xi1>
    %or3A = arith.ori %gt3A_2040, %and3A : vector<8x128xi1>
    %select_n3A_2041 = arith.select %or3A, %select_n3A_2011, %select_n3A_2003 : vector<8x128xi1>, vector<8x128xf32>
    %select_n3A_2042 = arith.select %or3A, %add3A_2039, %add3A : vector<8x128xi1>, vector<8x128xi32>
    %mul3A_2043 = arith.constant 512 : i32
    %mul3A_2044 = vector.broadcast %mul3A_2043 : i32 to vector<8x128xi32>
    %mul3A_2045 = arith.muli %select_n3A_2022, %mul3A_2044 : vector<8x128xi32>
    %add3A_2046 = arith.constant 256 : i32
    %add3A_2047 = vector.broadcast %add3A_2046 : i32 to vector<8x128xi32>
    %add3A_2048 = arith.addi %mul3A_2045, %add3A_2047 : vector<8x128xi32>
    %add3A_2049 = arith.addi %add3A_2048, %iota3A : vector<8x128xi32>
    %gt3A_2050 = arith.cmpf ogt, %select_n3A_2019, %select_n3A_2041 : vector<8x128xf32>
    %eq3A_2051 = arith.cmpf oeq, %select_n3A_2019, %select_n3A_2041 : vector<8x128xf32>
    %lt3A_2052 = arith.cmpi slt, %add3A_2049, %select_n3A_2042 : vector<8x128xi32>
    %and3A_2053 = arith.andi %eq3A_2051, %lt3A_2052 : vector<8x128xi1>
    %or3A_2054 = arith.ori %gt3A_2050, %and3A_2053 : vector<8x128xi1>
    %select_n3A_2055 = arith.select %or3A_2054, %select_n3A_2019, %select_n3A_2041 : vector<8x128xi1>, vector<8x128xf32>
    %select_n3A_2056 = arith.select %or3A_2054, %add3A_2049, %select_n3A_2042 : vector<8x128xi1>, vector<8x128xi32>
    %mul3A_2057 = arith.constant 512 : i32
    %mul3A_2058 = vector.broadcast %mul3A_2057 : i32 to vector<8x128xi32>
    %mul3A_2059 = arith.muli %select_n3A_2030, %mul3A_2058 : vector<8x128xi32>
    %add3A_2060 = arith.constant 384 : i32
    %add3A_2061 = vector.broadcast %add3A_2060 : i32 to vector<8x128xi32>
    %add3A_2062 = arith.addi %mul3A_2059, %add3A_2061 : vector<8x128xi32>
    %add3A_2063 = arith.addi %add3A_2062, %iota3A : vector<8x128xi32>
    %gt3A_2064 = arith.cmpf ogt, %select_n3A_2027, %select_n3A_2055 : vector<8x128xf32>
    %eq3A_2065 = arith.cmpf oeq, %select_n3A_2027, %select_n3A_2055 : vector<8x128xf32>
    %lt3A_2066 = arith.cmpi slt, %add3A_2063, %select_n3A_2056 : vector<8x128xi32>
    %and3A_2067 = arith.andi %eq3A_2065, %lt3A_2066 : vector<8x128xi1>
    %or3A_2068 = arith.ori %gt3A_2064, %and3A_2067 : vector<8x128xi1>
    %select_n3A_2069 = arith.select %or3A_2068, %select_n3A_2027, %select_n3A_2055 : vector<8x128xi1>, vector<8x128xf32>
    %select_n3A_2070 = arith.select %or3A_2068, %add3A_2063, %select_n3A_2056 : vector<8x128xi1>, vector<8x128xi32>
    %reduce_max3A = arith.constant dense<0xFF800000> : vector<8xf32>
    %reduce_max3A_2071 = vector.multi_reduction <maximumf>, %select_n3A_2069, %reduce_max3A [1] : vector<8x128xf32> to vector<8xf32>
    %broadcast_in_dim3A_2072 = vector.shape_cast %reduce_max3A_2071 : vector<8xf32> to vector<8x1xf32>
    %eq3A_2073 = vector.broadcast %broadcast_in_dim3A_2072 : vector<8x1xf32> to vector<8x128xf32>
    %eq3A_2074 = arith.cmpf oeq, %select_n3A_2069, %eq3A_2073 : vector<8x128xf32>
    %jit3A_2075 = arith.constant 1073741824 : i32
    %broadcast_in_dim3A_2076 = vector.broadcast %jit3A_2075 : i32 to vector<8x128xi32>
    %select_n3A_2077 = arith.select %eq3A_2074, %select_n3A_2070, %broadcast_in_dim3A_2076 : vector<8x128xi1>, vector<8x128xi32>
    %reduce_min3A = arith.constant dense<2147483647> : vector<8xi32>
    %reduce_min3A_2078 = vector.multi_reduction <minsi>, %select_n3A_2077, %reduce_min3A [1] : vector<8x128xi32> to vector<8xi32>
    %swap3A = arith.constant 0 : index
    %swap3A_2079 = arith.constant 0 : index
    %swap3A_2080 = arith.constant 0 : index
    %swap3A_2081 = vector.load %arg2[%swap3A, %swap3A_2079, %swap3A_2080] : memref<1x1x8xi32, #tpu.memory_space<vmem>>, vector<1x1x8xi32>
    %swap3A_2082 = vector.shape_cast %swap3A_2081 : vector<1x1x8xi32> to vector<8xi32>
    %swap3A_2083 = vector.shape_cast %reduce_min3A_2078 : vector<8xi32> to vector<1x1x8xi32>
    tpu.vector_store %arg2[%swap3A, %swap3A_2079, %swap3A_2080], %swap3A_2083 {strides = array<i32>} : memref<1x1x8xi32, #tpu.memory_space<vmem>>, vector<1x1x8xi32>,
    return
  }
  func.func @transform_0(%arg0: i32) -> (i32, i32) {
    %add3A = arith.constant 8 : i32
    %add3A_0 = arith.addi %arg0, %add3A : i32
    %c0_i32 = arith.constant 0 : i32
    %c0_i32_1 = arith.constant 0 : i32
    return %add3A_0, %c0_i32 : i32, i32
  }
  func.func @transform_1(%arg0: i32) -> (i32, i32, i32) {
    %c0_i32 = arith.constant 0 : i32
    %c0_i32_0 = arith.constant 0 : i32
    %c0_i32_1 = arith.constant 0 : i32
    return %arg0, %c0_i32, %c0_i32_0 : i32, i32, i32
  }
}

</mosaic_0001>

<sc_bundles>
// kernel: kernel.4.cloned.1.call-start
scs
__scs_entry_jumppad:
0x0: {  	(pc) =	sbr.rel $0x88, $3  }
0x1: {  	(tag) =	ssettag $0x0;
	lr =	simm.s32 $0x1  }
0x2: {  	[smem:$0x3FA0] =	sst lr;
	_ =	strace $0xD0000000  }
0x3: {  	_ = 	snop  }
0x4: {  	_ = 	snop  }
0x5: {  	_ = 	snop  }
0x6: {  	_ = 	snop  }
0x7: {  	_ = 	snop  }
__scs_overlays_trampoline_lowered:
0x8: {  	[smem:$0x3FAF] =	sst s0  }
0x9: {  	[smem:$0x3FB0] =	sst s1  }
0xa: {  	[smem:$0x3FB1] =	sst s2  }
0xb: {  	[smem:$0x3FB2] =	sst s3  }
0xc: {  	[smem:$0x3FB3] =	sst s4  }
0xd: {  	[smem:$0x3FB4] =	sst s5  }
0xe: {  	[smem:$0x3FB5] =	sst s6  }
0xf: {  	[smem:$0x3FB6] =	sst s7  }
0x10: {  	[smem:$0x3FB7] =	sst s8  }
0x11: {  	[smem:$0x3FB8] =	sst s9;
	s0 =	simm.s32 @!p0 $0x0  }
0x12: {  	s1 =	sld [smem:$0x3F9E];
	s0 =	simm.s32 @p0 $0x1  }
0x13: {  	[smem:$0x3FB9] =	sst s0;
	s0 =	simm.s32 @!p1 $0x0  }
0x14: {  	s2 =	sld [smem:$0x3F9D];
	s0 =	simm.s32 @p1 $0x1  }
0x15: {  	[smem:$0x3FBA] =	sst s0;
	s0 =	simm.s32 @!p2 $0x0  }
0x16: {  	s3 =	sld [smem:$0x3FDB];
	s0 =	simm.s32 @p2 $0x1  }
0x17: {  	s4 =	simm.s32 $0x1BF5;
	[smem:$0x3FBC] =	sst s0  }
0x18: {  	s0 =	sld [smem:$0x3F9F];
	_ =	swait.ge [sflag:s4], $0x0  }
0x19: {  	s7 =	sld [smem:$0x3FA0]  }
0x1a: {  	s8 =	sadd.s32 $0xFFFFE003, lr  }
0x1b: {  	s9 =	sadd.s32 $0xFFFFFEF7, lr;
	s5 =	simm.s32 $0xFFFFFFFF;
	p2 =	slt.u32 s8, $0xFFFFF086  }
0x1c: {  	p1 =	slt.u32 s9, $0xF7A;
	s5 =	simm.s32 @!p2 $0x0  }
0x1d: {  	s5 =	simm.s32 @p1 $0x1;
	p0 =	seq.s32 s7, s2  }
0x1e: {  	s7 =	smul.u32 @!p0 $0xF7A, s2;
	p2 =	seq.s32 @!p0 s5, $0x0  }
0x1f: {  	s9 =	smul.u32 $0xF7A, s1;
	s8 =	simm.s32 @!p0 $0x1BF5;
	p2 =	por !p2, p0  }
0x20: {  	[sflag:s8] =	ssyncset.s32 @!p0 $0xFFFFF086;
	s6 =	sadd.s32 @!p0 s3, s7;
	s7 =	simm.s32 @!p0 $0x108  }
0x21: {  	s3 =	sadd.s32 s3, s9;
	s6 =	sadd.s32 @!p0 $0x88, s6;
	s7 =	simm.s32 @p2 $0x1082  }
0x22: {  	[simem:s7], [sflag:s8] =	dma.local @!p0 [hbm:s6], $0xF7A  }
0x23: {  	s9 =	sor.u32 $0xD0000000, s2;
	s6 =	simm.s32 $0x108;
	_ =	swait.ge @!p0 [sflag:s8], $0x0  }
0x24: {  	s3 =	sadd.s32 $0x88, s3;
	s6 =	simm.s32 @!p1 $0x1082;
	[sflag:s4] =	ssyncset.s32 $0xFFFFF086  }
0x25: {  	[simem:s6], [sflag:s4] =	dma.local [hbm:s3], $0xF7A  }
0x26: {  	[smem:$0x3FA0] =	sst s1;
	(tag) =	ssettag s2;
	_ =	strace s9  }
0x27: {  	s1 =	sld [smem:$0x3FB0]  }
0x28: {  	s2 =	sld [smem:$0x3FB1]  }
0x29: {  	s4 =	sld [smem:$0x3FB3]  }
0x2a: {  	p0 =	seq.s32 s5, $0x0;
	s5 =	sld [smem:$0x3FB4]  }
0x2b: {  	s6 =	sld [smem:$0x3FB5]  }
0x2c: {  	s7 =	sld [smem:$0x3FB6]  }
0x2d: {  	s3 =	simm.s32 $0x108;
	s8 =	sld [smem:$0x3FB7]  }
0x2e: {  	s3 =	simm.s32 @!p0 $0x1082;
	s9 =	sld [smem:$0x3FB8]  }
0x2f: {  	lr =	sadd.s32 s0, s3;
	s0 =	sld [smem:$0x3FAF]  }
0x30: {  	s3 =	sld [smem:$0x3FB2]  }
0x31: {  	[smem:$0x3FBB] =	sst s10  }
0x32: {  	s10 =	sld [smem:$0x3FB9];
	_ =	sdelay $0x3  }
0x33: {  	p0 =	seq.s32 s10, $0x1;
	s10 =	sld [smem:$0x3FBB];
	_ =	sdelay $0x3  }
0x34: {  	[smem:$0x3FBB] =	sst s10  }
0x35: {  	s10 =	sld [smem:$0x3FBA];
	_ =	sdelay $0x3  }
0x36: {  	p1 =	seq.s32 s10, $0x1;
	s10 =	sld [smem:$0x3FBB];
	_ =	sdelay $0x3  }
0x37: {  	[smem:$0x3FBB] =	sst s10  }
0x38: {  	s10 =	sld [smem:$0x3FBC]  }
0x39: {  	_ = 	snop;
	(pc) =	sbr.ind lr, $3  }
0x3a: {  	_ = 	snop  }
0x3b: {  	_ = 	snop  }
0x3c: {  	p2 =	seq.s32 s10, $0x1;
	s10 =	sld [smem:$0x3FBB]  }
0x3d: {  	_ =	shalt  }
0x3e: {  	_ =	shalt  }
0x3f: {  	_ =	shalt  }
0x40: {  	_ =	shalt  }
0x41: {  	_ =	shalt  }
0x42: {  	_ =	shalt  }
0x43: {  	_ =	shalt  }
0x44: {  	_ =	shalt  }
0x45: {  	_ =	shalt  }
0x46: {  	_ =	shalt  }
0x47: {  	_ =	shalt  }
0x48: {  	_ =	shalt  }
0x49: {  	_ =	shalt  }
0x4a: {  	_ =	shalt  }
0x4b: {  	_ =	shalt  }
0x4c: {  	_ =	shalt  }
0x4d: {  	_ =	shalt  }
0x4e: {  	_ =	shalt  }
0x4f: {  	_ =	shalt  }
0x50: {  	_ =	shalt  }
0x51: {  	_ =	shalt  }
0x52: {  	_ =	shalt  }
0x53: {  	_ =	shalt  }
0x54: {  	_ =	shalt  }
0x55: {  	_ =	shalt  }
0x56: {  	_ =	shalt  }
0x57: {  	_ =	shalt  }
0x58: {  	_ =	shalt  }
0x59: {  	_ =	shalt  }
0x5a: {  	_ =	shalt  }
0x5b: {  	_ =	shalt  }
0x5c: {  	_ =	shalt  }
0x5d: {  	_ =	shalt  }
0x5e: {  	_ =	shalt  }
0x5f: {  	_ =	shalt  }
0x60: {  	_ =	shalt  }
0x61: {  	_ =	shalt  }
0x62: {  	_ =	shalt  }
0x63: {  	_ =	shalt  }
0x64: {  	_ =	shalt  }
0x65: {  	_ =	shalt  }
0x66: {  	_ =	shalt  }
0x67: {  	_ =	shalt  }
0x68: {  	_ =	shalt  }
0x69: {  	_ =	shalt  }
0x6a: {  	_ =	shalt  }
0x6b: {  	_ =	shalt  }
0x6c: {  	_ =	shalt  }
0x6d: {  	_ =	shalt  }
0x6e: {  	_ =	shalt  }
0x6f: {  	_ =	shalt  }
0x70: {  	_ =	shalt  }
0x71: {  	_ =	shalt  }
0x72: {  	_ =	shalt  }
0x73: {  	_ =	shalt  }
0x74: {  	_ =	shalt  }
0x75: {  	_ =	shalt  }
0x76: {  	_ =	shalt  }
0x77: {  	_ =	shalt  }
0x78: {  	_ =	shalt  }
0x79: {  	_ =	shalt  }
0x7a: {  	_ =	shalt  }
0x7b: {  	_ =	shalt  }
0x7c: {  	_ =	shalt  }
0x7d: {  	_ =	shalt  }
0x7e: {  	_ =	shalt  }
0x7f: {  	_ =	shalt  }
0x80: {  	_ =	shalt  }
0x81: {  	_ =	shalt  }
0x82: {  	_ =	shalt  }
0x83: {  	_ =	shalt  }
0x84: {  	_ =	shalt  }
0x85: {  	_ =	shalt  }
0x86: {  	_ =	shalt  }
0x87: {  	_ =	shalt  }
.Lfunc_end0:
.L_simem_size_0:
called_computation_lowered:
.L_overlay_start_0:
0x88: {  	s2 =	sld [smem:$0x3FD9]  }
0x89: {  	s3 =	sld [smem:$0x3FFE];
	_ =	sdelay $0x1  }
0x8a: {  	s1 =	srdreg.scid  }
0x8b: {  	s0 =	sand.u32 $0x1, s1  }
0x8c: {  	s17 =	sshll.u32 s0, $0xA;
	s2 =	sadd.s32 s3, s2  }
0x8d: {  	s2 =	sadd.s32 s2, s17  }
0x8e: {  	[smem:$0x3FC7] =	sst s2  }
0x8f: {  	_ = 	snop  }
0x90: {  	s2 =	sld [smem:$0x3FC9];
	(tm) =	ssettm $0x1  }
0x91: {  	s18 =	sld [smem:$0x3FFB];
	_ =	sdelay $0x3  }
0x92: {  	_ =	strace s18  }
0x93: {  	s3 =	sld [smem:$0x3FFC];
	_ =	sdelay $0x3  }
0x94: {  	_ =	strace s3  }
0x95: {  	s3 =	sld [smem:$0x3FFD];
	_ =	sdelay $0x3  }
0x96: {  	_ =	strace s3  }
0x97: {  	_ =	strace $0x8FFFFFFF  }
0x98: {  	s19 =	sld [smem:$0x3FDB];
	_ =	sdelay $0x1  }
0x99: {  	s4 =	simm.s32 $_scs_section_size  }
0x9a: {  	s5 =	simm.s32 $_size__tile_overlayer_lowered;
	s6 =	simm.s32 $_tile_overlayer_lowered  }
0x9b: {  	s22 =	simm.s32 $0x1BFF;
	s21 =	sshll.u32 s6, $0x1;
	s3 =	sadd.s32 s4, s19  }
0x9c: {  	s7 =	simm.s32 $0x0;
	s20 =	sshll.u32 s5, $0x1;
	s5 =	sadd.s32 s21, s3  }
0x9d: {  	[timem:s7], [sflag:s22] =	dma.local [hbm:s5], s20  }
0x9e: {  	_ =	swait.ge [sflag:s22], s20  }
0x9f: {  	s4 =	ssub.s32 $0x0, s20;
	[sflag:s22] =	ssyncset.done $0x0  }
0xa0: {  	[sflag:s22] =	ssyncadd.s32 s4;
	_ =	sdelay $0x1  }
0xa1: {  	s23 =	simm.s32 $0x1B8B  }
0xa2: {  	_ =	swait.ge [sflag:s23], $0x1  }
0xa3: {  	[sflag:s23] =	ssyncset.done $0x0  }
0xa4: {  	s25 =	simm.s32 $0x1B8E;
	s24 =	sld [smem:$0x3FFE];
	[sflag:s23] =	ssyncadd.s32 $0xFFFFFFFF  }
0xa5: {  	s26 =	simm.s32 $execute0_lowered;
	[smem:$0x3FD2] =	sst s25  }
0xa6: {  	s5 =	sshll.u32 s26, $0x1;
	_ =	strace $0x80000046;
	[dreg:$0x1] =	wrdreg $0xFFFFFFFF  }
0xa7: {  	s28 =	simm.s32 $_size_execute0_lowered;
	s3 =	sadd.s32 s3, s5;
	[dreg:$0x0] =	wrdreg $0x0  }
0xa8: {  	s5 =	sshll.u32 s28, $0x1;
	[dreg:$0x2] =	wrdreg s3  }
0xa9: {  	[dreg:$0x3] =	wrdreg s5  }
0xaa: {  	[dreg:$0x4] =	wrdreg $0xC0  }
0xab: {  	_ =	task [dreg:s7], $0x5FFFF  }
0xac: {  	[dreg:$0x1] =	wrdreg $0xFFFFFFFF  }
0xad: {  	[dreg:$0x0] =	wrdreg $0x60  }
0xae: {  	[dreg:$0x2] =	wrdreg s2  }
0xaf: {  	[dreg:$0x3] =	wrdreg s24  }
0xb0: {  	[dreg:$0x4] =	wrdreg $0x101800  }
0xb1: {  	[dreg:$0x5] =	wrdreg $0x9  }
0xb2: {  	_ =	task.clear_ibuf [dreg:s7], $0x6FFFF;
	_ =	strace $0x90000046  }
0xb3: {  	s29 =	simm.s32 $0x9;
	_ =	strace $0x80000048  }
0xb4: {  	_ =	swait.ge [sflag:s29], $0x1  }
0xb5: {  	[sflag:s29] =	ssyncadd.s32 $0xFFFFFFFF  }
0xb6: {  	_ =	strace $0x90000048  }
0xb7: {  	_ =	sfence  }
0xb8: {  	s30 =	sld [smem:$0x0];
	_ =	sdelay $0x2  }
0xb9: {  	s31 =	sshll.u32 s1, $0xD;
	s1 =	sshrl.u32 s1, $0x2  }
0xba: {  	s3 =	sand.u32 $0x4000, s31;
	s1 =	sadd.s32 s1, s30  }
0xbb: {  	s0 =	sor.u32 s3, s0;
	s1 =	sshll.u32 s1, $0x11  }
0xbc: {  	s0 =	sor.u32 s1, s0  }
0xbd: {  	s0 =	sadd.s32 $0x8F2B, s0  }
0xbe: {  	[sflag:s0] =	ssyncadd.remote.s32 $0x1  }
0xbf: {  	_ =	sfence.sel $0xFFFF  }
0xc0: {  	[dreg:$0x0] =	wrdreg $0xFFFFFFFF;
	(pc) =	sbr.abs _section_cstart, $3  }
0xc1: {  	[dreg:$0x1] =	wrdreg $0xFFFFFFFF  }
0xc2: {  	_ =	task.clear_ibuf [dreg:s7], $0x2FFFF;
	_ =	strace $0x9FFFFFFF  }
0xc3: {  	(tm) =	ssettm $0x7FFFFFFF  }
tec
execute0_lowered:
.L_overlay_start_1:
0x0: {  	(tag) =	ssettag $0x1  }
0x1: {  	s0 =	rddreg [dreg:$0x0]  }
0x2: {  	s1 =	rddreg [dreg:$0x1]  }
0x3: {  	s2 =	rddreg [dreg:$0x2];
	s3 =	srdreg.scid  }
0x4: {  	s8 =	stileid.u32;
	s6 =	simm.s32 $0x0;
	s3 =	sand.u32 $0x1, s3  }
0x5: {  	s5 =	sshll.u32 s8, $0x1;
	[smem:$0x7FF] =	sst s6;
	s7 =	sshll.u32 s8, $0x5  }
0x6: {  	s24 =	sshll.u32 s8, $0x4;
	s4 =	sshll.u32 s3, $0x5;
	_ =	strace $0x80000047  }
0x7: {  	s3 =	ssub.s32 $0x2, s3;
	s26 =	sand.u32 $0x80, s24;
	s4 =	sor.u32 s5, s4  }
0x8: {  	s22 =	sshrl.u32 s3, $0x1;
	s29 =	sadd.s32 s26, s2;
	s21 =	sshll.u32 s4, $0xC  }
0x9: {  	s4 =	sshrl.u32 s4, $0x3;
	s3 =	ssub.s32 s3, s22;
	[dreg:$0x7] =	wrdreg s29  }
0xa: {  	s6 =	sor.u32 s7, s21;
	s1 =	sadd.s32 s4, s1;
	s31 =	smax.u32 s3, $0x1  }
0xb: {  	s6 =	sand.u32 $0x38060, s6;
	s1 =	sadd.s32 $0x200, s1;
	[dreg:$0x9] =	wrdreg s31  }
0xc: {  	s30 =	sand.u32 $0x7, s8;
	s23 =	sadd.s32 s0, s6;
	[dreg:$0x8] =	wrdreg s1  }
0xd: {  	s25 =	sand.u32 $0xE, s5;
	s0 =	sadd.s32 s24, s2;
	[dreg:$0x4] =	wrdreg s23  }
0xe: {  	s28 =	sor.u32 $0x1, s25;
	s4 =	sadd.s32 $0x10, s23;
	[dreg:$0x6] =	wrdreg s0  }
0xf: {  	v2 =	vlaneseq.u32;
	p0 =	sne.s32 s30, $0x0;
	v0 =	vmov s25;
	v1 =	vmov s28;
	s2 =	simm.s32 $0x0;
	[dreg:$0x5] =	wrdreg s4  }
.LBB2_1:
0x10: {  	[dreg:$0xa] =	wrdreg s2;
	s0 =	simm.s32 $0x0  }
0x11: {  	s1 =	rddreg [dreg:$0x4];
	s28 =	simm.s32 $0x80;
	s3 =	simm.s32 $0x400  }
0x12: {  	[tilespmem:s0], [sflag:$0x1] =	stream.strided.gather [hbm4b:s1+s28], $0x8000, s3, s28, $0x38;
	[tilespmem:$0x10190] =	vst v63  }
0x13: {  	s29 =	rddreg [dreg:$0x5];
	s30 =	simm.s32 $0x8000;
	s17 =	simm.s32 $0x1  }
0x14: {  	[tilespmem:s30], [sflag:$0x2] =	stream.strided.gather [hbm4b:s29+s28], $0x8000, s3, s28, $0x38;
	[tilespmem:$0x10190] =	vst v63  }
0x15: {  	_ =	swait.ge [sflag:s17], $0x8000  }
0x16: {  	[sflag:s17] =	ssyncset.done $0x0  }
0x17: {  	[sflag:s17] =	ssyncadd.s32 $0xFFFF8000  }
0x18: {  	v3 =	vld [tilespmem:$0x0]  }
0x19: {  	v4 =	vld [tilespmem:$0x10]  }
0x1a: {  	v5 =	vld [tilespmem:$0x20]  }
0x1b: {  	s31 =	simm.s32 $0xA0;
	v6 =	vld [tilespmem:$0x30]  }
0x1c: {  	v7 =	vld [tilespmem:s31+$0x60]  }
0x1d: {  	v8 =	vld [tilespmem:s31+$0xFFFFFFA0]  }
0x1e: {  	v10 =	vld [tilespmem:s31+$0x70]  }
0x1f: {  	v9 =	vld [tilespmem:s31+$0xFFFFFFE0]  }
0x20: {  	v11 =	vld [tilespmem:s31+$0x20]  }
0x21: {  	v14 =	vld [tilespmem:s31+$0xFFFFFFC0]  }
0x22: {  	v15 =	vld [tilespmem:s31+$0xFFFFFFD0]  }
0x23: {  	v12 =	vld [tilespmem:s31+$0x30]  }
0x24: {  	v13 =	vld [tilespmem:s31+$0xFFFFFFF0]  }
0x25: {  	v19 =	vld [tilespmem:s31+$0x10];
	vm0 =	vgt.f32 v8, v3  }
0x26: {  	v17 =	vimm.s32 $0x0;
	v16 =	vld [tilespmem:s31+$0x0];
	vm5 =	vgt.f32 v14, v5;
	v3 =	vsel vm0, v8, v3  }
0x27: {  	vm6 =	vgt.f32 v15, v6;
	v8 =	vld [tilespmem:s31+$0xFFFFFFB0];
	v5 =	vsel vm5, v14, v5;
	vm1 =	vgt.f32 v9, v3  }
0x28: {  	s2 =	simm.s32 $0x1A0;
	v20 =	vld [tilespmem:s31+$0x50];
	v6 =	vsel vm6, v15, v6;
	v62 =	vsel vm5, s17, v17;
	v3 =	vsel vm1, v9, v3  }
0x29: {  	s0 =	simm.s32 $0x2;
	v60 =	vld [tilespmem:s2+$0xFFFFFFA0];
	v63 =	vsel vm6, s17, v17;
	v9 =	vsel vm0, s17, v17;
	vm0 =	vgt.f32 v11, v3  }
0x2a: {  	s1 =	simm.s32 $0x3;
	vm8 =	vgt.f32 v19, v6;
	v9 =	vsel vm1, s0, v9;
	v3 =	vsel vm0, v11, v3;
	v11 =	vld [tilespmem:s31+$0x40]  }
0x2b: {  	s18 =	simm.s32 $0x4;
	v59 =	vld [tilespmem:s31+$0x80];
	v6 =	vsel vm8, v19, v6;
	v9 =	vsel vm0, s1, v9;
	vm0 =	vgt.f32 v7, v3  }
0x2c: {  	v61 =	vld [tilespmem:s2+$0xFFFFFFE0];
	v3 =	vsel vm0, v7, v3;
	v21 =	vsel vm0, s18, v9;
	vm0 =	vgt.f32 v8, v4  }
0x2d: {  	v18 =	vld [tilespmem:s2+$0x60];
	vm7 =	vgt.f32 v16, v5;
	vm10 =	vgt.f32 v20, v6;
	v4 =	vsel vm0, v8, v4  }
0x2e: {  	v22 =	vld [tilespmem:s2+$0x20];
	v5 =	vsel vm7, v16, v5;
	v6 =	vsel vm10, v20, v6;
	vm1 =	vgt.f32 v13, v4  }
0x2f: {  	v8 =	vld [tilespmem:s31+$0x90];
	vm4 =	vgt.f32 v60, v3;
	v4 =	vsel vm1, v13, v4;
	vm9 =	vgt.f32 v11, v5  }
0x30: {  	v23 =	vld [tilespmem:s2+$0xFFFFFFF0];
	v3 =	vsel vm4, v60, v3;
	vm2 =	vgt.f32 v12, v4;
	v5 =	vsel vm9, v11, v5  }
0x31: {  	v27 =	vld [tilespmem:s2+$0xFFFFFFB0];
	vm5 =	vgt.f32 v61, v3;
	v4 =	vsel vm2, v12, v4;
	vm11 =	vgt.f32 v59, v5  }
0x32: {  	v28 =	vld [tilespmem:s2+$0xFFFFFFC0];
	v30 =	vsel vm5, v61, v3;
	vm3 =	vgt.f32 v10, v4;
	v24 =	vsel vm11, v59, v5  }
0x33: {  	v29 =	vld [tilespmem:s2+$0xFFFFFFD0];
	v5 =	vsel vm8, s0, v63;
	v26 =	vsel vm3, v10, v4;
	v4 =	vsel vm7, s0, v62  }
0x34: {  	v16 =	vld [tilespmem:s2+$0x30];
	vm12 =	vgt.f32 v8, v6;
	v5 =	vsel vm10, s1, v5;
	v4 =	vsel vm9, s1, v4  }
0x35: {  	s11 =	simm.s32 $0x5;
	s3 =	simm.s32 $0x9;
	v9 =	vld [tilespmem:s2+$0x70];
	v25 =	vsel vm12, v8, v6;
	v19 =	vsel vm12, s18, v5;
	v20 =	vsel vm11, s18, v4  }
.LBB2_2:
0x36: {  	p1 =	slt.u32 s3, $0x1F9;
	v3 =	vsel vm4, s11, v21;
	s4 =	sadd.s32 $0x1, s11;
	v4 =	vld [tilespmem:s2+$0x0];
	vm4 =	vgt.f32 v22, v30;
	v5 =	vsel vm0, s17, v17;
	s17 =	smov.u32 s11  }
0x37: {  	s11 =	smov.u32 s3;
	v3 =	vsel vm5, s4, v3;
	v6 =	vld [tilespmem:s2+$0x10];
	s5 =	sadd.s32 $0x2, s17;
	v7 =	vsel vm4, v22, v30;
	v5 =	vsel vm1, s0, v5;
	s0 =	smov.u32 s4  }
0x38: {  	s4 =	sadd.s32 $0x3, s17;
	v3 =	vsel vm4, s5, v3;
	v8 =	vld [tilespmem:s2+$0x40];
	vm0 =	vgt.f32 v18, v7;
	v5 =	vsel vm2, s1, v5;
	s1 =	smov.u32 s5  }
0x39: {  	v10 =	vld [tilespmem:s2+$0x50];
	v7 =	vsel vm0, v18, v7;
	v21 =	vsel vm0, s4, v3;
	v17 =	vsel vm3, s18, v5;
	s18 =	smov.u32 s4  }
0x3a: {  	vm0 =	vgt.f32 v27, v26;
	vm5 =	vgt.f32 v28, v24;
	vm6 =	vgt.f32 v29, v25;
	v3 =	vld [tilespmem:s2+$0x80]  }
0x3b: {  	v5 =	vsel vm0, v27, v26;
	v11 =	vsel vm5, v28, v24;
	v12 =	vsel vm6, v29, v25;
	v13 =	vld [tilespmem:s2+$0x90];
	s2 =	sadd.s32 $0x100, s2  }
0x3c: {  	vm1 =	vgt.f32 v23, v5;
	vm7 =	vgt.f32 v4, v11;
	v18 =	vld [tilespmem:s2+$0x60];
	vm8 =	vgt.f32 v6, v12  }
0x3d: {  	v5 =	vsel vm1, v23, v5;
	v4 =	vsel vm7, v4, v11;
	v14 =	vld [tilespmem:s2+$0xFFFFFFA0];
	v6 =	vsel vm8, v6, v12  }
0x3e: {  	vm2 =	vgt.f32 v16, v5;
	vm9 =	vgt.f32 v8, v4;
	v11 =	vld [tilespmem:s2+$0x70];
	vm10 =	vgt.f32 v10, v6  }
0x3f: {  	v5 =	vsel vm2, v16, v5;
	v4 =	vsel vm9, v8, v4;
	v12 =	vld [tilespmem:s2+$0xFFFFFFE0];
	v6 =	vsel vm10, v10, v6  }
0x40: {  	vm3 =	vgt.f32 v9, v5;
	vm11 =	vgt.f32 v3, v4;
	v22 =	vld [tilespmem:s2+$0x20];
	vm12 =	vgt.f32 v13, v6  }
.Ltmp0:
0x41: {  	v26 =	vsel vm3, v9, v5;
	v24 =	vsel vm11, v3, v4;
	v16 =	vld [tilespmem:s2+$0x30];
	v25 =	vsel vm12, v13, v6;
	(pc) =	sbr.rel @p1 .LBB2_2-.Ltmp0, $4  }
0x42: {  	v3 =	vsel vm5, s17, v20;
	v4 =	vsel vm6, s17, v19;
	vm4 =	vgt.f32 v14, v7;
	v23 =	vld [tilespmem:s2+$0xFFFFFFF0]  }
0x43: {  	v3 =	vsel vm7, s0, v3;
	v4 =	vsel vm8, s0, v4;
	v5 =	vsel vm4, v14, v7;
	v27 =	vld [tilespmem:s2+$0xFFFFFFB0];
	v9 =	vmovc v11  }
0x44: {  	v3 =	vsel vm9, s1, v3;
	v4 =	vsel vm10, s1, v4;
	v28 =	vld [tilespmem:s2+$0xFFFFFFC0];
	vm5 =	vgt.f32 v12, v5  }
0x45: {  	s3 =	sadd.s32 $0x4, s3;
	v20 =	vsel vm11, s18, v3;
	v19 =	vsel vm12, s18, v4;
	v29 =	vld [tilespmem:s2+$0xFFFFFFD0];
	v30 =	vsel vm5, v12, v5  }
0x46: {  	v31 =	vld [tilespmem:s2+$0x0]  }
0x47: {  	v32 =	vld [tilespmem:s2+$0x10]  }
0x48: {  	v33 =	vld [tilespmem:s2+$0x40]  }
0x49: {  	v34 =	vld [tilespmem:s2+$0x50]  }
0x4a: {  	v35 =	vld [tilespmem:s2+$0x80]  }
0x4b: {  	v36 =	vld [tilespmem:s2+$0x90]  }
0x4c: {  	v15 =	vld [tilespmem:$0x7F40]  }
0x4d: {  	v13 =	vld [tilespmem:$0x7F50]  }
0x4e: {  	v14 =	vld [tilespmem:$0x7F60]  }
0x4f: {  	v12 =	vld [tilespmem:$0x7F70]  }
0x50: {  	v10 =	vld [tilespmem:$0x7F80]  }
0x51: {  	v11 =	vld [tilespmem:$0x7F90]  }
0x52: {  	v6 =	vld [tilespmem:$0x7FA0]  }
0x53: {  	v7 =	vld [tilespmem:$0x7FB0]  }
0x54: {  	v8 =	vld [tilespmem:$0x7FC0]  }
0x55: {  	v4 =	vld [tilespmem:$0x7FD0]  }
0x56: {  	v5 =	vld [tilespmem:$0x7FE0];
	s4 =	simm.s32 $0x2  }
0x57: {  	v3 =	vld [tilespmem:$0x7FF0];
	vm6 =	vgt.f32 v22, v30;
	_ =	swait.ge [sflag:s4], $0x8000  }
0x58: {  	v21 =	vsel vm4, s11, v21;
	s29 =	sadd.s32 $0x1, s11;
	v17 =	vsel vm0, s17, v17;
	v22 =	vsel vm6, v22, v30;
	[sflag:s4] =	ssyncset.done $0x0  }
0x59: {  	s3 =	sadd.s32 $0x2, s11;
	v21 =	vsel vm5, s29, v21;
	v17 =	vsel vm1, s0, v17;
	vm0 =	vgt.f32 v18, v22;
	[sflag:s4] =	ssyncadd.s32 $0xFFFF8000  }
0x5a: {  	s30 =	sadd.s32 $0x3, s11;
	v21 =	vsel vm6, s3, v21;
	v17 =	vsel vm2, s1, v17;
	v22 =	vsel vm0, v18, v22;
	v37 =	vld [tilespmem:$0x8000]  }
0x5b: {  	v18 =	vsel vm0, s30, v21;
	v21 =	vsel vm3, s18, v17;
	vm0 =	vgt.f32 v27, v26;
	v38 =	vld [tilespmem:$0x8010]  }
0x5c: {  	vm4 =	vgt.f32 v28, v24;
	vm5 =	vgt.f32 v29, v25;
	v17 =	vsel vm0, v27, v26;
	v27 =	vld [tilespmem:$0x8020]  }
0x5d: {  	s31 =	simm.s32 $0x80A0;
	v24 =	vsel vm4, v28, v24;
	v28 =	vld [tilespmem:$0x8030];
	v21 =	vsel vm0, s11, v21;
	v25 =	vsel vm5, v29, v25  }
0x5e: {  	v26 =	vld [tilespmem:s31+$0xFFFFFFA0];
	vm1 =	vgt.f32 v23, v17;
	vm6 =	vgt.f32 v31, v24;
	vm7 =	vgt.f32 v32, v25  }
0x5f: {  	v56 =	vld [tilespmem:s31+$0xFFFFFFF0];
	v17 =	vsel vm1, v23, v17;
	v24 =	vsel vm6, v31, v24;
	v21 =	vsel vm1, s29, v21  }
0x60: {  	v57 =	vld [tilespmem:s31+$0xFFFFFFB0];
	v25 =	vsel vm7, v32, v25;
	vm2 =	vgt.f32 v16, v17;
	vm8 =	vgt.f32 v33, v24  }
0x61: {  	v58 =	vld [tilespmem:s31+$0xFFFFFFD0];
	vm9 =	vgt.f32 v34, v25;
	v16 =	vsel vm2, v16, v17;
	v17 =	vsel vm8, v33, v24  }
0x62: {  	v24 =	vsel vm9, v34, v25;
	vm3 =	vgt.f32 v9, v16;
	v25 =	vld [tilespmem:s31+$0xFFFFFFE0];
	vm10 =	vgt.f32 v35, v17  }
0x63: {  	v59 =	vld [tilespmem:s31+$0x0];
	vm11 =	vgt.f32 v36, v24;
	v30 =	vsel vm3, v9, v16;
	v16 =	vsel vm4, s11, v20  }
0x64: {  	v9 =	vld [tilespmem:s31+$0x20];
	v32 =	vsel vm10, v35, v17;
	v17 =	vsel vm5, s11, v19;
	v16 =	vsel vm6, s29, v16  }
0x65: {  	v23 =	vld [tilespmem:s31+$0x60];
	vm4 =	vgt.f32 v26, v37;
	v31 =	vsel vm11, v36, v24;
	v16 =	vsel vm8, s3, v16  }
0x66: {  	v17 =	vsel vm7, s29, v17;
	v26 =	vsel vm4, v26, v37;
	v24 =	vsel vm10, s30, v16;
	v16 =	vld [tilespmem:s31+$0xFFFFFFC0]  }
0x67: {  	v39 =	vld [tilespmem:s31+$0x10];
	v21 =	vsel vm2, s3, v21;
	v17 =	vsel vm9, s3, v17;
	vm5 =	vgt.f32 v25, v26  }
0x68: {  	s17 =	simm.s32 $0x81A0;
	s18 =	simm.s32 $0x1;
	v40 =	vld [tilespmem:s31+$0x40];
	v19 =	vsel vm11, s30, v17;
	v17 =	vimm.s32 $0x0;
	v25 =	vsel vm5, v25, v26  }
0x69: {  	s21 =	simm.s32 $0x2;
	v60 =	vld [tilespmem:s17+$0xFFFFFFA0];
	v34 =	vsel vm3, s30, v21;
	v26 =	vsel vm4, s18, v17;
	vm0 =	vgt.f32 v9, v25  }
0x6a: {  	s19 =	simm.s32 $0x3;
	v29 =	vld [tilespmem:s31+$0x70];
	vm6 =	vgt.f32 v58, v28;
	v26 =	vsel vm5, s21, v26;
	v9 =	vsel vm0, v9, v25  }
0x6b: {  	s20 =	simm.s32 $0x4;
	v21 =	vld [tilespmem:s31+$0x50];
	v25 =	vsel vm0, s19, v26;
	vm0 =	vgt.f32 v23, v9;
	vm5 =	vgt.f32 v16, v27  }
0x6c: {  	v20 =	vld [tilespmem:s31+$0x30];
	v41 =	vsel vm0, v23, v9;
	v26 =	vsel vm0, s20, v25;
	vm0 =	vgt.f32 v57, v38  }
0x6d: {  	v16 =	vsel vm5, v16, v27;
	v27 =	vsel vm6, v58, v28;
	v28 =	vld [tilespmem:s31+$0x90];
	v9 =	vsel vm0, v57, v38  }
0x6e: {  	v25 =	vld [tilespmem:s31+$0x80];
	vm7 =	vgt.f32 v59, v16;
	vm8 =	vgt.f32 v39, v27;
	vm4 =	vgt.f32 v60, v41  }
0x6f: {  	v61 =	vld [tilespmem:s17+$0xFFFFFFE0];
	vm1 =	vgt.f32 v56, v9;
	v16 =	vsel vm7, v59, v16;
	v27 =	vsel vm8, v39, v27  }
0x70: {  	v35 =	vld [tilespmem:s17+$0xFFFFFFC0];
	v63 =	vsel vm4, v60, v41;
	v33 =	vsel vm1, v56, v9;
	vm10 =	vgt.f32 v21, v27  }
0x71: {  	v37 =	vld [tilespmem:s17+$0x20];
	vm9 =	vgt.f32 v40, v16;
	vm2 =	vgt.f32 v20, v33;
	v21 =	vsel vm10, v21, v27  }
0x72: {  	v36 =	vld [tilespmem:s17+$0xFFFFFFD0];
	v62 =	vsel vm9, v40, v16;
	v20 =	vsel vm2, v20, v33;
	vm12 =	vgt.f32 v28, v21  }
0x73: {  	v23 =	vld [tilespmem:s17+$0x60];
	vm11 =	vgt.f32 v25, v62;
	vm3 =	vgt.f32 v29, v20;
	v28 =	vsel vm12, v28, v21  }
0x74: {  	v9 =	vld [tilespmem:s17+$0x70];
	v21 =	vsel vm6, s18, v17;
	v29 =	vsel vm3, v29, v20;
	v20 =	vsel vm5, s18, v17  }
0x75: {  	v16 =	vld [tilespmem:s17+$0x30];
	v27 =	vsel vm11, v25, v62;
	v21 =	vsel vm8, s21, v21;
	v20 =	vsel vm7, s21, v20  }
0x76: {  	v33 =	vld [tilespmem:s17+$0xFFFFFFB0];
	vm5 =	vgt.f32 v61, v63;
	v21 =	vsel vm10, s19, v21;
	v20 =	vsel vm9, s19, v20  }
0x77: {  	s22 =	simm.s32 $0x5;
	s0 =	simm.s32 $0x9;
	v25 =	vld [tilespmem:s17+$0xFFFFFFF0];
	v38 =	vsel vm5, v61, v63;
	v21 =	vsel vm12, s20, v21;
	v20 =	vsel vm11, s20, v20  }
.LBB2_4:
0x78: {  	p1 =	slt.u32 s0, $0x1F9;
	v26 =	vsel vm4, s22, v26;
	s1 =	sadd.s32 $0x1, s22;
	v39 =	vld [tilespmem:s17+$0x0];
	vm4 =	vgt.f32 v37, v38;
	v17 =	vsel vm0, s18, v17;
	s18 =	smov.u32 s22  }
0x79: {  	s22 =	smov.u32 s0;
	v26 =	vsel vm5, s1, v26;
	v40 =	vld [tilespmem:s17+$0x10];
	s2 =	sadd.s32 $0x2, s18;
	v37 =	vsel vm4, v37, v38;
	v17 =	vsel vm1, s21, v17;
	s21 =	smov.u32 s1  }
0x7a: {  	s1 =	sadd.s32 $0x3, s18;
	v26 =	vsel vm4, s2, v26;
	v38 =	vld [tilespmem:s17+$0x40];
	vm0 =	vgt.f32 v23, v37;
	v17 =	vsel vm2, s19, v17;
	s19 =	smov.u32 s2  }
0x7b: {  	v41 =	vld [tilespmem:s17+$0x50];
	v42 =	vsel vm0, v23, v37;
	v26 =	vsel vm0, s1, v26;
	v17 =	vsel vm3, s20, v17;
	s20 =	smov.u32 s1  }
0x7c: {  	vm0 =	vgt.f32 v33, v29;
	vm5 =	vgt.f32 v35, v27;
	vm6 =	vgt.f32 v36, v28;
	v43 =	vld [tilespmem:s17+$0x80]  }
0x7d: {  	v29 =	vsel vm0, v33, v29;
	v27 =	vsel vm5, v35, v27;
	v28 =	vsel vm6, v36, v28;
	v33 =	vld [tilespmem:s17+$0x90];
	s17 =	sadd.s32 $0x100, s17  }
0x7e: {  	vm1 =	vgt.f32 v25, v29;
	vm7 =	vgt.f32 v39, v27;
	v23 =	vld [tilespmem:s17+$0x60];
	vm8 =	vgt.f32 v40, v28  }
0x7f: {  	v25 =	vsel vm1, v25, v29;
	v27 =	vsel vm7, v39, v27;
	v35 =	vld [tilespmem:s17+$0xFFFFFFA0];
	v28 =	vsel vm8, v40, v28  }
0x80: {  	vm2 =	vgt.f32 v16, v25;
	vm9 =	vgt.f32 v38, v27;
	v36 =	vld [tilespmem:s17+$0x70];
	vm10 =	vgt.f32 v41, v28  }
0x81: {  	v25 =	vsel vm2, v16, v25;
	v27 =	vsel vm9, v38, v27;
	v39 =	vld [tilespmem:s17+$0xFFFFFFE0];
	v28 =	vsel vm10, v41, v28  }
0x82: {  	vm3 =	vgt.f32 v9, v25;
	vm11 =	vgt.f32 v43, v27;
	v37 =	vld [tilespmem:s17+$0x20];
	vm12 =	vgt.f32 v33, v28  }
.Ltmp1:
0x83: {  	v29 =	vsel vm3, v9, v25;
	v27 =	vsel vm11, v43, v27;
	v16 =	vld [tilespmem:s17+$0x30];
	v28 =	vsel vm12, v33, v28;
	(pc) =	sbr.rel @p1 .LBB2_4-.Ltmp1, $4  }
0x84: {  	v40 =	vsel vm5, s18, v20;
	v20 =	vsel vm6, s18, v21;
	vm4 =	vgt.f32 v35, v42;
	v25 =	vld [tilespmem:s17+$0xFFFFFFF0]  }
0x85: {  	v38 =	vsel vm7, s21, v40;
	v20 =	vsel vm8, s21, v20;
	v21 =	vsel vm4, v35, v42;
	v33 =	vld [tilespmem:s17+$0xFFFFFFB0];
	v9 =	vmovc v36  }
0x86: {  	v40 =	vsel vm9, s19, v38;
	v41 =	vsel vm10, s19, v20;
	v35 =	vld [tilespmem:s17+$0xFFFFFFC0];
	vm5 =	vgt.f32 v39, v21  }
0x87: {  	s0 =	sadd.s32 $0x4, s0;
	v20 =	vsel vm11, s20, v40;
	v36 =	vld [tilespmem:s17+$0xFFFFFFD0];
	v38 =	vsel vm5, v39, v21;
	v21 =	vsel vm12, s20, v41  }
0x88: {  	vm10 =	vgt.f32 v15, v22  }
0x89: {  	vm11 =	vgt.f32 v13, v30;
	vm8 =	vgt.f32 v14, v32;
	vm6 =	vgt.f32 v12, v31  }
0x8a: {  	v61 =	vshll.u32 v18, $0x6;
	v43 =	vshll.u32 v34, $0x6;
	v50 =	vshll.u32 v24, $0x6  }
0x8b: {  	v54 =	vor.u32 $0x7FE0, v2;
	v19 =	vshll.u32 v19, $0x6;
	v24 =	vor.u32 $0x7F70, v2  }
0x8c: {  	v26 =	vsel vm4, s22, v26;
	v17 =	vsel vm0, s18, v17;
	v15 =	vsel vm10, v15, v22  }
0x8d: {  	s0 =	sadd.s32 $0x1, s22;
	v13 =	vsel vm11, v13, v30;
	v14 =	vsel vm8, v14, v32;
	v12 =	vsel vm6, v12, v31  }
0x8e: {  	v62 =	vor.u32 v2, v61;
	v30 =	vor.u32 $0x30, v2;
	v26 =	vsel vm5, s0, v26  }
0x8f: {  	v17 =	vsel vm1, s21, v17;
	vm12 =	vgt.f32 v10, v15;
	vm13 =	vgt.f32 v11, v13  }
0x90: {  	vm9 =	vgt.f32 v6, v14;
	vm7 =	vgt.f32 v7, v12;
	v19 =	vor.u32 v30, v19  }
0x91: {  	v17 =	vsel vm2, s19, v17;
	vm0 =	vgt.f32 v33, v29;
	v15 =	vsel vm12, v10, v15  }
0x92: {  	v11 =	vsel vm13, v11, v13;
	v10 =	vor.u32 $0x7F40, v2;
	v14 =	vsel vm9, v6, v14  }
0x93: {  	v63 =	vsel vm7, v7, v12;
	v6 =	vor.u32 $0x7F80, v2;
	v7 =	vor.u32 $0x10, v2  }
0x94: {  	v12 =	vor.u32 $0x20, v2;
	v19 =	vsel vm6, v24, v19;
	v17 =	vsel vm3, s20, v17  }
0x95: {  	vm2 =	vgt.f32 v35, v27;
	v29 =	vsel vm0, v33, v29;
	v13 =	vsel vm10, v10, v62  }
0x96: {  	vm10 =	vgt.f32 v8, v15;
	v45 =	vor.u32 v7, v43;
	v51 =	vor.u32 v12, v50  }
0x97: {  	vm4 =	vgt.f32 v36, v28;
	v27 =	vsel vm2, v35, v27;
	vm1 =	vgt.f32 v25, v29  }
0x98: {  	v20 =	vsel vm2, s22, v20;
	v17 =	vsel vm0, s22, v17;
	v42 =	vsel vm10, v8, v15  }
0x99: {  	v44 =	vsel vm12, v6, v13;
	v8 =	vor.u32 $0x7F50, v2;
	vm12 =	vgt.f32 v4, v11  }
0x9a: {  	v28 =	vsel vm4, v36, v28;
	v25 =	vsel vm1, v25, v29;
	v21 =	vsel vm4, s22, v21  }
0x9b: {  	v17 =	vsel vm1, s0, v17;
	v13 =	vsel vm11, v8, v45;
	vm11 =	vgt.f32 v5, v14  }
0x9c: {  	v46 =	vsel vm12, v4, v11;
	v47 =	vsel vm11, v5, v14;
	v5 =	vor.u32 $0x7F90, v2  }
0x9d: {  	v4 =	vor.u32 $0x7FC0, v2;
	v11 =	vor.u32 $0x7FD0, v2;
	v13 =	vsel vm13, v5, v13  }
0x9e: {  	v48 =	vsel vm10, v4, v44;
	vm10 =	veq.f32 v46, v42;
	v49 =	vsel vm12, v11, v13  }
0x9f: {  	v14 =	vor.u32 $0x7FA0, v2;
	v13 =	vor.u32 $0x7F60, v2;
	vm12 =	vlt.s32 v49, v48  }
0xa0: {  	v52 =	vsel vm8, v13, v51;
	vm10 =	vmand vm10, vm12;
	vm12 =	vgt.f32 v46, v42  }
0xa1: {  	vm3 =	vgt.f32 v16, v25;
	v53 =	vsel vm9, v14, v52;
	vm12 =	vmor vm12, vm10  }
0xa2: {  	v55 =	vsel vm11, v54, v53;
	v22 =	vsel vm12, v46, v42;
	v32 =	vsel vm12, v49, v48  }
0xa3: {  	s1 =	sadd.s32 $0x2, s22;
	v16 =	vsel vm3, v16, v25;
	vm14 =	veq.f32 v47, v22;
	vm15 =	vlt.s32 v55, v32  }
0xa4: {  	v59 =	vld [tilespmem:s17+$0x10];
	v17 =	vsel vm3, s1, v17;
	vm13 =	vgt.f32 v47, v22;
	vm9 =	vmand vm14, vm15  }
0xa5: {  	vm8 =	vmor vm13, vm9;
	vm9 =	vgt.f32 v3, v63;
	vm13 =	vgt.f32 v37, v38  }
0xa6: {  	v31 =	vsel vm8, v47, v22;
	v22 =	vor.u32 $0x7FB0, v2;
	v32 =	vsel vm8, v55, v32  }
0xa7: {  	v61 =	vld [tilespmem:s17+$0x50];
	v3 =	vsel vm9, v3, v63;
	v57 =	vsel vm13, v37, v38;
	v26 =	vsel vm13, s1, v26  }
0xa8: {  	v39 =	vsel vm7, v22, v19;
	v19 =	vor.u32 $0x7FF0, v2;
	vm10 =	veq.f32 v3, v31  }
0xa9: {  	s2 =	sadd.s32 $0x3, s22;
	v63 =	vld [tilespmem:s17+$0x90];
	vm12 =	vgt.f32 v3, v31;
	vm14 =	vgt.f32 v23, v57;
	vm7 =	vgt.f32 v59, v28  }
0xaa: {  	v38 =	vld [tilespmem:$0xFF40];
	v56 =	vsel vm9, v19, v39;
	v23 =	vsel vm14, v23, v57;
	v26 =	vsel vm14, s2, v26  }
0xab: {  	v58 =	vld [tilespmem:s17+$0x0];
	v28 =	vsel vm7, v59, v28;
	v21 =	vsel vm7, s0, v21;
	vm11 =	vlt.s32 v56, v32  }
0xac: {  	vm15 =	vgt.f32 v61, v28;
	v26 =	vshll.u32 v26, $0x6;
	vm6 =	vmand vm10, vm11  }
0xad: {  	v42 =	vld [tilespmem:$0xFF80];
	v37 =	vsel vm15, v61, v28;
	v21 =	vsel vm15, s1, v21;
	v49 =	vor.u32 v2, v26  }
0xae: {  	v39 =	vld [tilespmem:$0xFF50];
	vm6 =	vmor vm12, vm6;
	vm12 =	vgt.f32 v9, v16;
	vm14 =	vgt.f32 v63, v37  }
0xaf: {  	v60 =	vld [tilespmem:s17+$0x40];
	vm4 =	vgt.f32 v38, v23;
	v18 =	vsel vm6, v3, v31;
	v3 =	vsel vm6, v56, v32  }
0xb0: {  	vm6 =	vgt.f32 v58, v27;
	v9 =	vsel vm12, v9, v16;
	v21 =	vsel vm14, s2, v21  }
0xb1: {  	v17 =	vsel vm12, s2, v17;
	v16 =	vsel vm4, v38, v23;
	v10 =	vsel vm4, v10, v49  }
0xb2: {  	v41 =	vld [tilespmem:$0xFF70];
	(v2sf) =	vpush v18, $0x0;
	v27 =	vsel vm6, v58, v27;
	v20 =	vsel vm6, s0, v20  }
0xb3: {  	v43 =	vld [tilespmem:$0xFF90];
	vm5 =	vgt.f32 v39, v9;
	vm15 =	vgt.f32 v42, v16;
	v17 =	vshll.u32 v17, $0x6  }
0xb4: {  	v62 =	vld [tilespmem:s17+$0x80];
	v55 =	vshll.u32 v21, $0x6;
	(v2sf) =	vpush v3, $0x0;
	vm10 =	vgt.f32 v60, v27  }
0xb5: {  	v9 =	vsel vm5, v39, v9;
	v16 =	vsel vm15, v42, v16;
	v7 =	vor.u32 v7, v17  }
0xb6: {  	v40 =	vld [tilespmem:$0xFF60];
	v6 =	vsel vm15, v6, v10;
	(v2sf) =	vpush v18, $0x1;
	v36 =	vsel vm10, v60, v27  }
0xb7: {  	v46 =	vld [tilespmem:$0xFFC0];
	v27 =	vsel vm14, v63, v37;
	v20 =	vsel vm10, s1, v20;
	(v2sf) =	vpush v3, $0x1  }
0xb8: {  	v47 =	vld [tilespmem:$0xFFD0];
	vm12 =	vgt.f32 v43, v9;
	v7 =	vsel vm5, v8, v7;
	(v2sf) =	vpush v18, $0x2  }
0xb9: {  	v45 =	vld [tilespmem:$0xFFB0];
	vm13 =	vgt.f32 v62, v36;
	vm0 =	vgt.f32 v41, v27;
	(v2sf) =	vpush v3, $0x2  }
0xba: {  	v9 =	vsel vm12, v43, v9;
	v5 =	vsel vm12, v5, v7;
	(v2sf) =	vpush v18, $0x3  }
0xbb: {  	v25 =	vsel vm13, v62, v36;
	v20 =	vsel vm13, s2, v20;
	(v2sf) =	vpush v3, $0x3  }
0xbc: {  	v27 =	vsel vm0, v41, v27;
	vm13 =	vgt.f32 v46, v16;
	(v2sf) =	vpush v18, $0x4  }
0xbd: {  	vm14 =	vgt.f32 v47, v9;
	vm2 =	vgt.f32 v40, v25;
	(v2sf) =	vpush v3, $0x4  }
0xbe: {  	vm1 =	vgt.f32 v45, v27;
	v16 =	vsel vm13, v46, v16;
	(v2sf) =	vpush v18, $0x5  }
0xbf: {  	v44 =	vld [tilespmem:$0xFFA0];
	v50 =	vsel vm14, v47, v9;
	v4 =	vsel vm13, v4, v6;
	(v2sf) =	vpush v3, $0x5  }
0xc0: {  	v51 =	vld [tilespmem:$0xFFF0];
	v5 =	vsel vm14, v11, v5;
	v52 =	vshll.u32 v20, $0x6;
	(v2sf) =	vpush v18, $0x6  }
0xc1: {  	v25 =	vsel vm2, v40, v25;
	v27 =	vsel vm1, v45, v27;
	(v2sf) =	vpush v3, $0x6  }
0xc2: {  	vm9 =	veq.f32 v50, v16;
	vm10 =	vlt.s32 v5, v4;
	(v2sf) =	vpush v18, $0x7  }
0xc3: {  	v48 =	vld [tilespmem:$0xFFE0];
	vm11 =	vgt.f32 v50, v16;
	v6 =	vor.u32 v12, v52;
	(v2sf) =	vpush v3, $0x7;
	s18 =	spop (v2sf)  }
0xc4: {  	vm3 =	vgt.f32 v44, v25;
	vm5 =	vmand vm9, vm10;
	(v2sf) =	vpush v18, $0x8;
	s17 =	spop (v2sf)  }
0xc5: {  	v6 =	vsel vm2, v13, v6;
	vm12 =	vgt.f32 v51, v27;
	(v2sf) =	vpush v3, $0x8;
	s19 =	spop (v2sf)  }
0xc6: {  	v25 =	vsel vm3, v44, v25;
	vm5 =	vmor vm11, vm5;
	(v2sf) =	vpush v18, $0x9;
	s14 =	spop (v2sf)  }
0xc7: {  	v6 =	vsel vm3, v14, v6;
	v9 =	vsel vm12, v51, v27;
	(v2sf) =	vpush v3, $0x9;
	s7 =	spop (v2sf)  }
0xc8: {  	vm15 =	vgt.f32 v48, v25;
	v8 =	vsel vm5, v50, v16;
	(v2sf) =	vpush v18, $0xA;
	s4 =	spop (v2sf)  }
0xc9: {  	v4 =	vsel vm5, v5, v4;
	v53 =	vsel vm15, v48, v25;
	(v2sf) =	vpush v3, $0xA;
	s10 =	spop (v2sf)  }
0xca: {  	v54 =	vsel vm15, v54, v6;
	v6 =	vor.u32 v30, v55;
	(v2sf) =	vpush v18, $0xB;
	s13 =	spop (v2sf)  }
0xcb: {  	vm13 =	veq.f32 v53, v8;
	vm4 =	vlt.s32 v54, v4;
	(v2sf) =	vpush v3, $0xB;
	s1 =	spop (v2sf)  }
0xcc: {  	vm14 =	vgt.f32 v53, v8;
	v6 =	vsel vm0, v24, v6;
	(v2sf) =	vpush v18, $0xC;
	s2 =	spop (v2sf)  }
0xcd: {  	vm3 =	vmand vm13, vm4;
	v6 =	vsel vm1, v22, v6;
	(v2sf) =	vpush v3, $0xC;
	s12 =	spop (v2sf)  }
0xce: {  	vm15 =	vmor vm14, vm3;
	v6 =	vsel vm12, v19, v6;
	(v2sf) =	vpush v18, $0xD;
	s16 =	spop (v2sf)  }
0xcf: {  	v7 =	vsel vm15, v53, v8;
	v5 =	vsel vm15, v54, v4;
	(v2sf) =	vpush v3, $0xD;
	s6 =	spop (v2sf)  }
0xd0: {  	vm4 =	veq.f32 v9, v7;
	vm5 =	vlt.s32 v6, v5;
	s8 =	spop (v2sf);
	(v2sf) =	vpush v18, $0xE  }
0xd1: {  	vm6 =	vgt.f32 v9, v7;
	vm0 =	vmand vm4, vm5;
	s9 =	spop (v2sf);
	(v2sf) =	vpush v3, $0xE  }
0xd2: {  	vm0 =	vmor vm6, vm0;
	s15 =	spop (v2sf);
	(v2sf) =	vpush v18, $0xF  }
0xd3: {  	v56 =	vsel vm0, v9, v7;
	s3 =	spop (v2sf);
	(v2sf) =	vpush v3, $0xF  }
0xd4: {  	v3 =	vsel vm0, v6, v5;
	s21 =	spop (v2sf);
	(v2sf) =	vpush v56, $0x0  }
0xd5: {  	s11 =	spop (v2sf);
	(v2sf) =	vpush v3, $0x0  }
0xd6: {  	s22 =	spop (v2sf);
	(v2sf) =	vpush v56, $0x1  }
0xd7: {  	s5 =	spop (v2sf);
	(v2sf) =	vpush v3, $0x1  }
0xd8: {  	s23 =	spop (v2sf)  }
0xd9: {  	s30 =	spop (v2sf)  }
0xda: {  	s31 =	spop (v2sf)  }
0xdb: {  	s28 =	spop (v2sf)  }
0xdc: {  	s29 =	spop (v2sf)  }
0xdd: {  	(v2sf) =	vpush v56, $0x2;
	s25 =	spop (v2sf)  }
0xde: {  	p1 =	seq.f32 s19, s18;
	(v2sf) =	vpush v3, $0x2;
	s24 =	spop (v2sf)  }
0xdf: {  	p2 =	slt.s32 s14, s17;
	[dreg:$0xd] =	wrdreg s24;
	s24 =	spop (v2sf)  }
0xe0: {  	p3 =	sgt.f32 s19, s18;
	p1 =	por !p1, !p2;
	s26 =	spop (v2sf)  }
0xe1: {  	p1 =	por !p1, !p1;
	s20 =	spop (v2sf)  }
0xe2: {  	p1 =	por p3, p1;
	[dreg:$0xc] =	wrdreg s26;
	s26 =	spop (v2sf)  }
0xe3: {  	s18 =	smov.u32 @p1 s19;
	(v2sf) =	vpush v56, $0x3;
	[dreg:$0xb] =	wrdreg s20;
	s20 =	spop (v2sf)  }
0xe4: {  	s17 =	smov.u32 @p1 s14;
	p3 =	seq.f32 s7, s18;
	(v2sf) =	vpush v3, $0x3;
	s19 =	spop (v2sf)  }
0xe5: {  	p5 =	slt.s32 s4, s17;
	p4 =	sgt.f32 s7, s18;
	s14 =	spop (v2sf)  }
0xe6: {  	p1 =	por !p3, !p5;
	p6 =	seq.f32 s14, s20;
	s0 =	spop (v2sf)  }
0xe7: {  	p1 =	por !p1, !p1;
	p5 =	slt.s32 s0, s19  }
0xe8: {  	p1 =	por p4, p1;
	p2 =	por !p6, !p5;
	p6 =	sgt.f32 s14, s20  }
0xe9: {  	s18 =	smov.u32 @p1 s7;
	p2 =	por !p2, !p2  }
0xea: {  	s17 =	smov.u32 @p1 s4;
	p3 =	seq.f32 s10, s18;
	(v2sf) =	vpush v56, $0x4;
	p1 =	por p6, p2  }
0xeb: {  	p4 =	sgt.f32 s10, s18;
	(v2sf) =	vpush v3, $0x4;
	p5 =	slt.s32 s13, s17;
	s20 =	smov.u32 @p1 s14  }
0xec: {  	s19 =	smov.u32 @p1 s0;
	s0 =	spop (v2sf);
	p1 =	por !p3, !p5  }
0xed: {  	p6 =	seq.f32 s0, s20;
	s4 =	spop (v2sf);
	p1 =	por !p1, !p1  }
0xee: {  	p5 =	slt.s32 s4, s19;
	p1 =	por p4, p1  }
0xef: {  	p2 =	por !p6, !p5;
	p6 =	sgt.f32 s0, s20;
	s18 =	smov.u32 @p1 s10  }
0xf0: {  	(v2sf) =	vpush v56, $0x5;
	s17 =	smov.u32 @p1 s13;
	p2 =	por !p2, !p2;
	p3 =	seq.f32 s1, s18  }
0xf1: {  	(v2sf) =	vpush v3, $0x5;
	p5 =	slt.s32 s2, s17;
	p4 =	sgt.f32 s1, s18;
	p1 =	por p6, p2  }
0xf2: {  	s20 =	smov.u32 @p1 s0;
	s19 =	smov.u32 @p1 s4;
	s0 =	spop (v2sf)  }
0xf3: {  	p1 =	por !p3, !p5;
	p6 =	seq.f32 s0, s20;
	s4 =	spop (v2sf)  }
0xf4: {  	p1 =	por !p1, !p1;
	p5 =	slt.s32 s4, s19  }
0xf5: {  	p1 =	por p4, p1;
	p2 =	por !p6, !p5;
	p6 =	sgt.f32 s0, s20  }
0xf6: {  	(v2sf) =	vpush v56, $0x6;
	s18 =	smov.u32 @p1 s1;
	p2 =	por !p2, !p2  }
0xf7: {  	(v2sf) =	vpush v3, $0x6;
	s17 =	smov.u32 @p1 s2;
	p3 =	seq.f32 s12, s18;
	p1 =	por p6, p2  }
0xf8: {  	p5 =	slt.s32 s16, s17;
	p4 =	sgt.f32 s12, s18;
	s20 =	smov.u32 @p1 s0  }
0xf9: {  	s19 =	smov.u32 @p1 s4;
	s0 =	spop (v2sf);
	p1 =	por !p3, !p5  }
0xfa: {  	p6 =	seq.f32 s0, s20;
	s1 =	spop (v2sf);
	p1 =	por !p1, !p1  }
0xfb: {  	p5 =	slt.s32 s1, s19;
	p1 =	por p4, p1  }
0xfc: {  	(v2sf) =	vpush v56, $0x7;
	p2 =	por !p6, !p5;
	p6 =	sgt.f32 s0, s20;
	s18 =	smov.u32 @p1 s12  }
0xfd: {  	s17 =	smov.u32 @p1 s16;
	p2 =	por !p2, !p2;
	p3 =	seq.f32 s6, s18  }
0xfe: {  	p5 =	slt.s32 s8, s17;
	p4 =	sgt.f32 s6, s18;
	p1 =	por p6, p2  }
0xff: {  	(v2sf) =	vpush v3, $0x7;
	s20 =	smov.u32 @p1 s0;
	s19 =	smov.u32 @p1 s1;
	s0 =	spop (v2sf)  }
0x100: {  	p1 =	por !p3, !p5;
	s1 =	spop (v2sf);
	p6 =	seq.f32 s0, s20  }
0x101: {  	p1 =	por !p1, !p1;
	p5 =	slt.s32 s1, s19  }
0x102: {  	p1 =	por p4, p1;
	p2 =	por !p6, !p5;
	p6 =	sgt.f32 s0, s20  }
0x103: {  	s18 =	smov.u32 @p1 s6;
	p2 =	por !p2, !p2  }
0x104: {  	(v2sf) =	vpush v56, $0x8;
	s17 =	smov.u32 @p1 s8;
	p3 =	seq.f32 s9, s18;
	p1 =	por p6, p2  }
0x105: {  	p5 =	slt.s32 s15, s17;
	s20 =	smov.u32 @p1 s0;
	s0 =	spop (v2sf);
	(v2sf) =	vpush v3, $0x8  }
0x106: {  	s19 =	smov.u32 @p1 s1;
	s1 =	spop (v2sf);
	p6 =	seq.f32 s0, s20  }
0x107: {  	p4 =	sgt.f32 s9, s18;
	p1 =	por !p3, !p5;
	p5 =	slt.s32 s1, s19  }
0x108: {  	p1 =	por !p1, !p1;
	p2 =	por !p6, !p5;
	p6 =	sgt.f32 s0, s20  }
0x109: {  	p1 =	por p4, p1;
	p2 =	por !p2, !p2  }
0x10a: {  	(v2sf) =	vpush v56, $0x9;
	s18 =	smov.u32 @p1 s9;
	s17 =	smov.u32 @p1 s15;
	p1 =	por p6, p2  }
0x10b: {  	p3 =	seq.f32 s3, s18;
	s20 =	smov.u32 @p1 s0;
	s0 =	spop (v2sf);
	(v2sf) =	vpush v3, $0x9  }
0x10c: {  	p5 =	slt.s32 s21, s17  }
0x10d: {  	p4 =	sgt.f32 s3, s18;
	s19 =	smov.u32 @p1 s1;
	p1 =	por !p3, !p5  }
0x10e: {  	s1 =	spop (v2sf);
	p6 =	seq.f32 s0, s20;
	p1 =	por !p1, !p1  }
0x10f: {  	p5 =	slt.s32 s1, s19;
	p1 =	por p4, p1  }
0x110: {  	(v2sf) =	vpush v56, $0xA;
	p2 =	por !p6, !p5;
	p6 =	sgt.f32 s0, s20;
	s18 =	smov.u32 @p1 s3  }
0x111: {  	s17 =	smov.u32 @p1 s21;
	p2 =	por !p2, !p2;
	p3 =	seq.f32 s11, s18  }
0x112: {  	p5 =	slt.s32 s22, s17;
	p4 =	sgt.f32 s11, s18;
	p1 =	por p6, p2  }
0x113: {  	s20 =	smov.u32 @p1 s0;
	s19 =	smov.u32 @p1 s1;
	s0 =	spop (v2sf);
	(v2sf) =	vpush v3, $0xA  }
0x114: {  	p1 =	por !p3, !p5;
	p6 =	seq.f32 s0, s20;
	s1 =	spop (v2sf)  }
0x115: {  	p1 =	por !p1, !p1;
	p5 =	slt.s32 s1, s19  }
0x116: {  	p1 =	por p4, p1;
	p2 =	por !p6, !p5;
	p6 =	sgt.f32 s0, s20  }
0x117: {  	s18 =	smov.u32 @p1 s11;
	p2 =	por !p2, !p2  }
0x118: {  	s17 =	smov.u32 @p1 s22;
	(v2sf) =	vpush v56, $0xB;
	p3 =	seq.f32 s5, s18;
	p1 =	por p6, p2  }
0x119: {  	p5 =	slt.s32 s23, s17;
	s20 =	smov.u32 @p1 s0;
	s0 =	spop (v2sf);
	(v2sf) =	vpush v3, $0xB  }
0x11a: {  	s19 =	smov.u32 @p1 s1;
	s1 =	spop (v2sf);
	p6 =	seq.f32 s0, s20  }
0x11b: {  	p4 =	sgt.f32 s5, s18;
	p1 =	por !p3, !p5;
	p5 =	slt.s32 s1, s19  }
0x11c: {  	p1 =	por !p1, !p1;
	p2 =	por !p6, !p5;
	p6 =	sgt.f32 s0, s20  }
0x11d: {  	p1 =	por p4, p1;
	p2 =	por !p2, !p2  }
0x11e: {  	(v2sf) =	vpush v56, $0xC;
	s18 =	smov.u32 @p1 s5;
	s17 =	smov.u32 @p1 s23;
	p1 =	por p6, p2  }
0x11f: {  	p3 =	seq.f32 s30, s18;
	s20 =	smov.u32 @p1 s0;
	s0 =	spop (v2sf);
	(v2sf) =	vpush v3, $0xC  }
0x120: {  	p5 =	slt.s32 s31, s17  }
0x121: {  	p4 =	sgt.f32 s30, s18;
	s19 =	smov.u32 @p1 s1;
	p1 =	por !p3, !p5  }
0x122: {  	s1 =	spop (v2sf);
	p6 =	seq.f32 s0, s20;
	p1 =	por !p1, !p1  }
0x123: {  	p5 =	slt.s32 s1, s19;
	p1 =	por p4, p1  }
0x124: {  	(v2sf) =	vpush v56, $0xD;
	p2 =	por !p6, !p5;
	p6 =	sgt.f32 s0, s20;
	s18 =	smov.u32 @p1 s30  }
0x125: {  	s17 =	smov.u32 @p1 s31;
	p2 =	por !p2, !p2;
	p3 =	seq.f32 s28, s18  }
0x126: {  	p5 =	slt.s32 s29, s17;
	p4 =	sgt.f32 s28, s18;
	p1 =	por p6, p2  }
0x127: {  	s20 =	smov.u32 @p1 s0;
	s19 =	smov.u32 @p1 s1;
	s0 =	spop (v2sf)  }
0x128: {  	(v2sf) =	vpush v3, $0xD;
	p1 =	por !p3, !p5;
	p6 =	seq.f32 s0, s20;
	s1 =	spop (v2sf)  }
0x129: {  	p1 =	por !p1, !p1;
	p5 =	slt.s32 s1, s19  }
0x12a: {  	p1 =	por p4, p1;
	p2 =	por !p6, !p5;
	p6 =	sgt.f32 s0, s20  }
0x12b: {  	s2 =	rddreg [dreg:$0xd];
	s18 =	smov.u32 @p1 s28;
	p2 =	por !p2, !p2  }
0x12c: {  	s17 =	smov.u32 @p1 s29;
	p3 =	seq.f32 s25, s18;
	p1 =	por p6, p2  }
0x12d: {  	(v2sf) =	vpush v56, $0xE;
	p5 =	slt.s32 s2, s17;
	s20 =	smov.u32 @p1 s0;
	s0 =	spop (v2sf)  }
0x12e: {  	s19 =	smov.u32 @p1 s1;
	(v2sf) =	vpush v3, $0xE;
	s1 =	spop (v2sf);
	p6 =	seq.f32 s0, s20  }
0x12f: {  	p4 =	sgt.f32 s25, s18;
	p1 =	por !p3, !p5;
	p5 =	slt.s32 s1, s19  }
0x130: {  	p1 =	por !p1, !p1;
	p2 =	por !p6, !p5;
	p6 =	sgt.f32 s0, s20  }
0x131: {  	p1 =	por p4, p1;
	p2 =	por !p2, !p2  }
0x132: {  	(v2sf) =	vpush v56, $0xF;
	s18 =	smov.u32 @p1 s25;
	s17 =	smov.u32 @p1 s2;
	p1 =	por p6, p2  }
0x133: {  	s20 =	smov.u32 @p1 s0;
	s0 =	spop (v2sf);
	(v2sf) =	vpush v3, $0xF;
	_ =	sdelay $0x1  }
0x134: {  	s2 =	rddreg [dreg:$0xc]  }
0x135: {  	p4 =	seq.f32 s24, s18;
	p5 =	slt.s32 s2, s17  }
0x136: {  	s19 =	smov.u32 @p1 s1;
	s1 =	spop (v2sf);
	p6 =	seq.f32 s0, s20  }
0x137: {  	p1 =	por !p4, !p5;
	p5 =	sgt.f32 s24, s18;
	p4 =	slt.s32 s1, s19  }
0x138: {  	p1 =	por !p1, !p1;
	p2 =	por !p6, !p4;
	p6 =	sgt.f32 s0, s20  }
0x139: {  	p1 =	por p5, p1;
	p2 =	por !p2, !p2  }
0x13a: {  	s22 =	rddreg [dreg:$0xb];
	s18 =	smov.u32 @p1 s24;
	p2 =	por p6, p2  }
0x13b: {  	s17 =	smov.u32 @p1 s2;
	s20 =	smov.u32 @p2 s0;
	s0 =	spop (v2sf)  }
0x13c: {  	s19 =	smov.u32 @p2 s1;
	p3 =	seq.f32 s0, s20;
	s1 =	spop (v2sf)  }
0x13d: {  	p1 =	seq.f32 s22, s18;
	p4 =	slt.s32 s26, s17;
	p5 =	slt.s32 s1, s19  }
0x13e: {  	s2 =	smov.u32 s17;
	p6 =	sgt.f32 s0, s20;
	p2 =	por !p3, !p5  }
0x13f: {  	s2 =	smov.u32 @p4 s26;
	p4 =	sgt.f32 s22, s18;
	p2 =	por !p2, !p2  }
0x140: {  	s17 =	smov.u32 @p1 s2;
	s23 =	spop (v2sf);
	p1 =	por p6, p2  }
0x141: {  	s20 =	smov.u32 @p1 s0;
	s19 =	smov.u32 @p1 s1;
	s0 =	spop (v2sf)  }
0x142: {  	p1 =	seq.f32 s23, s20;
	s1 =	smov.u32 s19;
	p2 =	slt.s32 s0, s19  }
0x143: {  	s17 =	smov.u32 @p4 s26;
	p3 =	sgt.f32 s23, s20;
	s1 =	smov.u32 @p2 s0  }
0x144: {  	vm7 =	veq.s32 v0, v2;
	v3 =	vmov s17;
	s19 =	smov.u32 @p1 s1  }
0x145: {  	vm8 =	veq.s32 v1, v2;
	v3 =	vnsel vm7, $0x0, v3;
	s19 =	smov.u32 @p3 s0  }
0x146: {  	v3 =	vsel vm8, s19, v3  }
0x147: {  	s25 =	simm.s32 $0x10000;
	s24 =	rddreg [dreg:$0x6];
	s26 =	simm.s32 $0x3;
	[tilespmem:$0x10000] =	vst v3  }
0x148: {  	[spmem:s24] =	stream.linear.scatter [tilespmem:s25], [sflag:$0x3], $0x10, $0x38;
	[tilespmem:$0x10190] =	vst v63  }
0x149: {  	_ =	swait.ge [sflag:s26], $0x10  }
0x14a: {  	[sflag:s26] =	ssyncset.done $0x0  }
0x14b: {  	[sflag:s26] =	ssyncadd.s32 $0xFFFFFFF0  }
0x14c: {  	[bflag:$0x0] =	sbarrier.arrive $0xFFFF  }
0x14d: {  	s29 =	simm.s32 $0x10080;
	s28 =	rddreg [dreg:$0x7]  }
0x14e: {  	[tilespmem:s29], [sflag:$0x3] =	stream.linear.gather [spmem:s28], $0x80, $0x38;
	[tilespmem:$0x10190] =	vst v63  }
0x14f: {  	_ =	swait.ge [sflag:s26], $0x80  }
0x150: {  	[sflag:s26] =	ssyncset.done $0x0  }
0x151: {  	[sflag:s26] =	ssyncadd.s32 $0xFFFFFF80  }
0x152: {  	v3 =	vld [tilespmem:$0x10080]  }
0x153: {  	v57 =	vld [tilespmem:$0x10090]  }
0x154: {  	v58 =	vld [tilespmem:$0x100A0]  }
0x155: {  	v59 =	vld [tilespmem:$0x100B0]  }
0x156: {  	v60 =	vld [tilespmem:$0x100C0]  }
0x157: {  	vm9 =	vmmov $0x3;
	v61 =	vld [tilespmem:$0x100D0]  }
0x158: {  	vm10 =	vmmov $0xf;
	v62 =	vld [tilespmem:$0x100E0];
	v3 =	vsel vm9, v3, v57  }
0x159: {  	vm11 =	vmmov $0x3f;
	v63 =	vld [tilespmem:$0x100F0];
	v3 =	vsel vm10, v3, v58  }
0x15a: {  	vm12 =	vmmov $0xff;
	v3 =	vsel vm11, v3, v59  }
0x15b: {  	vm13 =	vmmov $0x3ff;
	v3 =	vsel vm12, v3, v60  }
0x15c: {  	vm14 =	vmmov $0xfff;
	v3 =	vsel vm13, v3, v61  }
0x15d: {  	vm15 =	vmmov $0x3fff;
	v3 =	vsel vm14, v3, v62  }
0x15e: {  	v3 =	vsel vm15, v3, v63  }
0x15f: {  	s1 =	simm.s32 @!p0 $0x10100;
	s0 =	simm.s32 @!p0 $0x0;
	s2 =	rddreg [dreg:$0x8];
	[tilespmem:$0x10100] =	vst v3  }
0x160: {  	[hbm4b:s2+s0] =	stream.linear.scatter @!p0 [tilespmem:s1], [sflag:$0x3], $0x10, $0x38;
	[tilespmem:$0x10190] =	vst v63  }
0x161: {  	s0 =	simm.s32 @!p0 $0x3  }
0x162: {  	_ =	swait.ge @!p0 [sflag:s0], $0x10  }
0x163: {  	s30 =	rddreg [dreg:$0xa]  }
0x164: {  	s31 =	rddreg [dreg:$0x9];
	s2 =	sadd.s32 $0x1, s30  }
0x165: {  	p1 =	sne.s32 s2, s31  }
.Ltmp2:
0x166: {  	_ = 	snop;
	(pc) =	sbr.rel @p1 .LBB2_1-.Ltmp2, $3  }
0x167: {  	_ =	sdelay $0x1  }
0x168: {  	[sflag:s0] =	ssyncset.done @!p0 $0x0  }
0x169: {  	[sflag:s0] =	ssyncadd.s32 @!p0 $0xFFFFFFF0  }
0x16a: {  	_ =	sfence.sel $0x180000  }
0x16b: {  	[bflag:$0x0] =	sbarrier.arrive $0xFFFF  }
0x16c: {  	_ =	strace $0x90000047  }
0x16d: {  	s0 =	stileid.u32;
	[bflag:$0x2] =	sbarrier.arrive $0xFFFF  }
0x16e: {  	p0 =	sne.s32 s0, $0x0;
	s0 =	rddreg [dreg:$0x3]  }
0x16f: {  	s0 =	sadd.s32 @!p0 $0x100000, s0  }
0x170: {  	[sflag:s0] =	ssyncadd.tile.s32 @!p0 $0x1;
	_ =	shalt  }
.Lfunc_end2:
_tile_overlayer_lowered:
.L_overlay_start_2:
0x171: {  	(tag) =	ssettag $0x2  }
0x172: {  	s0 =	rddreg [dreg:$0x0];
	s2 =	stileid.u32  }
0x173: {  	s1 =	rddreg [dreg:$0x1];
	p0 =	sne.s32 s2, $0x0  }
0x174: {  	s3 =	rddreg [dreg:$0x2];
	[bflag:$0x3] =	sbarrier.arrive $0xFFFF;
	s2 =	simm.s32 @!p0 $0x1C03  }
0x175: {  	[timem:s3], [sflag:s2] =	dma.local @!p0 [hbm:s0], s1  }
0x176: {  	s0 =	simm.s32 @!p0 $0x3  }
0x177: {  	_ =	swait.ge @!p0 [sflag:s0], s1  }
0x178: {  	s1 =	ssub.s32 @!p0 $0x0, s1;
	[sflag:s0] =	ssyncset.done @!p0 $0x0  }
0x179: {  	[sflag:s0] =	ssyncadd.s32 @!p0 s1  }
0x17a: {  	[bflag:$0x3] =	sbarrier.arrive $0xFFFF  }
0x17b: {  	_ =	shalt  }

</sc_bundles>
